<compile_context>
chip_gen: v7x
topology: tpu7x:2x2x1
jax: 0.10.2.dev20260603
libtpu: 0.0.44.dev20260713+nightly
codegen_flags: <defaults>
</compile_context>

<pallas_src>
import functools

import jax
import jax.numpy as jnp
from jax import lax
from jax.experimental import pallas as pl
from jax.experimental.pallas import tpu as pltpu
from jax.experimental.pallas import tpu_sc as plsc

E = 64
D = 1024
F = 1024
S = 16384
C = 320
EC = E * C
NBLK = E + 1

NB = 8
B = S // NB
BC = 256

NW = 32
TPW = S // NW
CHUNK = 64
NCHUNK = TPW // CHUNK
GCHUNK = 32
NGCHUNK = TPW // GCHUNK


def _router_body(x_ref, wg_ref, slot_ref, xs_ref, counts_ref, lt_ref):
    step = pl.program_id(0)

    @pl.when(step == 0)
    def _init():
        counts_ref[...] = jnp.zeros_like(counts_ref)
        row = lax.broadcasted_iota(jnp.int32, (BC, BC), 0)
        col = lax.broadcasted_iota(jnp.int32, (BC, BC), 1)
        lt_ref[...] = (col < row).astype(jnp.bfloat16)

    x = x_ref[...]
    wg = wg_ref[...]
    logits = jnp.dot(x.astype(jnp.bfloat16), wg.astype(jnp.bfloat16),
                     preferred_element_type=jnp.float32)
    m = jnp.max(logits, axis=1, keepdims=True)
    ssum = jnp.sum(jnp.exp(logits - m), axis=1)
    gate = 1.0 / ssum
    eidx = lax.broadcasted_iota(jnp.int32, (B, E), 1)
    is_max = logits == m
    expert = jnp.min(jnp.where(is_max, eidx, E), axis=1)
    onehot = (eidx == expert[:, None])
    onehot_f = onehot.astype(jnp.float32)
    onehot_bf = onehot.astype(jnp.bfloat16)
    lt = lt_ref[...]
    base = counts_ref[0:1, 0:E]
    chunks = []
    for c in range(B // BC):
        oh_c = onehot_bf[c * BC : (c + 1) * BC]
        pos_c = jnp.dot(lt, oh_c, preferred_element_type=jnp.float32)
        chunks.append(pos_c + base)
        base = base + jnp.sum(onehot_f[c * BC : (c + 1) * BC],
                              axis=0, keepdims=True)
    pos_excl = jnp.concatenate(chunks, axis=0)
    posf = jnp.sum(pos_excl * onehot_f, axis=1)
    pos = posf.astype(jnp.int32)
    counts_ref[0:1, 0:E] = base
    keep = pos < C
    slot = jnp.where(keep, expert * C + pos, EC)
    gate = jnp.where(keep, gate, 0.0)
    slot_ref[0, 0, :] = slot
    xs_ref[...] = _pack_bf16_pairs((x * gate[:, None]).astype(jnp.bfloat16))


def _router(inp, Wg):
    return pl.pallas_call(
        _router_body,
        grid=(NB,),
        in_specs=[
            pl.BlockSpec((B, D), lambda i: (i, 0)),
            pl.BlockSpec((D, E), lambda i: (0, 0)),
        ],
        out_specs=[
            pl.BlockSpec((1, 1, B), lambda i: (i, 0, 0)),
            pl.BlockSpec((B, D // 2), lambda i: (i, 0)),
        ],
        out_shape=[
            jax.ShapeDtypeStruct((NB, 1, B), jnp.int32),
            jax.ShapeDtypeStruct((S, D // 2), jnp.int32),
        ],
        scratch_shapes=[
            pltpu.VMEM((1, E), jnp.float32),
            pltpu.VMEM((BC, BC), jnp.bfloat16),
        ],
        compiler_params=pltpu.CompilerParams(
            dimension_semantics=("arbitrary",)),
    )(inp, Wg)


@functools.cache
def _make_dispatch():
    mesh = plsc.VectorSubcoreMesh(core_axis_name="c", subcore_axis_name="s")

    @functools.partial(
        pl.kernel,
        out_type=jax.ShapeDtypeStruct((NBLK * C, D // 2), jnp.int32),
        mesh=mesh,
        scratch_types=[
            pltpu.VMEM((2, CHUNK), jnp.int32),
            pltpu.VMEM((2, CHUNK, D // 2), jnp.int32),
            pltpu.SemaphoreType.DMA,
            pltpu.SemaphoreType.DMA,
            pltpu.SemaphoreType.DMA,
            pltpu.SemaphoreType.DMA,
        ],
    )
    def _dispatch(xs_hbm, slot_hbm, disp_hbm, idx_v, rows_v,
                  sem_in0, sem_in1, sem_sc0, sem_sc1):
        wid = lax.axis_index("s") * 2 + lax.axis_index("c")
        base = wid * TPW
        sem_in = (sem_in0, sem_in1)
        sem_sc = (sem_sc0, sem_sc1)

        scat = [None, None]
        for j in range(NCHUNK):
            b = j & 1
            if scat[b] is not None:
                scat[b].wait()
            off = base + j * CHUNK
            ci = pltpu.async_copy(slot_hbm.at[pl.ds(off, CHUNK)],
                                  idx_v.at[b], sem_in[b])
            cr = pltpu.async_copy(xs_hbm.at[pl.ds(off, CHUNK)],
                                  rows_v.at[b], sem_sc[b])
            ci.wait()
            cr.wait()
            scat[b] = pltpu.async_copy(rows_v.at[b], disp_hbm.at[idx_v.at[b]],
                                       sem_in[b])
        for s in scat:
            if s is not None:
                s.wait()

    return _dispatch


def _unpack_bf16_pairs(p):
    lo = lax.bitcast_convert_type(
        (p & 0xFFFF).astype(jnp.uint16), jnp.bfloat16)
    hi = lax.bitcast_convert_type(
        lax.shift_right_logical(p, 16).astype(jnp.uint16), jnp.bfloat16)
    return jnp.concatenate([lo, hi], axis=1)


def _pack_bf16_pairs(xb):
    lo = lax.bitcast_convert_type(xb[:, : D // 2], jnp.uint16).astype(jnp.uint32)
    hi = lax.bitcast_convert_type(xb[:, D // 2 :], jnp.uint16).astype(jnp.uint32)
    return lax.bitcast_convert_type(lo | (hi << 16), jnp.int32)


def _ffn_body(x_ref, w1_ref, w2_ref, o_ref):
    e = pl.program_id(0)
    x = _unpack_bf16_pairs(x_ref[0])
    w1 = w1_ref[0].astype(jnp.bfloat16)
    h = jnp.dot(x, w1, preferred_element_type=jnp.float32)
    h = jnp.maximum(h, 0.0).astype(jnp.bfloat16)
    w2 = w2_ref[0].astype(jnp.bfloat16)
    y = jnp.dot(h, w2, preferred_element_type=jnp.float32)
    o_ref[0] = jnp.where(e == E, 0.0, y)


def _ffn(disp, W1, W2):
    return pl.pallas_call(
        _ffn_body,
        grid=(NBLK,),
        in_specs=[
            pl.BlockSpec((1, C, D // 2), lambda e: (e, 0, 0)),
            pl.BlockSpec((1, D, F), lambda e: (jnp.minimum(e, E - 1), 0, 0)),
            pl.BlockSpec((1, F, D), lambda e: (jnp.minimum(e, E - 1), 0, 0)),
        ],
        out_specs=pl.BlockSpec((1, C, D), lambda e: (e, 0, 0)),
        out_shape=jax.ShapeDtypeStruct((NBLK, C, D), jnp.float32),
        compiler_params=pltpu.CompilerParams(
            dimension_semantics=("parallel",)),
    )(disp, W1, W2)


@functools.cache
def _make_combine():
    mesh = plsc.VectorSubcoreMesh(core_axis_name="c", subcore_axis_name="s")

    @functools.partial(
        pl.kernel,
        out_type=jax.ShapeDtypeStruct((S, D), jnp.float32),
        mesh=mesh,
        scratch_types=[
            pltpu.VMEM((2, GCHUNK), jnp.int32),
            pltpu.VMEM((2, GCHUNK, D), jnp.float32),
            pltpu.SemaphoreType.DMA,
            pltpu.SemaphoreType.DMA,
            pltpu.SemaphoreType.DMA,
            pltpu.SemaphoreType.DMA,
        ],
    )
    def _combine(eout_hbm, slot_hbm, out_hbm, idx_v, rows_v,
                 sem_g0, sem_g1, sem_w0, sem_w1):
        wid = lax.axis_index("s") * 2 + lax.axis_index("c")
        base = wid * TPW
        sem_g = (sem_g0, sem_g1)
        sem_w = (sem_w0, sem_w1)

        gath = [None, None]
        wr = [None, None]
        for j in range(NGCHUNK):
            b = j & 1
            if wr[b] is not None:
                wr[b].wait()
            off = base + j * GCHUNK
            pltpu.sync_copy(slot_hbm.at[pl.ds(off, GCHUNK)], idx_v.at[b])
            gath[b] = pltpu.async_copy(eout_hbm.at[idx_v.at[b]],
                                       rows_v.at[b], sem_g[b])
            o = b ^ 1
            if gath[o] is not None:
                gath[o].wait()
                po = base + (j - 1) * GCHUNK
                wr[o] = pltpu.async_copy(rows_v.at[o],
                                         out_hbm.at[pl.ds(po, GCHUNK)],
                                         sem_w[o])
                gath[o] = None
        b = (NGCHUNK - 1) & 1
        gath[b].wait()
        pltpu.async_copy(rows_v.at[b],
                         out_hbm.at[pl.ds(base + (NGCHUNK - 1) * GCHUNK, GCHUNK)],
                         sem_w[b]).wait()
        if wr[b ^ 1] is not None:
            wr[b ^ 1].wait()

    return _combine


def kernel(inp, Wg, W1, W2):
    slot3, xs = _router(inp, Wg)
    slot = slot3.reshape(S)
    disp = _make_dispatch()(xs, slot)
    eout = _ffn(disp.reshape(NBLK, C, D // 2), W1, W2)
    out = _make_combine()(eout.reshape(NBLK * C, D), slot)
    return out

# --- scband reference (transcript-rebuilt; emitter-appended) ---
"""Pipeline reference for scband-moe-transformer-79474074845417 (READ-ONLY COPY).

The authoritative reference and input builder live on the scoring server;
editing this copy changes nothing except your own understanding.
"""

import jax, jax.numpy as jnp
import numpy as np
import math

E = 64          # num_experts
TOP_K = 1
D_MODEL = 1024
D_FF = 1024
S = 16384       # tokens = batch(2) * seq_len(8192)
CAP_FACTOR = 1.25
C = int(math.ceil(S * TOP_K / E * CAP_FACTOR))  # expert capacity = 320


def setup_inputs(seed: int = 0) -> dict:
    key = jax.random.key(seed)
    k1, k2, k3, k4 = jax.random.split(key, 4)
    inp = jax.random.normal(k1, (S, D_MODEL), dtype=jnp.float32)
    Wg = jax.random.normal(k2, (D_MODEL, E), dtype=jnp.float32) * 0.02
    W1 = jax.random.normal(k3, (E, D_MODEL, D_FF), dtype=jnp.float32) * 0.02
    W2 = jax.random.normal(k4, (E, D_FF, D_MODEL), dtype=jnp.float32) * 0.02
    return {"inp": inp, "Wg": Wg, "W1": W1, "W2": W2}


def reference(inp, Wg, W1, W2):
    # ---- router / gate (simple_gate_op) ----
    logits = inp @ Wg                                   # [S, E]
    gates = jax.nn.softmax(logits, axis=-1)
    expert_idx = jnp.argmax(gates, axis=-1)             # top-1 routing, [S]
    gate_val = jnp.take_along_axis(gates, expert_idx[:, None], axis=-1)[:, 0]
    onehot = jax.nn.one_hot(expert_idx, E, dtype=jnp.float32)   # [S, E]
    # position of each token within its chosen expert's buffer
    pos = (jnp.cumsum(onehot, axis=0) - 1.0) * onehot
    pos_in_expert = jnp.sum(pos, axis=-1).astype(jnp.int32)     # [S]
    keep = pos_in_expert < C                                    # capacity drop
    keepf = keep.astype(jnp.float32)
    # flat dispatch slot; dropped tokens routed to a dummy trailing row
    flat_slot = jnp.where(keep, expert_idx.astype(jnp.int32) * C + pos_in_expert, E * C)
    # ---- dispatch (scatter-add into expert buffers; stands in for all-to-all) ----
    buf = jnp.zeros((E * C + 1, D_MODEL), dtype=jnp.float32).at[flat_slot].add(inp * keepf[:, None])
    dispatched = buf[: E * C].reshape(E, C, D_MODEL)
    # ---- expert FFN ----
    h = jax.nn.relu(jnp.einsum('ecm,emf->ecf', dispatched, W1))
    expert_out = jnp.einsum('ecf,efm->ecm', h, W2).reshape(E * C, D_MODEL)
    expert_out = jnp.concatenate([expert_out, jnp.zeros((1, D_MODEL), dtype=jnp.float32)], axis=0)
    # ---- combine (gather back + gate weighting; stands in for return all-to-all / gather_op) ----
    out = expert_out[flat_slot] * (gate_val * keepf)[:, None]   # [S, D_MODEL]
    return out

if __name__ == "__main__":
    import jax
    _d = setup_inputs()
    print(jax.jit(kernel)(*tuple(_d.values())))

</pallas_src>

<mosaic_0001>
#map = affine_map<(d0, d1) -> (0, 0)>
#map1 = affine_map<(d0, d1) -> (0)>
module attributes {stable_mosaic.version = 14 : i64} {
  func.func @_dispatch(%arg0: i32, %arg1: i32, %arg2: memref<16384x512xi32, #tpu.memory_space<hbm>>, %arg3: memref<16384xi32, #tpu.memory_space<hbm>>, %arg4: memref<20800x512xi32, #tpu.memory_space<hbm>>, %arg5: memref<2x64xi32, #tpu.memory_space<vmem>>, %arg6: memref<2x64x512xi32, #tpu.memory_space<vmem>>, %arg7: memref<!tpu.dma_semaphore, #tpu.memory_space<semaphore_mem>>, %arg8: memref<!tpu.dma_semaphore, #tpu.memory_space<semaphore_mem>>, %arg9: memref<!tpu.dma_semaphore, #tpu.memory_space<semaphore_mem>>, %arg10: memref<!tpu.dma_semaphore, #tpu.memory_space<semaphore_mem>>) attributes {dimension_semantics = [#tpu.dimension_semantics<core_parallel>, #tpu.dimension_semantics<subcore_parallel>], iteration_bounds = array<i64: 2, 16>, scalar_prefetch = 0 : i64, scratch_operands = 6 : i64, tpu.core_type = #tpu.core_type<sc_vector_subcore>, window_params = [{transform_indices = #map}, {transform_indices = #map1}, {transform_indices = #map}]} {
    %mul3A = arith.constant 2 : i32
    %mul3A_0 = arith.muli %arg1, %mul3A : i32
    %add3A = arith.addi %mul3A_0, %arg0 : i32
    %mul3A_1 = arith.constant 512 : i32
    %mul3A_2 = arith.muli %add3A, %mul3A_1 : i32
    %add3A_3 = arith.constant 0 : i32
    %add3A_4 = arith.addi %mul3A_2, %add3A_3 : i32
    %dma_start3A = arith.constant 0 : i32
    %dma_start3A_5 = arith.constant 0 : i32
    %dma_start3A_6 = tpu.memref_slice %arg5[%dma_start3A, %dma_start3A_5] : memref<2x64xi32, #tpu.memory_space<vmem>> -> memref<1x64xi32, #tpu.memory_space<vmem>>
    %dma_start3A_7 = tpu.memref_squeeze %dma_start3A_6 : memref<1x64xi32, #tpu.memory_space<vmem>> -> memref<64xi32, #tpu.memory_space<vmem>>
    %dma_start3A_8 = tpu.memref_slice %arg3[%add3A_4] : memref<16384xi32, #tpu.memory_space<hbm>> -> memref<64xi32, #tpu.memory_space<hbm>>
    %dma_start3A_9 = arith.constant 0 : i32
    %dma_start3A_10 = tpu.memref_slice %arg5[%dma_start3A, %dma_start3A_9] : memref<2x64xi32, #tpu.memory_space<vmem>> -> memref<1x64xi32, #tpu.memory_space<vmem>>
    %dma_start3A_11 = tpu.memref_squeeze %dma_start3A_10 : memref<1x64xi32, #tpu.memory_space<vmem>> -> memref<64xi32, #tpu.memory_space<vmem>>
    %dma_start3A_12 = tpu.memref_slice %arg3[%add3A_4] : memref<16384xi32, #tpu.memory_space<hbm>> -> memref<64xi32, #tpu.memory_space<hbm>>
    tpu.enqueue_dma source(%dma_start3A_12 : memref<64xi32, #tpu.memory_space<hbm>>) target(%dma_start3A_11 : memref<64xi32, #tpu.memory_space<vmem>>) target_semaphore(%arg7 : memref<!tpu.dma_semaphore, #tpu.memory_space<semaphore_mem>>)
    %dma_start3A_13 = arith.constant 0 : i32
    %dma_start3A_14 = arith.constant 0 : i32
    %dma_start3A_15 = arith.constant 0 : i32
    %dma_start3A_16 = tpu.memref_slice %arg6[%dma_start3A_13, %dma_start3A_14, %dma_start3A_15] : memref<2x64x512xi32, #tpu.memory_space<vmem>> -> memref<1x64x512xi32, #tpu.memory_space<vmem>>
    %dma_start3A_17 = tpu.memref_squeeze %dma_start3A_16 : memref<1x64x512xi32, #tpu.memory_space<vmem>> -> memref<64x512xi32, #tpu.memory_space<vmem>>
    %dma_start3A_18 = arith.constant 0 : i32
    %dma_start3A_19 = tpu.memref_slice %arg2[%add3A_4, %dma_start3A_18] : memref<16384x512xi32, #tpu.memory_space<hbm>> -> memref<64x512xi32, #tpu.memory_space<hbm>>
    %dma_start3A_20 = arith.constant 0 : i32
    %dma_start3A_21 = arith.constant 0 : i32
    %dma_start3A_22 = tpu.memref_slice %arg6[%dma_start3A_13, %dma_start3A_20, %dma_start3A_21] : memref<2x64x512xi32, #tpu.memory_space<vmem>> -> memref<1x64x512xi32, #tpu.memory_space<vmem>>
    %dma_start3A_23 = tpu.memref_squeeze %dma_start3A_22 : memref<1x64x512xi32, #tpu.memory_space<vmem>> -> memref<64x512xi32, #tpu.memory_space<vmem>>
    %dma_start3A_24 = arith.constant 0 : i32
    %dma_start3A_25 = tpu.memref_slice %arg2[%add3A_4, %dma_start3A_24] : memref<16384x512xi32, #tpu.memory_space<hbm>> -> memref<64x512xi32, #tpu.memory_space<hbm>>
    tpu.enqueue_dma source(%dma_start3A_25 : memref<64x512xi32, #tpu.memory_space<hbm>>) target(%dma_start3A_23 : memref<64x512xi32, #tpu.memory_space<vmem>>) target_semaphore(%arg9 : memref<!tpu.dma_semaphore, #tpu.memory_space<semaphore_mem>>)
    %dma_wait3A = arith.constant 0 : i32
    %dma_wait3A_26 = arith.constant 0 : i32
    %dma_wait3A_27 = tpu.memref_slice %arg5[%dma_wait3A, %dma_wait3A_26] : memref<2x64xi32, #tpu.memory_space<vmem>> -> memref<1x64xi32, #tpu.memory_space<vmem>>
    %dma_wait3A_28 = tpu.memref_squeeze %dma_wait3A_27 : memref<1x64xi32, #tpu.memory_space<vmem>> -> memref<64xi32, #tpu.memory_space<vmem>>
    %dma_wait3A_29 = tpu.memref_slice %arg3[%add3A_4] : memref<16384xi32, #tpu.memory_space<hbm>> -> memref<64xi32, #tpu.memory_space<hbm>>
    %dma_wait3A_30 = arith.constant 0 : i32
    %dma_wait3A_31 = tpu.memref_slice %arg5[%dma_wait3A, %dma_wait3A_30] : memref<2x64xi32, #tpu.memory_space<vmem>> -> memref<1x64xi32, #tpu.memory_space<vmem>>
    %dma_wait3A_32 = tpu.memref_squeeze %dma_wait3A_31 : memref<1x64xi32, #tpu.memory_space<vmem>> -> memref<64xi32, #tpu.memory_space<vmem>>
    %dma_wait3A_33 = tpu.memref_slice %arg3[%add3A_4] : memref<16384xi32, #tpu.memory_space<hbm>> -> memref<64xi32, #tpu.memory_space<hbm>>
    tpu.wait_dma2 semaphore(%arg7 : memref<!tpu.dma_semaphore, #tpu.memory_space<semaphore_mem>>) src(%dma_wait3A_33 : memref<64xi32, #tpu.memory_space<hbm>>) dst(%dma_wait3A_32 : memref<64xi32, #tpu.memory_space<vmem>>)
    %dma_wait3A_34 = arith.constant 0 : i32
    %dma_wait3A_35 = arith.constant 0 : i32
    %dma_wait3A_36 = arith.constant 0 : i32
    %dma_wait3A_37 = tpu.memref_slice %arg6[%dma_wait3A_34, %dma_wait3A_35, %dma_wait3A_36] : memref<2x64x512xi32, #tpu.memory_space<vmem>> -> memref<1x64x512xi32, #tpu.memory_space<vmem>>
    %dma_wait3A_38 = tpu.memref_squeeze %dma_wait3A_37 : memref<1x64x512xi32, #tpu.memory_space<vmem>> -> memref<64x512xi32, #tpu.memory_space<vmem>>
    %dma_wait3A_39 = arith.constant 0 : i32
    %dma_wait3A_40 = tpu.memref_slice %arg2[%add3A_4, %dma_wait3A_39] : memref<16384x512xi32, #tpu.memory_space<hbm>> -> memref<64x512xi32, #tpu.memory_space<hbm>>
    %dma_wait3A_41 = arith.constant 0 : i32
    %dma_wait3A_42 = arith.constant 0 : i32
    %dma_wait3A_43 = tpu.memref_slice %arg6[%dma_wait3A_34, %dma_wait3A_41, %dma_wait3A_42] : memref<2x64x512xi32, #tpu.memory_space<vmem>> -> memref<1x64x512xi32, #tpu.memory_space<vmem>>
    %dma_wait3A_44 = tpu.memref_squeeze %dma_wait3A_43 : memref<1x64x512xi32, #tpu.memory_space<vmem>> -> memref<64x512xi32, #tpu.memory_space<vmem>>
    %dma_wait3A_45 = arith.constant 0 : i32
    %dma_wait3A_46 = tpu.memref_slice %arg2[%add3A_4, %dma_wait3A_45] : memref<16384x512xi32, #tpu.memory_space<hbm>> -> memref<64x512xi32, #tpu.memory_space<hbm>>
    tpu.wait_dma2 semaphore(%arg9 : memref<!tpu.dma_semaphore, #tpu.memory_space<semaphore_mem>>) src(%dma_wait3A_46 : memref<64x512xi32, #tpu.memory_space<hbm>>) dst(%dma_wait3A_44 : memref<64x512xi32, #tpu.memory_space<vmem>>)
    %dma_start3A_47 = arith.constant 0 : i32
    %dma_start3A_48 = arith.constant 0 : i32
    %dma_start3A_49 = arith.constant 0 : i32
    %dma_start3A_50 = arith.constant 0 : i32
    %dma_start3A_51 = tpu.memref_slice %arg6[%dma_start3A_47, %dma_start3A_49, %dma_start3A_50] : memref<2x64x512xi32, #tpu.memory_space<vmem>> -> memref<1x64x512xi32, #tpu.memory_space<vmem>>
    %dma_start3A_52 = tpu.memref_squeeze %dma_start3A_51 : memref<1x64x512xi32, #tpu.memory_space<vmem>> -> memref<64x512xi32, #tpu.memory_space<vmem>>
    %dma_start3A_53 = arith.constant 0 : i32
    %dma_start3A_54 = tpu.memref_slice %arg5[%dma_start3A_48, %dma_start3A_53] : memref<2x64xi32, #tpu.memory_space<vmem>> -> memref<1x64xi32, #tpu.memory_space<vmem>>
    %dma_start3A_55 = tpu.memref_squeeze %dma_start3A_54 : memref<1x64xi32, #tpu.memory_space<vmem>> -> memref<64xi32, #tpu.memory_space<vmem>>
    %dma_start3A_56 = arith.constant 0 : i32
    %dma_start3A_57 = arith.constant 0 : i32
    %dma_start3A_58 = tpu.memref_slice %arg4[%dma_start3A_56, %dma_start3A_57] : memref<20800x512xi32, #tpu.memory_space<hbm>> -> memref<20800x512xi32, #tpu.memory_space<hbm>>
    tpu.enqueue_indirect_dma source(%dma_start3A_52 : memref<64x512xi32, #tpu.memory_space<vmem>>) target(%dma_start3A_58 : memref<20800x512xi32, #tpu.memory_space<hbm>>) offsets(%dma_start3A_55 : memref<64xi32, #tpu.memory_space<vmem>>) semaphore(%arg7 : memref<!tpu.dma_semaphore, #tpu.memory_space<semaphore_mem>>)
    %add3A_59 = arith.constant 64 : i32
    %add3A_60 = arith.addi %mul3A_2, %add3A_59 : i32
    %dma_start3A_61 = arith.constant 1 : i32
    %dma_start3A_62 = arith.constant 0 : i32
    %dma_start3A_63 = tpu.memref_slice %arg5[%dma_start3A_61, %dma_start3A_62] : memref<2x64xi32, #tpu.memory_space<vmem>> -> memref<1x64xi32, #tpu.memory_space<vmem>>
    %dma_start3A_64 = tpu.memref_squeeze %dma_start3A_63 : memref<1x64xi32, #tpu.memory_space<vmem>> -> memref<64xi32, #tpu.memory_space<vmem>>
    %dma_start3A_65 = tpu.memref_slice %arg3[%add3A_60] : memref<16384xi32, #tpu.memory_space<hbm>> -> memref<64xi32, #tpu.memory_space<hbm>>
    %dma_start3A_66 = arith.constant 0 : i32
    %dma_start3A_67 = tpu.memref_slice %arg5[%dma_start3A_61, %dma_start3A_66] : memref<2x64xi32, #tpu.memory_space<vmem>> -> memref<1x64xi32, #tpu.memory_space<vmem>>
    %dma_start3A_68 = tpu.memref_squeeze %dma_start3A_67 : memref<1x64xi32, #tpu.memory_space<vmem>> -> memref<64xi32, #tpu.memory_space<vmem>>
    %dma_start3A_69 = tpu.memref_slice %arg3[%add3A_60] : memref<16384xi32, #tpu.memory_space<hbm>> -> memref<64xi32, #tpu.memory_space<hbm>>
    tpu.enqueue_dma source(%dma_start3A_69 : memref<64xi32, #tpu.memory_space<hbm>>) target(%dma_start3A_68 : memref<64xi32, #tpu.memory_space<vmem>>) target_semaphore(%arg8 : memref<!tpu.dma_semaphore, #tpu.memory_space<semaphore_mem>>)
    %dma_start3A_70 = arith.constant 1 : i32
    %dma_start3A_71 = arith.constant 0 : i32
    %dma_start3A_72 = arith.constant 0 : i32
    %dma_start3A_73 = tpu.memref_slice %arg6[%dma_start3A_70, %dma_start3A_71, %dma_start3A_72] : memref<2x64x512xi32, #tpu.memory_space<vmem>> -> memref<1x64x512xi32, #tpu.memory_space<vmem>>
    %dma_start3A_74 = tpu.memref_squeeze %dma_start3A_73 : memref<1x64x512xi32, #tpu.memory_space<vmem>> -> memref<64x512xi32, #tpu.memory_space<vmem>>
    %dma_start3A_75 = arith.constant 0 : i32
    %dma_start3A_76 = tpu.memref_slice %arg2[%add3A_60, %dma_start3A_75] : memref<16384x512xi32, #tpu.memory_space<hbm>> -> memref<64x512xi32, #tpu.memory_space<hbm>>
    %dma_start3A_77 = arith.constant 0 : i32
    %dma_start3A_78 = arith.constant 0 : i32
    %dma_start3A_79 = tpu.memref_slice %arg6[%dma_start3A_70, %dma_start3A_77, %dma_start3A_78] : memref<2x64x512xi32, #tpu.memory_space<vmem>> -> memref<1x64x512xi32, #tpu.memory_space<vmem>>
    %dma_start3A_80 = tpu.memref_squeeze %dma_start3A_79 : memref<1x64x512xi32, #tpu.memory_space<vmem>> -> memref<64x512xi32, #tpu.memory_space<vmem>>
    %dma_start3A_81 = arith.constant 0 : i32
    %dma_start3A_82 = tpu.memref_slice %arg2[%add3A_60, %dma_start3A_81] : memref<16384x512xi32, #tpu.memory_space<hbm>> -> memref<64x512xi32, #tpu.memory_space<hbm>>
    tpu.enqueue_dma source(%dma_start3A_82 : memref<64x512xi32, #tpu.memory_space<hbm>>) target(%dma_start3A_80 : memref<64x512xi32, #tpu.memory_space<vmem>>) target_semaphore(%arg10 : memref<!tpu.dma_semaphore, #tpu.memory_space<semaphore_mem>>)
    %dma_wait3A_83 = arith.constant 1 : i32
    %dma_wait3A_84 = arith.constant 0 : i32
    %dma_wait3A_85 = tpu.memref_slice %arg5[%dma_wait3A_83, %dma_wait3A_84] : memref<2x64xi32, #tpu.memory_space<vmem>> -> memref<1x64xi32, #tpu.memory_space<vmem>>
    %dma_wait3A_86 = tpu.memref_squeeze %dma_wait3A_85 : memref<1x64xi32, #tpu.memory_space<vmem>> -> memref<64xi32, #tpu.memory_space<vmem>>
    %dma_wait3A_87 = tpu.memref_slice %arg3[%add3A_60] : memref<16384xi32, #tpu.memory_space<hbm>> -> memref<64xi32, #tpu.memory_space<hbm>>
    %dma_wait3A_88 = arith.constant 0 : i32
    %dma_wait3A_89 = tpu.memref_slice %arg5[%dma_wait3A_83, %dma_wait3A_88] : memref<2x64xi32, #tpu.memory_space<vmem>> -> memref<1x64xi32, #tpu.memory_space<vmem>>
    %dma_wait3A_90 = tpu.memref_squeeze %dma_wait3A_89 : memref<1x64xi32, #tpu.memory_space<vmem>> -> memref<64xi32, #tpu.memory_space<vmem>>
    %dma_wait3A_91 = tpu.memref_slice %arg3[%add3A_60] : memref<16384xi32, #tpu.memory_space<hbm>> -> memref<64xi32, #tpu.memory_space<hbm>>
    tpu.wait_dma2 semaphore(%arg8 : memref<!tpu.dma_semaphore, #tpu.memory_space<semaphore_mem>>) src(%dma_wait3A_91 : memref<64xi32, #tpu.memory_space<hbm>>) dst(%dma_wait3A_90 : memref<64xi32, #tpu.memory_space<vmem>>)
    %dma_wait3A_92 = arith.constant 1 : i32
    %dma_wait3A_93 = arith.constant 0 : i32
    %dma_wait3A_94 = arith.constant 0 : i32
    %dma_wait3A_95 = tpu.memref_slice %arg6[%dma_wait3A_92, %dma_wait3A_93, %dma_wait3A_94] : memref<2x64x512xi32, #tpu.memory_space<vmem>> -> memref<1x64x512xi32, #tpu.memory_space<vmem>>
    %dma_wait3A_96 = tpu.memref_squeeze %dma_wait3A_95 : memref<1x64x512xi32, #tpu.memory_space<vmem>> -> memref<64x512xi32, #tpu.memory_space<vmem>>
    %dma_wait3A_97 = arith.constant 0 : i32
    %dma_wait3A_98 = tpu.memref_slice %arg2[%add3A_60, %dma_wait3A_97] : memref<16384x512xi32, #tpu.memory_space<hbm>> -> memref<64x512xi32, #tpu.memory_space<hbm>>
    %dma_wait3A_99 = arith.constant 0 : i32
    %dma_wait3A_100 = arith.constant 0 : i32
    %dma_wait3A_101 = tpu.memref_slice %arg6[%dma_wait3A_92, %dma_wait3A_99, %dma_wait3A_100] : memref<2x64x512xi32, #tpu.memory_space<vmem>> -> memref<1x64x512xi32, #tpu.memory_space<vmem>>
    %dma_wait3A_102 = tpu.memref_squeeze %dma_wait3A_101 : memref<1x64x512xi32, #tpu.memory_space<vmem>> -> memref<64x512xi32, #tpu.memory_space<vmem>>
    %dma_wait3A_103 = arith.constant 0 : i32
    %dma_wait3A_104 = tpu.memref_slice %arg2[%add3A_60, %dma_wait3A_103] : memref<16384x512xi32, #tpu.memory_space<hbm>> -> memref<64x512xi32, #tpu.memory_space<hbm>>
    tpu.wait_dma2 semaphore(%arg10 : memref<!tpu.dma_semaphore, #tpu.memory_space<semaphore_mem>>) src(%dma_wait3A_104 : memref<64x512xi32, #tpu.memory_space<hbm>>) dst(%dma_wait3A_102 : memref<64x512xi32, #tpu.memory_space<vmem>>)
    %dma_start3A_105 = arith.constant 1 : i32
    %dma_start3A_106 = arith.constant 1 : i32
    %dma_start3A_107 = arith.constant 0 : i32
    %dma_start3A_108 = arith.constant 0 : i32
    %dma_start3A_109 = tpu.memref_slice %arg6[%dma_start3A_105, %dma_start3A_107, %dma_start3A_108] : memref<2x64x512xi32, #tpu.memory_space<vmem>> -> memref<1x64x512xi32, #tpu.memory_space<vmem>>
    %dma_start3A_110 = tpu.memref_squeeze %dma_start3A_109 : memref<1x64x512xi32, #tpu.memory_space<vmem>> -> memref<64x512xi32, #tpu.memory_space<vmem>>
    %dma_start3A_111 = arith.constant 0 : i32
    %dma_start3A_112 = tpu.memref_slice %arg5[%dma_start3A_106, %dma_start3A_111] : memref<2x64xi32, #tpu.memory_space<vmem>> -> memref<1x64xi32, #tpu.memory_space<vmem>>
    %dma_start3A_113 = tpu.memref_squeeze %dma_start3A_112 : memref<1x64xi32, #tpu.memory_space<vmem>> -> memref<64xi32, #tpu.memory_space<vmem>>
    %dma_start3A_114 = arith.constant 0 : i32
    %dma_start3A_115 = arith.constant 0 : i32
    %dma_start3A_116 = tpu.memref_slice %arg4[%dma_start3A_114, %dma_start3A_115] : memref<20800x512xi32, #tpu.memory_space<hbm>> -> memref<20800x512xi32, #tpu.memory_space<hbm>>
    tpu.enqueue_indirect_dma source(%dma_start3A_110 : memref<64x512xi32, #tpu.memory_space<vmem>>) target(%dma_start3A_116 : memref<20800x512xi32, #tpu.memory_space<hbm>>) offsets(%dma_start3A_113 : memref<64xi32, #tpu.memory_space<vmem>>) semaphore(%arg8 : memref<!tpu.dma_semaphore, #tpu.memory_space<semaphore_mem>>)
    %dma_wait3A_117 = arith.constant 0 : i32
    %dma_wait3A_118 = arith.constant 0 : i32
    %dma_wait3A_119 = arith.constant 0 : i32
    %dma_wait3A_120 = arith.constant 0 : i32
    %dma_wait3A_121 = tpu.memref_slice %arg6[%dma_wait3A_117, %dma_wait3A_119, %dma_wait3A_120] : memref<2x64x512xi32, #tpu.memory_space<vmem>> -> memref<1x64x512xi32, #tpu.memory_space<vmem>>
    %dma_wait3A_122 = tpu.memref_squeeze %dma_wait3A_121 : memref<1x64x512xi32, #tpu.memory_space<vmem>> -> memref<64x512xi32, #tpu.memory_space<vmem>>
    %dma_wait3A_123 = arith.constant 0 : i32
    %dma_wait3A_124 = tpu.memref_slice %arg5[%dma_wait3A_118, %dma_wait3A_123] : memref<2x64xi32, #tpu.memory_space<vmem>> -> memref<1x64xi32, #tpu.memory_space<vmem>>
    %dma_wait3A_125 = tpu.memref_squeeze %dma_wait3A_124 : memref<1x64xi32, #tpu.memory_space<vmem>> -> memref<64xi32, #tpu.memory_space<vmem>>
    %dma_wait3A_126 = arith.constant 0 : i32
    %dma_wait3A_127 = arith.constant 0 : i32
    %dma_wait3A_128 = tpu.memref_slice %arg4[%dma_wait3A_126, %dma_wait3A_127] : memref<20800x512xi32, #tpu.memory_space<hbm>> -> memref<20800x512xi32, #tpu.memory_space<hbm>>
    tpu.wait_indirect_dma semaphore(%arg7 : memref<!tpu.dma_semaphore, #tpu.memory_space<semaphore_mem>>) src(%dma_wait3A_122 : memref<64x512xi32, #tpu.memory_space<vmem>>) dst(%dma_wait3A_128 : memref<20800x512xi32, #tpu.memory_space<hbm>>)
    %add3A_129 = arith.constant 128 : i32
    %add3A_130 = arith.addi %mul3A_2, %add3A_129 : i32
    %dma_start3A_131 = arith.constant 0 : i32
    %dma_start3A_132 = arith.constant 0 : i32
    %dma_start3A_133 = tpu.memref_slice %arg5[%dma_start3A_131, %dma_start3A_132] : memref<2x64xi32, #tpu.memory_space<vmem>> -> memref<1x64xi32, #tpu.memory_space<vmem>>
    %dma_start3A_134 = tpu.memref_squeeze %dma_start3A_133 : memref<1x64xi32, #tpu.memory_space<vmem>> -> memref<64xi32, #tpu.memory_space<vmem>>
    %dma_start3A_135 = tpu.memref_slice %arg3[%add3A_130] : memref<16384xi32, #tpu.memory_space<hbm>> -> memref<64xi32, #tpu.memory_space<hbm>>
    %dma_start3A_136 = arith.constant 0 : i32
    %dma_start3A_137 = tpu.memref_slice %arg5[%dma_start3A_131, %dma_start3A_136] : memref<2x64xi32, #tpu.memory_space<vmem>> -> memref<1x64xi32, #tpu.memory_space<vmem>>
    %dma_start3A_138 = tpu.memref_squeeze %dma_start3A_137 : memref<1x64xi32, #tpu.memory_space<vmem>> -> memref<64xi32, #tpu.memory_space<vmem>>
    %dma_start3A_139 = tpu.memref_slice %arg3[%add3A_130] : memref<16384xi32, #tpu.memory_space<hbm>> -> memref<64xi32, #tpu.memory_space<hbm>>
    tpu.enqueue_dma source(%dma_start3A_139 : memref<64xi32, #tpu.memory_space<hbm>>) target(%dma_start3A_138 : memref<64xi32, #tpu.memory_space<vmem>>) target_semaphore(%arg7 : memref<!tpu.dma_semaphore, #tpu.memory_space<semaphore_mem>>)
    %dma_start3A_140 = arith.constant 0 : i32
    %dma_start3A_141 = arith.constant 0 : i32
    %dma_start3A_142 = arith.constant 0 : i32
    %dma_start3A_143 = tpu.memref_slice %arg6[%dma_start3A_140, %dma_start3A_141, %dma_start3A_142] : memref<2x64x512xi32, #tpu.memory_space<vmem>> -> memref<1x64x512xi32, #tpu.memory_space<vmem>>
    %dma_start3A_144 = tpu.memref_squeeze %dma_start3A_143 : memref<1x64x512xi32, #tpu.memory_space<vmem>> -> memref<64x512xi32, #tpu.memory_space<vmem>>
    %dma_start3A_145 = arith.constant 0 : i32
    %dma_start3A_146 = tpu.memref_slice %arg2[%add3A_130, %dma_start3A_145] : memref<16384x512xi32, #tpu.memory_space<hbm>> -> memref<64x512xi32, #tpu.memory_space<hbm>>
    %dma_start3A_147 = arith.constant 0 : i32
    %dma_start3A_148 = arith.constant 0 : i32
    %dma_start3A_149 = tpu.memref_slice %arg6[%dma_start3A_140, %dma_start3A_147, %dma_start3A_148] : memref<2x64x512xi32, #tpu.memory_space<vmem>> -> memref<1x64x512xi32, #tpu.memory_space<vmem>>
    %dma_start3A_150 = tpu.memref_squeeze %dma_start3A_149 : memref<1x64x512xi32, #tpu.memory_space<vmem>> -> memref<64x512xi32, #tpu.memory_space<vmem>>
    %dma_start3A_151 = arith.constant 0 : i32
    %dma_start3A_152 = tpu.memref_slice %arg2[%add3A_130, %dma_start3A_151] : memref<16384x512xi32, #tpu.memory_space<hbm>> -> memref<64x512xi32, #tpu.memory_space<hbm>>
    tpu.enqueue_dma source(%dma_start3A_152 : memref<64x512xi32, #tpu.memory_space<hbm>>) target(%dma_start3A_150 : memref<64x512xi32, #tpu.memory_space<vmem>>) target_semaphore(%arg9 : memref<!tpu.dma_semaphore, #tpu.memory_space<semaphore_mem>>)
    %dma_wait3A_153 = arith.constant 0 : i32
    %dma_wait3A_154 = arith.constant 0 : i32
    %dma_wait3A_155 = tpu.memref_slice %arg5[%dma_wait3A_153, %dma_wait3A_154] : memref<2x64xi32, #tpu.memory_space<vmem>> -> memref<1x64xi32, #tpu.memory_space<vmem>>
    %dma_wait3A_156 = tpu.memref_squeeze %dma_wait3A_155 : memref<1x64xi32, #tpu.memory_space<vmem>> -> memref<64xi32, #tpu.memory_space<vmem>>
    %dma_wait3A_157 = tpu.memref_slice %arg3[%add3A_130] : memref<16384xi32, #tpu.memory_space<hbm>> -> memref<64xi32, #tpu.memory_space<hbm>>
    %dma_wait3A_158 = arith.constant 0 : i32
    %dma_wait3A_159 = tpu.memref_slice %arg5[%dma_wait3A_153, %dma_wait3A_158] : memref<2x64xi32, #tpu.memory_space<vmem>> -> memref<1x64xi32, #tpu.memory_space<vmem>>
    %dma_wait3A_160 = tpu.memref_squeeze %dma_wait3A_159 : memref<1x64xi32, #tpu.memory_space<vmem>> -> memref<64xi32, #tpu.memory_space<vmem>>
    %dma_wait3A_161 = tpu.memref_slice %arg3[%add3A_130] : memref<16384xi32, #tpu.memory_space<hbm>> -> memref<64xi32, #tpu.memory_space<hbm>>
    tpu.wait_dma2 semaphore(%arg7 : memref<!tpu.dma_semaphore, #tpu.memory_space<semaphore_mem>>) src(%dma_wait3A_161 : memref<64xi32, #tpu.memory_space<hbm>>) dst(%dma_wait3A_160 : memref<64xi32, #tpu.memory_space<vmem>>)
    %dma_wait3A_162 = arith.constant 0 : i32
    %dma_wait3A_163 = arith.constant 0 : i32
    %dma_wait3A_164 = arith.constant 0 : i32
    %dma_wait3A_165 = tpu.memref_slice %arg6[%dma_wait3A_162, %dma_wait3A_163, %dma_wait3A_164] : memref<2x64x512xi32, #tpu.memory_space<vmem>> -> memref<1x64x512xi32, #tpu.memory_space<vmem>>
    %dma_wait3A_166 = tpu.memref_squeeze %dma_wait3A_165 : memref<1x64x512xi32, #tpu.memory_space<vmem>> -> memref<64x512xi32, #tpu.memory_space<vmem>>
    %dma_wait3A_167 = arith.constant 0 : i32
    %dma_wait3A_168 = tpu.memref_slice %arg2[%add3A_130, %dma_wait3A_167] : memref<16384x512xi32, #tpu.memory_space<hbm>> -> memref<64x512xi32, #tpu.memory_space<hbm>>
    %dma_wait3A_169 = arith.constant 0 : i32
    %dma_wait3A_170 = arith.constant 0 : i32
    %dma_wait3A_171 = tpu.memref_slice %arg6[%dma_wait3A_162, %dma_wait3A_169, %dma_wait3A_170] : memref<2x64x512xi32, #tpu.memory_space<vmem>> -> memref<1x64x512xi32, #tpu.memory_space<vmem>>
    %dma_wait3A_172 = tpu.memref_squeeze %dma_wait3A_171 : memref<1x64x512xi32, #tpu.memory_space<vmem>> -> memref<64x512xi32, #tpu.memory_space<vmem>>
    %dma_wait3A_173 = arith.constant 0 : i32
    %dma_wait3A_174 = tpu.memref_slice %arg2[%add3A_130, %dma_wait3A_173] : memref<16384x512xi32, #tpu.memory_space<hbm>> -> memref<64x512xi32, #tpu.memory_space<hbm>>
    tpu.wait_dma2 semaphore(%arg9 : memref<!tpu.dma_semaphore, #tpu.memory_space<semaphore_mem>>) src(%dma_wait3A_174 : memref<64x512xi32, #tpu.memory_space<hbm>>) dst(%dma_wait3A_172 : memref<64x512xi32, #tpu.memory_space<vmem>>)
    %dma_start3A_175 = arith.constant 0 : i32
    %dma_start3A_176 = arith.constant 0 : i32
    %dma_start3A_177 = arith.constant 0 : i32
    %dma_start3A_178 = arith.constant 0 : i32
    %dma_start3A_179 = tpu.memref_slice %arg6[%dma_start3A_175, %dma_start3A_177, %dma_start3A_178] : memref<2x64x512xi32, #tpu.memory_space<vmem>> -> memref<1x64x512xi32, #tpu.memory_space<vmem>>
    %dma_start3A_180 = tpu.memref_squeeze %dma_start3A_179 : memref<1x64x512xi32, #tpu.memory_space<vmem>> -> memref<64x512xi32, #tpu.memory_space<vmem>>
    %dma_start3A_181 = arith.constant 0 : i32
    %dma_start3A_182 = tpu.memref_slice %arg5[%dma_start3A_176, %dma_start3A_181] : memref<2x64xi32, #tpu.memory_space<vmem>> -> memref<1x64xi32, #tpu.memory_space<vmem>>
    %dma_start3A_183 = tpu.memref_squeeze %dma_start3A_182 : memref<1x64xi32, #tpu.memory_space<vmem>> -> memref<64xi32, #tpu.memory_space<vmem>>
    %dma_start3A_184 = arith.constant 0 : i32
    %dma_start3A_185 = arith.constant 0 : i32
    %dma_start3A_186 = tpu.memref_slice %arg4[%dma_start3A_184, %dma_start3A_185] : memref<20800x512xi32, #tpu.memory_space<hbm>> -> memref<20800x512xi32, #tpu.memory_space<hbm>>
    tpu.enqueue_indirect_dma source(%dma_start3A_180 : memref<64x512xi32, #tpu.memory_space<vmem>>) target(%dma_start3A_186 : memref<20800x512xi32, #tpu.memory_space<hbm>>) offsets(%dma_start3A_183 : memref<64xi32, #tpu.memory_space<vmem>>) semaphore(%arg7 : memref<!tpu.dma_semaphore, #tpu.memory_space<semaphore_mem>>)
    %dma_wait3A_187 = arith.constant 1 : i32
    %dma_wait3A_188 = arith.constant 1 : i32
    %dma_wait3A_189 = arith.constant 0 : i32
    %dma_wait3A_190 = arith.constant 0 : i32
    %dma_wait3A_191 = tpu.memref_slice %arg6[%dma_wait3A_187, %dma_wait3A_189, %dma_wait3A_190] : memref<2x64x512xi32, #tpu.memory_space<vmem>> -> memref<1x64x512xi32, #tpu.memory_space<vmem>>
    %dma_wait3A_192 = tpu.memref_squeeze %dma_wait3A_191 : memref<1x64x512xi32, #tpu.memory_space<vmem>> -> memref<64x512xi32, #tpu.memory_space<vmem>>
    %dma_wait3A_193 = arith.constant 0 : i32
    %dma_wait3A_194 = tpu.memref_slice %arg5[%dma_wait3A_188, %dma_wait3A_193] : memref<2x64xi32, #tpu.memory_space<vmem>> -> memref<1x64xi32, #tpu.memory_space<vmem>>
    %dma_wait3A_195 = tpu.memref_squeeze %dma_wait3A_194 : memref<1x64xi32, #tpu.memory_space<vmem>> -> memref<64xi32, #tpu.memory_space<vmem>>
    %dma_wait3A_196 = arith.constant 0 : i32
    %dma_wait3A_197 = arith.constant 0 : i32
    %dma_wait3A_198 = tpu.memref_slice %arg4[%dma_wait3A_196, %dma_wait3A_197] : memref<20800x512xi32, #tpu.memory_space<hbm>> -> memref<20800x512xi32, #tpu.memory_space<hbm>>
    tpu.wait_indirect_dma semaphore(%arg8 : memref<!tpu.dma_semaphore, #tpu.memory_space<semaphore_mem>>) src(%dma_wait3A_192 : memref<64x512xi32, #tpu.memory_space<vmem>>) dst(%dma_wait3A_198 : memref<20800x512xi32, #tpu.memory_space<hbm>>)
    %add3A_199 = arith.constant 192 : i32
    %add3A_200 = arith.addi %mul3A_2, %add3A_199 : i32
    %dma_start3A_201 = arith.constant 1 : i32
    %dma_start3A_202 = arith.constant 0 : i32
    %dma_start3A_203 = tpu.memref_slice %arg5[%dma_start3A_201, %dma_start3A_202] : memref<2x64xi32, #tpu.memory_space<vmem>> -> memref<1x64xi32, #tpu.memory_space<vmem>>
    %dma_start3A_204 = tpu.memref_squeeze %dma_start3A_203 : memref<1x64xi32, #tpu.memory_space<vmem>> -> memref<64xi32, #tpu.memory_space<vmem>>
    %dma_start3A_205 = tpu.memref_slice %arg3[%add3A_200] : memref<16384xi32, #tpu.memory_space<hbm>> -> memref<64xi32, #tpu.memory_space<hbm>>
    %dma_start3A_206 = arith.constant 0 : i32
    %dma_start3A_207 = tpu.memref_slice %arg5[%dma_start3A_201, %dma_start3A_206] : memref<2x64xi32, #tpu.memory_space<vmem>> -> memref<1x64xi32, #tpu.memory_space<vmem>>
    %dma_start3A_208 = tpu.memref_squeeze %dma_start3A_207 : memref<1x64xi32, #tpu.memory_space<vmem>> -> memref<64xi32, #tpu.memory_space<vmem>>
    %dma_start3A_209 = tpu.memref_slice %arg3[%add3A_200] : memref<16384xi32, #tpu.memory_space<hbm>> -> memref<64xi32, #tpu.memory_space<hbm>>
    tpu.enqueue_dma source(%dma_start3A_209 : memref<64xi32, #tpu.memory_space<hbm>>) target(%dma_start3A_208 : memref<64xi32, #tpu.memory_space<vmem>>) target_semaphore(%arg8 : memref<!tpu.dma_semaphore, #tpu.memory_space<semaphore_mem>>)
    %dma_start3A_210 = arith.constant 1 : i32
    %dma_start3A_211 = arith.constant 0 : i32
    %dma_start3A_212 = arith.constant 0 : i32
    %dma_start3A_213 = tpu.memref_slice %arg6[%dma_start3A_210, %dma_start3A_211, %dma_start3A_212] : memref<2x64x512xi32, #tpu.memory_space<vmem>> -> memref<1x64x512xi32, #tpu.memory_space<vmem>>
    %dma_start3A_214 = tpu.memref_squeeze %dma_start3A_213 : memref<1x64x512xi32, #tpu.memory_space<vmem>> -> memref<64x512xi32, #tpu.memory_space<vmem>>
    %dma_start3A_215 = arith.constant 0 : i32
    %dma_start3A_216 = tpu.memref_slice %arg2[%add3A_200, %dma_start3A_215] : memref<16384x512xi32, #tpu.memory_space<hbm>> -> memref<64x512xi32, #tpu.memory_space<hbm>>
    %dma_start3A_217 = arith.constant 0 : i32
    %dma_start3A_218 = arith.constant 0 : i32
    %dma_start3A_219 = tpu.memref_slice %arg6[%dma_start3A_210, %dma_start3A_217, %dma_start3A_218] : memref<2x64x512xi32, #tpu.memory_space<vmem>> -> memref<1x64x512xi32, #tpu.memory_space<vmem>>
    %dma_start3A_220 = tpu.memref_squeeze %dma_start3A_219 : memref<1x64x512xi32, #tpu.memory_space<vmem>> -> memref<64x512xi32, #tpu.memory_space<vmem>>
    %dma_start3A_221 = arith.constant 0 : i32
    %dma_start3A_222 = tpu.memref_slice %arg2[%add3A_200, %dma_start3A_221] : memref<16384x512xi32, #tpu.memory_space<hbm>> -> memref<64x512xi32, #tpu.memory_space<hbm>>
    tpu.enqueue_dma source(%dma_start3A_222 : memref<64x512xi32, #tpu.memory_space<hbm>>) target(%dma_start3A_220 : memref<64x512xi32, #tpu.memory_space<vmem>>) target_semaphore(%arg10 : memref<!tpu.dma_semaphore, #tpu.memory_space<semaphore_mem>>)
    %dma_wait3A_223 = arith.constant 1 : i32
    %dma_wait3A_224 = arith.constant 0 : i32
    %dma_wait3A_225 = tpu.memref_slice %arg5[%dma_wait3A_223, %dma_wait3A_224] : memref<2x64xi32, #tpu.memory_space<vmem>> -> memref<1x64xi32, #tpu.memory_space<vmem>>
    %dma_wait3A_226 = tpu.memref_squeeze %dma_wait3A_225 : memref<1x64xi32, #tpu.memory_space<vmem>> -> memref<64xi32, #tpu.memory_space<vmem>>
    %dma_wait3A_227 = tpu.memref_slice %arg3[%add3A_200] : memref<16384xi32, #tpu.memory_space<hbm>> -> memref<64xi32, #tpu.memory_space<hbm>>
    %dma_wait3A_228 = arith.constant 0 : i32
    %dma_wait3A_229 = tpu.memref_slice %arg5[%dma_wait3A_223, %dma_wait3A_228] : memref<2x64xi32, #tpu.memory_space<vmem>> -> memref<1x64xi32, #tpu.memory_space<vmem>>
    %dma_wait3A_230 = tpu.memref_squeeze %dma_wait3A_229 : memref<1x64xi32, #tpu.memory_space<vmem>> -> memref<64xi32, #tpu.memory_space<vmem>>
    %dma_wait3A_231 = tpu.memref_slice %arg3[%add3A_200] : memref<16384xi32, #tpu.memory_space<hbm>> -> memref<64xi32, #tpu.memory_space<hbm>>
    tpu.wait_dma2 semaphore(%arg8 : memref<!tpu.dma_semaphore, #tpu.memory_space<semaphore_mem>>) src(%dma_wait3A_231 : memref<64xi32, #tpu.memory_space<hbm>>) dst(%dma_wait3A_230 : memref<64xi32, #tpu.memory_space<vmem>>)
    %dma_wait3A_232 = arith.constant 1 : i32
    %dma_wait3A_233 = arith.constant 0 : i32
    %dma_wait3A_234 = arith.constant 0 : i32
    %dma_wait3A_235 = tpu.memref_slice %arg6[%dma_wait3A_232, %dma_wait3A_233, %dma_wait3A_234] : memref<2x64x512xi32, #tpu.memory_space<vmem>> -> memref<1x64x512xi32, #tpu.memory_space<vmem>>
    %dma_wait3A_236 = tpu.memref_squeeze %dma_wait3A_235 : memref<1x64x512xi32, #tpu.memory_space<vmem>> -> memref<64x512xi32, #tpu.memory_space<vmem>>
    %dma_wait3A_237 = arith.constant 0 : i32
    %dma_wait3A_238 = tpu.memref_slice %arg2[%add3A_200, %dma_wait3A_237] : memref<16384x512xi32, #tpu.memory_space<hbm>> -> memref<64x512xi32, #tpu.memory_space<hbm>>
    %dma_wait3A_239 = arith.constant 0 : i32
    %dma_wait3A_240 = arith.constant 0 : i32
    %dma_wait3A_241 = tpu.memref_slice %arg6[%dma_wait3A_232, %dma_wait3A_239, %dma_wait3A_240] : memref<2x64x512xi32, #tpu.memory_space<vmem>> -> memref<1x64x512xi32, #tpu.memory_space<vmem>>
    %dma_wait3A_242 = tpu.memref_squeeze %dma_wait3A_241 : memref<1x64x512xi32, #tpu.memory_space<vmem>> -> memref<64x512xi32, #tpu.memory_space<vmem>>
    %dma_wait3A_243 = arith.constant 0 : i32
    %dma_wait3A_244 = tpu.memref_slice %arg2[%add3A_200, %dma_wait3A_243] : memref<16384x512xi32, #tpu.memory_space<hbm>> -> memref<64x512xi32, #tpu.memory_space<hbm>>
    tpu.wait_dma2 semaphore(%arg10 : memref<!tpu.dma_semaphore, #tpu.memory_space<semaphore_mem>>) src(%dma_wait3A_244 : memref<64x512xi32, #tpu.memory_space<hbm>>) dst(%dma_wait3A_242 : memref<64x512xi32, #tpu.memory_space<vmem>>)
    %dma_start3A_245 = arith.constant 1 : i32
    %dma_start3A_246 = arith.constant 1 : i32
    %dma_start3A_247 = arith.constant 0 : i32
    %dma_start3A_248 = arith.constant 0 : i32
    %dma_start3A_249 = tpu.memref_slice %arg6[%dma_start3A_245, %dma_start3A_247, %dma_start3A_248] : memref<2x64x512xi32, #tpu.memory_space<vmem>> -> memref<1x64x512xi32, #tpu.memory_space<vmem>>
    %dma_start3A_250 = tpu.memref_squeeze %dma_start3A_249 : memref<1x64x512xi32, #tpu.memory_space<vmem>> -> memref<64x512xi32, #tpu.memory_space<vmem>>
    %dma_start3A_251 = arith.constant 0 : i32
    %dma_start3A_252 = tpu.memref_slice %arg5[%dma_start3A_246, %dma_start3A_251] : memref<2x64xi32, #tpu.memory_space<vmem>> -> memref<1x64xi32, #tpu.memory_space<vmem>>
    %dma_start3A_253 = tpu.memref_squeeze %dma_start3A_252 : memref<1x64xi32, #tpu.memory_space<vmem>> -> memref<64xi32, #tpu.memory_space<vmem>>
    %dma_start3A_254 = arith.constant 0 : i32
    %dma_start3A_255 = arith.constant 0 : i32
    %dma_start3A_256 = tpu.memref_slice %arg4[%dma_start3A_254, %dma_start3A_255] : memref<20800x512xi32, #tpu.memory_space<hbm>> -> memref<20800x512xi32, #tpu.memory_space<hbm>>
    tpu.enqueue_indirect_dma source(%dma_start3A_250 : memref<64x512xi32, #tpu.memory_space<vmem>>) target(%dma_start3A_256 : memref<20800x512xi32, #tpu.memory_space<hbm>>) offsets(%dma_start3A_253 : memref<64xi32, #tpu.memory_space<vmem>>) semaphore(%arg8 : memref<!tpu.dma_semaphore, #tpu.memory_space<semaphore_mem>>)
    %dma_wait3A_257 = arith.constant 0 : i32
    %dma_wait3A_258 = arith.constant 0 : i32
    %dma_wait3A_259 = arith.constant 0 : i32
    %dma_wait3A_260 = arith.constant 0 : i32
    %dma_wait3A_261 = tpu.memref_slice %arg6[%dma_wait3A_257, %dma_wait3A_259, %dma_wait3A_260] : memref<2x64x512xi32, #tpu.memory_space<vmem>> -> memref<1x64x512xi32, #tpu.memory_space<vmem>>
    %dma_wait3A_262 = tpu.memref_squeeze %dma_wait3A_261 : memref<1x64x512xi32, #tpu.memory_space<vmem>> -> memref<64x512xi32, #tpu.memory_space<vmem>>
    %dma_wait3A_263 = arith.constant 0 : i32
    %dma_wait3A_264 = tpu.memref_slice %arg5[%dma_wait3A_258, %dma_wait3A_263] : memref<2x64xi32, #tpu.memory_space<vmem>> -> memref<1x64xi32, #tpu.memory_space<vmem>>
    %dma_wait3A_265 = tpu.memref_squeeze %dma_wait3A_264 : memref<1x64xi32, #tpu.memory_space<vmem>> -> memref<64xi32, #tpu.memory_space<vmem>>
    %dma_wait3A_266 = arith.constant 0 : i32
    %dma_wait3A_267 = arith.constant 0 : i32
    %dma_wait3A_268 = tpu.memref_slice %arg4[%dma_wait3A_266, %dma_wait3A_267] : memref<20800x512xi32, #tpu.memory_space<hbm>> -> memref<20800x512xi32, #tpu.memory_space<hbm>>
    tpu.wait_indirect_dma semaphore(%arg7 : memref<!tpu.dma_semaphore, #tpu.memory_space<semaphore_mem>>) src(%dma_wait3A_262 : memref<64x512xi32, #tpu.memory_space<vmem>>) dst(%dma_wait3A_268 : memref<20800x512xi32, #tpu.memory_space<hbm>>)
    %add3A_269 = arith.constant 256 : i32
    %add3A_270 = arith.addi %mul3A_2, %add3A_269 : i32
    %dma_start3A_271 = arith.constant 0 : i32
    %dma_start3A_272 = arith.constant 0 : i32
    %dma_start3A_273 = tpu.memref_slice %arg5[%dma_start3A_271, %dma_start3A_272] : memref<2x64xi32, #tpu.memory_space<vmem>> -> memref<1x64xi32, #tpu.memory_space<vmem>>
    %dma_start3A_274 = tpu.memref_squeeze %dma_start3A_273 : memref<1x64xi32, #tpu.memory_space<vmem>> -> memref<64xi32, #tpu.memory_space<vmem>>
    %dma_start3A_275 = tpu.memref_slice %arg3[%add3A_270] : memref<16384xi32, #tpu.memory_space<hbm>> -> memref<64xi32, #tpu.memory_space<hbm>>
    %dma_start3A_276 = arith.constant 0 : i32
    %dma_start3A_277 = tpu.memref_slice %arg5[%dma_start3A_271, %dma_start3A_276] : memref<2x64xi32, #tpu.memory_space<vmem>> -> memref<1x64xi32, #tpu.memory_space<vmem>>
    %dma_start3A_278 = tpu.memref_squeeze %dma_start3A_277 : memref<1x64xi32, #tpu.memory_space<vmem>> -> memref<64xi32, #tpu.memory_space<vmem>>
    %dma_start3A_279 = tpu.memref_slice %arg3[%add3A_270] : memref<16384xi32, #tpu.memory_space<hbm>> -> memref<64xi32, #tpu.memory_space<hbm>>
    tpu.enqueue_dma source(%dma_start3A_279 : memref<64xi32, #tpu.memory_space<hbm>>) target(%dma_start3A_278 : memref<64xi32, #tpu.memory_space<vmem>>) target_semaphore(%arg7 : memref<!tpu.dma_semaphore, #tpu.memory_space<semaphore_mem>>)
    %dma_start3A_280 = arith.constant 0 : i32
    %dma_start3A_281 = arith.constant 0 : i32
    %dma_start3A_282 = arith.constant 0 : i32
    %dma_start3A_283 = tpu.memref_slice %arg6[%dma_start3A_280, %dma_start3A_281, %dma_start3A_282] : memref<2x64x512xi32, #tpu.memory_space<vmem>> -> memref<1x64x512xi32, #tpu.memory_space<vmem>>
    %dma_start3A_284 = tpu.memref_squeeze %dma_start3A_283 : memref<1x64x512xi32, #tpu.memory_space<vmem>> -> memref<64x512xi32, #tpu.memory_space<vmem>>
    %dma_start3A_285 = arith.constant 0 : i32
    %dma_start3A_286 = tpu.memref_slice %arg2[%add3A_270, %dma_start3A_285] : memref<16384x512xi32, #tpu.memory_space<hbm>> -> memref<64x512xi32, #tpu.memory_space<hbm>>
    %dma_start3A_287 = arith.constant 0 : i32
    %dma_start3A_288 = arith.constant 0 : i32
    %dma_start3A_289 = tpu.memref_slice %arg6[%dma_start3A_280, %dma_start3A_287, %dma_start3A_288] : memref<2x64x512xi32, #tpu.memory_space<vmem>> -> memref<1x64x512xi32, #tpu.memory_space<vmem>>
    %dma_start3A_290 = tpu.memref_squeeze %dma_start3A_289 : memref<1x64x512xi32, #tpu.memory_space<vmem>> -> memref<64x512xi32, #tpu.memory_space<vmem>>
    %dma_start3A_291 = arith.constant 0 : i32
    %dma_start3A_292 = tpu.memref_slice %arg2[%add3A_270, %dma_start3A_291] : memref<16384x512xi32, #tpu.memory_space<hbm>> -> memref<64x512xi32, #tpu.memory_space<hbm>>
    tpu.enqueue_dma source(%dma_start3A_292 : memref<64x512xi32, #tpu.memory_space<hbm>>) target(%dma_start3A_290 : memref<64x512xi32, #tpu.memory_space<vmem>>) target_semaphore(%arg9 : memref<!tpu.dma_semaphore, #tpu.memory_space<semaphore_mem>>)
    %dma_wait3A_293 = arith.constant 0 : i32
    %dma_wait3A_294 = arith.constant 0 : i32
    %dma_wait3A_295 = tpu.memref_slice %arg5[%dma_wait3A_293, %dma_wait3A_294] : memref<2x64xi32, #tpu.memory_space<vmem>> -> memref<1x64xi32, #tpu.memory_space<vmem>>
    %dma_wait3A_296 = tpu.memref_squeeze %dma_wait3A_295 : memref<1x64xi32, #tpu.memory_space<vmem>> -> memref<64xi32, #tpu.memory_space<vmem>>
    %dma_wait3A_297 = tpu.memref_slice %arg3[%add3A_270] : memref<16384xi32, #tpu.memory_space<hbm>> -> memref<64xi32, #tpu.memory_space<hbm>>
    %dma_wait3A_298 = arith.constant 0 : i32
    %dma_wait3A_299 = tpu.memref_slice %arg5[%dma_wait3A_293, %dma_wait3A_298] : memref<2x64xi32, #tpu.memory_space<vmem>> -> memref<1x64xi32, #tpu.memory_space<vmem>>
    %dma_wait3A_300 = tpu.memref_squeeze %dma_wait3A_299 : memref<1x64xi32, #tpu.memory_space<vmem>> -> memref<64xi32, #tpu.memory_space<vmem>>
    %dma_wait3A_301 = tpu.memref_slice %arg3[%add3A_270] : memref<16384xi32, #tpu.memory_space<hbm>> -> memref<64xi32, #tpu.memory_space<hbm>>
    tpu.wait_dma2 semaphore(%arg7 : memref<!tpu.dma_semaphore, #tpu.memory_space<semaphore_mem>>) src(%dma_wait3A_301 : memref<64xi32, #tpu.memory_space<hbm>>) dst(%dma_wait3A_300 : memref<64xi32, #tpu.memory_space<vmem>>)
    %dma_wait3A_302 = arith.constant 0 : i32
    %dma_wait3A_303 = arith.constant 0 : i32
    %dma_wait3A_304 = arith.constant 0 : i32
    %dma_wait3A_305 = tpu.memref_slice %arg6[%dma_wait3A_302, %dma_wait3A_303, %dma_wait3A_304] : memref<2x64x512xi32, #tpu.memory_space<vmem>> -> memref<1x64x512xi32, #tpu.memory_space<vmem>>
    %dma_wait3A_306 = tpu.memref_squeeze %dma_wait3A_305 : memref<1x64x512xi32, #tpu.memory_space<vmem>> -> memref<64x512xi32, #tpu.memory_space<vmem>>
    %dma_wait3A_307 = arith.constant 0 : i32
    %dma_wait3A_308 = tpu.memref_slice %arg2[%add3A_270, %dma_wait3A_307] : memref<16384x512xi32, #tpu.memory_space<hbm>> -> memref<64x512xi32, #tpu.memory_space<hbm>>
    %dma_wait3A_309 = arith.constant 0 : i32
    %dma_wait3A_310 = arith.constant 0 : i32
    %dma_wait3A_311 = tpu.memref_slice %arg6[%dma_wait3A_302, %dma_wait3A_309, %dma_wait3A_310] : memref<2x64x512xi32, #tpu.memory_space<vmem>> -> memref<1x64x512xi32, #tpu.memory_space<vmem>>
    %dma_wait3A_312 = tpu.memref_squeeze %dma_wait3A_311 : memref<1x64x512xi32, #tpu.memory_space<vmem>> -> memref<64x512xi32, #tpu.memory_space<vmem>>
    %dma_wait3A_313 = arith.constant 0 : i32
    %dma_wait3A_314 = tpu.memref_slice %arg2[%add3A_270, %dma_wait3A_313] : memref<16384x512xi32, #tpu.memory_space<hbm>> -> memref<64x512xi32, #tpu.memory_space<hbm>>
    tpu.wait_dma2 semaphore(%arg9 : memref<!tpu.dma_semaphore, #tpu.memory_space<semaphore_mem>>) src(%dma_wait3A_314 : memref<64x512xi32, #tpu.memory_space<hbm>>) dst(%dma_wait3A_312 : memref<64x512xi32, #tpu.memory_space<vmem>>)
    %dma_start3A_315 = arith.constant 0 : i32
    %dma_start3A_316 = arith.constant 0 : i32
    %dma_start3A_317 = arith.constant 0 : i32
    %dma_start3A_318 = arith.constant 0 : i32
    %dma_start3A_319 = tpu.memref_slice %arg6[%dma_start3A_315, %dma_start3A_317, %dma_start3A_318] : memref<2x64x512xi32, #tpu.memory_space<vmem>> -> memref<1x64x512xi32, #tpu.memory_space<vmem>>
    %dma_start3A_320 = tpu.memref_squeeze %dma_start3A_319 : memref<1x64x512xi32, #tpu.memory_space<vmem>> -> memref<64x512xi32, #tpu.memory_space<vmem>>
    %dma_start3A_321 = arith.constant 0 : i32
    %dma_start3A_322 = tpu.memref_slice %arg5[%dma_start3A_316, %dma_start3A_321] : memref<2x64xi32, #tpu.memory_space<vmem>> -> memref<1x64xi32, #tpu.memory_space<vmem>>
    %dma_start3A_323 = tpu.memref_squeeze %dma_start3A_322 : memref<1x64xi32, #tpu.memory_space<vmem>> -> memref<64xi32, #tpu.memory_space<vmem>>
    %dma_start3A_324 = arith.constant 0 : i32
    %dma_start3A_325 = arith.constant 0 : i32
    %dma_start3A_326 = tpu.memref_slice %arg4[%dma_start3A_324, %dma_start3A_325] : memref<20800x512xi32, #tpu.memory_space<hbm>> -> memref<20800x512xi32, #tpu.memory_space<hbm>>
    tpu.enqueue_indirect_dma source(%dma_start3A_320 : memref<64x512xi32, #tpu.memory_space<vmem>>) target(%dma_start3A_326 : memref<20800x512xi32, #tpu.memory_space<hbm>>) offsets(%dma_start3A_323 : memref<64xi32, #tpu.memory_space<vmem>>) semaphore(%arg7 : memref<!tpu.dma_semaphore, #tpu.memory_space<semaphore_mem>>)
    %dma_wait3A_327 = arith.constant 1 : i32
    %dma_wait3A_328 = arith.constant 1 : i32
    %dma_wait3A_329 = arith.constant 0 : i32
    %dma_wait3A_330 = arith.constant 0 : i32
    %dma_wait3A_331 = tpu.memref_slice %arg6[%dma_wait3A_327, %dma_wait3A_329, %dma_wait3A_330] : memref<2x64x512xi32, #tpu.memory_space<vmem>> -> memref<1x64x512xi32, #tpu.memory_space<vmem>>
    %dma_wait3A_332 = tpu.memref_squeeze %dma_wait3A_331 : memref<1x64x512xi32, #tpu.memory_space<vmem>> -> memref<64x512xi32, #tpu.memory_space<vmem>>
    %dma_wait3A_333 = arith.constant 0 : i32
    %dma_wait3A_334 = tpu.memref_slice %arg5[%dma_wait3A_328, %dma_wait3A_333] : memref<2x64xi32, #tpu.memory_space<vmem>> -> memref<1x64xi32, #tpu.memory_space<vmem>>
    %dma_wait3A_335 = tpu.memref_squeeze %dma_wait3A_334 : memref<1x64xi32, #tpu.memory_space<vmem>> -> memref<64xi32, #tpu.memory_space<vmem>>
    %dma_wait3A_336 = arith.constant 0 : i32
    %dma_wait3A_337 = arith.constant 0 : i32
    %dma_wait3A_338 = tpu.memref_slice %arg4[%dma_wait3A_336, %dma_wait3A_337] : memref<20800x512xi32, #tpu.memory_space<hbm>> -> memref<20800x512xi32, #tpu.memory_space<hbm>>
    tpu.wait_indirect_dma semaphore(%arg8 : memref<!tpu.dma_semaphore, #tpu.memory_space<semaphore_mem>>) src(%dma_wait3A_332 : memref<64x512xi32, #tpu.memory_space<vmem>>) dst(%dma_wait3A_338 : memref<20800x512xi32, #tpu.memory_space<hbm>>)
    %add3A_339 = arith.constant 320 : i32
    %add3A_340 = arith.addi %mul3A_2, %add3A_339 : i32
    %dma_start3A_341 = arith.constant 1 : i32
    %dma_start3A_342 = arith.constant 0 : i32
    %dma_start3A_343 = tpu.memref_slice %arg5[%dma_start3A_341, %dma_start3A_342] : memref<2x64xi32, #tpu.memory_space<vmem>> -> memref<1x64xi32, #tpu.memory_space<vmem>>
    %dma_start3A_344 = tpu.memref_squeeze %dma_start3A_343 : memref<1x64xi32, #tpu.memory_space<vmem>> -> memref<64xi32, #tpu.memory_space<vmem>>
    %dma_start3A_345 = tpu.memref_slice %arg3[%add3A_340] : memref<16384xi32, #tpu.memory_space<hbm>> -> memref<64xi32, #tpu.memory_space<hbm>>
    %dma_start3A_346 = arith.constant 0 : i32
    %dma_start3A_347 = tpu.memref_slice %arg5[%dma_start3A_341, %dma_start3A_346] : memref<2x64xi32, #tpu.memory_space<vmem>> -> memref<1x64xi32, #tpu.memory_space<vmem>>
    %dma_start3A_348 = tpu.memref_squeeze %dma_start3A_347 : memref<1x64xi32, #tpu.memory_space<vmem>> -> memref<64xi32, #tpu.memory_space<vmem>>
    %dma_start3A_349 = tpu.memref_slice %arg3[%add3A_340] : memref<16384xi32, #tpu.memory_space<hbm>> -> memref<64xi32, #tpu.memory_space<hbm>>
    tpu.enqueue_dma source(%dma_start3A_349 : memref<64xi32, #tpu.memory_space<hbm>>) target(%dma_start3A_348 : memref<64xi32, #tpu.memory_space<vmem>>) target_semaphore(%arg8 : memref<!tpu.dma_semaphore, #tpu.memory_space<semaphore_mem>>)
    %dma_start3A_350 = arith.constant 1 : i32
    %dma_start3A_351 = arith.constant 0 : i32
    %dma_start3A_352 = arith.constant 0 : i32
    %dma_start3A_353 = tpu.memref_slice %arg6[%dma_start3A_350, %dma_start3A_351, %dma_start3A_352] : memref<2x64x512xi32, #tpu.memory_space<vmem>> -> memref<1x64x512xi32, #tpu.memory_space<vmem>>
    %dma_start3A_354 = tpu.memref_squeeze %dma_start3A_353 : memref<1x64x512xi32, #tpu.memory_space<vmem>> -> memref<64x512xi32, #tpu.memory_space<vmem>>
    %dma_start3A_355 = arith.constant 0 : i32
    %dma_start3A_356 = tpu.memref_slice %arg2[%add3A_340, %dma_start3A_355] : memref<16384x512xi32, #tpu.memory_space<hbm>> -> memref<64x512xi32, #tpu.memory_space<hbm>>
    %dma_start3A_357 = arith.constant 0 : i32
    %dma_start3A_358 = arith.constant 0 : i32
    %dma_start3A_359 = tpu.memref_slice %arg6[%dma_start3A_350, %dma_start3A_357, %dma_start3A_358] : memref<2x64x512xi32, #tpu.memory_space<vmem>> -> memref<1x64x512xi32, #tpu.memory_space<vmem>>
    %dma_start3A_360 = tpu.memref_squeeze %dma_start3A_359 : memref<1x64x512xi32, #tpu.memory_space<vmem>> -> memref<64x512xi32, #tpu.memory_space<vmem>>
    %dma_start3A_361 = arith.constant 0 : i32
    %dma_start3A_362 = tpu.memref_slice %arg2[%add3A_340, %dma_start3A_361] : memref<16384x512xi32, #tpu.memory_space<hbm>> -> memref<64x512xi32, #tpu.memory_space<hbm>>
    tpu.enqueue_dma source(%dma_start3A_362 : memref<64x512xi32, #tpu.memory_space<hbm>>) target(%dma_start3A_360 : memref<64x512xi32, #tpu.memory_space<vmem>>) target_semaphore(%arg10 : memref<!tpu.dma_semaphore, #tpu.memory_space<semaphore_mem>>)
    %dma_wait3A_363 = arith.constant 1 : i32
    %dma_wait3A_364 = arith.constant 0 : i32
    %dma_wait3A_365 = tpu.memref_slice %arg5[%dma_wait3A_363, %dma_wait3A_364] : memref<2x64xi32, #tpu.memory_space<vmem>> -> memref<1x64xi32, #tpu.memory_space<vmem>>
    %dma_wait3A_366 = tpu.memref_squeeze %dma_wait3A_365 : memref<1x64xi32, #tpu.memory_space<vmem>> -> memref<64xi32, #tpu.memory_space<vmem>>
    %dma_wait3A_367 = tpu.memref_slice %arg3[%add3A_340] : memref<16384xi32, #tpu.memory_space<hbm>> -> memref<64xi32, #tpu.memory_space<hbm>>
    %dma_wait3A_368 = arith.constant 0 : i32
    %dma_wait3A_369 = tpu.memref_slice %arg5[%dma_wait3A_363, %dma_wait3A_368] : memref<2x64xi32, #tpu.memory_space<vmem>> -> memref<1x64xi32, #tpu.memory_space<vmem>>
    %dma_wait3A_370 = tpu.memref_squeeze %dma_wait3A_369 : memref<1x64xi32, #tpu.memory_space<vmem>> -> memref<64xi32, #tpu.memory_space<vmem>>
    %dma_wait3A_371 = tpu.memref_slice %arg3[%add3A_340] : memref<16384xi32, #tpu.memory_space<hbm>> -> memref<64xi32, #tpu.memory_space<hbm>>
    tpu.wait_dma2 semaphore(%arg8 : memref<!tpu.dma_semaphore, #tpu.memory_space<semaphore_mem>>) src(%dma_wait3A_371 : memref<64xi32, #tpu.memory_space<hbm>>) dst(%dma_wait3A_370 : memref<64xi32, #tpu.memory_space<vmem>>)
    %dma_wait3A_372 = arith.constant 1 : i32
    %dma_wait3A_373 = arith.constant 0 : i32
    %dma_wait3A_374 = arith.constant 0 : i32
    %dma_wait3A_375 = tpu.memref_slice %arg6[%dma_wait3A_372, %dma_wait3A_373, %dma_wait3A_374] : memref<2x64x512xi32, #tpu.memory_space<vmem>> -> memref<1x64x512xi32, #tpu.memory_space<vmem>>
    %dma_wait3A_376 = tpu.memref_squeeze %dma_wait3A_375 : memref<1x64x512xi32, #tpu.memory_space<vmem>> -> memref<64x512xi32, #tpu.memory_space<vmem>>
    %dma_wait3A_377 = arith.constant 0 : i32
    %dma_wait3A_378 = tpu.memref_slice %arg2[%add3A_340, %dma_wait3A_377] : memref<16384x512xi32, #tpu.memory_space<hbm>> -> memref<64x512xi32, #tpu.memory_space<hbm>>
    %dma_wait3A_379 = arith.constant 0 : i32
    %dma_wait3A_380 = arith.constant 0 : i32
    %dma_wait3A_381 = tpu.memref_slice %arg6[%dma_wait3A_372, %dma_wait3A_379, %dma_wait3A_380] : memref<2x64x512xi32, #tpu.memory_space<vmem>> -> memref<1x64x512xi32, #tpu.memory_space<vmem>>
    %dma_wait3A_382 = tpu.memref_squeeze %dma_wait3A_381 : memref<1x64x512xi32, #tpu.memory_space<vmem>> -> memref<64x512xi32, #tpu.memory_space<vmem>>
    %dma_wait3A_383 = arith.constant 0 : i32
    %dma_wait3A_384 = tpu.memref_slice %arg2[%add3A_340, %dma_wait3A_383] : memref<16384x512xi32, #tpu.memory_space<hbm>> -> memref<64x512xi32, #tpu.memory_space<hbm>>
    tpu.wait_dma2 semaphore(%arg10 : memref<!tpu.dma_semaphore, #tpu.memory_space<semaphore_mem>>) src(%dma_wait3A_384 : memref<64x512xi32, #tpu.memory_space<hbm>>) dst(%dma_wait3A_382 : memref<64x512xi32, #tpu.memory_space<vmem>>)
    %dma_start3A_385 = arith.constant 1 : i32
    %dma_start3A_386 = arith.constant 1 : i32
    %dma_start3A_387 = arith.constant 0 : i32
    %dma_start3A_388 = arith.constant 0 : i32
    %dma_start3A_389 = tpu.memref_slice %arg6[%dma_start3A_385, %dma_start3A_387, %dma_start3A_388] : memref<2x64x512xi32, #tpu.memory_space<vmem>> -> memref<1x64x512xi32, #tpu.memory_space<vmem>>
    %dma_start3A_390 = tpu.memref_squeeze %dma_start3A_389 : memref<1x64x512xi32, #tpu.memory_space<vmem>> -> memref<64x512xi32, #tpu.memory_space<vmem>>
    %dma_start3A_391 = arith.constant 0 : i32
    %dma_start3A_392 = tpu.memref_slice %arg5[%dma_start3A_386, %dma_start3A_391] : memref<2x64xi32, #tpu.memory_space<vmem>> -> memref<1x64xi32, #tpu.memory_space<vmem>>
    %dma_start3A_393 = tpu.memref_squeeze %dma_start3A_392 : memref<1x64xi32, #tpu.memory_space<vmem>> -> memref<64xi32, #tpu.memory_space<vmem>>
    %dma_start3A_394 = arith.constant 0 : i32
    %dma_start3A_395 = arith.constant 0 : i32
    %dma_start3A_396 = tpu.memref_slice %arg4[%dma_start3A_394, %dma_start3A_395] : memref<20800x512xi32, #tpu.memory_space<hbm>> -> memref<20800x512xi32, #tpu.memory_space<hbm>>
    tpu.enqueue_indirect_dma source(%dma_start3A_390 : memref<64x512xi32, #tpu.memory_space<vmem>>) target(%dma_start3A_396 : memref<20800x512xi32, #tpu.memory_space<hbm>>) offsets(%dma_start3A_393 : memref<64xi32, #tpu.memory_space<vmem>>) semaphore(%arg8 : memref<!tpu.dma_semaphore, #tpu.memory_space<semaphore_mem>>)
    %dma_wait3A_397 = arith.constant 0 : i32
    %dma_wait3A_398 = arith.constant 0 : i32
    %dma_wait3A_399 = arith.constant 0 : i32
    %dma_wait3A_400 = arith.constant 0 : i32
    %dma_wait3A_401 = tpu.memref_slice %arg6[%dma_wait3A_397, %dma_wait3A_399, %dma_wait3A_400] : memref<2x64x512xi32, #tpu.memory_space<vmem>> -> memref<1x64x512xi32, #tpu.memory_space<vmem>>
    %dma_wait3A_402 = tpu.memref_squeeze %dma_wait3A_401 : memref<1x64x512xi32, #tpu.memory_space<vmem>> -> memref<64x512xi32, #tpu.memory_space<vmem>>
    %dma_wait3A_403 = arith.constant 0 : i32
    %dma_wait3A_404 = tpu.memref_slice %arg5[%dma_wait3A_398, %dma_wait3A_403] : memref<2x64xi32, #tpu.memory_space<vmem>> -> memref<1x64xi32, #tpu.memory_space<vmem>>
    %dma_wait3A_405 = tpu.memref_squeeze %dma_wait3A_404 : memref<1x64xi32, #tpu.memory_space<vmem>> -> memref<64xi32, #tpu.memory_space<vmem>>
    %dma_wait3A_406 = arith.constant 0 : i32
    %dma_wait3A_407 = arith.constant 0 : i32
    %dma_wait3A_408 = tpu.memref_slice %arg4[%dma_wait3A_406, %dma_wait3A_407] : memref<20800x512xi32, #tpu.memory_space<hbm>> -> memref<20800x512xi32, #tpu.memory_space<hbm>>
    tpu.wait_indirect_dma semaphore(%arg7 : memref<!tpu.dma_semaphore, #tpu.memory_space<semaphore_mem>>) src(%dma_wait3A_402 : memref<64x512xi32, #tpu.memory_space<vmem>>) dst(%dma_wait3A_408 : memref<20800x512xi32, #tpu.memory_space<hbm>>)
    %add3A_409 = arith.constant 384 : i32
    %add3A_410 = arith.addi %mul3A_2, %add3A_409 : i32
    %dma_start3A_411 = arith.constant 0 : i32
    %dma_start3A_412 = arith.constant 0 : i32
    %dma_start3A_413 = tpu.memref_slice %arg5[%dma_start3A_411, %dma_start3A_412] : memref<2x64xi32, #tpu.memory_space<vmem>> -> memref<1x64xi32, #tpu.memory_space<vmem>>
    %dma_start3A_414 = tpu.memref_squeeze %dma_start3A_413 : memref<1x64xi32, #tpu.memory_space<vmem>> -> memref<64xi32, #tpu.memory_space<vmem>>
    %dma_start3A_415 = tpu.memref_slice %arg3[%add3A_410] : memref<16384xi32, #tpu.memory_space<hbm>> -> memref<64xi32, #tpu.memory_space<hbm>>
    %dma_start3A_416 = arith.constant 0 : i32
    %dma_start3A_417 = tpu.memref_slice %arg5[%dma_start3A_411, %dma_start3A_416] : memref<2x64xi32, #tpu.memory_space<vmem>> -> memref<1x64xi32, #tpu.memory_space<vmem>>
    %dma_start3A_418 = tpu.memref_squeeze %dma_start3A_417 : memref<1x64xi32, #tpu.memory_space<vmem>> -> memref<64xi32, #tpu.memory_space<vmem>>
    %dma_start3A_419 = tpu.memref_slice %arg3[%add3A_410] : memref<16384xi32, #tpu.memory_space<hbm>> -> memref<64xi32, #tpu.memory_space<hbm>>
    tpu.enqueue_dma source(%dma_start3A_419 : memref<64xi32, #tpu.memory_space<hbm>>) target(%dma_start3A_418 : memref<64xi32, #tpu.memory_space<vmem>>) target_semaphore(%arg7 : memref<!tpu.dma_semaphore, #tpu.memory_space<semaphore_mem>>)
    %dma_start3A_420 = arith.constant 0 : i32
    %dma_start3A_421 = arith.constant 0 : i32
    %dma_start3A_422 = arith.constant 0 : i32
    %dma_start3A_423 = tpu.memref_slice %arg6[%dma_start3A_420, %dma_start3A_421, %dma_start3A_422] : memref<2x64x512xi32, #tpu.memory_space<vmem>> -> memref<1x64x512xi32, #tpu.memory_space<vmem>>
    %dma_start3A_424 = tpu.memref_squeeze %dma_start3A_423 : memref<1x64x512xi32, #tpu.memory_space<vmem>> -> memref<64x512xi32, #tpu.memory_space<vmem>>
    %dma_start3A_425 = arith.constant 0 : i32
    %dma_start3A_426 = tpu.memref_slice %arg2[%add3A_410, %dma_start3A_425] : memref<16384x512xi32, #tpu.memory_space<hbm>> -> memref<64x512xi32, #tpu.memory_space<hbm>>
    %dma_start3A_427 = arith.constant 0 : i32
    %dma_start3A_428 = arith.constant 0 : i32
    %dma_start3A_429 = tpu.memref_slice %arg6[%dma_start3A_420, %dma_start3A_427, %dma_start3A_428] : memref<2x64x512xi32, #tpu.memory_space<vmem>> -> memref<1x64x512xi32, #tpu.memory_space<vmem>>
    %dma_start3A_430 = tpu.memref_squeeze %dma_start3A_429 : memref<1x64x512xi32, #tpu.memory_space<vmem>> -> memref<64x512xi32, #tpu.memory_space<vmem>>
    %dma_start3A_431 = arith.constant 0 : i32
    %dma_start3A_432 = tpu.memref_slice %arg2[%add3A_410, %dma_start3A_431] : memref<16384x512xi32, #tpu.memory_space<hbm>> -> memref<64x512xi32, #tpu.memory_space<hbm>>
    tpu.enqueue_dma source(%dma_start3A_432 : memref<64x512xi32, #tpu.memory_space<hbm>>) target(%dma_start3A_430 : memref<64x512xi32, #tpu.memory_space<vmem>>) target_semaphore(%arg9 : memref<!tpu.dma_semaphore, #tpu.memory_space<semaphore_mem>>)
    %dma_wait3A_433 = arith.constant 0 : i32
    %dma_wait3A_434 = arith.constant 0 : i32
    %dma_wait3A_435 = tpu.memref_slice %arg5[%dma_wait3A_433, %dma_wait3A_434] : memref<2x64xi32, #tpu.memory_space<vmem>> -> memref<1x64xi32, #tpu.memory_space<vmem>>
    %dma_wait3A_436 = tpu.memref_squeeze %dma_wait3A_435 : memref<1x64xi32, #tpu.memory_space<vmem>> -> memref<64xi32, #tpu.memory_space<vmem>>
    %dma_wait3A_437 = tpu.memref_slice %arg3[%add3A_410] : memref<16384xi32, #tpu.memory_space<hbm>> -> memref<64xi32, #tpu.memory_space<hbm>>
    %dma_wait3A_438 = arith.constant 0 : i32
    %dma_wait3A_439 = tpu.memref_slice %arg5[%dma_wait3A_433, %dma_wait3A_438] : memref<2x64xi32, #tpu.memory_space<vmem>> -> memref<1x64xi32, #tpu.memory_space<vmem>>
    %dma_wait3A_440 = tpu.memref_squeeze %dma_wait3A_439 : memref<1x64xi32, #tpu.memory_space<vmem>> -> memref<64xi32, #tpu.memory_space<vmem>>
    %dma_wait3A_441 = tpu.memref_slice %arg3[%add3A_410] : memref<16384xi32, #tpu.memory_space<hbm>> -> memref<64xi32, #tpu.memory_space<hbm>>
    tpu.wait_dma2 semaphore(%arg7 : memref<!tpu.dma_semaphore, #tpu.memory_space<semaphore_mem>>) src(%dma_wait3A_441 : memref<64xi32, #tpu.memory_space<hbm>>) dst(%dma_wait3A_440 : memref<64xi32, #tpu.memory_space<vmem>>)
    %dma_wait3A_442 = arith.constant 0 : i32
    %dma_wait3A_443 = arith.constant 0 : i32
    %dma_wait3A_444 = arith.constant 0 : i32
    %dma_wait3A_445 = tpu.memref_slice %arg6[%dma_wait3A_442, %dma_wait3A_443, %dma_wait3A_444] : memref<2x64x512xi32, #tpu.memory_space<vmem>> -> memref<1x64x512xi32, #tpu.memory_space<vmem>>
    %dma_wait3A_446 = tpu.memref_squeeze %dma_wait3A_445 : memref<1x64x512xi32, #tpu.memory_space<vmem>> -> memref<64x512xi32, #tpu.memory_space<vmem>>
    %dma_wait3A_447 = arith.constant 0 : i32
    %dma_wait3A_448 = tpu.memref_slice %arg2[%add3A_410, %dma_wait3A_447] : memref<16384x512xi32, #tpu.memory_space<hbm>> -> memref<64x512xi32, #tpu.memory_space<hbm>>
    %dma_wait3A_449 = arith.constant 0 : i32
    %dma_wait3A_450 = arith.constant 0 : i32
    %dma_wait3A_451 = tpu.memref_slice %arg6[%dma_wait3A_442, %dma_wait3A_449, %dma_wait3A_450] : memref<2x64x512xi32, #tpu.memory_space<vmem>> -> memref<1x64x512xi32, #tpu.memory_space<vmem>>
    %dma_wait3A_452 = tpu.memref_squeeze %dma_wait3A_451 : memref<1x64x512xi32, #tpu.memory_space<vmem>> -> memref<64x512xi32, #tpu.memory_space<vmem>>
    %dma_wait3A_453 = arith.constant 0 : i32
    %dma_wait3A_454 = tpu.memref_slice %arg2[%add3A_410, %dma_wait3A_453] : memref<16384x512xi32, #tpu.memory_space<hbm>> -> memref<64x512xi32, #tpu.memory_space<hbm>>
    tpu.wait_dma2 semaphore(%arg9 : memref<!tpu.dma_semaphore, #tpu.memory_space<semaphore_mem>>) src(%dma_wait3A_454 : memref<64x512xi32, #tpu.memory_space<hbm>>) dst(%dma_wait3A_452 : memref<64x512xi32, #tpu.memory_space<vmem>>)
    %dma_start3A_455 = arith.constant 0 : i32
    %dma_start3A_456 = arith.constant 0 : i32
    %dma_start3A_457 = arith.constant 0 : i32
    %dma_start3A_458 = arith.constant 0 : i32
    %dma_start3A_459 = tpu.memref_slice %arg6[%dma_start3A_455, %dma_start3A_457, %dma_start3A_458] : memref<2x64x512xi32, #tpu.memory_space<vmem>> -> memref<1x64x512xi32, #tpu.memory_space<vmem>>
    %dma_start3A_460 = tpu.memref_squeeze %dma_start3A_459 : memref<1x64x512xi32, #tpu.memory_space<vmem>> -> memref<64x512xi32, #tpu.memory_space<vmem>>
    %dma_start3A_461 = arith.constant 0 : i32
    %dma_start3A_462 = tpu.memref_slice %arg5[%dma_start3A_456, %dma_start3A_461] : memref<2x64xi32, #tpu.memory_space<vmem>> -> memref<1x64xi32, #tpu.memory_space<vmem>>
    %dma_start3A_463 = tpu.memref_squeeze %dma_start3A_462 : memref<1x64xi32, #tpu.memory_space<vmem>> -> memref<64xi32, #tpu.memory_space<vmem>>
    %dma_start3A_464 = arith.constant 0 : i32
    %dma_start3A_465 = arith.constant 0 : i32
    %dma_start3A_466 = tpu.memref_slice %arg4[%dma_start3A_464, %dma_start3A_465] : memref<20800x512xi32, #tpu.memory_space<hbm>> -> memref<20800x512xi32, #tpu.memory_space<hbm>>
    tpu.enqueue_indirect_dma source(%dma_start3A_460 : memref<64x512xi32, #tpu.memory_space<vmem>>) target(%dma_start3A_466 : memref<20800x512xi32, #tpu.memory_space<hbm>>) offsets(%dma_start3A_463 : memref<64xi32, #tpu.memory_space<vmem>>) semaphore(%arg7 : memref<!tpu.dma_semaphore, #tpu.memory_space<semaphore_mem>>)
    %dma_wait3A_467 = arith.constant 1 : i32
    %dma_wait3A_468 = arith.constant 1 : i32
    %dma_wait3A_469 = arith.constant 0 : i32
    %dma_wait3A_470 = arith.constant 0 : i32
    %dma_wait3A_471 = tpu.memref_slice %arg6[%dma_wait3A_467, %dma_wait3A_469, %dma_wait3A_470] : memref<2x64x512xi32, #tpu.memory_space<vmem>> -> memref<1x64x512xi32, #tpu.memory_space<vmem>>
    %dma_wait3A_472 = tpu.memref_squeeze %dma_wait3A_471 : memref<1x64x512xi32, #tpu.memory_space<vmem>> -> memref<64x512xi32, #tpu.memory_space<vmem>>
    %dma_wait3A_473 = arith.constant 0 : i32
    %dma_wait3A_474 = tpu.memref_slice %arg5[%dma_wait3A_468, %dma_wait3A_473] : memref<2x64xi32, #tpu.memory_space<vmem>> -> memref<1x64xi32, #tpu.memory_space<vmem>>
    %dma_wait3A_475 = tpu.memref_squeeze %dma_wait3A_474 : memref<1x64xi32, #tpu.memory_space<vmem>> -> memref<64xi32, #tpu.memory_space<vmem>>
    %dma_wait3A_476 = arith.constant 0 : i32
    %dma_wait3A_477 = arith.constant 0 : i32
    %dma_wait3A_478 = tpu.memref_slice %arg4[%dma_wait3A_476, %dma_wait3A_477] : memref<20800x512xi32, #tpu.memory_space<hbm>> -> memref<20800x512xi32, #tpu.memory_space<hbm>>
    tpu.wait_indirect_dma semaphore(%arg8 : memref<!tpu.dma_semaphore, #tpu.memory_space<semaphore_mem>>) src(%dma_wait3A_472 : memref<64x512xi32, #tpu.memory_space<vmem>>) dst(%dma_wait3A_478 : memref<20800x512xi32, #tpu.memory_space<hbm>>)
    %add3A_479 = arith.constant 448 : i32
    %add3A_480 = arith.addi %mul3A_2, %add3A_479 : i32
    %dma_start3A_481 = arith.constant 1 : i32
    %dma_start3A_482 = arith.constant 0 : i32
    %dma_start3A_483 = tpu.memref_slice %arg5[%dma_start3A_481, %dma_start3A_482] : memref<2x64xi32, #tpu.memory_space<vmem>> -> memref<1x64xi32, #tpu.memory_space<vmem>>
    %dma_start3A_484 = tpu.memref_squeeze %dma_start3A_483 : memref<1x64xi32, #tpu.memory_space<vmem>> -> memref<64xi32, #tpu.memory_space<vmem>>
    %dma_start3A_485 = tpu.memref_slice %arg3[%add3A_480] : memref<16384xi32, #tpu.memory_space<hbm>> -> memref<64xi32, #tpu.memory_space<hbm>>
    %dma_start3A_486 = arith.constant 0 : i32
    %dma_start3A_487 = tpu.memref_slice %arg5[%dma_start3A_481, %dma_start3A_486] : memref<2x64xi32, #tpu.memory_space<vmem>> -> memref<1x64xi32, #tpu.memory_space<vmem>>
    %dma_start3A_488 = tpu.memref_squeeze %dma_start3A_487 : memref<1x64xi32, #tpu.memory_space<vmem>> -> memref<64xi32, #tpu.memory_space<vmem>>
    %dma_start3A_489 = tpu.memref_slice %arg3[%add3A_480] : memref<16384xi32, #tpu.memory_space<hbm>> -> memref<64xi32, #tpu.memory_space<hbm>>
    tpu.enqueue_dma source(%dma_start3A_489 : memref<64xi32, #tpu.memory_space<hbm>>) target(%dma_start3A_488 : memref<64xi32, #tpu.memory_space<vmem>>) target_semaphore(%arg8 : memref<!tpu.dma_semaphore, #tpu.memory_space<semaphore_mem>>)
    %dma_start3A_490 = arith.constant 1 : i32
    %dma_start3A_491 = arith.constant 0 : i32
    %dma_start3A_492 = arith.constant 0 : i32
    %dma_start3A_493 = tpu.memref_slice %arg6[%dma_start3A_490, %dma_start3A_491, %dma_start3A_492] : memref<2x64x512xi32, #tpu.memory_space<vmem>> -> memref<1x64x512xi32, #tpu.memory_space<vmem>>
    %dma_start3A_494 = tpu.memref_squeeze %dma_start3A_493 : memref<1x64x512xi32, #tpu.memory_space<vmem>> -> memref<64x512xi32, #tpu.memory_space<vmem>>
    %dma_start3A_495 = arith.constant 0 : i32
    %dma_start3A_496 = tpu.memref_slice %arg2[%add3A_480, %dma_start3A_495] : memref<16384x512xi32, #tpu.memory_space<hbm>> -> memref<64x512xi32, #tpu.memory_space<hbm>>
    %dma_start3A_497 = arith.constant 0 : i32
    %dma_start3A_498 = arith.constant 0 : i32
    %dma_start3A_499 = tpu.memref_slice %arg6[%dma_start3A_490, %dma_start3A_497, %dma_start3A_498] : memref<2x64x512xi32, #tpu.memory_space<vmem>> -> memref<1x64x512xi32, #tpu.memory_space<vmem>>
    %dma_start3A_500 = tpu.memref_squeeze %dma_start3A_499 : memref<1x64x512xi32, #tpu.memory_space<vmem>> -> memref<64x512xi32, #tpu.memory_space<vmem>>
    %dma_start3A_501 = arith.constant 0 : i32
    %dma_start3A_502 = tpu.memref_slice %arg2[%add3A_480, %dma_start3A_501] : memref<16384x512xi32, #tpu.memory_space<hbm>> -> memref<64x512xi32, #tpu.memory_space<hbm>>
    tpu.enqueue_dma source(%dma_start3A_502 : memref<64x512xi32, #tpu.memory_space<hbm>>) target(%dma_start3A_500 : memref<64x512xi32, #tpu.memory_space<vmem>>) target_semaphore(%arg10 : memref<!tpu.dma_semaphore, #tpu.memory_space<semaphore_mem>>)
    %dma_wait3A_503 = arith.constant 1 : i32
    %dma_wait3A_504 = arith.constant 0 : i32
    %dma_wait3A_505 = tpu.memref_slice %arg5[%dma_wait3A_503, %dma_wait3A_504] : memref<2x64xi32, #tpu.memory_space<vmem>> -> memref<1x64xi32, #tpu.memory_space<vmem>>
    %dma_wait3A_506 = tpu.memref_squeeze %dma_wait3A_505 : memref<1x64xi32, #tpu.memory_space<vmem>> -> memref<64xi32, #tpu.memory_space<vmem>>
    %dma_wait3A_507 = tpu.memref_slice %arg3[%add3A_480] : memref<16384xi32, #tpu.memory_space<hbm>> -> memref<64xi32, #tpu.memory_space<hbm>>
    %dma_wait3A_508 = arith.constant 0 : i32
    %dma_wait3A_509 = tpu.memref_slice %arg5[%dma_wait3A_503, %dma_wait3A_508] : memref<2x64xi32, #tpu.memory_space<vmem>> -> memref<1x64xi32, #tpu.memory_space<vmem>>
    %dma_wait3A_510 = tpu.memref_squeeze %dma_wait3A_509 : memref<1x64xi32, #tpu.memory_space<vmem>> -> memref<64xi32, #tpu.memory_space<vmem>>
    %dma_wait3A_511 = tpu.memref_slice %arg3[%add3A_480] : memref<16384xi32, #tpu.memory_space<hbm>> -> memref<64xi32, #tpu.memory_space<hbm>>
    tpu.wait_dma2 semaphore(%arg8 : memref<!tpu.dma_semaphore, #tpu.memory_space<semaphore_mem>>) src(%dma_wait3A_511 : memref<64xi32, #tpu.memory_space<hbm>>) dst(%dma_wait3A_510 : memref<64xi32, #tpu.memory_space<vmem>>)
    %dma_wait3A_512 = arith.constant 1 : i32
    %dma_wait3A_513 = arith.constant 0 : i32
    %dma_wait3A_514 = arith.constant 0 : i32
    %dma_wait3A_515 = tpu.memref_slice %arg6[%dma_wait3A_512, %dma_wait3A_513, %dma_wait3A_514] : memref<2x64x512xi32, #tpu.memory_space<vmem>> -> memref<1x64x512xi32, #tpu.memory_space<vmem>>
    %dma_wait3A_516 = tpu.memref_squeeze %dma_wait3A_515 : memref<1x64x512xi32, #tpu.memory_space<vmem>> -> memref<64x512xi32, #tpu.memory_space<vmem>>
    %dma_wait3A_517 = arith.constant 0 : i32
    %dma_wait3A_518 = tpu.memref_slice %arg2[%add3A_480, %dma_wait3A_517] : memref<16384x512xi32, #tpu.memory_space<hbm>> -> memref<64x512xi32, #tpu.memory_space<hbm>>
    %dma_wait3A_519 = arith.constant 0 : i32
    %dma_wait3A_520 = arith.constant 0 : i32
    %dma_wait3A_521 = tpu.memref_slice %arg6[%dma_wait3A_512, %dma_wait3A_519, %dma_wait3A_520] : memref<2x64x512xi32, #tpu.memory_space<vmem>> -> memref<1x64x512xi32, #tpu.memory_space<vmem>>
    %dma_wait3A_522 = tpu.memref_squeeze %dma_wait3A_521 : memref<1x64x512xi32, #tpu.memory_space<vmem>> -> memref<64x512xi32, #tpu.memory_space<vmem>>
    %dma_wait3A_523 = arith.constant 0 : i32
    %dma_wait3A_524 = tpu.memref_slice %arg2[%add3A_480, %dma_wait3A_523] : memref<16384x512xi32, #tpu.memory_space<hbm>> -> memref<64x512xi32, #tpu.memory_space<hbm>>
    tpu.wait_dma2 semaphore(%arg10 : memref<!tpu.dma_semaphore, #tpu.memory_space<semaphore_mem>>) src(%dma_wait3A_524 : memref<64x512xi32, #tpu.memory_space<hbm>>) dst(%dma_wait3A_522 : memref<64x512xi32, #tpu.memory_space<vmem>>)
    %dma_start3A_525 = arith.constant 1 : i32
    %dma_start3A_526 = arith.constant 1 : i32
    %dma_start3A_527 = arith.constant 0 : i32
    %dma_start3A_528 = arith.constant 0 : i32
    %dma_start3A_529 = tpu.memref_slice %arg6[%dma_start3A_525, %dma_start3A_527, %dma_start3A_528] : memref<2x64x512xi32, #tpu.memory_space<vmem>> -> memref<1x64x512xi32, #tpu.memory_space<vmem>>
    %dma_start3A_530 = tpu.memref_squeeze %dma_start3A_529 : memref<1x64x512xi32, #tpu.memory_space<vmem>> -> memref<64x512xi32, #tpu.memory_space<vmem>>
    %dma_start3A_531 = arith.constant 0 : i32
    %dma_start3A_532 = tpu.memref_slice %arg5[%dma_start3A_526, %dma_start3A_531] : memref<2x64xi32, #tpu.memory_space<vmem>> -> memref<1x64xi32, #tpu.memory_space<vmem>>
    %dma_start3A_533 = tpu.memref_squeeze %dma_start3A_532 : memref<1x64xi32, #tpu.memory_space<vmem>> -> memref<64xi32, #tpu.memory_space<vmem>>
    %dma_start3A_534 = arith.constant 0 : i32
    %dma_start3A_535 = arith.constant 0 : i32
    %dma_start3A_536 = tpu.memref_slice %arg4[%dma_start3A_534, %dma_start3A_535] : memref<20800x512xi32, #tpu.memory_space<hbm>> -> memref<20800x512xi32, #tpu.memory_space<hbm>>
    tpu.enqueue_indirect_dma source(%dma_start3A_530 : memref<64x512xi32, #tpu.memory_space<vmem>>) target(%dma_start3A_536 : memref<20800x512xi32, #tpu.memory_space<hbm>>) offsets(%dma_start3A_533 : memref<64xi32, #tpu.memory_space<vmem>>) semaphore(%arg8 : memref<!tpu.dma_semaphore, #tpu.memory_space<semaphore_mem>>)
    %dma_wait3A_537 = arith.constant 0 : i32
    %dma_wait3A_538 = arith.constant 0 : i32
    %dma_wait3A_539 = arith.constant 0 : i32
    %dma_wait3A_540 = arith.constant 0 : i32
    %dma_wait3A_541 = tpu.memref_slice %arg6[%dma_wait3A_537, %dma_wait3A_539, %dma_wait3A_540] : memref<2x64x512xi32, #tpu.memory_space<vmem>> -> memref<1x64x512xi32, #tpu.memory_space<vmem>>
    %dma_wait3A_542 = tpu.memref_squeeze %dma_wait3A_541 : memref<1x64x512xi32, #tpu.memory_space<vmem>> -> memref<64x512xi32, #tpu.memory_space<vmem>>
    %dma_wait3A_543 = arith.constant 0 : i32
    %dma_wait3A_544 = tpu.memref_slice %arg5[%dma_wait3A_538, %dma_wait3A_543] : memref<2x64xi32, #tpu.memory_space<vmem>> -> memref<1x64xi32, #tpu.memory_space<vmem>>
    %dma_wait3A_545 = tpu.memref_squeeze %dma_wait3A_544 : memref<1x64xi32, #tpu.memory_space<vmem>> -> memref<64xi32, #tpu.memory_space<vmem>>
    %dma_wait3A_546 = arith.constant 0 : i32
    %dma_wait3A_547 = arith.constant 0 : i32
    %dma_wait3A_548 = tpu.memref_slice %arg4[%dma_wait3A_546, %dma_wait3A_547] : memref<20800x512xi32, #tpu.memory_space<hbm>> -> memref<20800x512xi32, #tpu.memory_space<hbm>>
    tpu.wait_indirect_dma semaphore(%arg7 : memref<!tpu.dma_semaphore, #tpu.memory_space<semaphore_mem>>) src(%dma_wait3A_542 : memref<64x512xi32, #tpu.memory_space<vmem>>) dst(%dma_wait3A_548 : memref<20800x512xi32, #tpu.memory_space<hbm>>)
    %dma_wait3A_549 = arith.constant 1 : i32
    %dma_wait3A_550 = arith.constant 1 : i32
    %dma_wait3A_551 = arith.constant 0 : i32
    %dma_wait3A_552 = arith.constant 0 : i32
    %dma_wait3A_553 = tpu.memref_slice %arg6[%dma_wait3A_549, %dma_wait3A_551, %dma_wait3A_552] : memref<2x64x512xi32, #tpu.memory_space<vmem>> -> memref<1x64x512xi32, #tpu.memory_space<vmem>>
    %dma_wait3A_554 = tpu.memref_squeeze %dma_wait3A_553 : memref<1x64x512xi32, #tpu.memory_space<vmem>> -> memref<64x512xi32, #tpu.memory_space<vmem>>
    %dma_wait3A_555 = arith.constant 0 : i32
    %dma_wait3A_556 = tpu.memref_slice %arg5[%dma_wait3A_550, %dma_wait3A_555] : memref<2x64xi32, #tpu.memory_space<vmem>> -> memref<1x64xi32, #tpu.memory_space<vmem>>
    %dma_wait3A_557 = tpu.memref_squeeze %dma_wait3A_556 : memref<1x64xi32, #tpu.memory_space<vmem>> -> memref<64xi32, #tpu.memory_space<vmem>>
    %dma_wait3A_558 = arith.constant 0 : i32
    %dma_wait3A_559 = arith.constant 0 : i32
    %dma_wait3A_560 = tpu.memref_slice %arg4[%dma_wait3A_558, %dma_wait3A_559] : memref<20800x512xi32, #tpu.memory_space<hbm>> -> memref<20800x512xi32, #tpu.memory_space<hbm>>
    tpu.wait_indirect_dma semaphore(%arg8 : memref<!tpu.dma_semaphore, #tpu.memory_space<semaphore_mem>>) src(%dma_wait3A_554 : memref<64x512xi32, #tpu.memory_space<vmem>>) dst(%dma_wait3A_560 : memref<20800x512xi32, #tpu.memory_space<hbm>>)
    return
  }
}

#map = affine_map<(d0, d1) -> (0, 0)>
#map1 = affine_map<(d0, d1) -> (0)>
module attributes {stable_mosaic.version = 14 : i64} {
  func.func @_combine(%arg0: i32, %arg1: i32, %arg2: memref<20800x1024xf32, #tpu.memory_space<hbm>>, %arg3: memref<16384xi32, #tpu.memory_space<hbm>>, %arg4: memref<16384x1024xf32, #tpu.memory_space<hbm>>, %arg5: memref<2x32xi32, #tpu.memory_space<vmem>>, %arg6: memref<2x32x1024xf32, #tpu.memory_space<vmem>>, %arg7: memref<!tpu.dma_semaphore, #tpu.memory_space<semaphore_mem>>, %arg8: memref<!tpu.dma_semaphore, #tpu.memory_space<semaphore_mem>>, %arg9: memref<!tpu.dma_semaphore, #tpu.memory_space<semaphore_mem>>, %arg10: memref<!tpu.dma_semaphore, #tpu.memory_space<semaphore_mem>>) attributes {dimension_semantics = [#tpu.dimension_semantics<core_parallel>, #tpu.dimension_semantics<subcore_parallel>], iteration_bounds = array<i64: 2, 16>, scalar_prefetch = 0 : i64, scratch_operands = 6 : i64, tpu.core_type = #tpu.core_type<sc_vector_subcore>, window_params = [{transform_indices = #map}, {transform_indices = #map1}, {transform_indices = #map}]} {
    %mul3A = arith.constant 2 : i32
    %mul3A_0 = arith.muli %arg1, %mul3A : i32
    %add3A = arith.addi %mul3A_0, %arg0 : i32
    %mul3A_1 = arith.constant 512 : i32
    %mul3A_2 = arith.muli %add3A, %mul3A_1 : i32
    %add3A_3 = arith.constant 0 : i32
    %add3A_4 = arith.addi %mul3A_2, %add3A_3 : i32
    %run_scoped3A = arith.constant 0 : i32
    "tpu.region"() ({
      %run_scoped3A_880 = tpu.sem_alloc : memref<!tpu.dma_semaphore, #tpu.memory_space<semaphore_mem>>
      %dma_start3A_881 = arith.constant 0 : i32
      %dma_start3A_882 = tpu.memref_slice %arg5[%run_scoped3A, %dma_start3A_881] : memref<2x32xi32, #tpu.memory_space<vmem>> -> memref<1x32xi32, #tpu.memory_space<vmem>>
      %dma_start3A_883 = tpu.memref_squeeze %dma_start3A_882 : memref<1x32xi32, #tpu.memory_space<vmem>> -> memref<32xi32, #tpu.memory_space<vmem>>
      %dma_start3A_884 = tpu.memref_slice %arg3[%add3A_4] : memref<16384xi32, #tpu.memory_space<hbm>> -> memref<32xi32, #tpu.memory_space<hbm>>
      %dma_start3A_885 = arith.constant 0 : i32
      %dma_start3A_886 = tpu.memref_slice %arg5[%run_scoped3A, %dma_start3A_885] : memref<2x32xi32, #tpu.memory_space<vmem>> -> memref<1x32xi32, #tpu.memory_space<vmem>>
      %dma_start3A_887 = tpu.memref_squeeze %dma_start3A_886 : memref<1x32xi32, #tpu.memory_space<vmem>> -> memref<32xi32, #tpu.memory_space<vmem>>
      %dma_start3A_888 = tpu.memref_slice %arg3[%add3A_4] : memref<16384xi32, #tpu.memory_space<hbm>> -> memref<32xi32, #tpu.memory_space<hbm>>
      tpu.enqueue_dma source(%dma_start3A_888 : memref<32xi32, #tpu.memory_space<hbm>>) target(%dma_start3A_887 : memref<32xi32, #tpu.memory_space<vmem>>) target_semaphore(%run_scoped3A_880 : memref<!tpu.dma_semaphore, #tpu.memory_space<semaphore_mem>>)
      %dma_wait3A_889 = arith.constant 0 : i32
      %dma_wait3A_890 = tpu.memref_slice %arg5[%run_scoped3A, %dma_wait3A_889] : memref<2x32xi32, #tpu.memory_space<vmem>> -> memref<1x32xi32, #tpu.memory_space<vmem>>
      %dma_wait3A_891 = tpu.memref_squeeze %dma_wait3A_890 : memref<1x32xi32, #tpu.memory_space<vmem>> -> memref<32xi32, #tpu.memory_space<vmem>>
      %dma_wait3A_892 = tpu.memref_slice %arg3[%add3A_4] : memref<16384xi32, #tpu.memory_space<hbm>> -> memref<32xi32, #tpu.memory_space<hbm>>
      %dma_wait3A_893 = arith.constant 0 : i32
      %dma_wait3A_894 = tpu.memref_slice %arg5[%run_scoped3A, %dma_wait3A_893] : memref<2x32xi32, #tpu.memory_space<vmem>> -> memref<1x32xi32, #tpu.memory_space<vmem>>
      %dma_wait3A_895 = tpu.memref_squeeze %dma_wait3A_894 : memref<1x32xi32, #tpu.memory_space<vmem>> -> memref<32xi32, #tpu.memory_space<vmem>>
      %dma_wait3A_896 = tpu.memref_slice %arg3[%add3A_4] : memref<16384xi32, #tpu.memory_space<hbm>> -> memref<32xi32, #tpu.memory_space<hbm>>
      tpu.wait_dma2 semaphore(%run_scoped3A_880 : memref<!tpu.dma_semaphore, #tpu.memory_space<semaphore_mem>>) src(%dma_wait3A_896 : memref<32xi32, #tpu.memory_space<hbm>>) dst(%dma_wait3A_895 : memref<32xi32, #tpu.memory_space<vmem>>)
      tpu.yield
    }) : () -> ()
    %dma_start3A = arith.constant 0 : i32
    %dma_start3A_5 = arith.constant 0 : i32
    %dma_start3A_6 = arith.constant 0 : i32
    %dma_start3A_7 = arith.constant 0 : i32
    %dma_start3A_8 = tpu.memref_slice %arg6[%dma_start3A_5, %dma_start3A_6, %dma_start3A_7] : memref<2x32x1024xf32, #tpu.memory_space<vmem>> -> memref<1x32x1024xf32, #tpu.memory_space<vmem>>
    %dma_start3A_9 = tpu.memref_squeeze %dma_start3A_8 : memref<1x32x1024xf32, #tpu.memory_space<vmem>> -> memref<32x1024xf32, #tpu.memory_space<vmem>>
    %dma_start3A_10 = arith.constant 0 : i32
    %dma_start3A_11 = tpu.memref_slice %arg5[%dma_start3A, %dma_start3A_10] : memref<2x32xi32, #tpu.memory_space<vmem>> -> memref<1x32xi32, #tpu.memory_space<vmem>>
    %dma_start3A_12 = tpu.memref_squeeze %dma_start3A_11 : memref<1x32xi32, #tpu.memory_space<vmem>> -> memref<32xi32, #tpu.memory_space<vmem>>
    %dma_start3A_13 = arith.constant 0 : i32
    %dma_start3A_14 = arith.constant 0 : i32
    %dma_start3A_15 = tpu.memref_slice %arg2[%dma_start3A_13, %dma_start3A_14] : memref<20800x1024xf32, #tpu.memory_space<hbm>> -> memref<20800x1024xf32, #tpu.memory_space<hbm>>
    tpu.enqueue_indirect_dma source(%dma_start3A_15 : memref<20800x1024xf32, #tpu.memory_space<hbm>>) target(%dma_start3A_9 : memref<32x1024xf32, #tpu.memory_space<vmem>>) offsets(%dma_start3A_12 : memref<32xi32, #tpu.memory_space<vmem>>) semaphore(%arg7 : memref<!tpu.dma_semaphore, #tpu.memory_space<semaphore_mem>>)
    %add3A_16 = arith.constant 32 : i32
    %add3A_17 = arith.addi %mul3A_2, %add3A_16 : i32
    %run_scoped3A_18 = arith.constant 1 : i32
    "tpu.region"() ({
      %run_scoped3A_880 = tpu.sem_alloc : memref<!tpu.dma_semaphore, #tpu.memory_space<semaphore_mem>>
      %dma_start3A_881 = arith.constant 0 : i32
      %dma_start3A_882 = tpu.memref_slice %arg5[%run_scoped3A_18, %dma_start3A_881] : memref<2x32xi32, #tpu.memory_space<vmem>> -> memref<1x32xi32, #tpu.memory_space<vmem>>
      %dma_start3A_883 = tpu.memref_squeeze %dma_start3A_882 : memref<1x32xi32, #tpu.memory_space<vmem>> -> memref<32xi32, #tpu.memory_space<vmem>>
      %dma_start3A_884 = tpu.memref_slice %arg3[%add3A_17] : memref<16384xi32, #tpu.memory_space<hbm>> -> memref<32xi32, #tpu.memory_space<hbm>>
      %dma_start3A_885 = arith.constant 0 : i32
      %dma_start3A_886 = tpu.memref_slice %arg5[%run_scoped3A_18, %dma_start3A_885] : memref<2x32xi32, #tpu.memory_space<vmem>> -> memref<1x32xi32, #tpu.memory_space<vmem>>
      %dma_start3A_887 = tpu.memref_squeeze %dma_start3A_886 : memref<1x32xi32, #tpu.memory_space<vmem>> -> memref<32xi32, #tpu.memory_space<vmem>>
      %dma_start3A_888 = tpu.memref_slice %arg3[%add3A_17] : memref<16384xi32, #tpu.memory_space<hbm>> -> memref<32xi32, #tpu.memory_space<hbm>>
      tpu.enqueue_dma source(%dma_start3A_888 : memref<32xi32, #tpu.memory_space<hbm>>) target(%dma_start3A_887 : memref<32xi32, #tpu.memory_space<vmem>>) target_semaphore(%run_scoped3A_880 : memref<!tpu.dma_semaphore, #tpu.memory_space<semaphore_mem>>)
      %dma_wait3A_889 = arith.constant 0 : i32
      %dma_wait3A_890 = tpu.memref_slice %arg5[%run_scoped3A_18, %dma_wait3A_889] : memref<2x32xi32, #tpu.memory_space<vmem>> -> memref<1x32xi32, #tpu.memory_space<vmem>>
      %dma_wait3A_891 = tpu.memref_squeeze %dma_wait3A_890 : memref<1x32xi32, #tpu.memory_space<vmem>> -> memref<32xi32, #tpu.memory_space<vmem>>
      %dma_wait3A_892 = tpu.memref_slice %arg3[%add3A_17] : memref<16384xi32, #tpu.memory_space<hbm>> -> memref<32xi32, #tpu.memory_space<hbm>>
      %dma_wait3A_893 = arith.constant 0 : i32
      %dma_wait3A_894 = tpu.memref_slice %arg5[%run_scoped3A_18, %dma_wait3A_893] : memref<2x32xi32, #tpu.memory_space<vmem>> -> memref<1x32xi32, #tpu.memory_space<vmem>>
      %dma_wait3A_895 = tpu.memref_squeeze %dma_wait3A_894 : memref<1x32xi32, #tpu.memory_space<vmem>> -> memref<32xi32, #tpu.memory_space<vmem>>
      %dma_wait3A_896 = tpu.memref_slice %arg3[%add3A_17] : memref<16384xi32, #tpu.memory_space<hbm>> -> memref<32xi32, #tpu.memory_space<hbm>>
      tpu.wait_dma2 semaphore(%run_scoped3A_880 : memref<!tpu.dma_semaphore, #tpu.memory_space<semaphore_mem>>) src(%dma_wait3A_896 : memref<32xi32, #tpu.memory_space<hbm>>) dst(%dma_wait3A_895 : memref<32xi32, #tpu.memory_space<vmem>>)
      tpu.yield
    }) : () -> ()
    %dma_start3A_19 = arith.constant 1 : i32
    %dma_start3A_20 = arith.constant 1 : i32
    %dma_start3A_21 = arith.constant 0 : i32
    %dma_start3A_22 = arith.constant 0 : i32
    %dma_start3A_23 = tpu.memref_slice %arg6[%dma_start3A_20, %dma_start3A_21, %dma_start3A_22] : memref<2x32x1024xf32, #tpu.memory_space<vmem>> -> memref<1x32x1024xf32, #tpu.memory_space<vmem>>
    %dma_start3A_24 = tpu.memref_squeeze %dma_start3A_23 : memref<1x32x1024xf32, #tpu.memory_space<vmem>> -> memref<32x1024xf32, #tpu.memory_space<vmem>>
    %dma_start3A_25 = arith.constant 0 : i32
    %dma_start3A_26 = tpu.memref_slice %arg5[%dma_start3A_19, %dma_start3A_25] : memref<2x32xi32, #tpu.memory_space<vmem>> -> memref<1x32xi32, #tpu.memory_space<vmem>>
    %dma_start3A_27 = tpu.memref_squeeze %dma_start3A_26 : memref<1x32xi32, #tpu.memory_space<vmem>> -> memref<32xi32, #tpu.memory_space<vmem>>
    %dma_start3A_28 = arith.constant 0 : i32
    %dma_start3A_29 = arith.constant 0 : i32
    %dma_start3A_30 = tpu.memref_slice %arg2[%dma_start3A_28, %dma_start3A_29] : memref<20800x1024xf32, #tpu.memory_space<hbm>> -> memref<20800x1024xf32, #tpu.memory_space<hbm>>
    tpu.enqueue_indirect_dma source(%dma_start3A_30 : memref<20800x1024xf32, #tpu.memory_space<hbm>>) target(%dma_start3A_24 : memref<32x1024xf32, #tpu.memory_space<vmem>>) offsets(%dma_start3A_27 : memref<32xi32, #tpu.memory_space<vmem>>) semaphore(%arg8 : memref<!tpu.dma_semaphore, #tpu.memory_space<semaphore_mem>>)
    %dma_wait3A = arith.constant 0 : i32
    %dma_wait3A_31 = arith.constant 0 : i32
    %dma_wait3A_32 = arith.constant 0 : i32
    %dma_wait3A_33 = arith.constant 0 : i32
    %dma_wait3A_34 = tpu.memref_slice %arg6[%dma_wait3A_31, %dma_wait3A_32, %dma_wait3A_33] : memref<2x32x1024xf32, #tpu.memory_space<vmem>> -> memref<1x32x1024xf32, #tpu.memory_space<vmem>>
    %dma_wait3A_35 = tpu.memref_squeeze %dma_wait3A_34 : memref<1x32x1024xf32, #tpu.memory_space<vmem>> -> memref<32x1024xf32, #tpu.memory_space<vmem>>
    %dma_wait3A_36 = arith.constant 0 : i32
    %dma_wait3A_37 = tpu.memref_slice %arg5[%dma_wait3A, %dma_wait3A_36] : memref<2x32xi32, #tpu.memory_space<vmem>> -> memref<1x32xi32, #tpu.memory_space<vmem>>
    %dma_wait3A_38 = tpu.memref_squeeze %dma_wait3A_37 : memref<1x32xi32, #tpu.memory_space<vmem>> -> memref<32xi32, #tpu.memory_space<vmem>>
    %dma_wait3A_39 = arith.constant 0 : i32
    %dma_wait3A_40 = arith.constant 0 : i32
    %dma_wait3A_41 = tpu.memref_slice %arg2[%dma_wait3A_39, %dma_wait3A_40] : memref<20800x1024xf32, #tpu.memory_space<hbm>> -> memref<20800x1024xf32, #tpu.memory_space<hbm>>
    tpu.wait_indirect_dma semaphore(%arg7 : memref<!tpu.dma_semaphore, #tpu.memory_space<semaphore_mem>>) src(%dma_wait3A_41 : memref<20800x1024xf32, #tpu.memory_space<hbm>>) dst(%dma_wait3A_35 : memref<32x1024xf32, #tpu.memory_space<vmem>>)
    %add3A_42 = arith.constant 0 : i32
    %add3A_43 = arith.addi %mul3A_2, %add3A_42 : i32
    %dma_start3A_44 = arith.constant 0 : i32
    %dma_start3A_45 = arith.constant 0 : i32
    %dma_start3A_46 = arith.constant 0 : i32
    %dma_start3A_47 = tpu.memref_slice %arg6[%dma_start3A_44, %dma_start3A_45, %dma_start3A_46] : memref<2x32x1024xf32, #tpu.memory_space<vmem>> -> memref<1x32x1024xf32, #tpu.memory_space<vmem>>
    %dma_start3A_48 = tpu.memref_squeeze %dma_start3A_47 : memref<1x32x1024xf32, #tpu.memory_space<vmem>> -> memref<32x1024xf32, #tpu.memory_space<vmem>>
    %dma_start3A_49 = arith.constant 0 : i32
    %dma_start3A_50 = tpu.memref_slice %arg4[%add3A_43, %dma_start3A_49] : memref<16384x1024xf32, #tpu.memory_space<hbm>> -> memref<32x1024xf32, #tpu.memory_space<hbm>>
    %dma_start3A_51 = arith.constant 0 : i32
    %dma_start3A_52 = tpu.memref_slice %arg4[%add3A_43, %dma_start3A_51] : memref<16384x1024xf32, #tpu.memory_space<hbm>> -> memref<32x1024xf32, #tpu.memory_space<hbm>>
    %dma_start3A_53 = arith.constant 0 : i32
    %dma_start3A_54 = arith.constant 0 : i32
    %dma_start3A_55 = tpu.memref_slice %arg6[%dma_start3A_44, %dma_start3A_53, %dma_start3A_54] : memref<2x32x1024xf32, #tpu.memory_space<vmem>> -> memref<1x32x1024xf32, #tpu.memory_space<vmem>>
    %dma_start3A_56 = tpu.memref_squeeze %dma_start3A_55 : memref<1x32x1024xf32, #tpu.memory_space<vmem>> -> memref<32x1024xf32, #tpu.memory_space<vmem>>
    tpu.enqueue_dma source(%dma_start3A_56 : memref<32x1024xf32, #tpu.memory_space<vmem>>) target(%dma_start3A_52 : memref<32x1024xf32, #tpu.memory_space<hbm>>) target_semaphore(%arg9 : memref<!tpu.dma_semaphore, #tpu.memory_space<semaphore_mem>>)
    %dma_wait3A_57 = arith.constant 0 : i32
    %dma_wait3A_58 = arith.constant 0 : i32
    %dma_wait3A_59 = arith.constant 0 : i32
    %dma_wait3A_60 = tpu.memref_slice %arg6[%dma_wait3A_57, %dma_wait3A_58, %dma_wait3A_59] : memref<2x32x1024xf32, #tpu.memory_space<vmem>> -> memref<1x32x1024xf32, #tpu.memory_space<vmem>>
    %dma_wait3A_61 = tpu.memref_squeeze %dma_wait3A_60 : memref<1x32x1024xf32, #tpu.memory_space<vmem>> -> memref<32x1024xf32, #tpu.memory_space<vmem>>
    %dma_wait3A_62 = arith.constant 0 : i32
    %dma_wait3A_63 = tpu.memref_slice %arg4[%add3A_43, %dma_wait3A_62] : memref<16384x1024xf32, #tpu.memory_space<hbm>> -> memref<32x1024xf32, #tpu.memory_space<hbm>>
    %dma_wait3A_64 = arith.constant 0 : i32
    %dma_wait3A_65 = tpu.memref_slice %arg4[%add3A_43, %dma_wait3A_64] : memref<16384x1024xf32, #tpu.memory_space<hbm>> -> memref<32x1024xf32, #tpu.memory_space<hbm>>
    %dma_wait3A_66 = arith.constant 0 : i32
    %dma_wait3A_67 = arith.constant 0 : i32
    %dma_wait3A_68 = tpu.memref_slice %arg6[%dma_wait3A_57, %dma_wait3A_66, %dma_wait3A_67] : memref<2x32x1024xf32, #tpu.memory_space<vmem>> -> memref<1x32x1024xf32, #tpu.memory_space<vmem>>
    %dma_wait3A_69 = tpu.memref_squeeze %dma_wait3A_68 : memref<1x32x1024xf32, #tpu.memory_space<vmem>> -> memref<32x1024xf32, #tpu.memory_space<vmem>>
    tpu.wait_dma2 semaphore(%arg9 : memref<!tpu.dma_semaphore, #tpu.memory_space<semaphore_mem>>) src(%dma_wait3A_69 : memref<32x1024xf32, #tpu.memory_space<vmem>>) dst(%dma_wait3A_65 : memref<32x1024xf32, #tpu.memory_space<hbm>>)
    %add3A_70 = arith.constant 64 : i32
    %add3A_71 = arith.addi %mul3A_2, %add3A_70 : i32
    %run_scoped3A_72 = arith.constant 0 : i32
    "tpu.region"() ({
      %run_scoped3A_880 = tpu.sem_alloc : memref<!tpu.dma_semaphore, #tpu.memory_space<semaphore_mem>>
      %dma_start3A_881 = arith.constant 0 : i32
      %dma_start3A_882 = tpu.memref_slice %arg5[%run_scoped3A_72, %dma_start3A_881] : memref<2x32xi32, #tpu.memory_space<vmem>> -> memref<1x32xi32, #tpu.memory_space<vmem>>
      %dma_start3A_883 = tpu.memref_squeeze %dma_start3A_882 : memref<1x32xi32, #tpu.memory_space<vmem>> -> memref<32xi32, #tpu.memory_space<vmem>>
      %dma_start3A_884 = tpu.memref_slice %arg3[%add3A_71] : memref<16384xi32, #tpu.memory_space<hbm>> -> memref<32xi32, #tpu.memory_space<hbm>>
      %dma_start3A_885 = arith.constant 0 : i32
      %dma_start3A_886 = tpu.memref_slice %arg5[%run_scoped3A_72, %dma_start3A_885] : memref<2x32xi32, #tpu.memory_space<vmem>> -> memref<1x32xi32, #tpu.memory_space<vmem>>
      %dma_start3A_887 = tpu.memref_squeeze %dma_start3A_886 : memref<1x32xi32, #tpu.memory_space<vmem>> -> memref<32xi32, #tpu.memory_space<vmem>>
      %dma_start3A_888 = tpu.memref_slice %arg3[%add3A_71] : memref<16384xi32, #tpu.memory_space<hbm>> -> memref<32xi32, #tpu.memory_space<hbm>>
      tpu.enqueue_dma source(%dma_start3A_888 : memref<32xi32, #tpu.memory_space<hbm>>) target(%dma_start3A_887 : memref<32xi32, #tpu.memory_space<vmem>>) target_semaphore(%run_scoped3A_880 : memref<!tpu.dma_semaphore, #tpu.memory_space<semaphore_mem>>)
      %dma_wait3A_889 = arith.constant 0 : i32
      %dma_wait3A_890 = tpu.memref_slice %arg5[%run_scoped3A_72, %dma_wait3A_889] : memref<2x32xi32, #tpu.memory_space<vmem>> -> memref<1x32xi32, #tpu.memory_space<vmem>>
      %dma_wait3A_891 = tpu.memref_squeeze %dma_wait3A_890 : memref<1x32xi32, #tpu.memory_space<vmem>> -> memref<32xi32, #tpu.memory_space<vmem>>
      %dma_wait3A_892 = tpu.memref_slice %arg3[%add3A_71] : memref<16384xi32, #tpu.memory_space<hbm>> -> memref<32xi32, #tpu.memory_space<hbm>>
      %dma_wait3A_893 = arith.constant 0 : i32
      %dma_wait3A_894 = tpu.memref_slice %arg5[%run_scoped3A_72, %dma_wait3A_893] : memref<2x32xi32, #tpu.memory_space<vmem>> -> memref<1x32xi32, #tpu.memory_space<vmem>>
      %dma_wait3A_895 = tpu.memref_squeeze %dma_wait3A_894 : memref<1x32xi32, #tpu.memory_space<vmem>> -> memref<32xi32, #tpu.memory_space<vmem>>
      %dma_wait3A_896 = tpu.memref_slice %arg3[%add3A_71] : memref<16384xi32, #tpu.memory_space<hbm>> -> memref<32xi32, #tpu.memory_space<hbm>>
      tpu.wait_dma2 semaphore(%run_scoped3A_880 : memref<!tpu.dma_semaphore, #tpu.memory_space<semaphore_mem>>) src(%dma_wait3A_896 : memref<32xi32, #tpu.memory_space<hbm>>) dst(%dma_wait3A_895 : memref<32xi32, #tpu.memory_space<vmem>>)
      tpu.yield
    }) : () -> ()
    %dma_start3A_73 = arith.constant 0 : i32
    %dma_start3A_74 = arith.constant 0 : i32
    %dma_start3A_75 = arith.constant 0 : i32
    %dma_start3A_76 = arith.constant 0 : i32
    %dma_start3A_77 = tpu.memref_slice %arg6[%dma_start3A_74, %dma_start3A_75, %dma_start3A_76] : memref<2x32x1024xf32, #tpu.memory_space<vmem>> -> memref<1x32x1024xf32, #tpu.memory_space<vmem>>
    %dma_start3A_78 = tpu.memref_squeeze %dma_start3A_77 : memref<1x32x1024xf32, #tpu.memory_space<vmem>> -> memref<32x1024xf32, #tpu.memory_space<vmem>>
    %dma_start3A_79 = arith.constant 0 : i32
    %dma_start3A_80 = tpu.memref_slice %arg5[%dma_start3A_73, %dma_start3A_79] : memref<2x32xi32, #tpu.memory_space<vmem>> -> memref<1x32xi32, #tpu.memory_space<vmem>>
    %dma_start3A_81 = tpu.memref_squeeze %dma_start3A_80 : memref<1x32xi32, #tpu.memory_space<vmem>> -> memref<32xi32, #tpu.memory_space<vmem>>
    %dma_start3A_82 = arith.constant 0 : i32
    %dma_start3A_83 = arith.constant 0 : i32
    %dma_start3A_84 = tpu.memref_slice %arg2[%dma_start3A_82, %dma_start3A_83] : memref<20800x1024xf32, #tpu.memory_space<hbm>> -> memref<20800x1024xf32, #tpu.memory_space<hbm>>
    tpu.enqueue_indirect_dma source(%dma_start3A_84 : memref<20800x1024xf32, #tpu.memory_space<hbm>>) target(%dma_start3A_78 : memref<32x1024xf32, #tpu.memory_space<vmem>>) offsets(%dma_start3A_81 : memref<32xi32, #tpu.memory_space<vmem>>) semaphore(%arg7 : memref<!tpu.dma_semaphore, #tpu.memory_space<semaphore_mem>>)
    %dma_wait3A_85 = arith.constant 1 : i32
    %dma_wait3A_86 = arith.constant 1 : i32
    %dma_wait3A_87 = arith.constant 0 : i32
    %dma_wait3A_88 = arith.constant 0 : i32
    %dma_wait3A_89 = tpu.memref_slice %arg6[%dma_wait3A_86, %dma_wait3A_87, %dma_wait3A_88] : memref<2x32x1024xf32, #tpu.memory_space<vmem>> -> memref<1x32x1024xf32, #tpu.memory_space<vmem>>
    %dma_wait3A_90 = tpu.memref_squeeze %dma_wait3A_89 : memref<1x32x1024xf32, #tpu.memory_space<vmem>> -> memref<32x1024xf32, #tpu.memory_space<vmem>>
    %dma_wait3A_91 = arith.constant 0 : i32
    %dma_wait3A_92 = tpu.memref_slice %arg5[%dma_wait3A_85, %dma_wait3A_91] : memref<2x32xi32, #tpu.memory_space<vmem>> -> memref<1x32xi32, #tpu.memory_space<vmem>>
    %dma_wait3A_93 = tpu.memref_squeeze %dma_wait3A_92 : memref<1x32xi32, #tpu.memory_space<vmem>> -> memref<32xi32, #tpu.memory_space<vmem>>
    %dma_wait3A_94 = arith.constant 0 : i32
    %dma_wait3A_95 = arith.constant 0 : i32
    %dma_wait3A_96 = tpu.memref_slice %arg2[%dma_wait3A_94, %dma_wait3A_95] : memref<20800x1024xf32, #tpu.memory_space<hbm>> -> memref<20800x1024xf32, #tpu.memory_space<hbm>>
    tpu.wait_indirect_dma semaphore(%arg8 : memref<!tpu.dma_semaphore, #tpu.memory_space<semaphore_mem>>) src(%dma_wait3A_96 : memref<20800x1024xf32, #tpu.memory_space<hbm>>) dst(%dma_wait3A_90 : memref<32x1024xf32, #tpu.memory_space<vmem>>)
    %add3A_97 = arith.constant 32 : i32
    %add3A_98 = arith.addi %mul3A_2, %add3A_97 : i32
    %dma_start3A_99 = arith.constant 1 : i32
    %dma_start3A_100 = arith.constant 0 : i32
    %dma_start3A_101 = arith.constant 0 : i32
    %dma_start3A_102 = tpu.memref_slice %arg6[%dma_start3A_99, %dma_start3A_100, %dma_start3A_101] : memref<2x32x1024xf32, #tpu.memory_space<vmem>> -> memref<1x32x1024xf32, #tpu.memory_space<vmem>>
    %dma_start3A_103 = tpu.memref_squeeze %dma_start3A_102 : memref<1x32x1024xf32, #tpu.memory_space<vmem>> -> memref<32x1024xf32, #tpu.memory_space<vmem>>
    %dma_start3A_104 = arith.constant 0 : i32
    %dma_start3A_105 = tpu.memref_slice %arg4[%add3A_98, %dma_start3A_104] : memref<16384x1024xf32, #tpu.memory_space<hbm>> -> memref<32x1024xf32, #tpu.memory_space<hbm>>
    %dma_start3A_106 = arith.constant 0 : i32
    %dma_start3A_107 = tpu.memref_slice %arg4[%add3A_98, %dma_start3A_106] : memref<16384x1024xf32, #tpu.memory_space<hbm>> -> memref<32x1024xf32, #tpu.memory_space<hbm>>
    %dma_start3A_108 = arith.constant 0 : i32
    %dma_start3A_109 = arith.constant 0 : i32
    %dma_start3A_110 = tpu.memref_slice %arg6[%dma_start3A_99, %dma_start3A_108, %dma_start3A_109] : memref<2x32x1024xf32, #tpu.memory_space<vmem>> -> memref<1x32x1024xf32, #tpu.memory_space<vmem>>
    %dma_start3A_111 = tpu.memref_squeeze %dma_start3A_110 : memref<1x32x1024xf32, #tpu.memory_space<vmem>> -> memref<32x1024xf32, #tpu.memory_space<vmem>>
    tpu.enqueue_dma source(%dma_start3A_111 : memref<32x1024xf32, #tpu.memory_space<vmem>>) target(%dma_start3A_107 : memref<32x1024xf32, #tpu.memory_space<hbm>>) target_semaphore(%arg10 : memref<!tpu.dma_semaphore, #tpu.memory_space<semaphore_mem>>)
    %dma_wait3A_112 = arith.constant 1 : i32
    %dma_wait3A_113 = arith.constant 0 : i32
    %dma_wait3A_114 = arith.constant 0 : i32
    %dma_wait3A_115 = tpu.memref_slice %arg6[%dma_wait3A_112, %dma_wait3A_113, %dma_wait3A_114] : memref<2x32x1024xf32, #tpu.memory_space<vmem>> -> memref<1x32x1024xf32, #tpu.memory_space<vmem>>
    %dma_wait3A_116 = tpu.memref_squeeze %dma_wait3A_115 : memref<1x32x1024xf32, #tpu.memory_space<vmem>> -> memref<32x1024xf32, #tpu.memory_space<vmem>>
    %dma_wait3A_117 = arith.constant 0 : i32
    %dma_wait3A_118 = tpu.memref_slice %arg4[%add3A_98, %dma_wait3A_117] : memref<16384x1024xf32, #tpu.memory_space<hbm>> -> memref<32x1024xf32, #tpu.memory_space<hbm>>
    %dma_wait3A_119 = arith.constant 0 : i32
    %dma_wait3A_120 = tpu.memref_slice %arg4[%add3A_98, %dma_wait3A_119] : memref<16384x1024xf32, #tpu.memory_space<hbm>> -> memref<32x1024xf32, #tpu.memory_space<hbm>>
    %dma_wait3A_121 = arith.constant 0 : i32
    %dma_wait3A_122 = arith.constant 0 : i32
    %dma_wait3A_123 = tpu.memref_slice %arg6[%dma_wait3A_112, %dma_wait3A_121, %dma_wait3A_122] : memref<2x32x1024xf32, #tpu.memory_space<vmem>> -> memref<1x32x1024xf32, #tpu.memory_space<vmem>>
    %dma_wait3A_124 = tpu.memref_squeeze %dma_wait3A_123 : memref<1x32x1024xf32, #tpu.memory_space<vmem>> -> memref<32x1024xf32, #tpu.memory_space<vmem>>
    tpu.wait_dma2 semaphore(%arg10 : memref<!tpu.dma_semaphore, #tpu.memory_space<semaphore_mem>>) src(%dma_wait3A_124 : memref<32x1024xf32, #tpu.memory_space<vmem>>) dst(%dma_wait3A_120 : memref<32x1024xf32, #tpu.memory_space<hbm>>)
    %add3A_125 = arith.constant 96 : i32
    %add3A_126 = arith.addi %mul3A_2, %add3A_125 : i32
    %run_scoped3A_127 = arith.constant 1 : i32
    "tpu.region"() ({
      %run_scoped3A_880 = tpu.sem_alloc : memref<!tpu.dma_semaphore, #tpu.memory_space<semaphore_mem>>
      %dma_start3A_881 = arith.constant 0 : i32
      %dma_start3A_882 = tpu.memref_slice %arg5[%run_scoped3A_127, %dma_start3A_881] : memref<2x32xi32, #tpu.memory_space<vmem>> -> memref<1x32xi32, #tpu.memory_space<vmem>>
      %dma_start3A_883 = tpu.memref_squeeze %dma_start3A_882 : memref<1x32xi32, #tpu.memory_space<vmem>> -> memref<32xi32, #tpu.memory_space<vmem>>
      %dma_start3A_884 = tpu.memref_slice %arg3[%add3A_126] : memref<16384xi32, #tpu.memory_space<hbm>> -> memref<32xi32, #tpu.memory_space<hbm>>
      %dma_start3A_885 = arith.constant 0 : i32
      %dma_start3A_886 = tpu.memref_slice %arg5[%run_scoped3A_127, %dma_start3A_885] : memref<2x32xi32, #tpu.memory_space<vmem>> -> memref<1x32xi32, #tpu.memory_space<vmem>>
      %dma_start3A_887 = tpu.memref_squeeze %dma_start3A_886 : memref<1x32xi32, #tpu.memory_space<vmem>> -> memref<32xi32, #tpu.memory_space<vmem>>
      %dma_start3A_888 = tpu.memref_slice %arg3[%add3A_126] : memref<16384xi32, #tpu.memory_space<hbm>> -> memref<32xi32, #tpu.memory_space<hbm>>
      tpu.enqueue_dma source(%dma_start3A_888 : memref<32xi32, #tpu.memory_space<hbm>>) target(%dma_start3A_887 : memref<32xi32, #tpu.memory_space<vmem>>) target_semaphore(%run_scoped3A_880 : memref<!tpu.dma_semaphore, #tpu.memory_space<semaphore_mem>>)
      %dma_wait3A_889 = arith.constant 0 : i32
      %dma_wait3A_890 = tpu.memref_slice %arg5[%run_scoped3A_127, %dma_wait3A_889] : memref<2x32xi32, #tpu.memory_space<vmem>> -> memref<1x32xi32, #tpu.memory_space<vmem>>
      %dma_wait3A_891 = tpu.memref_squeeze %dma_wait3A_890 : memref<1x32xi32, #tpu.memory_space<vmem>> -> memref<32xi32, #tpu.memory_space<vmem>>
      %dma_wait3A_892 = tpu.memref_slice %arg3[%add3A_126] : memref<16384xi32, #tpu.memory_space<hbm>> -> memref<32xi32, #tpu.memory_space<hbm>>
      %dma_wait3A_893 = arith.constant 0 : i32
      %dma_wait3A_894 = tpu.memref_slice %arg5[%run_scoped3A_127, %dma_wait3A_893] : memref<2x32xi32, #tpu.memory_space<vmem>> -> memref<1x32xi32, #tpu.memory_space<vmem>>
      %dma_wait3A_895 = tpu.memref_squeeze %dma_wait3A_894 : memref<1x32xi32, #tpu.memory_space<vmem>> -> memref<32xi32, #tpu.memory_space<vmem>>
      %dma_wait3A_896 = tpu.memref_slice %arg3[%add3A_126] : memref<16384xi32, #tpu.memory_space<hbm>> -> memref<32xi32, #tpu.memory_space<hbm>>
      tpu.wait_dma2 semaphore(%run_scoped3A_880 : memref<!tpu.dma_semaphore, #tpu.memory_space<semaphore_mem>>) src(%dma_wait3A_896 : memref<32xi32, #tpu.memory_space<hbm>>) dst(%dma_wait3A_895 : memref<32xi32, #tpu.memory_space<vmem>>)
      tpu.yield
    }) : () -> ()
    %dma_start3A_128 = arith.constant 1 : i32
    %dma_start3A_129 = arith.constant 1 : i32
    %dma_start3A_130 = arith.constant 0 : i32
    %dma_start3A_131 = arith.constant 0 : i32
    %dma_start3A_132 = tpu.memref_slice %arg6[%dma_start3A_129, %dma_start3A_130, %dma_start3A_131] : memref<2x32x1024xf32, #tpu.memory_space<vmem>> -> memref<1x32x1024xf32, #tpu.memory_space<vmem>>
    %dma_start3A_133 = tpu.memref_squeeze %dma_start3A_132 : memref<1x32x1024xf32, #tpu.memory_space<vmem>> -> memref<32x1024xf32, #tpu.memory_space<vmem>>
    %dma_start3A_134 = arith.constant 0 : i32
    %dma_start3A_135 = tpu.memref_slice %arg5[%dma_start3A_128, %dma_start3A_134] : memref<2x32xi32, #tpu.memory_space<vmem>> -> memref<1x32xi32, #tpu.memory_space<vmem>>
    %dma_start3A_136 = tpu.memref_squeeze %dma_start3A_135 : memref<1x32xi32, #tpu.memory_space<vmem>> -> memref<32xi32, #tpu.memory_space<vmem>>
    %dma_start3A_137 = arith.constant 0 : i32
    %dma_start3A_138 = arith.constant 0 : i32
    %dma_start3A_139 = tpu.memref_slice %arg2[%dma_start3A_137, %dma_start3A_138] : memref<20800x1024xf32, #tpu.memory_space<hbm>> -> memref<20800x1024xf32, #tpu.memory_space<hbm>>
    tpu.enqueue_indirect_dma source(%dma_start3A_139 : memref<20800x1024xf32, #tpu.memory_space<hbm>>) target(%dma_start3A_133 : memref<32x1024xf32, #tpu.memory_space<vmem>>) offsets(%dma_start3A_136 : memref<32xi32, #tpu.memory_space<vmem>>) semaphore(%arg8 : memref<!tpu.dma_semaphore, #tpu.memory_space<semaphore_mem>>)
    %dma_wait3A_140 = arith.constant 0 : i32
    %dma_wait3A_141 = arith.constant 0 : i32
    %dma_wait3A_142 = arith.constant 0 : i32
    %dma_wait3A_143 = arith.constant 0 : i32
    %dma_wait3A_144 = tpu.memref_slice %arg6[%dma_wait3A_141, %dma_wait3A_142, %dma_wait3A_143] : memref<2x32x1024xf32, #tpu.memory_space<vmem>> -> memref<1x32x1024xf32, #tpu.memory_space<vmem>>
    %dma_wait3A_145 = tpu.memref_squeeze %dma_wait3A_144 : memref<1x32x1024xf32, #tpu.memory_space<vmem>> -> memref<32x1024xf32, #tpu.memory_space<vmem>>
    %dma_wait3A_146 = arith.constant 0 : i32
    %dma_wait3A_147 = tpu.memref_slice %arg5[%dma_wait3A_140, %dma_wait3A_146] : memref<2x32xi32, #tpu.memory_space<vmem>> -> memref<1x32xi32, #tpu.memory_space<vmem>>
    %dma_wait3A_148 = tpu.memref_squeeze %dma_wait3A_147 : memref<1x32xi32, #tpu.memory_space<vmem>> -> memref<32xi32, #tpu.memory_space<vmem>>
    %dma_wait3A_149 = arith.constant 0 : i32
    %dma_wait3A_150 = arith.constant 0 : i32
    %dma_wait3A_151 = tpu.memref_slice %arg2[%dma_wait3A_149, %dma_wait3A_150] : memref<20800x1024xf32, #tpu.memory_space<hbm>> -> memref<20800x1024xf32, #tpu.memory_space<hbm>>
    tpu.wait_indirect_dma semaphore(%arg7 : memref<!tpu.dma_semaphore, #tpu.memory_space<semaphore_mem>>) src(%dma_wait3A_151 : memref<20800x1024xf32, #tpu.memory_space<hbm>>) dst(%dma_wait3A_145 : memref<32x1024xf32, #tpu.memory_space<vmem>>)
    %add3A_152 = arith.constant 64 : i32
    %add3A_153 = arith.addi %mul3A_2, %add3A_152 : i32
    %dma_start3A_154 = arith.constant 0 : i32
    %dma_start3A_155 = arith.constant 0 : i32
    %dma_start3A_156 = arith.constant 0 : i32
    %dma_start3A_157 = tpu.memref_slice %arg6[%dma_start3A_154, %dma_start3A_155, %dma_start3A_156] : memref<2x32x1024xf32, #tpu.memory_space<vmem>> -> memref<1x32x1024xf32, #tpu.memory_space<vmem>>
    %dma_start3A_158 = tpu.memref_squeeze %dma_start3A_157 : memref<1x32x1024xf32, #tpu.memory_space<vmem>> -> memref<32x1024xf32, #tpu.memory_space<vmem>>
    %dma_start3A_159 = arith.constant 0 : i32
    %dma_start3A_160 = tpu.memref_slice %arg4[%add3A_153, %dma_start3A_159] : memref<16384x1024xf32, #tpu.memory_space<hbm>> -> memref<32x1024xf32, #tpu.memory_space<hbm>>
    %dma_start3A_161 = arith.constant 0 : i32
    %dma_start3A_162 = tpu.memref_slice %arg4[%add3A_153, %dma_start3A_161] : memref<16384x1024xf32, #tpu.memory_space<hbm>> -> memref<32x1024xf32, #tpu.memory_space<hbm>>
    %dma_start3A_163 = arith.constant 0 : i32
    %dma_start3A_164 = arith.constant 0 : i32
    %dma_start3A_165 = tpu.memref_slice %arg6[%dma_start3A_154, %dma_start3A_163, %dma_start3A_164] : memref<2x32x1024xf32, #tpu.memory_space<vmem>> -> memref<1x32x1024xf32, #tpu.memory_space<vmem>>
    %dma_start3A_166 = tpu.memref_squeeze %dma_start3A_165 : memref<1x32x1024xf32, #tpu.memory_space<vmem>> -> memref<32x1024xf32, #tpu.memory_space<vmem>>
    tpu.enqueue_dma source(%dma_start3A_166 : memref<32x1024xf32, #tpu.memory_space<vmem>>) target(%dma_start3A_162 : memref<32x1024xf32, #tpu.memory_space<hbm>>) target_semaphore(%arg9 : memref<!tpu.dma_semaphore, #tpu.memory_space<semaphore_mem>>)
    %dma_wait3A_167 = arith.constant 0 : i32
    %dma_wait3A_168 = arith.constant 0 : i32
    %dma_wait3A_169 = arith.constant 0 : i32
    %dma_wait3A_170 = tpu.memref_slice %arg6[%dma_wait3A_167, %dma_wait3A_168, %dma_wait3A_169] : memref<2x32x1024xf32, #tpu.memory_space<vmem>> -> memref<1x32x1024xf32, #tpu.memory_space<vmem>>
    %dma_wait3A_171 = tpu.memref_squeeze %dma_wait3A_170 : memref<1x32x1024xf32, #tpu.memory_space<vmem>> -> memref<32x1024xf32, #tpu.memory_space<vmem>>
    %dma_wait3A_172 = arith.constant 0 : i32
    %dma_wait3A_173 = tpu.memref_slice %arg4[%add3A_153, %dma_wait3A_172] : memref<16384x1024xf32, #tpu.memory_space<hbm>> -> memref<32x1024xf32, #tpu.memory_space<hbm>>
    %dma_wait3A_174 = arith.constant 0 : i32
    %dma_wait3A_175 = tpu.memref_slice %arg4[%add3A_153, %dma_wait3A_174] : memref<16384x1024xf32, #tpu.memory_space<hbm>> -> memref<32x1024xf32, #tpu.memory_space<hbm>>
    %dma_wait3A_176 = arith.constant 0 : i32
    %dma_wait3A_177 = arith.constant 0 : i32
    %dma_wait3A_178 = tpu.memref_slice %arg6[%dma_wait3A_167, %dma_wait3A_176, %dma_wait3A_177] : memref<2x32x1024xf32, #tpu.memory_space<vmem>> -> memref<1x32x1024xf32, #tpu.memory_space<vmem>>
    %dma_wait3A_179 = tpu.memref_squeeze %dma_wait3A_178 : memref<1x32x1024xf32, #tpu.memory_space<vmem>> -> memref<32x1024xf32, #tpu.memory_space<vmem>>
    tpu.wait_dma2 semaphore(%arg9 : memref<!tpu.dma_semaphore, #tpu.memory_space<semaphore_mem>>) src(%dma_wait3A_179 : memref<32x1024xf32, #tpu.memory_space<vmem>>) dst(%dma_wait3A_175 : memref<32x1024xf32, #tpu.memory_space<hbm>>)
    %add3A_180 = arith.constant 128 : i32
    %add3A_181 = arith.addi %mul3A_2, %add3A_180 : i32
    %run_scoped3A_182 = arith.constant 0 : i32
    "tpu.region"() ({
      %run_scoped3A_880 = tpu.sem_alloc : memref<!tpu.dma_semaphore, #tpu.memory_space<semaphore_mem>>
      %dma_start3A_881 = arith.constant 0 : i32
      %dma_start3A_882 = tpu.memref_slice %arg5[%run_scoped3A_182, %dma_start3A_881] : memref<2x32xi32, #tpu.memory_space<vmem>> -> memref<1x32xi32, #tpu.memory_space<vmem>>
      %dma_start3A_883 = tpu.memref_squeeze %dma_start3A_882 : memref<1x32xi32, #tpu.memory_space<vmem>> -> memref<32xi32, #tpu.memory_space<vmem>>
      %dma_start3A_884 = tpu.memref_slice %arg3[%add3A_181] : memref<16384xi32, #tpu.memory_space<hbm>> -> memref<32xi32, #tpu.memory_space<hbm>>
      %dma_start3A_885 = arith.constant 0 : i32
      %dma_start3A_886 = tpu.memref_slice %arg5[%run_scoped3A_182, %dma_start3A_885] : memref<2x32xi32, #tpu.memory_space<vmem>> -> memref<1x32xi32, #tpu.memory_space<vmem>>
      %dma_start3A_887 = tpu.memref_squeeze %dma_start3A_886 : memref<1x32xi32, #tpu.memory_space<vmem>> -> memref<32xi32, #tpu.memory_space<vmem>>
      %dma_start3A_888 = tpu.memref_slice %arg3[%add3A_181] : memref<16384xi32, #tpu.memory_space<hbm>> -> memref<32xi32, #tpu.memory_space<hbm>>
      tpu.enqueue_dma source(%dma_start3A_888 : memref<32xi32, #tpu.memory_space<hbm>>) target(%dma_start3A_887 : memref<32xi32, #tpu.memory_space<vmem>>) target_semaphore(%run_scoped3A_880 : memref<!tpu.dma_semaphore, #tpu.memory_space<semaphore_mem>>)
      %dma_wait3A_889 = arith.constant 0 : i32
      %dma_wait3A_890 = tpu.memref_slice %arg5[%run_scoped3A_182, %dma_wait3A_889] : memref<2x32xi32, #tpu.memory_space<vmem>> -> memref<1x32xi32, #tpu.memory_space<vmem>>
      %dma_wait3A_891 = tpu.memref_squeeze %dma_wait3A_890 : memref<1x32xi32, #tpu.memory_space<vmem>> -> memref<32xi32, #tpu.memory_space<vmem>>
      %dma_wait3A_892 = tpu.memref_slice %arg3[%add3A_181] : memref<16384xi32, #tpu.memory_space<hbm>> -> memref<32xi32, #tpu.memory_space<hbm>>
      %dma_wait3A_893 = arith.constant 0 : i32
      %dma_wait3A_894 = tpu.memref_slice %arg5[%run_scoped3A_182, %dma_wait3A_893] : memref<2x32xi32, #tpu.memory_space<vmem>> -> memref<1x32xi32, #tpu.memory_space<vmem>>
      %dma_wait3A_895 = tpu.memref_squeeze %dma_wait3A_894 : memref<1x32xi32, #tpu.memory_space<vmem>> -> memref<32xi32, #tpu.memory_space<vmem>>
      %dma_wait3A_896 = tpu.memref_slice %arg3[%add3A_181] : memref<16384xi32, #tpu.memory_space<hbm>> -> memref<32xi32, #tpu.memory_space<hbm>>
      tpu.wait_dma2 semaphore(%run_scoped3A_880 : memref<!tpu.dma_semaphore, #tpu.memory_space<semaphore_mem>>) src(%dma_wait3A_896 : memref<32xi32, #tpu.memory_space<hbm>>) dst(%dma_wait3A_895 : memref<32xi32, #tpu.memory_space<vmem>>)
      tpu.yield
    }) : () -> ()
    %dma_start3A_183 = arith.constant 0 : i32
    %dma_start3A_184 = arith.constant 0 : i32
    %dma_start3A_185 = arith.constant 0 : i32
    %dma_start3A_186 = arith.constant 0 : i32
    %dma_start3A_187 = tpu.memref_slice %arg6[%dma_start3A_184, %dma_start3A_185, %dma_start3A_186] : memref<2x32x1024xf32, #tpu.memory_space<vmem>> -> memref<1x32x1024xf32, #tpu.memory_space<vmem>>
    %dma_start3A_188 = tpu.memref_squeeze %dma_start3A_187 : memref<1x32x1024xf32, #tpu.memory_space<vmem>> -> memref<32x1024xf32, #tpu.memory_space<vmem>>
    %dma_start3A_189 = arith.constant 0 : i32
    %dma_start3A_190 = tpu.memref_slice %arg5[%dma_start3A_183, %dma_start3A_189] : memref<2x32xi32, #tpu.memory_space<vmem>> -> memref<1x32xi32, #tpu.memory_space<vmem>>
    %dma_start3A_191 = tpu.memref_squeeze %dma_start3A_190 : memref<1x32xi32, #tpu.memory_space<vmem>> -> memref<32xi32, #tpu.memory_space<vmem>>
    %dma_start3A_192 = arith.constant 0 : i32
    %dma_start3A_193 = arith.constant 0 : i32
    %dma_start3A_194 = tpu.memref_slice %arg2[%dma_start3A_192, %dma_start3A_193] : memref<20800x1024xf32, #tpu.memory_space<hbm>> -> memref<20800x1024xf32, #tpu.memory_space<hbm>>
    tpu.enqueue_indirect_dma source(%dma_start3A_194 : memref<20800x1024xf32, #tpu.memory_space<hbm>>) target(%dma_start3A_188 : memref<32x1024xf32, #tpu.memory_space<vmem>>) offsets(%dma_start3A_191 : memref<32xi32, #tpu.memory_space<vmem>>) semaphore(%arg7 : memref<!tpu.dma_semaphore, #tpu.memory_space<semaphore_mem>>)
    %dma_wait3A_195 = arith.constant 1 : i32
    %dma_wait3A_196 = arith.constant 1 : i32
    %dma_wait3A_197 = arith.constant 0 : i32
    %dma_wait3A_198 = arith.constant 0 : i32
    %dma_wait3A_199 = tpu.memref_slice %arg6[%dma_wait3A_196, %dma_wait3A_197, %dma_wait3A_198] : memref<2x32x1024xf32, #tpu.memory_space<vmem>> -> memref<1x32x1024xf32, #tpu.memory_space<vmem>>
    %dma_wait3A_200 = tpu.memref_squeeze %dma_wait3A_199 : memref<1x32x1024xf32, #tpu.memory_space<vmem>> -> memref<32x1024xf32, #tpu.memory_space<vmem>>
    %dma_wait3A_201 = arith.constant 0 : i32
    %dma_wait3A_202 = tpu.memref_slice %arg5[%dma_wait3A_195, %dma_wait3A_201] : memref<2x32xi32, #tpu.memory_space<vmem>> -> memref<1x32xi32, #tpu.memory_space<vmem>>
    %dma_wait3A_203 = tpu.memref_squeeze %dma_wait3A_202 : memref<1x32xi32, #tpu.memory_space<vmem>> -> memref<32xi32, #tpu.memory_space<vmem>>
    %dma_wait3A_204 = arith.constant 0 : i32
    %dma_wait3A_205 = arith.constant 0 : i32
    %dma_wait3A_206 = tpu.memref_slice %arg2[%dma_wait3A_204, %dma_wait3A_205] : memref<20800x1024xf32, #tpu.memory_space<hbm>> -> memref<20800x1024xf32, #tpu.memory_space<hbm>>
    tpu.wait_indirect_dma semaphore(%arg8 : memref<!tpu.dma_semaphore, #tpu.memory_space<semaphore_mem>>) src(%dma_wait3A_206 : memref<20800x1024xf32, #tpu.memory_space<hbm>>) dst(%dma_wait3A_200 : memref<32x1024xf32, #tpu.memory_space<vmem>>)
    %add3A_207 = arith.constant 96 : i32
    %add3A_208 = arith.addi %mul3A_2, %add3A_207 : i32
    %dma_start3A_209 = arith.constant 1 : i32
    %dma_start3A_210 = arith.constant 0 : i32
    %dma_start3A_211 = arith.constant 0 : i32
    %dma_start3A_212 = tpu.memref_slice %arg6[%dma_start3A_209, %dma_start3A_210, %dma_start3A_211] : memref<2x32x1024xf32, #tpu.memory_space<vmem>> -> memref<1x32x1024xf32, #tpu.memory_space<vmem>>
    %dma_start3A_213 = tpu.memref_squeeze %dma_start3A_212 : memref<1x32x1024xf32, #tpu.memory_space<vmem>> -> memref<32x1024xf32, #tpu.memory_space<vmem>>
    %dma_start3A_214 = arith.constant 0 : i32
    %dma_start3A_215 = tpu.memref_slice %arg4[%add3A_208, %dma_start3A_214] : memref<16384x1024xf32, #tpu.memory_space<hbm>> -> memref<32x1024xf32, #tpu.memory_space<hbm>>
    %dma_start3A_216 = arith.constant 0 : i32
    %dma_start3A_217 = tpu.memref_slice %arg4[%add3A_208, %dma_start3A_216] : memref<16384x1024xf32, #tpu.memory_space<hbm>> -> memref<32x1024xf32, #tpu.memory_space<hbm>>
    %dma_start3A_218 = arith.constant 0 : i32
    %dma_start3A_219 = arith.constant 0 : i32
    %dma_start3A_220 = tpu.memref_slice %arg6[%dma_start3A_209, %dma_start3A_218, %dma_start3A_219] : memref<2x32x1024xf32, #tpu.memory_space<vmem>> -> memref<1x32x1024xf32, #tpu.memory_space<vmem>>
    %dma_start3A_221 = tpu.memref_squeeze %dma_start3A_220 : memref<1x32x1024xf32, #tpu.memory_space<vmem>> -> memref<32x1024xf32, #tpu.memory_space<vmem>>
    tpu.enqueue_dma source(%dma_start3A_221 : memref<32x1024xf32, #tpu.memory_space<vmem>>) target(%dma_start3A_217 : memref<32x1024xf32, #tpu.memory_space<hbm>>) target_semaphore(%arg10 : memref<!tpu.dma_semaphore, #tpu.memory_space<semaphore_mem>>)
    %dma_wait3A_222 = arith.constant 1 : i32
    %dma_wait3A_223 = arith.constant 0 : i32
    %dma_wait3A_224 = arith.constant 0 : i32
    %dma_wait3A_225 = tpu.memref_slice %arg6[%dma_wait3A_222, %dma_wait3A_223, %dma_wait3A_224] : memref<2x32x1024xf32, #tpu.memory_space<vmem>> -> memref<1x32x1024xf32, #tpu.memory_space<vmem>>
    %dma_wait3A_226 = tpu.memref_squeeze %dma_wait3A_225 : memref<1x32x1024xf32, #tpu.memory_space<vmem>> -> memref<32x1024xf32, #tpu.memory_space<vmem>>
    %dma_wait3A_227 = arith.constant 0 : i32
    %dma_wait3A_228 = tpu.memref_slice %arg4[%add3A_208, %dma_wait3A_227] : memref<16384x1024xf32, #tpu.memory_space<hbm>> -> memref<32x1024xf32, #tpu.memory_space<hbm>>
    %dma_wait3A_229 = arith.constant 0 : i32
    %dma_wait3A_230 = tpu.memref_slice %arg4[%add3A_208, %dma_wait3A_229] : memref<16384x1024xf32, #tpu.memory_space<hbm>> -> memref<32x1024xf32, #tpu.memory_space<hbm>>
    %dma_wait3A_231 = arith.constant 0 : i32
    %dma_wait3A_232 = arith.constant 0 : i32
    %dma_wait3A_233 = tpu.memref_slice %arg6[%dma_wait3A_222, %dma_wait3A_231, %dma_wait3A_232] : memref<2x32x1024xf32, #tpu.memory_space<vmem>> -> memref<1x32x1024xf32, #tpu.memory_space<vmem>>
    %dma_wait3A_234 = tpu.memref_squeeze %dma_wait3A_233 : memref<1x32x1024xf32, #tpu.memory_space<vmem>> -> memref<32x1024xf32, #tpu.memory_space<vmem>>
    tpu.wait_dma2 semaphore(%arg10 : memref<!tpu.dma_semaphore, #tpu.memory_space<semaphore_mem>>) src(%dma_wait3A_234 : memref<32x1024xf32, #tpu.memory_space<vmem>>) dst(%dma_wait3A_230 : memref<32x1024xf32, #tpu.memory_space<hbm>>)
    %add3A_235 = arith.constant 160 : i32
    %add3A_236 = arith.addi %mul3A_2, %add3A_235 : i32
    %run_scoped3A_237 = arith.constant 1 : i32
    "tpu.region"() ({
      %run_scoped3A_880 = tpu.sem_alloc : memref<!tpu.dma_semaphore, #tpu.memory_space<semaphore_mem>>
      %dma_start3A_881 = arith.constant 0 : i32
      %dma_start3A_882 = tpu.memref_slice %arg5[%run_scoped3A_237, %dma_start3A_881] : memref<2x32xi32, #tpu.memory_space<vmem>> -> memref<1x32xi32, #tpu.memory_space<vmem>>
      %dma_start3A_883 = tpu.memref_squeeze %dma_start3A_882 : memref<1x32xi32, #tpu.memory_space<vmem>> -> memref<32xi32, #tpu.memory_space<vmem>>
      %dma_start3A_884 = tpu.memref_slice %arg3[%add3A_236] : memref<16384xi32, #tpu.memory_space<hbm>> -> memref<32xi32, #tpu.memory_space<hbm>>
      %dma_start3A_885 = arith.constant 0 : i32
      %dma_start3A_886 = tpu.memref_slice %arg5[%run_scoped3A_237, %dma_start3A_885] : memref<2x32xi32, #tpu.memory_space<vmem>> -> memref<1x32xi32, #tpu.memory_space<vmem>>
      %dma_start3A_887 = tpu.memref_squeeze %dma_start3A_886 : memref<1x32xi32, #tpu.memory_space<vmem>> -> memref<32xi32, #tpu.memory_space<vmem>>
      %dma_start3A_888 = tpu.memref_slice %arg3[%add3A_236] : memref<16384xi32, #tpu.memory_space<hbm>> -> memref<32xi32, #tpu.memory_space<hbm>>
      tpu.enqueue_dma source(%dma_start3A_888 : memref<32xi32, #tpu.memory_space<hbm>>) target(%dma_start3A_887 : memref<32xi32, #tpu.memory_space<vmem>>) target_semaphore(%run_scoped3A_880 : memref<!tpu.dma_semaphore, #tpu.memory_space<semaphore_mem>>)
      %dma_wait3A_889 = arith.constant 0 : i32
      %dma_wait3A_890 = tpu.memref_slice %arg5[%run_scoped3A_237, %dma_wait3A_889] : memref<2x32xi32, #tpu.memory_space<vmem>> -> memref<1x32xi32, #tpu.memory_space<vmem>>
      %dma_wait3A_891 = tpu.memref_squeeze %dma_wait3A_890 : memref<1x32xi32, #tpu.memory_space<vmem>> -> memref<32xi32, #tpu.memory_space<vmem>>
      %dma_wait3A_892 = tpu.memref_slice %arg3[%add3A_236] : memref<16384xi32, #tpu.memory_space<hbm>> -> memref<32xi32, #tpu.memory_space<hbm>>
      %dma_wait3A_893 = arith.constant 0 : i32
      %dma_wait3A_894 = tpu.memref_slice %arg5[%run_scoped3A_237, %dma_wait3A_893] : memref<2x32xi32, #tpu.memory_space<vmem>> -> memref<1x32xi32, #tpu.memory_space<vmem>>
      %dma_wait3A_895 = tpu.memref_squeeze %dma_wait3A_894 : memref<1x32xi32, #tpu.memory_space<vmem>> -> memref<32xi32, #tpu.memory_space<vmem>>
      %dma_wait3A_896 = tpu.memref_slice %arg3[%add3A_236] : memref<16384xi32, #tpu.memory_space<hbm>> -> memref<32xi32, #tpu.memory_space<hbm>>
      tpu.wait_dma2 semaphore(%run_scoped3A_880 : memref<!tpu.dma_semaphore, #tpu.memory_space<semaphore_mem>>) src(%dma_wait3A_896 : memref<32xi32, #tpu.memory_space<hbm>>) dst(%dma_wait3A_895 : memref<32xi32, #tpu.memory_space<vmem>>)
      tpu.yield
    }) : () -> ()
    %dma_start3A_238 = arith.constant 1 : i32
    %dma_start3A_239 = arith.constant 1 : i32
    %dma_start3A_240 = arith.constant 0 : i32
    %dma_start3A_241 = arith.constant 0 : i32
    %dma_start3A_242 = tpu.memref_slice %arg6[%dma_start3A_239, %dma_start3A_240, %dma_start3A_241] : memref<2x32x1024xf32, #tpu.memory_space<vmem>> -> memref<1x32x1024xf32, #tpu.memory_space<vmem>>
    %dma_start3A_243 = tpu.memref_squeeze %dma_start3A_242 : memref<1x32x1024xf32, #tpu.memory_space<vmem>> -> memref<32x1024xf32, #tpu.memory_space<vmem>>
    %dma_start3A_244 = arith.constant 0 : i32
    %dma_start3A_245 = tpu.memref_slice %arg5[%dma_start3A_238, %dma_start3A_244] : memref<2x32xi32, #tpu.memory_space<vmem>> -> memref<1x32xi32, #tpu.memory_space<vmem>>
    %dma_start3A_246 = tpu.memref_squeeze %dma_start3A_245 : memref<1x32xi32, #tpu.memory_space<vmem>> -> memref<32xi32, #tpu.memory_space<vmem>>
    %dma_start3A_247 = arith.constant 0 : i32
    %dma_start3A_248 = arith.constant 0 : i32
    %dma_start3A_249 = tpu.memref_slice %arg2[%dma_start3A_247, %dma_start3A_248] : memref<20800x1024xf32, #tpu.memory_space<hbm>> -> memref<20800x1024xf32, #tpu.memory_space<hbm>>
    tpu.enqueue_indirect_dma source(%dma_start3A_249 : memref<20800x1024xf32, #tpu.memory_space<hbm>>) target(%dma_start3A_243 : memref<32x1024xf32, #tpu.memory_space<vmem>>) offsets(%dma_start3A_246 : memref<32xi32, #tpu.memory_space<vmem>>) semaphore(%arg8 : memref<!tpu.dma_semaphore, #tpu.memory_space<semaphore_mem>>)
    %dma_wait3A_250 = arith.constant 0 : i32
    %dma_wait3A_251 = arith.constant 0 : i32
    %dma_wait3A_252 = arith.constant 0 : i32
    %dma_wait3A_253 = arith.constant 0 : i32
    %dma_wait3A_254 = tpu.memref_slice %arg6[%dma_wait3A_251, %dma_wait3A_252, %dma_wait3A_253] : memref<2x32x1024xf32, #tpu.memory_space<vmem>> -> memref<1x32x1024xf32, #tpu.memory_space<vmem>>
    %dma_wait3A_255 = tpu.memref_squeeze %dma_wait3A_254 : memref<1x32x1024xf32, #tpu.memory_space<vmem>> -> memref<32x1024xf32, #tpu.memory_space<vmem>>
    %dma_wait3A_256 = arith.constant 0 : i32
    %dma_wait3A_257 = tpu.memref_slice %arg5[%dma_wait3A_250, %dma_wait3A_256] : memref<2x32xi32, #tpu.memory_space<vmem>> -> memref<1x32xi32, #tpu.memory_space<vmem>>
    %dma_wait3A_258 = tpu.memref_squeeze %dma_wait3A_257 : memref<1x32xi32, #tpu.memory_space<vmem>> -> memref<32xi32, #tpu.memory_space<vmem>>
    %dma_wait3A_259 = arith.constant 0 : i32
    %dma_wait3A_260 = arith.constant 0 : i32
    %dma_wait3A_261 = tpu.memref_slice %arg2[%dma_wait3A_259, %dma_wait3A_260] : memref<20800x1024xf32, #tpu.memory_space<hbm>> -> memref<20800x1024xf32, #tpu.memory_space<hbm>>
    tpu.wait_indirect_dma semaphore(%arg7 : memref<!tpu.dma_semaphore, #tpu.memory_space<semaphore_mem>>) src(%dma_wait3A_261 : memref<20800x1024xf32, #tpu.memory_space<hbm>>) dst(%dma_wait3A_255 : memref<32x1024xf32, #tpu.memory_space<vmem>>)
    %add3A_262 = arith.constant 128 : i32
    %add3A_263 = arith.addi %mul3A_2, %add3A_262 : i32
    %dma_start3A_264 = arith.constant 0 : i32
    %dma_start3A_265 = arith.constant 0 : i32
    %dma_start3A_266 = arith.constant 0 : i32
    %dma_start3A_267 = tpu.memref_slice %arg6[%dma_start3A_264, %dma_start3A_265, %dma_start3A_266] : memref<2x32x1024xf32, #tpu.memory_space<vmem>> -> memref<1x32x1024xf32, #tpu.memory_space<vmem>>
    %dma_start3A_268 = tpu.memref_squeeze %dma_start3A_267 : memref<1x32x1024xf32, #tpu.memory_space<vmem>> -> memref<32x1024xf32, #tpu.memory_space<vmem>>
    %dma_start3A_269 = arith.constant 0 : i32
    %dma_start3A_270 = tpu.memref_slice %arg4[%add3A_263, %dma_start3A_269] : memref<16384x1024xf32, #tpu.memory_space<hbm>> -> memref<32x1024xf32, #tpu.memory_space<hbm>>
    %dma_start3A_271 = arith.constant 0 : i32
    %dma_start3A_272 = tpu.memref_slice %arg4[%add3A_263, %dma_start3A_271] : memref<16384x1024xf32, #tpu.memory_space<hbm>> -> memref<32x1024xf32, #tpu.memory_space<hbm>>
    %dma_start3A_273 = arith.constant 0 : i32
    %dma_start3A_274 = arith.constant 0 : i32
    %dma_start3A_275 = tpu.memref_slice %arg6[%dma_start3A_264, %dma_start3A_273, %dma_start3A_274] : memref<2x32x1024xf32, #tpu.memory_space<vmem>> -> memref<1x32x1024xf32, #tpu.memory_space<vmem>>
    %dma_start3A_276 = tpu.memref_squeeze %dma_start3A_275 : memref<1x32x1024xf32, #tpu.memory_space<vmem>> -> memref<32x1024xf32, #tpu.memory_space<vmem>>
    tpu.enqueue_dma source(%dma_start3A_276 : memref<32x1024xf32, #tpu.memory_space<vmem>>) target(%dma_start3A_272 : memref<32x1024xf32, #tpu.memory_space<hbm>>) target_semaphore(%arg9 : memref<!tpu.dma_semaphore, #tpu.memory_space<semaphore_mem>>)
    %dma_wait3A_277 = arith.constant 0 : i32
    %dma_wait3A_278 = arith.constant 0 : i32
    %dma_wait3A_279 = arith.constant 0 : i32
    %dma_wait3A_280 = tpu.memref_slice %arg6[%dma_wait3A_277, %dma_wait3A_278, %dma_wait3A_279] : memref<2x32x1024xf32, #tpu.memory_space<vmem>> -> memref<1x32x1024xf32, #tpu.memory_space<vmem>>
    %dma_wait3A_281 = tpu.memref_squeeze %dma_wait3A_280 : memref<1x32x1024xf32, #tpu.memory_space<vmem>> -> memref<32x1024xf32, #tpu.memory_space<vmem>>
    %dma_wait3A_282 = arith.constant 0 : i32
    %dma_wait3A_283 = tpu.memref_slice %arg4[%add3A_263, %dma_wait3A_282] : memref<16384x1024xf32, #tpu.memory_space<hbm>> -> memref<32x1024xf32, #tpu.memory_space<hbm>>
    %dma_wait3A_284 = arith.constant 0 : i32
    %dma_wait3A_285 = tpu.memref_slice %arg4[%add3A_263, %dma_wait3A_284] : memref<16384x1024xf32, #tpu.memory_space<hbm>> -> memref<32x1024xf32, #tpu.memory_space<hbm>>
    %dma_wait3A_286 = arith.constant 0 : i32
    %dma_wait3A_287 = arith.constant 0 : i32
    %dma_wait3A_288 = tpu.memref_slice %arg6[%dma_wait3A_277, %dma_wait3A_286, %dma_wait3A_287] : memref<2x32x1024xf32, #tpu.memory_space<vmem>> -> memref<1x32x1024xf32, #tpu.memory_space<vmem>>
    %dma_wait3A_289 = tpu.memref_squeeze %dma_wait3A_288 : memref<1x32x1024xf32, #tpu.memory_space<vmem>> -> memref<32x1024xf32, #tpu.memory_space<vmem>>
    tpu.wait_dma2 semaphore(%arg9 : memref<!tpu.dma_semaphore, #tpu.memory_space<semaphore_mem>>) src(%dma_wait3A_289 : memref<32x1024xf32, #tpu.memory_space<vmem>>) dst(%dma_wait3A_285 : memref<32x1024xf32, #tpu.memory_space<hbm>>)
    %add3A_290 = arith.constant 192 : i32
    %add3A_291 = arith.addi %mul3A_2, %add3A_290 : i32
    %run_scoped3A_292 = arith.constant 0 : i32
    "tpu.region"() ({
      %run_scoped3A_880 = tpu.sem_alloc : memref<!tpu.dma_semaphore, #tpu.memory_space<semaphore_mem>>
      %dma_start3A_881 = arith.constant 0 : i32
      %dma_start3A_882 = tpu.memref_slice %arg5[%run_scoped3A_292, %dma_start3A_881] : memref<2x32xi32, #tpu.memory_space<vmem>> -> memref<1x32xi32, #tpu.memory_space<vmem>>
      %dma_start3A_883 = tpu.memref_squeeze %dma_start3A_882 : memref<1x32xi32, #tpu.memory_space<vmem>> -> memref<32xi32, #tpu.memory_space<vmem>>
      %dma_start3A_884 = tpu.memref_slice %arg3[%add3A_291] : memref<16384xi32, #tpu.memory_space<hbm>> -> memref<32xi32, #tpu.memory_space<hbm>>
      %dma_start3A_885 = arith.constant 0 : i32
      %dma_start3A_886 = tpu.memref_slice %arg5[%run_scoped3A_292, %dma_start3A_885] : memref<2x32xi32, #tpu.memory_space<vmem>> -> memref<1x32xi32, #tpu.memory_space<vmem>>
      %dma_start3A_887 = tpu.memref_squeeze %dma_start3A_886 : memref<1x32xi32, #tpu.memory_space<vmem>> -> memref<32xi32, #tpu.memory_space<vmem>>
      %dma_start3A_888 = tpu.memref_slice %arg3[%add3A_291] : memref<16384xi32, #tpu.memory_space<hbm>> -> memref<32xi32, #tpu.memory_space<hbm>>
      tpu.enqueue_dma source(%dma_start3A_888 : memref<32xi32, #tpu.memory_space<hbm>>) target(%dma_start3A_887 : memref<32xi32, #tpu.memory_space<vmem>>) target_semaphore(%run_scoped3A_880 : memref<!tpu.dma_semaphore, #tpu.memory_space<semaphore_mem>>)
      %dma_wait3A_889 = arith.constant 0 : i32
      %dma_wait3A_890 = tpu.memref_slice %arg5[%run_scoped3A_292, %dma_wait3A_889] : memref<2x32xi32, #tpu.memory_space<vmem>> -> memref<1x32xi32, #tpu.memory_space<vmem>>
      %dma_wait3A_891 = tpu.memref_squeeze %dma_wait3A_890 : memref<1x32xi32, #tpu.memory_space<vmem>> -> memref<32xi32, #tpu.memory_space<vmem>>
      %dma_wait3A_892 = tpu.memref_slice %arg3[%add3A_291] : memref<16384xi32, #tpu.memory_space<hbm>> -> memref<32xi32, #tpu.memory_space<hbm>>
      %dma_wait3A_893 = arith.constant 0 : i32
      %dma_wait3A_894 = tpu.memref_slice %arg5[%run_scoped3A_292, %dma_wait3A_893] : memref<2x32xi32, #tpu.memory_space<vmem>> -> memref<1x32xi32, #tpu.memory_space<vmem>>
      %dma_wait3A_895 = tpu.memref_squeeze %dma_wait3A_894 : memref<1x32xi32, #tpu.memory_space<vmem>> -> memref<32xi32, #tpu.memory_space<vmem>>
      %dma_wait3A_896 = tpu.memref_slice %arg3[%add3A_291] : memref<16384xi32, #tpu.memory_space<hbm>> -> memref<32xi32, #tpu.memory_space<hbm>>
      tpu.wait_dma2 semaphore(%run_scoped3A_880 : memref<!tpu.dma_semaphore, #tpu.memory_space<semaphore_mem>>) src(%dma_wait3A_896 : memref<32xi32, #tpu.memory_space<hbm>>) dst(%dma_wait3A_895 : memref<32xi32, #tpu.memory_space<vmem>>)
      tpu.yield
    }) : () -> ()
    %dma_start3A_293 = arith.constant 0 : i32
    %dma_start3A_294 = arith.constant 0 : i32
    %dma_start3A_295 = arith.constant 0 : i32
    %dma_start3A_296 = arith.constant 0 : i32
    %dma_start3A_297 = tpu.memref_slice %arg6[%dma_start3A_294, %dma_start3A_295, %dma_start3A_296] : memref<2x32x1024xf32, #tpu.memory_space<vmem>> -> memref<1x32x1024xf32, #tpu.memory_space<vmem>>
    %dma_start3A_298 = tpu.memref_squeeze %dma_start3A_297 : memref<1x32x1024xf32, #tpu.memory_space<vmem>> -> memref<32x1024xf32, #tpu.memory_space<vmem>>
    %dma_start3A_299 = arith.constant 0 : i32
    %dma_start3A_300 = tpu.memref_slice %arg5[%dma_start3A_293, %dma_start3A_299] : memref<2x32xi32, #tpu.memory_space<vmem>> -> memref<1x32xi32, #tpu.memory_space<vmem>>
    %dma_start3A_301 = tpu.memref_squeeze %dma_start3A_300 : memref<1x32xi32, #tpu.memory_space<vmem>> -> memref<32xi32, #tpu.memory_space<vmem>>
    %dma_start3A_302 = arith.constant 0 : i32
    %dma_start3A_303 = arith.constant 0 : i32
    %dma_start3A_304 = tpu.memref_slice %arg2[%dma_start3A_302, %dma_start3A_303] : memref<20800x1024xf32, #tpu.memory_space<hbm>> -> memref<20800x1024xf32, #tpu.memory_space<hbm>>
    tpu.enqueue_indirect_dma source(%dma_start3A_304 : memref<20800x1024xf32, #tpu.memory_space<hbm>>) target(%dma_start3A_298 : memref<32x1024xf32, #tpu.memory_space<vmem>>) offsets(%dma_start3A_301 : memref<32xi32, #tpu.memory_space<vmem>>) semaphore(%arg7 : memref<!tpu.dma_semaphore, #tpu.memory_space<semaphore_mem>>)
    %dma_wait3A_305 = arith.constant 1 : i32
    %dma_wait3A_306 = arith.constant 1 : i32
    %dma_wait3A_307 = arith.constant 0 : i32
    %dma_wait3A_308 = arith.constant 0 : i32
    %dma_wait3A_309 = tpu.memref_slice %arg6[%dma_wait3A_306, %dma_wait3A_307, %dma_wait3A_308] : memref<2x32x1024xf32, #tpu.memory_space<vmem>> -> memref<1x32x1024xf32, #tpu.memory_space<vmem>>
    %dma_wait3A_310 = tpu.memref_squeeze %dma_wait3A_309 : memref<1x32x1024xf32, #tpu.memory_space<vmem>> -> memref<32x1024xf32, #tpu.memory_space<vmem>>
    %dma_wait3A_311 = arith.constant 0 : i32
    %dma_wait3A_312 = tpu.memref_slice %arg5[%dma_wait3A_305, %dma_wait3A_311] : memref<2x32xi32, #tpu.memory_space<vmem>> -> memref<1x32xi32, #tpu.memory_space<vmem>>
    %dma_wait3A_313 = tpu.memref_squeeze %dma_wait3A_312 : memref<1x32xi32, #tpu.memory_space<vmem>> -> memref<32xi32, #tpu.memory_space<vmem>>
    %dma_wait3A_314 = arith.constant 0 : i32
    %dma_wait3A_315 = arith.constant 0 : i32
    %dma_wait3A_316 = tpu.memref_slice %arg2[%dma_wait3A_314, %dma_wait3A_315] : memref<20800x1024xf32, #tpu.memory_space<hbm>> -> memref<20800x1024xf32, #tpu.memory_space<hbm>>
    tpu.wait_indirect_dma semaphore(%arg8 : memref<!tpu.dma_semaphore, #tpu.memory_space<semaphore_mem>>) src(%dma_wait3A_316 : memref<20800x1024xf32, #tpu.memory_space<hbm>>) dst(%dma_wait3A_310 : memref<32x1024xf32, #tpu.memory_space<vmem>>)
    %add3A_317 = arith.constant 160 : i32
    %add3A_318 = arith.addi %mul3A_2, %add3A_317 : i32
    %dma_start3A_319 = arith.constant 1 : i32
    %dma_start3A_320 = arith.constant 0 : i32
    %dma_start3A_321 = arith.constant 0 : i32
    %dma_start3A_322 = tpu.memref_slice %arg6[%dma_start3A_319, %dma_start3A_320, %dma_start3A_321] : memref<2x32x1024xf32, #tpu.memory_space<vmem>> -> memref<1x32x1024xf32, #tpu.memory_space<vmem>>
    %dma_start3A_323 = tpu.memref_squeeze %dma_start3A_322 : memref<1x32x1024xf32, #tpu.memory_space<vmem>> -> memref<32x1024xf32, #tpu.memory_space<vmem>>
    %dma_start3A_324 = arith.constant 0 : i32
    %dma_start3A_325 = tpu.memref_slice %arg4[%add3A_318, %dma_start3A_324] : memref<16384x1024xf32, #tpu.memory_space<hbm>> -> memref<32x1024xf32, #tpu.memory_space<hbm>>
    %dma_start3A_326 = arith.constant 0 : i32
    %dma_start3A_327 = tpu.memref_slice %arg4[%add3A_318, %dma_start3A_326] : memref<16384x1024xf32, #tpu.memory_space<hbm>> -> memref<32x1024xf32, #tpu.memory_space<hbm>>
    %dma_start3A_328 = arith.constant 0 : i32
    %dma_start3A_329 = arith.constant 0 : i32
    %dma_start3A_330 = tpu.memref_slice %arg6[%dma_start3A_319, %dma_start3A_328, %dma_start3A_329] : memref<2x32x1024xf32, #tpu.memory_space<vmem>> -> memref<1x32x1024xf32, #tpu.memory_space<vmem>>
    %dma_start3A_331 = tpu.memref_squeeze %dma_start3A_330 : memref<1x32x1024xf32, #tpu.memory_space<vmem>> -> memref<32x1024xf32, #tpu.memory_space<vmem>>
    tpu.enqueue_dma source(%dma_start3A_331 : memref<32x1024xf32, #tpu.memory_space<vmem>>) target(%dma_start3A_327 : memref<32x1024xf32, #tpu.memory_space<hbm>>) target_semaphore(%arg10 : memref<!tpu.dma_semaphore, #tpu.memory_space<semaphore_mem>>)
    %dma_wait3A_332 = arith.constant 1 : i32
    %dma_wait3A_333 = arith.constant 0 : i32
    %dma_wait3A_334 = arith.constant 0 : i32
    %dma_wait3A_335 = tpu.memref_slice %arg6[%dma_wait3A_332, %dma_wait3A_333, %dma_wait3A_334] : memref<2x32x1024xf32, #tpu.memory_space<vmem>> -> memref<1x32x1024xf32, #tpu.memory_space<vmem>>
    %dma_wait3A_336 = tpu.memref_squeeze %dma_wait3A_335 : memref<1x32x1024xf32, #tpu.memory_space<vmem>> -> memref<32x1024xf32, #tpu.memory_space<vmem>>
    %dma_wait3A_337 = arith.constant 0 : i32
    %dma_wait3A_338 = tpu.memref_slice %arg4[%add3A_318, %dma_wait3A_337] : memref<16384x1024xf32, #tpu.memory_space<hbm>> -> memref<32x1024xf32, #tpu.memory_space<hbm>>
    %dma_wait3A_339 = arith.constant 0 : i32
    %dma_wait3A_340 = tpu.memref_slice %arg4[%add3A_318, %dma_wait3A_339] : memref<16384x1024xf32, #tpu.memory_space<hbm>> -> memref<32x1024xf32, #tpu.memory_space<hbm>>
    %dma_wait3A_341 = arith.constant 0 : i32
    %dma_wait3A_342 = arith.constant 0 : i32
    %dma_wait3A_343 = tpu.memref_slice %arg6[%dma_wait3A_332, %dma_wait3A_341, %dma_wait3A_342] : memref<2x32x1024xf32, #tpu.memory_space<vmem>> -> memref<1x32x1024xf32, #tpu.memory_space<vmem>>
    %dma_wait3A_344 = tpu.memref_squeeze %dma_wait3A_343 : memref<1x32x1024xf32, #tpu.memory_space<vmem>> -> memref<32x1024xf32, #tpu.memory_space<vmem>>
    tpu.wait_dma2 semaphore(%arg10 : memref<!tpu.dma_semaphore, #tpu.memory_space<semaphore_mem>>) src(%dma_wait3A_344 : memref<32x1024xf32, #tpu.memory_space<vmem>>) dst(%dma_wait3A_340 : memref<32x1024xf32, #tpu.memory_space<hbm>>)
    %add3A_345 = arith.constant 224 : i32
    %add3A_346 = arith.addi %mul3A_2, %add3A_345 : i32
    %run_scoped3A_347 = arith.constant 1 : i32
    "tpu.region"() ({
      %run_scoped3A_880 = tpu.sem_alloc : memref<!tpu.dma_semaphore, #tpu.memory_space<semaphore_mem>>
      %dma_start3A_881 = arith.constant 0 : i32
      %dma_start3A_882 = tpu.memref_slice %arg5[%run_scoped3A_347, %dma_start3A_881] : memref<2x32xi32, #tpu.memory_space<vmem>> -> memref<1x32xi32, #tpu.memory_space<vmem>>
      %dma_start3A_883 = tpu.memref_squeeze %dma_start3A_882 : memref<1x32xi32, #tpu.memory_space<vmem>> -> memref<32xi32, #tpu.memory_space<vmem>>
      %dma_start3A_884 = tpu.memref_slice %arg3[%add3A_346] : memref<16384xi32, #tpu.memory_space<hbm>> -> memref<32xi32, #tpu.memory_space<hbm>>
      %dma_start3A_885 = arith.constant 0 : i32
      %dma_start3A_886 = tpu.memref_slice %arg5[%run_scoped3A_347, %dma_start3A_885] : memref<2x32xi32, #tpu.memory_space<vmem>> -> memref<1x32xi32, #tpu.memory_space<vmem>>
      %dma_start3A_887 = tpu.memref_squeeze %dma_start3A_886 : memref<1x32xi32, #tpu.memory_space<vmem>> -> memref<32xi32, #tpu.memory_space<vmem>>
      %dma_start3A_888 = tpu.memref_slice %arg3[%add3A_346] : memref<16384xi32, #tpu.memory_space<hbm>> -> memref<32xi32, #tpu.memory_space<hbm>>
      tpu.enqueue_dma source(%dma_start3A_888 : memref<32xi32, #tpu.memory_space<hbm>>) target(%dma_start3A_887 : memref<32xi32, #tpu.memory_space<vmem>>) target_semaphore(%run_scoped3A_880 : memref<!tpu.dma_semaphore, #tpu.memory_space<semaphore_mem>>)
      %dma_wait3A_889 = arith.constant 0 : i32
      %dma_wait3A_890 = tpu.memref_slice %arg5[%run_scoped3A_347, %dma_wait3A_889] : memref<2x32xi32, #tpu.memory_space<vmem>> -> memref<1x32xi32, #tpu.memory_space<vmem>>
      %dma_wait3A_891 = tpu.memref_squeeze %dma_wait3A_890 : memref<1x32xi32, #tpu.memory_space<vmem>> -> memref<32xi32, #tpu.memory_space<vmem>>
      %dma_wait3A_892 = tpu.memref_slice %arg3[%add3A_346] : memref<16384xi32, #tpu.memory_space<hbm>> -> memref<32xi32, #tpu.memory_space<hbm>>
      %dma_wait3A_893 = arith.constant 0 : i32
      %dma_wait3A_894 = tpu.memref_slice %arg5[%run_scoped3A_347, %dma_wait3A_893] : memref<2x32xi32, #tpu.memory_space<vmem>> -> memref<1x32xi32, #tpu.memory_space<vmem>>
      %dma_wait3A_895 = tpu.memref_squeeze %dma_wait3A_894 : memref<1x32xi32, #tpu.memory_space<vmem>> -> memref<32xi32, #tpu.memory_space<vmem>>
      %dma_wait3A_896 = tpu.memref_slice %arg3[%add3A_346] : memref<16384xi32, #tpu.memory_space<hbm>> -> memref<32xi32, #tpu.memory_space<hbm>>
      tpu.wait_dma2 semaphore(%run_scoped3A_880 : memref<!tpu.dma_semaphore, #tpu.memory_space<semaphore_mem>>) src(%dma_wait3A_896 : memref<32xi32, #tpu.memory_space<hbm>>) dst(%dma_wait3A_895 : memref<32xi32, #tpu.memory_space<vmem>>)
      tpu.yield
    }) : () -> ()
    %dma_start3A_348 = arith.constant 1 : i32
    %dma_start3A_349 = arith.constant 1 : i32
    %dma_start3A_350 = arith.constant 0 : i32
    %dma_start3A_351 = arith.constant 0 : i32
    %dma_start3A_352 = tpu.memref_slice %arg6[%dma_start3A_349, %dma_start3A_350, %dma_start3A_351] : memref<2x32x1024xf32, #tpu.memory_space<vmem>> -> memref<1x32x1024xf32, #tpu.memory_space<vmem>>
    %dma_start3A_353 = tpu.memref_squeeze %dma_start3A_352 : memref<1x32x1024xf32, #tpu.memory_space<vmem>> -> memref<32x1024xf32, #tpu.memory_space<vmem>>
    %dma_start3A_354 = arith.constant 0 : i32
    %dma_start3A_355 = tpu.memref_slice %arg5[%dma_start3A_348, %dma_start3A_354] : memref<2x32xi32, #tpu.memory_space<vmem>> -> memref<1x32xi32, #tpu.memory_space<vmem>>
    %dma_start3A_356 = tpu.memref_squeeze %dma_start3A_355 : memref<1x32xi32, #tpu.memory_space<vmem>> -> memref<32xi32, #tpu.memory_space<vmem>>
    %dma_start3A_357 = arith.constant 0 : i32
    %dma_start3A_358 = arith.constant 0 : i32
    %dma_start3A_359 = tpu.memref_slice %arg2[%dma_start3A_357, %dma_start3A_358] : memref<20800x1024xf32, #tpu.memory_space<hbm>> -> memref<20800x1024xf32, #tpu.memory_space<hbm>>
    tpu.enqueue_indirect_dma source(%dma_start3A_359 : memref<20800x1024xf32, #tpu.memory_space<hbm>>) target(%dma_start3A_353 : memref<32x1024xf32, #tpu.memory_space<vmem>>) offsets(%dma_start3A_356 : memref<32xi32, #tpu.memory_space<vmem>>) semaphore(%arg8 : memref<!tpu.dma_semaphore, #tpu.memory_space<semaphore_mem>>)
    %dma_wait3A_360 = arith.constant 0 : i32
    %dma_wait3A_361 = arith.constant 0 : i32
    %dma_wait3A_362 = arith.constant 0 : i32
    %dma_wait3A_363 = arith.constant 0 : i32
    %dma_wait3A_364 = tpu.memref_slice %arg6[%dma_wait3A_361, %dma_wait3A_362, %dma_wait3A_363] : memref<2x32x1024xf32, #tpu.memory_space<vmem>> -> memref<1x32x1024xf32, #tpu.memory_space<vmem>>
    %dma_wait3A_365 = tpu.memref_squeeze %dma_wait3A_364 : memref<1x32x1024xf32, #tpu.memory_space<vmem>> -> memref<32x1024xf32, #tpu.memory_space<vmem>>
    %dma_wait3A_366 = arith.constant 0 : i32
    %dma_wait3A_367 = tpu.memref_slice %arg5[%dma_wait3A_360, %dma_wait3A_366] : memref<2x32xi32, #tpu.memory_space<vmem>> -> memref<1x32xi32, #tpu.memory_space<vmem>>
    %dma_wait3A_368 = tpu.memref_squeeze %dma_wait3A_367 : memref<1x32xi32, #tpu.memory_space<vmem>> -> memref<32xi32, #tpu.memory_space<vmem>>
    %dma_wait3A_369 = arith.constant 0 : i32
    %dma_wait3A_370 = arith.constant 0 : i32
    %dma_wait3A_371 = tpu.memref_slice %arg2[%dma_wait3A_369, %dma_wait3A_370] : memref<20800x1024xf32, #tpu.memory_space<hbm>> -> memref<20800x1024xf32, #tpu.memory_space<hbm>>
    tpu.wait_indirect_dma semaphore(%arg7 : memref<!tpu.dma_semaphore, #tpu.memory_space<semaphore_mem>>) src(%dma_wait3A_371 : memref<20800x1024xf32, #tpu.memory_space<hbm>>) dst(%dma_wait3A_365 : memref<32x1024xf32, #tpu.memory_space<vmem>>)
    %add3A_372 = arith.constant 192 : i32
    %add3A_373 = arith.addi %mul3A_2, %add3A_372 : i32
    %dma_start3A_374 = arith.constant 0 : i32
    %dma_start3A_375 = arith.constant 0 : i32
    %dma_start3A_376 = arith.constant 0 : i32
    %dma_start3A_377 = tpu.memref_slice %arg6[%dma_start3A_374, %dma_start3A_375, %dma_start3A_376] : memref<2x32x1024xf32, #tpu.memory_space<vmem>> -> memref<1x32x1024xf32, #tpu.memory_space<vmem>>
    %dma_start3A_378 = tpu.memref_squeeze %dma_start3A_377 : memref<1x32x1024xf32, #tpu.memory_space<vmem>> -> memref<32x1024xf32, #tpu.memory_space<vmem>>
    %dma_start3A_379 = arith.constant 0 : i32
    %dma_start3A_380 = tpu.memref_slice %arg4[%add3A_373, %dma_start3A_379] : memref<16384x1024xf32, #tpu.memory_space<hbm>> -> memref<32x1024xf32, #tpu.memory_space<hbm>>
    %dma_start3A_381 = arith.constant 0 : i32
    %dma_start3A_382 = tpu.memref_slice %arg4[%add3A_373, %dma_start3A_381] : memref<16384x1024xf32, #tpu.memory_space<hbm>> -> memref<32x1024xf32, #tpu.memory_space<hbm>>
    %dma_start3A_383 = arith.constant 0 : i32
    %dma_start3A_384 = arith.constant 0 : i32
    %dma_start3A_385 = tpu.memref_slice %arg6[%dma_start3A_374, %dma_start3A_383, %dma_start3A_384] : memref<2x32x1024xf32, #tpu.memory_space<vmem>> -> memref<1x32x1024xf32, #tpu.memory_space<vmem>>
    %dma_start3A_386 = tpu.memref_squeeze %dma_start3A_385 : memref<1x32x1024xf32, #tpu.memory_space<vmem>> -> memref<32x1024xf32, #tpu.memory_space<vmem>>
    tpu.enqueue_dma source(%dma_start3A_386 : memref<32x1024xf32, #tpu.memory_space<vmem>>) target(%dma_start3A_382 : memref<32x1024xf32, #tpu.memory_space<hbm>>) target_semaphore(%arg9 : memref<!tpu.dma_semaphore, #tpu.memory_space<semaphore_mem>>)
    %dma_wait3A_387 = arith.constant 0 : i32
    %dma_wait3A_388 = arith.constant 0 : i32
    %dma_wait3A_389 = arith.constant 0 : i32
    %dma_wait3A_390 = tpu.memref_slice %arg6[%dma_wait3A_387, %dma_wait3A_388, %dma_wait3A_389] : memref<2x32x1024xf32, #tpu.memory_space<vmem>> -> memref<1x32x1024xf32, #tpu.memory_space<vmem>>
    %dma_wait3A_391 = tpu.memref_squeeze %dma_wait3A_390 : memref<1x32x1024xf32, #tpu.memory_space<vmem>> -> memref<32x1024xf32, #tpu.memory_space<vmem>>
    %dma_wait3A_392 = arith.constant 0 : i32
    %dma_wait3A_393 = tpu.memref_slice %arg4[%add3A_373, %dma_wait3A_392] : memref<16384x1024xf32, #tpu.memory_space<hbm>> -> memref<32x1024xf32, #tpu.memory_space<hbm>>
    %dma_wait3A_394 = arith.constant 0 : i32
    %dma_wait3A_395 = tpu.memref_slice %arg4[%add3A_373, %dma_wait3A_394] : memref<16384x1024xf32, #tpu.memory_space<hbm>> -> memref<32x1024xf32, #tpu.memory_space<hbm>>
    %dma_wait3A_396 = arith.constant 0 : i32
    %dma_wait3A_397 = arith.constant 0 : i32
    %dma_wait3A_398 = tpu.memref_slice %arg6[%dma_wait3A_387, %dma_wait3A_396, %dma_wait3A_397] : memref<2x32x1024xf32, #tpu.memory_space<vmem>> -> memref<1x32x1024xf32, #tpu.memory_space<vmem>>
    %dma_wait3A_399 = tpu.memref_squeeze %dma_wait3A_398 : memref<1x32x1024xf32, #tpu.memory_space<vmem>> -> memref<32x1024xf32, #tpu.memory_space<vmem>>
    tpu.wait_dma2 semaphore(%arg9 : memref<!tpu.dma_semaphore, #tpu.memory_space<semaphore_mem>>) src(%dma_wait3A_399 : memref<32x1024xf32, #tpu.memory_space<vmem>>) dst(%dma_wait3A_395 : memref<32x1024xf32, #tpu.memory_space<hbm>>)
    %add3A_400 = arith.constant 256 : i32
    %add3A_401 = arith.addi %mul3A_2, %add3A_400 : i32
    %run_scoped3A_402 = arith.constant 0 : i32
    "tpu.region"() ({
      %run_scoped3A_880 = tpu.sem_alloc : memref<!tpu.dma_semaphore, #tpu.memory_space<semaphore_mem>>
      %dma_start3A_881 = arith.constant 0 : i32
      %dma_start3A_882 = tpu.memref_slice %arg5[%run_scoped3A_402, %dma_start3A_881] : memref<2x32xi32, #tpu.memory_space<vmem>> -> memref<1x32xi32, #tpu.memory_space<vmem>>
      %dma_start3A_883 = tpu.memref_squeeze %dma_start3A_882 : memref<1x32xi32, #tpu.memory_space<vmem>> -> memref<32xi32, #tpu.memory_space<vmem>>
      %dma_start3A_884 = tpu.memref_slice %arg3[%add3A_401] : memref<16384xi32, #tpu.memory_space<hbm>> -> memref<32xi32, #tpu.memory_space<hbm>>
      %dma_start3A_885 = arith.constant 0 : i32
      %dma_start3A_886 = tpu.memref_slice %arg5[%run_scoped3A_402, %dma_start3A_885] : memref<2x32xi32, #tpu.memory_space<vmem>> -> memref<1x32xi32, #tpu.memory_space<vmem>>
      %dma_start3A_887 = tpu.memref_squeeze %dma_start3A_886 : memref<1x32xi32, #tpu.memory_space<vmem>> -> memref<32xi32, #tpu.memory_space<vmem>>
      %dma_start3A_888 = tpu.memref_slice %arg3[%add3A_401] : memref<16384xi32, #tpu.memory_space<hbm>> -> memref<32xi32, #tpu.memory_space<hbm>>
      tpu.enqueue_dma source(%dma_start3A_888 : memref<32xi32, #tpu.memory_space<hbm>>) target(%dma_start3A_887 : memref<32xi32, #tpu.memory_space<vmem>>) target_semaphore(%run_scoped3A_880 : memref<!tpu.dma_semaphore, #tpu.memory_space<semaphore_mem>>)
      %dma_wait3A_889 = arith.constant 0 : i32
      %dma_wait3A_890 = tpu.memref_slice %arg5[%run_scoped3A_402, %dma_wait3A_889] : memref<2x32xi32, #tpu.memory_space<vmem>> -> memref<1x32xi32, #tpu.memory_space<vmem>>
      %dma_wait3A_891 = tpu.memref_squeeze %dma_wait3A_890 : memref<1x32xi32, #tpu.memory_space<vmem>> -> memref<32xi32, #tpu.memory_space<vmem>>
      %dma_wait3A_892 = tpu.memref_slice %arg3[%add3A_401] : memref<16384xi32, #tpu.memory_space<hbm>> -> memref<32xi32, #tpu.memory_space<hbm>>
      %dma_wait3A_893 = arith.constant 0 : i32
      %dma_wait3A_894 = tpu.memref_slice %arg5[%run_scoped3A_402, %dma_wait3A_893] : memref<2x32xi32, #tpu.memory_space<vmem>> -> memref<1x32xi32, #tpu.memory_space<vmem>>
      %dma_wait3A_895 = tpu.memref_squeeze %dma_wait3A_894 : memref<1x32xi32, #tpu.memory_space<vmem>> -> memref<32xi32, #tpu.memory_space<vmem>>
      %dma_wait3A_896 = tpu.memref_slice %arg3[%add3A_401] : memref<16384xi32, #tpu.memory_space<hbm>> -> memref<32xi32, #tpu.memory_space<hbm>>
      tpu.wait_dma2 semaphore(%run_scoped3A_880 : memref<!tpu.dma_semaphore, #tpu.memory_space<semaphore_mem>>) src(%dma_wait3A_896 : memref<32xi32, #tpu.memory_space<hbm>>) dst(%dma_wait3A_895 : memref<32xi32, #tpu.memory_space<vmem>>)
      tpu.yield
    }) : () -> ()
    %dma_start3A_403 = arith.constant 0 : i32
    %dma_start3A_404 = arith.constant 0 : i32
    %dma_start3A_405 = arith.constant 0 : i32
    %dma_start3A_406 = arith.constant 0 : i32
    %dma_start3A_407 = tpu.memref_slice %arg6[%dma_start3A_404, %dma_start3A_405, %dma_start3A_406] : memref<2x32x1024xf32, #tpu.memory_space<vmem>> -> memref<1x32x1024xf32, #tpu.memory_space<vmem>>
    %dma_start3A_408 = tpu.memref_squeeze %dma_start3A_407 : memref<1x32x1024xf32, #tpu.memory_space<vmem>> -> memref<32x1024xf32, #tpu.memory_space<vmem>>
    %dma_start3A_409 = arith.constant 0 : i32
    %dma_start3A_410 = tpu.memref_slice %arg5[%dma_start3A_403, %dma_start3A_409] : memref<2x32xi32, #tpu.memory_space<vmem>> -> memref<1x32xi32, #tpu.memory_space<vmem>>
    %dma_start3A_411 = tpu.memref_squeeze %dma_start3A_410 : memref<1x32xi32, #tpu.memory_space<vmem>> -> memref<32xi32, #tpu.memory_space<vmem>>
    %dma_start3A_412 = arith.constant 0 : i32
    %dma_start3A_413 = arith.constant 0 : i32
    %dma_start3A_414 = tpu.memref_slice %arg2[%dma_start3A_412, %dma_start3A_413] : memref<20800x1024xf32, #tpu.memory_space<hbm>> -> memref<20800x1024xf32, #tpu.memory_space<hbm>>
    tpu.enqueue_indirect_dma source(%dma_start3A_414 : memref<20800x1024xf32, #tpu.memory_space<hbm>>) target(%dma_start3A_408 : memref<32x1024xf32, #tpu.memory_space<vmem>>) offsets(%dma_start3A_411 : memref<32xi32, #tpu.memory_space<vmem>>) semaphore(%arg7 : memref<!tpu.dma_semaphore, #tpu.memory_space<semaphore_mem>>)
    %dma_wait3A_415 = arith.constant 1 : i32
    %dma_wait3A_416 = arith.constant 1 : i32
    %dma_wait3A_417 = arith.constant 0 : i32
    %dma_wait3A_418 = arith.constant 0 : i32
    %dma_wait3A_419 = tpu.memref_slice %arg6[%dma_wait3A_416, %dma_wait3A_417, %dma_wait3A_418] : memref<2x32x1024xf32, #tpu.memory_space<vmem>> -> memref<1x32x1024xf32, #tpu.memory_space<vmem>>
    %dma_wait3A_420 = tpu.memref_squeeze %dma_wait3A_419 : memref<1x32x1024xf32, #tpu.memory_space<vmem>> -> memref<32x1024xf32, #tpu.memory_space<vmem>>
    %dma_wait3A_421 = arith.constant 0 : i32
    %dma_wait3A_422 = tpu.memref_slice %arg5[%dma_wait3A_415, %dma_wait3A_421] : memref<2x32xi32, #tpu.memory_space<vmem>> -> memref<1x32xi32, #tpu.memory_space<vmem>>
    %dma_wait3A_423 = tpu.memref_squeeze %dma_wait3A_422 : memref<1x32xi32, #tpu.memory_space<vmem>> -> memref<32xi32, #tpu.memory_space<vmem>>
    %dma_wait3A_424 = arith.constant 0 : i32
    %dma_wait3A_425 = arith.constant 0 : i32
    %dma_wait3A_426 = tpu.memref_slice %arg2[%dma_wait3A_424, %dma_wait3A_425] : memref<20800x1024xf32, #tpu.memory_space<hbm>> -> memref<20800x1024xf32, #tpu.memory_space<hbm>>
    tpu.wait_indirect_dma semaphore(%arg8 : memref<!tpu.dma_semaphore, #tpu.memory_space<semaphore_mem>>) src(%dma_wait3A_426 : memref<20800x1024xf32, #tpu.memory_space<hbm>>) dst(%dma_wait3A_420 : memref<32x1024xf32, #tpu.memory_space<vmem>>)
    %add3A_427 = arith.constant 224 : i32
    %add3A_428 = arith.addi %mul3A_2, %add3A_427 : i32
    %dma_start3A_429 = arith.constant 1 : i32
    %dma_start3A_430 = arith.constant 0 : i32
    %dma_start3A_431 = arith.constant 0 : i32
    %dma_start3A_432 = tpu.memref_slice %arg6[%dma_start3A_429, %dma_start3A_430, %dma_start3A_431] : memref<2x32x1024xf32, #tpu.memory_space<vmem>> -> memref<1x32x1024xf32, #tpu.memory_space<vmem>>
    %dma_start3A_433 = tpu.memref_squeeze %dma_start3A_432 : memref<1x32x1024xf32, #tpu.memory_space<vmem>> -> memref<32x1024xf32, #tpu.memory_space<vmem>>
    %dma_start3A_434 = arith.constant 0 : i32
    %dma_start3A_435 = tpu.memref_slice %arg4[%add3A_428, %dma_start3A_434] : memref<16384x1024xf32, #tpu.memory_space<hbm>> -> memref<32x1024xf32, #tpu.memory_space<hbm>>
    %dma_start3A_436 = arith.constant 0 : i32
    %dma_start3A_437 = tpu.memref_slice %arg4[%add3A_428, %dma_start3A_436] : memref<16384x1024xf32, #tpu.memory_space<hbm>> -> memref<32x1024xf32, #tpu.memory_space<hbm>>
    %dma_start3A_438 = arith.constant 0 : i32
    %dma_start3A_439 = arith.constant 0 : i32
    %dma_start3A_440 = tpu.memref_slice %arg6[%dma_start3A_429, %dma_start3A_438, %dma_start3A_439] : memref<2x32x1024xf32, #tpu.memory_space<vmem>> -> memref<1x32x1024xf32, #tpu.memory_space<vmem>>
    %dma_start3A_441 = tpu.memref_squeeze %dma_start3A_440 : memref<1x32x1024xf32, #tpu.memory_space<vmem>> -> memref<32x1024xf32, #tpu.memory_space<vmem>>
    tpu.enqueue_dma source(%dma_start3A_441 : memref<32x1024xf32, #tpu.memory_space<vmem>>) target(%dma_start3A_437 : memref<32x1024xf32, #tpu.memory_space<hbm>>) target_semaphore(%arg10 : memref<!tpu.dma_semaphore, #tpu.memory_space<semaphore_mem>>)
    %dma_wait3A_442 = arith.constant 1 : i32
    %dma_wait3A_443 = arith.constant 0 : i32
    %dma_wait3A_444 = arith.constant 0 : i32
    %dma_wait3A_445 = tpu.memref_slice %arg6[%dma_wait3A_442, %dma_wait3A_443, %dma_wait3A_444] : memref<2x32x1024xf32, #tpu.memory_space<vmem>> -> memref<1x32x1024xf32, #tpu.memory_space<vmem>>
    %dma_wait3A_446 = tpu.memref_squeeze %dma_wait3A_445 : memref<1x32x1024xf32, #tpu.memory_space<vmem>> -> memref<32x1024xf32, #tpu.memory_space<vmem>>
    %dma_wait3A_447 = arith.constant 0 : i32
    %dma_wait3A_448 = tpu.memref_slice %arg4[%add3A_428, %dma_wait3A_447] : memref<16384x1024xf32, #tpu.memory_space<hbm>> -> memref<32x1024xf32, #tpu.memory_space<hbm>>
    %dma_wait3A_449 = arith.constant 0 : i32
    %dma_wait3A_450 = tpu.memref_slice %arg4[%add3A_428, %dma_wait3A_449] : memref<16384x1024xf32, #tpu.memory_space<hbm>> -> memref<32x1024xf32, #tpu.memory_space<hbm>>
    %dma_wait3A_451 = arith.constant 0 : i32
    %dma_wait3A_452 = arith.constant 0 : i32
    %dma_wait3A_453 = tpu.memref_slice %arg6[%dma_wait3A_442, %dma_wait3A_451, %dma_wait3A_452] : memref<2x32x1024xf32, #tpu.memory_space<vmem>> -> memref<1x32x1024xf32, #tpu.memory_space<vmem>>
    %dma_wait3A_454 = tpu.memref_squeeze %dma_wait3A_453 : memref<1x32x1024xf32, #tpu.memory_space<vmem>> -> memref<32x1024xf32, #tpu.memory_space<vmem>>
    tpu.wait_dma2 semaphore(%arg10 : memref<!tpu.dma_semaphore, #tpu.memory_space<semaphore_mem>>) src(%dma_wait3A_454 : memref<32x1024xf32, #tpu.memory_space<vmem>>) dst(%dma_wait3A_450 : memref<32x1024xf32, #tpu.memory_space<hbm>>)
    %add3A_455 = arith.constant 288 : i32
    %add3A_456 = arith.addi %mul3A_2, %add3A_455 : i32
    %run_scoped3A_457 = arith.constant 1 : i32
    "tpu.region"() ({
      %run_scoped3A_880 = tpu.sem_alloc : memref<!tpu.dma_semaphore, #tpu.memory_space<semaphore_mem>>
      %dma_start3A_881 = arith.constant 0 : i32
      %dma_start3A_882 = tpu.memref_slice %arg5[%run_scoped3A_457, %dma_start3A_881] : memref<2x32xi32, #tpu.memory_space<vmem>> -> memref<1x32xi32, #tpu.memory_space<vmem>>
      %dma_start3A_883 = tpu.memref_squeeze %dma_start3A_882 : memref<1x32xi32, #tpu.memory_space<vmem>> -> memref<32xi32, #tpu.memory_space<vmem>>
      %dma_start3A_884 = tpu.memref_slice %arg3[%add3A_456] : memref<16384xi32, #tpu.memory_space<hbm>> -> memref<32xi32, #tpu.memory_space<hbm>>
      %dma_start3A_885 = arith.constant 0 : i32
      %dma_start3A_886 = tpu.memref_slice %arg5[%run_scoped3A_457, %dma_start3A_885] : memref<2x32xi32, #tpu.memory_space<vmem>> -> memref<1x32xi32, #tpu.memory_space<vmem>>
      %dma_start3A_887 = tpu.memref_squeeze %dma_start3A_886 : memref<1x32xi32, #tpu.memory_space<vmem>> -> memref<32xi32, #tpu.memory_space<vmem>>
      %dma_start3A_888 = tpu.memref_slice %arg3[%add3A_456] : memref<16384xi32, #tpu.memory_space<hbm>> -> memref<32xi32, #tpu.memory_space<hbm>>
      tpu.enqueue_dma source(%dma_start3A_888 : memref<32xi32, #tpu.memory_space<hbm>>) target(%dma_start3A_887 : memref<32xi32, #tpu.memory_space<vmem>>) target_semaphore(%run_scoped3A_880 : memref<!tpu.dma_semaphore, #tpu.memory_space<semaphore_mem>>)
      %dma_wait3A_889 = arith.constant 0 : i32
      %dma_wait3A_890 = tpu.memref_slice %arg5[%run_scoped3A_457, %dma_wait3A_889] : memref<2x32xi32, #tpu.memory_space<vmem>> -> memref<1x32xi32, #tpu.memory_space<vmem>>
      %dma_wait3A_891 = tpu.memref_squeeze %dma_wait3A_890 : memref<1x32xi32, #tpu.memory_space<vmem>> -> memref<32xi32, #tpu.memory_space<vmem>>
      %dma_wait3A_892 = tpu.memref_slice %arg3[%add3A_456] : memref<16384xi32, #tpu.memory_space<hbm>> -> memref<32xi32, #tpu.memory_space<hbm>>
      %dma_wait3A_893 = arith.constant 0 : i32
      %dma_wait3A_894 = tpu.memref_slice %arg5[%run_scoped3A_457, %dma_wait3A_893] : memref<2x32xi32, #tpu.memory_space<vmem>> -> memref<1x32xi32, #tpu.memory_space<vmem>>
      %dma_wait3A_895 = tpu.memref_squeeze %dma_wait3A_894 : memref<1x32xi32, #tpu.memory_space<vmem>> -> memref<32xi32, #tpu.memory_space<vmem>>
      %dma_wait3A_896 = tpu.memref_slice %arg3[%add3A_456] : memref<16384xi32, #tpu.memory_space<hbm>> -> memref<32xi32, #tpu.memory_space<hbm>>
      tpu.wait_dma2 semaphore(%run_scoped3A_880 : memref<!tpu.dma_semaphore, #tpu.memory_space<semaphore_mem>>) src(%dma_wait3A_896 : memref<32xi32, #tpu.memory_space<hbm>>) dst(%dma_wait3A_895 : memref<32xi32, #tpu.memory_space<vmem>>)
      tpu.yield
    }) : () -> ()
    %dma_start3A_458 = arith.constant 1 : i32
    %dma_start3A_459 = arith.constant 1 : i32
    %dma_start3A_460 = arith.constant 0 : i32
    %dma_start3A_461 = arith.constant 0 : i32
    %dma_start3A_462 = tpu.memref_slice %arg6[%dma_start3A_459, %dma_start3A_460, %dma_start3A_461] : memref<2x32x1024xf32, #tpu.memory_space<vmem>> -> memref<1x32x1024xf32, #tpu.memory_space<vmem>>
    %dma_start3A_463 = tpu.memref_squeeze %dma_start3A_462 : memref<1x32x1024xf32, #tpu.memory_space<vmem>> -> memref<32x1024xf32, #tpu.memory_space<vmem>>
    %dma_start3A_464 = arith.constant 0 : i32
    %dma_start3A_465 = tpu.memref_slice %arg5[%dma_start3A_458, %dma_start3A_464] : memref<2x32xi32, #tpu.memory_space<vmem>> -> memref<1x32xi32, #tpu.memory_space<vmem>>
    %dma_start3A_466 = tpu.memref_squeeze %dma_start3A_465 : memref<1x32xi32, #tpu.memory_space<vmem>> -> memref<32xi32, #tpu.memory_space<vmem>>
    %dma_start3A_467 = arith.constant 0 : i32
    %dma_start3A_468 = arith.constant 0 : i32
    %dma_start3A_469 = tpu.memref_slice %arg2[%dma_start3A_467, %dma_start3A_468] : memref<20800x1024xf32, #tpu.memory_space<hbm>> -> memref<20800x1024xf32, #tpu.memory_space<hbm>>
    tpu.enqueue_indirect_dma source(%dma_start3A_469 : memref<20800x1024xf32, #tpu.memory_space<hbm>>) target(%dma_start3A_463 : memref<32x1024xf32, #tpu.memory_space<vmem>>) offsets(%dma_start3A_466 : memref<32xi32, #tpu.memory_space<vmem>>) semaphore(%arg8 : memref<!tpu.dma_semaphore, #tpu.memory_space<semaphore_mem>>)
    %dma_wait3A_470 = arith.constant 0 : i32
    %dma_wait3A_471 = arith.constant 0 : i32
    %dma_wait3A_472 = arith.constant 0 : i32
    %dma_wait3A_473 = arith.constant 0 : i32
    %dma_wait3A_474 = tpu.memref_slice %arg6[%dma_wait3A_471, %dma_wait3A_472, %dma_wait3A_473] : memref<2x32x1024xf32, #tpu.memory_space<vmem>> -> memref<1x32x1024xf32, #tpu.memory_space<vmem>>
    %dma_wait3A_475 = tpu.memref_squeeze %dma_wait3A_474 : memref<1x32x1024xf32, #tpu.memory_space<vmem>> -> memref<32x1024xf32, #tpu.memory_space<vmem>>
    %dma_wait3A_476 = arith.constant 0 : i32
    %dma_wait3A_477 = tpu.memref_slice %arg5[%dma_wait3A_470, %dma_wait3A_476] : memref<2x32xi32, #tpu.memory_space<vmem>> -> memref<1x32xi32, #tpu.memory_space<vmem>>
    %dma_wait3A_478 = tpu.memref_squeeze %dma_wait3A_477 : memref<1x32xi32, #tpu.memory_space<vmem>> -> memref<32xi32, #tpu.memory_space<vmem>>
    %dma_wait3A_479 = arith.constant 0 : i32
    %dma_wait3A_480 = arith.constant 0 : i32
    %dma_wait3A_481 = tpu.memref_slice %arg2[%dma_wait3A_479, %dma_wait3A_480] : memref<20800x1024xf32, #tpu.memory_space<hbm>> -> memref<20800x1024xf32, #tpu.memory_space<hbm>>
    tpu.wait_indirect_dma semaphore(%arg7 : memref<!tpu.dma_semaphore, #tpu.memory_space<semaphore_mem>>) src(%dma_wait3A_481 : memref<20800x1024xf32, #tpu.memory_space<hbm>>) dst(%dma_wait3A_475 : memref<32x1024xf32, #tpu.memory_space<vmem>>)
    %add3A_482 = arith.constant 256 : i32
    %add3A_483 = arith.addi %mul3A_2, %add3A_482 : i32
    %dma_start3A_484 = arith.constant 0 : i32
    %dma_start3A_485 = arith.constant 0 : i32
    %dma_start3A_486 = arith.constant 0 : i32
    %dma_start3A_487 = tpu.memref_slice %arg6[%dma_start3A_484, %dma_start3A_485, %dma_start3A_486] : memref<2x32x1024xf32, #tpu.memory_space<vmem>> -> memref<1x32x1024xf32, #tpu.memory_space<vmem>>
    %dma_start3A_488 = tpu.memref_squeeze %dma_start3A_487 : memref<1x32x1024xf32, #tpu.memory_space<vmem>> -> memref<32x1024xf32, #tpu.memory_space<vmem>>
    %dma_start3A_489 = arith.constant 0 : i32
    %dma_start3A_490 = tpu.memref_slice %arg4[%add3A_483, %dma_start3A_489] : memref<16384x1024xf32, #tpu.memory_space<hbm>> -> memref<32x1024xf32, #tpu.memory_space<hbm>>
    %dma_start3A_491 = arith.constant 0 : i32
    %dma_start3A_492 = tpu.memref_slice %arg4[%add3A_483, %dma_start3A_491] : memref<16384x1024xf32, #tpu.memory_space<hbm>> -> memref<32x1024xf32, #tpu.memory_space<hbm>>
    %dma_start3A_493 = arith.constant 0 : i32
    %dma_start3A_494 = arith.constant 0 : i32
    %dma_start3A_495 = tpu.memref_slice %arg6[%dma_start3A_484, %dma_start3A_493, %dma_start3A_494] : memref<2x32x1024xf32, #tpu.memory_space<vmem>> -> memref<1x32x1024xf32, #tpu.memory_space<vmem>>
    %dma_start3A_496 = tpu.memref_squeeze %dma_start3A_495 : memref<1x32x1024xf32, #tpu.memory_space<vmem>> -> memref<32x1024xf32, #tpu.memory_space<vmem>>
    tpu.enqueue_dma source(%dma_start3A_496 : memref<32x1024xf32, #tpu.memory_space<vmem>>) target(%dma_start3A_492 : memref<32x1024xf32, #tpu.memory_space<hbm>>) target_semaphore(%arg9 : memref<!tpu.dma_semaphore, #tpu.memory_space<semaphore_mem>>)
    %dma_wait3A_497 = arith.constant 0 : i32
    %dma_wait3A_498 = arith.constant 0 : i32
    %dma_wait3A_499 = arith.constant 0 : i32
    %dma_wait3A_500 = tpu.memref_slice %arg6[%dma_wait3A_497, %dma_wait3A_498, %dma_wait3A_499] : memref<2x32x1024xf32, #tpu.memory_space<vmem>> -> memref<1x32x1024xf32, #tpu.memory_space<vmem>>
    %dma_wait3A_501 = tpu.memref_squeeze %dma_wait3A_500 : memref<1x32x1024xf32, #tpu.memory_space<vmem>> -> memref<32x1024xf32, #tpu.memory_space<vmem>>
    %dma_wait3A_502 = arith.constant 0 : i32
    %dma_wait3A_503 = tpu.memref_slice %arg4[%add3A_483, %dma_wait3A_502] : memref<16384x1024xf32, #tpu.memory_space<hbm>> -> memref<32x1024xf32, #tpu.memory_space<hbm>>
    %dma_wait3A_504 = arith.constant 0 : i32
    %dma_wait3A_505 = tpu.memref_slice %arg4[%add3A_483, %dma_wait3A_504] : memref<16384x1024xf32, #tpu.memory_space<hbm>> -> memref<32x1024xf32, #tpu.memory_space<hbm>>
    %dma_wait3A_506 = arith.constant 0 : i32
    %dma_wait3A_507 = arith.constant 0 : i32
    %dma_wait3A_508 = tpu.memref_slice %arg6[%dma_wait3A_497, %dma_wait3A_506, %dma_wait3A_507] : memref<2x32x1024xf32, #tpu.memory_space<vmem>> -> memref<1x32x1024xf32, #tpu.memory_space<vmem>>
    %dma_wait3A_509 = tpu.memref_squeeze %dma_wait3A_508 : memref<1x32x1024xf32, #tpu.memory_space<vmem>> -> memref<32x1024xf32, #tpu.memory_space<vmem>>
    tpu.wait_dma2 semaphore(%arg9 : memref<!tpu.dma_semaphore, #tpu.memory_space<semaphore_mem>>) src(%dma_wait3A_509 : memref<32x1024xf32, #tpu.memory_space<vmem>>) dst(%dma_wait3A_505 : memref<32x1024xf32, #tpu.memory_space<hbm>>)
    %add3A_510 = arith.constant 320 : i32
    %add3A_511 = arith.addi %mul3A_2, %add3A_510 : i32
    %run_scoped3A_512 = arith.constant 0 : i32
    "tpu.region"() ({
      %run_scoped3A_880 = tpu.sem_alloc : memref<!tpu.dma_semaphore, #tpu.memory_space<semaphore_mem>>
      %dma_start3A_881 = arith.constant 0 : i32
      %dma_start3A_882 = tpu.memref_slice %arg5[%run_scoped3A_512, %dma_start3A_881] : memref<2x32xi32, #tpu.memory_space<vmem>> -> memref<1x32xi32, #tpu.memory_space<vmem>>
      %dma_start3A_883 = tpu.memref_squeeze %dma_start3A_882 : memref<1x32xi32, #tpu.memory_space<vmem>> -> memref<32xi32, #tpu.memory_space<vmem>>
      %dma_start3A_884 = tpu.memref_slice %arg3[%add3A_511] : memref<16384xi32, #tpu.memory_space<hbm>> -> memref<32xi32, #tpu.memory_space<hbm>>
      %dma_start3A_885 = arith.constant 0 : i32
      %dma_start3A_886 = tpu.memref_slice %arg5[%run_scoped3A_512, %dma_start3A_885] : memref<2x32xi32, #tpu.memory_space<vmem>> -> memref<1x32xi32, #tpu.memory_space<vmem>>
      %dma_start3A_887 = tpu.memref_squeeze %dma_start3A_886 : memref<1x32xi32, #tpu.memory_space<vmem>> -> memref<32xi32, #tpu.memory_space<vmem>>
      %dma_start3A_888 = tpu.memref_slice %arg3[%add3A_511] : memref<16384xi32, #tpu.memory_space<hbm>> -> memref<32xi32, #tpu.memory_space<hbm>>
      tpu.enqueue_dma source(%dma_start3A_888 : memref<32xi32, #tpu.memory_space<hbm>>) target(%dma_start3A_887 : memref<32xi32, #tpu.memory_space<vmem>>) target_semaphore(%run_scoped3A_880 : memref<!tpu.dma_semaphore, #tpu.memory_space<semaphore_mem>>)
      %dma_wait3A_889 = arith.constant 0 : i32
      %dma_wait3A_890 = tpu.memref_slice %arg5[%run_scoped3A_512, %dma_wait3A_889] : memref<2x32xi32, #tpu.memory_space<vmem>> -> memref<1x32xi32, #tpu.memory_space<vmem>>
      %dma_wait3A_891 = tpu.memref_squeeze %dma_wait3A_890 : memref<1x32xi32, #tpu.memory_space<vmem>> -> memref<32xi32, #tpu.memory_space<vmem>>
      %dma_wait3A_892 = tpu.memref_slice %arg3[%add3A_511] : memref<16384xi32, #tpu.memory_space<hbm>> -> memref<32xi32, #tpu.memory_space<hbm>>
      %dma_wait3A_893 = arith.constant 0 : i32
      %dma_wait3A_894 = tpu.memref_slice %arg5[%run_scoped3A_512, %dma_wait3A_893] : memref<2x32xi32, #tpu.memory_space<vmem>> -> memref<1x32xi32, #tpu.memory_space<vmem>>
      %dma_wait3A_895 = tpu.memref_squeeze %dma_wait3A_894 : memref<1x32xi32, #tpu.memory_space<vmem>> -> memref<32xi32, #tpu.memory_space<vmem>>
      %dma_wait3A_896 = tpu.memref_slice %arg3[%add3A_511] : memref<16384xi32, #tpu.memory_space<hbm>> -> memref<32xi32, #tpu.memory_space<hbm>>
      tpu.wait_dma2 semaphore(%run_scoped3A_880 : memref<!tpu.dma_semaphore, #tpu.memory_space<semaphore_mem>>) src(%dma_wait3A_896 : memref<32xi32, #tpu.memory_space<hbm>>) dst(%dma_wait3A_895 : memref<32xi32, #tpu.memory_space<vmem>>)
      tpu.yield
    }) : () -> ()
    %dma_start3A_513 = arith.constant 0 : i32
    %dma_start3A_514 = arith.constant 0 : i32
    %dma_start3A_515 = arith.constant 0 : i32
    %dma_start3A_516 = arith.constant 0 : i32
    %dma_start3A_517 = tpu.memref_slice %arg6[%dma_start3A_514, %dma_start3A_515, %dma_start3A_516] : memref<2x32x1024xf32, #tpu.memory_space<vmem>> -> memref<1x32x1024xf32, #tpu.memory_space<vmem>>
    %dma_start3A_518 = tpu.memref_squeeze %dma_start3A_517 : memref<1x32x1024xf32, #tpu.memory_space<vmem>> -> memref<32x1024xf32, #tpu.memory_space<vmem>>
    %dma_start3A_519 = arith.constant 0 : i32
    %dma_start3A_520 = tpu.memref_slice %arg5[%dma_start3A_513, %dma_start3A_519] : memref<2x32xi32, #tpu.memory_space<vmem>> -> memref<1x32xi32, #tpu.memory_space<vmem>>
    %dma_start3A_521 = tpu.memref_squeeze %dma_start3A_520 : memref<1x32xi32, #tpu.memory_space<vmem>> -> memref<32xi32, #tpu.memory_space<vmem>>
    %dma_start3A_522 = arith.constant 0 : i32
    %dma_start3A_523 = arith.constant 0 : i32
    %dma_start3A_524 = tpu.memref_slice %arg2[%dma_start3A_522, %dma_start3A_523] : memref<20800x1024xf32, #tpu.memory_space<hbm>> -> memref<20800x1024xf32, #tpu.memory_space<hbm>>
    tpu.enqueue_indirect_dma source(%dma_start3A_524 : memref<20800x1024xf32, #tpu.memory_space<hbm>>) target(%dma_start3A_518 : memref<32x1024xf32, #tpu.memory_space<vmem>>) offsets(%dma_start3A_521 : memref<32xi32, #tpu.memory_space<vmem>>) semaphore(%arg7 : memref<!tpu.dma_semaphore, #tpu.memory_space<semaphore_mem>>)
    %dma_wait3A_525 = arith.constant 1 : i32
    %dma_wait3A_526 = arith.constant 1 : i32
    %dma_wait3A_527 = arith.constant 0 : i32
    %dma_wait3A_528 = arith.constant 0 : i32
    %dma_wait3A_529 = tpu.memref_slice %arg6[%dma_wait3A_526, %dma_wait3A_527, %dma_wait3A_528] : memref<2x32x1024xf32, #tpu.memory_space<vmem>> -> memref<1x32x1024xf32, #tpu.memory_space<vmem>>
    %dma_wait3A_530 = tpu.memref_squeeze %dma_wait3A_529 : memref<1x32x1024xf32, #tpu.memory_space<vmem>> -> memref<32x1024xf32, #tpu.memory_space<vmem>>
    %dma_wait3A_531 = arith.constant 0 : i32
    %dma_wait3A_532 = tpu.memref_slice %arg5[%dma_wait3A_525, %dma_wait3A_531] : memref<2x32xi32, #tpu.memory_space<vmem>> -> memref<1x32xi32, #tpu.memory_space<vmem>>
    %dma_wait3A_533 = tpu.memref_squeeze %dma_wait3A_532 : memref<1x32xi32, #tpu.memory_space<vmem>> -> memref<32xi32, #tpu.memory_space<vmem>>
    %dma_wait3A_534 = arith.constant 0 : i32
    %dma_wait3A_535 = arith.constant 0 : i32
    %dma_wait3A_536 = tpu.memref_slice %arg2[%dma_wait3A_534, %dma_wait3A_535] : memref<20800x1024xf32, #tpu.memory_space<hbm>> -> memref<20800x1024xf32, #tpu.memory_space<hbm>>
    tpu.wait_indirect_dma semaphore(%arg8 : memref<!tpu.dma_semaphore, #tpu.memory_space<semaphore_mem>>) src(%dma_wait3A_536 : memref<20800x1024xf32, #tpu.memory_space<hbm>>) dst(%dma_wait3A_530 : memref<32x1024xf32, #tpu.memory_space<vmem>>)
    %add3A_537 = arith.constant 288 : i32
    %add3A_538 = arith.addi %mul3A_2, %add3A_537 : i32
    %dma_start3A_539 = arith.constant 1 : i32
    %dma_start3A_540 = arith.constant 0 : i32
    %dma_start3A_541 = arith.constant 0 : i32
    %dma_start3A_542 = tpu.memref_slice %arg6[%dma_start3A_539, %dma_start3A_540, %dma_start3A_541] : memref<2x32x1024xf32, #tpu.memory_space<vmem>> -> memref<1x32x1024xf32, #tpu.memory_space<vmem>>
    %dma_start3A_543 = tpu.memref_squeeze %dma_start3A_542 : memref<1x32x1024xf32, #tpu.memory_space<vmem>> -> memref<32x1024xf32, #tpu.memory_space<vmem>>
    %dma_start3A_544 = arith.constant 0 : i32
    %dma_start3A_545 = tpu.memref_slice %arg4[%add3A_538, %dma_start3A_544] : memref<16384x1024xf32, #tpu.memory_space<hbm>> -> memref<32x1024xf32, #tpu.memory_space<hbm>>
    %dma_start3A_546 = arith.constant 0 : i32
    %dma_start3A_547 = tpu.memref_slice %arg4[%add3A_538, %dma_start3A_546] : memref<16384x1024xf32, #tpu.memory_space<hbm>> -> memref<32x1024xf32, #tpu.memory_space<hbm>>
    %dma_start3A_548 = arith.constant 0 : i32
    %dma_start3A_549 = arith.constant 0 : i32
    %dma_start3A_550 = tpu.memref_slice %arg6[%dma_start3A_539, %dma_start3A_548, %dma_start3A_549] : memref<2x32x1024xf32, #tpu.memory_space<vmem>> -> memref<1x32x1024xf32, #tpu.memory_space<vmem>>
    %dma_start3A_551 = tpu.memref_squeeze %dma_start3A_550 : memref<1x32x1024xf32, #tpu.memory_space<vmem>> -> memref<32x1024xf32, #tpu.memory_space<vmem>>
    tpu.enqueue_dma source(%dma_start3A_551 : memref<32x1024xf32, #tpu.memory_space<vmem>>) target(%dma_start3A_547 : memref<32x1024xf32, #tpu.memory_space<hbm>>) target_semaphore(%arg10 : memref<!tpu.dma_semaphore, #tpu.memory_space<semaphore_mem>>)
    %dma_wait3A_552 = arith.constant 1 : i32
    %dma_wait3A_553 = arith.constant 0 : i32
    %dma_wait3A_554 = arith.constant 0 : i32
    %dma_wait3A_555 = tpu.memref_slice %arg6[%dma_wait3A_552, %dma_wait3A_553, %dma_wait3A_554] : memref<2x32x1024xf32, #tpu.memory_space<vmem>> -> memref<1x32x1024xf32, #tpu.memory_space<vmem>>
    %dma_wait3A_556 = tpu.memref_squeeze %dma_wait3A_555 : memref<1x32x1024xf32, #tpu.memory_space<vmem>> -> memref<32x1024xf32, #tpu.memory_space<vmem>>
    %dma_wait3A_557 = arith.constant 0 : i32
    %dma_wait3A_558 = tpu.memref_slice %arg4[%add3A_538, %dma_wait3A_557] : memref<16384x1024xf32, #tpu.memory_space<hbm>> -> memref<32x1024xf32, #tpu.memory_space<hbm>>
    %dma_wait3A_559 = arith.constant 0 : i32
    %dma_wait3A_560 = tpu.memref_slice %arg4[%add3A_538, %dma_wait3A_559] : memref<16384x1024xf32, #tpu.memory_space<hbm>> -> memref<32x1024xf32, #tpu.memory_space<hbm>>
    %dma_wait3A_561 = arith.constant 0 : i32
    %dma_wait3A_562 = arith.constant 0 : i32
    %dma_wait3A_563 = tpu.memref_slice %arg6[%dma_wait3A_552, %dma_wait3A_561, %dma_wait3A_562] : memref<2x32x1024xf32, #tpu.memory_space<vmem>> -> memref<1x32x1024xf32, #tpu.memory_space<vmem>>
    %dma_wait3A_564 = tpu.memref_squeeze %dma_wait3A_563 : memref<1x32x1024xf32, #tpu.memory_space<vmem>> -> memref<32x1024xf32, #tpu.memory_space<vmem>>
    tpu.wait_dma2 semaphore(%arg10 : memref<!tpu.dma_semaphore, #tpu.memory_space<semaphore_mem>>) src(%dma_wait3A_564 : memref<32x1024xf32, #tpu.memory_space<vmem>>) dst(%dma_wait3A_560 : memref<32x1024xf32, #tpu.memory_space<hbm>>)
    %add3A_565 = arith.constant 352 : i32
    %add3A_566 = arith.addi %mul3A_2, %add3A_565 : i32
    %run_scoped3A_567 = arith.constant 1 : i32
    "tpu.region"() ({
      %run_scoped3A_880 = tpu.sem_alloc : memref<!tpu.dma_semaphore, #tpu.memory_space<semaphore_mem>>
      %dma_start3A_881 = arith.constant 0 : i32
      %dma_start3A_882 = tpu.memref_slice %arg5[%run_scoped3A_567, %dma_start3A_881] : memref<2x32xi32, #tpu.memory_space<vmem>> -> memref<1x32xi32, #tpu.memory_space<vmem>>
      %dma_start3A_883 = tpu.memref_squeeze %dma_start3A_882 : memref<1x32xi32, #tpu.memory_space<vmem>> -> memref<32xi32, #tpu.memory_space<vmem>>
      %dma_start3A_884 = tpu.memref_slice %arg3[%add3A_566] : memref<16384xi32, #tpu.memory_space<hbm>> -> memref<32xi32, #tpu.memory_space<hbm>>
      %dma_start3A_885 = arith.constant 0 : i32
      %dma_start3A_886 = tpu.memref_slice %arg5[%run_scoped3A_567, %dma_start3A_885] : memref<2x32xi32, #tpu.memory_space<vmem>> -> memref<1x32xi32, #tpu.memory_space<vmem>>
      %dma_start3A_887 = tpu.memref_squeeze %dma_start3A_886 : memref<1x32xi32, #tpu.memory_space<vmem>> -> memref<32xi32, #tpu.memory_space<vmem>>
      %dma_start3A_888 = tpu.memref_slice %arg3[%add3A_566] : memref<16384xi32, #tpu.memory_space<hbm>> -> memref<32xi32, #tpu.memory_space<hbm>>
      tpu.enqueue_dma source(%dma_start3A_888 : memref<32xi32, #tpu.memory_space<hbm>>) target(%dma_start3A_887 : memref<32xi32, #tpu.memory_space<vmem>>) target_semaphore(%run_scoped3A_880 : memref<!tpu.dma_semaphore, #tpu.memory_space<semaphore_mem>>)
      %dma_wait3A_889 = arith.constant 0 : i32
      %dma_wait3A_890 = tpu.memref_slice %arg5[%run_scoped3A_567, %dma_wait3A_889] : memref<2x32xi32, #tpu.memory_space<vmem>> -> memref<1x32xi32, #tpu.memory_space<vmem>>
      %dma_wait3A_891 = tpu.memref_squeeze %dma_wait3A_890 : memref<1x32xi32, #tpu.memory_space<vmem>> -> memref<32xi32, #tpu.memory_space<vmem>>
      %dma_wait3A_892 = tpu.memref_slice %arg3[%add3A_566] : memref<16384xi32, #tpu.memory_space<hbm>> -> memref<32xi32, #tpu.memory_space<hbm>>
      %dma_wait3A_893 = arith.constant 0 : i32
      %dma_wait3A_894 = tpu.memref_slice %arg5[%run_scoped3A_567, %dma_wait3A_893] : memref<2x32xi32, #tpu.memory_space<vmem>> -> memref<1x32xi32, #tpu.memory_space<vmem>>
      %dma_wait3A_895 = tpu.memref_squeeze %dma_wait3A_894 : memref<1x32xi32, #tpu.memory_space<vmem>> -> memref<32xi32, #tpu.memory_space<vmem>>
      %dma_wait3A_896 = tpu.memref_slice %arg3[%add3A_566] : memref<16384xi32, #tpu.memory_space<hbm>> -> memref<32xi32, #tpu.memory_space<hbm>>
      tpu.wait_dma2 semaphore(%run_scoped3A_880 : memref<!tpu.dma_semaphore, #tpu.memory_space<semaphore_mem>>) src(%dma_wait3A_896 : memref<32xi32, #tpu.memory_space<hbm>>) dst(%dma_wait3A_895 : memref<32xi32, #tpu.memory_space<vmem>>)
      tpu.yield
    }) : () -> ()
    %dma_start3A_568 = arith.constant 1 : i32
    %dma_start3A_569 = arith.constant 1 : i32
    %dma_start3A_570 = arith.constant 0 : i32
    %dma_start3A_571 = arith.constant 0 : i32
    %dma_start3A_572 = tpu.memref_slice %arg6[%dma_start3A_569, %dma_start3A_570, %dma_start3A_571] : memref<2x32x1024xf32, #tpu.memory_space<vmem>> -> memref<1x32x1024xf32, #tpu.memory_space<vmem>>
    %dma_start3A_573 = tpu.memref_squeeze %dma_start3A_572 : memref<1x32x1024xf32, #tpu.memory_space<vmem>> -> memref<32x1024xf32, #tpu.memory_space<vmem>>
    %dma_start3A_574 = arith.constant 0 : i32
    %dma_start3A_575 = tpu.memref_slice %arg5[%dma_start3A_568, %dma_start3A_574] : memref<2x32xi32, #tpu.memory_space<vmem>> -> memref<1x32xi32, #tpu.memory_space<vmem>>
    %dma_start3A_576 = tpu.memref_squeeze %dma_start3A_575 : memref<1x32xi32, #tpu.memory_space<vmem>> -> memref<32xi32, #tpu.memory_space<vmem>>
    %dma_start3A_577 = arith.constant 0 : i32
    %dma_start3A_578 = arith.constant 0 : i32
    %dma_start3A_579 = tpu.memref_slice %arg2[%dma_start3A_577, %dma_start3A_578] : memref<20800x1024xf32, #tpu.memory_space<hbm>> -> memref<20800x1024xf32, #tpu.memory_space<hbm>>
    tpu.enqueue_indirect_dma source(%dma_start3A_579 : memref<20800x1024xf32, #tpu.memory_space<hbm>>) target(%dma_start3A_573 : memref<32x1024xf32, #tpu.memory_space<vmem>>) offsets(%dma_start3A_576 : memref<32xi32, #tpu.memory_space<vmem>>) semaphore(%arg8 : memref<!tpu.dma_semaphore, #tpu.memory_space<semaphore_mem>>)
    %dma_wait3A_580 = arith.constant 0 : i32
    %dma_wait3A_581 = arith.constant 0 : i32
    %dma_wait3A_582 = arith.constant 0 : i32
    %dma_wait3A_583 = arith.constant 0 : i32
    %dma_wait3A_584 = tpu.memref_slice %arg6[%dma_wait3A_581, %dma_wait3A_582, %dma_wait3A_583] : memref<2x32x1024xf32, #tpu.memory_space<vmem>> -> memref<1x32x1024xf32, #tpu.memory_space<vmem>>
    %dma_wait3A_585 = tpu.memref_squeeze %dma_wait3A_584 : memref<1x32x1024xf32, #tpu.memory_space<vmem>> -> memref<32x1024xf32, #tpu.memory_space<vmem>>
    %dma_wait3A_586 = arith.constant 0 : i32
    %dma_wait3A_587 = tpu.memref_slice %arg5[%dma_wait3A_580, %dma_wait3A_586] : memref<2x32xi32, #tpu.memory_space<vmem>> -> memref<1x32xi32, #tpu.memory_space<vmem>>
    %dma_wait3A_588 = tpu.memref_squeeze %dma_wait3A_587 : memref<1x32xi32, #tpu.memory_space<vmem>> -> memref<32xi32, #tpu.memory_space<vmem>>
    %dma_wait3A_589 = arith.constant 0 : i32
    %dma_wait3A_590 = arith.constant 0 : i32
    %dma_wait3A_591 = tpu.memref_slice %arg2[%dma_wait3A_589, %dma_wait3A_590] : memref<20800x1024xf32, #tpu.memory_space<hbm>> -> memref<20800x1024xf32, #tpu.memory_space<hbm>>
    tpu.wait_indirect_dma semaphore(%arg7 : memref<!tpu.dma_semaphore, #tpu.memory_space<semaphore_mem>>) src(%dma_wait3A_591 : memref<20800x1024xf32, #tpu.memory_space<hbm>>) dst(%dma_wait3A_585 : memref<32x1024xf32, #tpu.memory_space<vmem>>)
    %add3A_592 = arith.constant 320 : i32
    %add3A_593 = arith.addi %mul3A_2, %add3A_592 : i32
    %dma_start3A_594 = arith.constant 0 : i32
    %dma_start3A_595 = arith.constant 0 : i32
    %dma_start3A_596 = arith.constant 0 : i32
    %dma_start3A_597 = tpu.memref_slice %arg6[%dma_start3A_594, %dma_start3A_595, %dma_start3A_596] : memref<2x32x1024xf32, #tpu.memory_space<vmem>> -> memref<1x32x1024xf32, #tpu.memory_space<vmem>>
    %dma_start3A_598 = tpu.memref_squeeze %dma_start3A_597 : memref<1x32x1024xf32, #tpu.memory_space<vmem>> -> memref<32x1024xf32, #tpu.memory_space<vmem>>
    %dma_start3A_599 = arith.constant 0 : i32
    %dma_start3A_600 = tpu.memref_slice %arg4[%add3A_593, %dma_start3A_599] : memref<16384x1024xf32, #tpu.memory_space<hbm>> -> memref<32x1024xf32, #tpu.memory_space<hbm>>
    %dma_start3A_601 = arith.constant 0 : i32
    %dma_start3A_602 = tpu.memref_slice %arg4[%add3A_593, %dma_start3A_601] : memref<16384x1024xf32, #tpu.memory_space<hbm>> -> memref<32x1024xf32, #tpu.memory_space<hbm>>
    %dma_start3A_603 = arith.constant 0 : i32
    %dma_start3A_604 = arith.constant 0 : i32
    %dma_start3A_605 = tpu.memref_slice %arg6[%dma_start3A_594, %dma_start3A_603, %dma_start3A_604] : memref<2x32x1024xf32, #tpu.memory_space<vmem>> -> memref<1x32x1024xf32, #tpu.memory_space<vmem>>
    %dma_start3A_606 = tpu.memref_squeeze %dma_start3A_605 : memref<1x32x1024xf32, #tpu.memory_space<vmem>> -> memref<32x1024xf32, #tpu.memory_space<vmem>>
    tpu.enqueue_dma source(%dma_start3A_606 : memref<32x1024xf32, #tpu.memory_space<vmem>>) target(%dma_start3A_602 : memref<32x1024xf32, #tpu.memory_space<hbm>>) target_semaphore(%arg9 : memref<!tpu.dma_semaphore, #tpu.memory_space<semaphore_mem>>)
    %dma_wait3A_607 = arith.constant 0 : i32
    %dma_wait3A_608 = arith.constant 0 : i32
    %dma_wait3A_609 = arith.constant 0 : i32
    %dma_wait3A_610 = tpu.memref_slice %arg6[%dma_wait3A_607, %dma_wait3A_608, %dma_wait3A_609] : memref<2x32x1024xf32, #tpu.memory_space<vmem>> -> memref<1x32x1024xf32, #tpu.memory_space<vmem>>
    %dma_wait3A_611 = tpu.memref_squeeze %dma_wait3A_610 : memref<1x32x1024xf32, #tpu.memory_space<vmem>> -> memref<32x1024xf32, #tpu.memory_space<vmem>>
    %dma_wait3A_612 = arith.constant 0 : i32
    %dma_wait3A_613 = tpu.memref_slice %arg4[%add3A_593, %dma_wait3A_612] : memref<16384x1024xf32, #tpu.memory_space<hbm>> -> memref<32x1024xf32, #tpu.memory_space<hbm>>
    %dma_wait3A_614 = arith.constant 0 : i32
    %dma_wait3A_615 = tpu.memref_slice %arg4[%add3A_593, %dma_wait3A_614] : memref<16384x1024xf32, #tpu.memory_space<hbm>> -> memref<32x1024xf32, #tpu.memory_space<hbm>>
    %dma_wait3A_616 = arith.constant 0 : i32
    %dma_wait3A_617 = arith.constant 0 : i32
    %dma_wait3A_618 = tpu.memref_slice %arg6[%dma_wait3A_607, %dma_wait3A_616, %dma_wait3A_617] : memref<2x32x1024xf32, #tpu.memory_space<vmem>> -> memref<1x32x1024xf32, #tpu.memory_space<vmem>>
    %dma_wait3A_619 = tpu.memref_squeeze %dma_wait3A_618 : memref<1x32x1024xf32, #tpu.memory_space<vmem>> -> memref<32x1024xf32, #tpu.memory_space<vmem>>
    tpu.wait_dma2 semaphore(%arg9 : memref<!tpu.dma_semaphore, #tpu.memory_space<semaphore_mem>>) src(%dma_wait3A_619 : memref<32x1024xf32, #tpu.memory_space<vmem>>) dst(%dma_wait3A_615 : memref<32x1024xf32, #tpu.memory_space<hbm>>)
    %add3A_620 = arith.constant 384 : i32
    %add3A_621 = arith.addi %mul3A_2, %add3A_620 : i32
    %run_scoped3A_622 = arith.constant 0 : i32
    "tpu.region"() ({
      %run_scoped3A_880 = tpu.sem_alloc : memref<!tpu.dma_semaphore, #tpu.memory_space<semaphore_mem>>
      %dma_start3A_881 = arith.constant 0 : i32
      %dma_start3A_882 = tpu.memref_slice %arg5[%run_scoped3A_622, %dma_start3A_881] : memref<2x32xi32, #tpu.memory_space<vmem>> -> memref<1x32xi32, #tpu.memory_space<vmem>>
      %dma_start3A_883 = tpu.memref_squeeze %dma_start3A_882 : memref<1x32xi32, #tpu.memory_space<vmem>> -> memref<32xi32, #tpu.memory_space<vmem>>
      %dma_start3A_884 = tpu.memref_slice %arg3[%add3A_621] : memref<16384xi32, #tpu.memory_space<hbm>> -> memref<32xi32, #tpu.memory_space<hbm>>
      %dma_start3A_885 = arith.constant 0 : i32
      %dma_start3A_886 = tpu.memref_slice %arg5[%run_scoped3A_622, %dma_start3A_885] : memref<2x32xi32, #tpu.memory_space<vmem>> -> memref<1x32xi32, #tpu.memory_space<vmem>>
      %dma_start3A_887 = tpu.memref_squeeze %dma_start3A_886 : memref<1x32xi32, #tpu.memory_space<vmem>> -> memref<32xi32, #tpu.memory_space<vmem>>
      %dma_start3A_888 = tpu.memref_slice %arg3[%add3A_621] : memref<16384xi32, #tpu.memory_space<hbm>> -> memref<32xi32, #tpu.memory_space<hbm>>
      tpu.enqueue_dma source(%dma_start3A_888 : memref<32xi32, #tpu.memory_space<hbm>>) target(%dma_start3A_887 : memref<32xi32, #tpu.memory_space<vmem>>) target_semaphore(%run_scoped3A_880 : memref<!tpu.dma_semaphore, #tpu.memory_space<semaphore_mem>>)
      %dma_wait3A_889 = arith.constant 0 : i32
      %dma_wait3A_890 = tpu.memref_slice %arg5[%run_scoped3A_622, %dma_wait3A_889] : memref<2x32xi32, #tpu.memory_space<vmem>> -> memref<1x32xi32, #tpu.memory_space<vmem>>
      %dma_wait3A_891 = tpu.memref_squeeze %dma_wait3A_890 : memref<1x32xi32, #tpu.memory_space<vmem>> -> memref<32xi32, #tpu.memory_space<vmem>>
      %dma_wait3A_892 = tpu.memref_slice %arg3[%add3A_621] : memref<16384xi32, #tpu.memory_space<hbm>> -> memref<32xi32, #tpu.memory_space<hbm>>
      %dma_wait3A_893 = arith.constant 0 : i32
      %dma_wait3A_894 = tpu.memref_slice %arg5[%run_scoped3A_622, %dma_wait3A_893] : memref<2x32xi32, #tpu.memory_space<vmem>> -> memref<1x32xi32, #tpu.memory_space<vmem>>
      %dma_wait3A_895 = tpu.memref_squeeze %dma_wait3A_894 : memref<1x32xi32, #tpu.memory_space<vmem>> -> memref<32xi32, #tpu.memory_space<vmem>>
      %dma_wait3A_896 = tpu.memref_slice %arg3[%add3A_621] : memref<16384xi32, #tpu.memory_space<hbm>> -> memref<32xi32, #tpu.memory_space<hbm>>
      tpu.wait_dma2 semaphore(%run_scoped3A_880 : memref<!tpu.dma_semaphore, #tpu.memory_space<semaphore_mem>>) src(%dma_wait3A_896 : memref<32xi32, #tpu.memory_space<hbm>>) dst(%dma_wait3A_895 : memref<32xi32, #tpu.memory_space<vmem>>)
      tpu.yield
    }) : () -> ()
    %dma_start3A_623 = arith.constant 0 : i32
    %dma_start3A_624 = arith.constant 0 : i32
    %dma_start3A_625 = arith.constant 0 : i32
    %dma_start3A_626 = arith.constant 0 : i32
    %dma_start3A_627 = tpu.memref_slice %arg6[%dma_start3A_624, %dma_start3A_625, %dma_start3A_626] : memref<2x32x1024xf32, #tpu.memory_space<vmem>> -> memref<1x32x1024xf32, #tpu.memory_space<vmem>>
    %dma_start3A_628 = tpu.memref_squeeze %dma_start3A_627 : memref<1x32x1024xf32, #tpu.memory_space<vmem>> -> memref<32x1024xf32, #tpu.memory_space<vmem>>
    %dma_start3A_629 = arith.constant 0 : i32
    %dma_start3A_630 = tpu.memref_slice %arg5[%dma_start3A_623, %dma_start3A_629] : memref<2x32xi32, #tpu.memory_space<vmem>> -> memref<1x32xi32, #tpu.memory_space<vmem>>
    %dma_start3A_631 = tpu.memref_squeeze %dma_start3A_630 : memref<1x32xi32, #tpu.memory_space<vmem>> -> memref<32xi32, #tpu.memory_space<vmem>>
    %dma_start3A_632 = arith.constant 0 : i32
    %dma_start3A_633 = arith.constant 0 : i32
    %dma_start3A_634 = tpu.memref_slice %arg2[%dma_start3A_632, %dma_start3A_633] : memref<20800x1024xf32, #tpu.memory_space<hbm>> -> memref<20800x1024xf32, #tpu.memory_space<hbm>>
    tpu.enqueue_indirect_dma source(%dma_start3A_634 : memref<20800x1024xf32, #tpu.memory_space<hbm>>) target(%dma_start3A_628 : memref<32x1024xf32, #tpu.memory_space<vmem>>) offsets(%dma_start3A_631 : memref<32xi32, #tpu.memory_space<vmem>>) semaphore(%arg7 : memref<!tpu.dma_semaphore, #tpu.memory_space<semaphore_mem>>)
    %dma_wait3A_635 = arith.constant 1 : i32
    %dma_wait3A_636 = arith.constant 1 : i32
    %dma_wait3A_637 = arith.constant 0 : i32
    %dma_wait3A_638 = arith.constant 0 : i32
    %dma_wait3A_639 = tpu.memref_slice %arg6[%dma_wait3A_636, %dma_wait3A_637, %dma_wait3A_638] : memref<2x32x1024xf32, #tpu.memory_space<vmem>> -> memref<1x32x1024xf32, #tpu.memory_space<vmem>>
    %dma_wait3A_640 = tpu.memref_squeeze %dma_wait3A_639 : memref<1x32x1024xf32, #tpu.memory_space<vmem>> -> memref<32x1024xf32, #tpu.memory_space<vmem>>
    %dma_wait3A_641 = arith.constant 0 : i32
    %dma_wait3A_642 = tpu.memref_slice %arg5[%dma_wait3A_635, %dma_wait3A_641] : memref<2x32xi32, #tpu.memory_space<vmem>> -> memref<1x32xi32, #tpu.memory_space<vmem>>
    %dma_wait3A_643 = tpu.memref_squeeze %dma_wait3A_642 : memref<1x32xi32, #tpu.memory_space<vmem>> -> memref<32xi32, #tpu.memory_space<vmem>>
    %dma_wait3A_644 = arith.constant 0 : i32
    %dma_wait3A_645 = arith.constant 0 : i32
    %dma_wait3A_646 = tpu.memref_slice %arg2[%dma_wait3A_644, %dma_wait3A_645] : memref<20800x1024xf32, #tpu.memory_space<hbm>> -> memref<20800x1024xf32, #tpu.memory_space<hbm>>
    tpu.wait_indirect_dma semaphore(%arg8 : memref<!tpu.dma_semaphore, #tpu.memory_space<semaphore_mem>>) src(%dma_wait3A_646 : memref<20800x1024xf32, #tpu.memory_space<hbm>>) dst(%dma_wait3A_640 : memref<32x1024xf32, #tpu.memory_space<vmem>>)
    %add3A_647 = arith.constant 352 : i32
    %add3A_648 = arith.addi %mul3A_2, %add3A_647 : i32
    %dma_start3A_649 = arith.constant 1 : i32
    %dma_start3A_650 = arith.constant 0 : i32
    %dma_start3A_651 = arith.constant 0 : i32
    %dma_start3A_652 = tpu.memref_slice %arg6[%dma_start3A_649, %dma_start3A_650, %dma_start3A_651] : memref<2x32x1024xf32, #tpu.memory_space<vmem>> -> memref<1x32x1024xf32, #tpu.memory_space<vmem>>
    %dma_start3A_653 = tpu.memref_squeeze %dma_start3A_652 : memref<1x32x1024xf32, #tpu.memory_space<vmem>> -> memref<32x1024xf32, #tpu.memory_space<vmem>>
    %dma_start3A_654 = arith.constant 0 : i32
    %dma_start3A_655 = tpu.memref_slice %arg4[%add3A_648, %dma_start3A_654] : memref<16384x1024xf32, #tpu.memory_space<hbm>> -> memref<32x1024xf32, #tpu.memory_space<hbm>>
    %dma_start3A_656 = arith.constant 0 : i32
    %dma_start3A_657 = tpu.memref_slice %arg4[%add3A_648, %dma_start3A_656] : memref<16384x1024xf32, #tpu.memory_space<hbm>> -> memref<32x1024xf32, #tpu.memory_space<hbm>>
    %dma_start3A_658 = arith.constant 0 : i32
    %dma_start3A_659 = arith.constant 0 : i32
    %dma_start3A_660 = tpu.memref_slice %arg6[%dma_start3A_649, %dma_start3A_658, %dma_start3A_659] : memref<2x32x1024xf32, #tpu.memory_space<vmem>> -> memref<1x32x1024xf32, #tpu.memory_space<vmem>>
    %dma_start3A_661 = tpu.memref_squeeze %dma_start3A_660 : memref<1x32x1024xf32, #tpu.memory_space<vmem>> -> memref<32x1024xf32, #tpu.memory_space<vmem>>
    tpu.enqueue_dma source(%dma_start3A_661 : memref<32x1024xf32, #tpu.memory_space<vmem>>) target(%dma_start3A_657 : memref<32x1024xf32, #tpu.memory_space<hbm>>) target_semaphore(%arg10 : memref<!tpu.dma_semaphore, #tpu.memory_space<semaphore_mem>>)
    %dma_wait3A_662 = arith.constant 1 : i32
    %dma_wait3A_663 = arith.constant 0 : i32
    %dma_wait3A_664 = arith.constant 0 : i32
    %dma_wait3A_665 = tpu.memref_slice %arg6[%dma_wait3A_662, %dma_wait3A_663, %dma_wait3A_664] : memref<2x32x1024xf32, #tpu.memory_space<vmem>> -> memref<1x32x1024xf32, #tpu.memory_space<vmem>>
    %dma_wait3A_666 = tpu.memref_squeeze %dma_wait3A_665 : memref<1x32x1024xf32, #tpu.memory_space<vmem>> -> memref<32x1024xf32, #tpu.memory_space<vmem>>
    %dma_wait3A_667 = arith.constant 0 : i32
    %dma_wait3A_668 = tpu.memref_slice %arg4[%add3A_648, %dma_wait3A_667] : memref<16384x1024xf32, #tpu.memory_space<hbm>> -> memref<32x1024xf32, #tpu.memory_space<hbm>>
    %dma_wait3A_669 = arith.constant 0 : i32
    %dma_wait3A_670 = tpu.memref_slice %arg4[%add3A_648, %dma_wait3A_669] : memref<16384x1024xf32, #tpu.memory_space<hbm>> -> memref<32x1024xf32, #tpu.memory_space<hbm>>
    %dma_wait3A_671 = arith.constant 0 : i32
    %dma_wait3A_672 = arith.constant 0 : i32
    %dma_wait3A_673 = tpu.memref_slice %arg6[%dma_wait3A_662, %dma_wait3A_671, %dma_wait3A_672] : memref<2x32x1024xf32, #tpu.memory_space<vmem>> -> memref<1x32x1024xf32, #tpu.memory_space<vmem>>
    %dma_wait3A_674 = tpu.memref_squeeze %dma_wait3A_673 : memref<1x32x1024xf32, #tpu.memory_space<vmem>> -> memref<32x1024xf32, #tpu.memory_space<vmem>>
    tpu.wait_dma2 semaphore(%arg10 : memref<!tpu.dma_semaphore, #tpu.memory_space<semaphore_mem>>) src(%dma_wait3A_674 : memref<32x1024xf32, #tpu.memory_space<vmem>>) dst(%dma_wait3A_670 : memref<32x1024xf32, #tpu.memory_space<hbm>>)
    %add3A_675 = arith.constant 416 : i32
    %add3A_676 = arith.addi %mul3A_2, %add3A_675 : i32
    %run_scoped3A_677 = arith.constant 1 : i32
    "tpu.region"() ({
      %run_scoped3A_880 = tpu.sem_alloc : memref<!tpu.dma_semaphore, #tpu.memory_space<semaphore_mem>>
      %dma_start3A_881 = arith.constant 0 : i32
      %dma_start3A_882 = tpu.memref_slice %arg5[%run_scoped3A_677, %dma_start3A_881] : memref<2x32xi32, #tpu.memory_space<vmem>> -> memref<1x32xi32, #tpu.memory_space<vmem>>
      %dma_start3A_883 = tpu.memref_squeeze %dma_start3A_882 : memref<1x32xi32, #tpu.memory_space<vmem>> -> memref<32xi32, #tpu.memory_space<vmem>>
      %dma_start3A_884 = tpu.memref_slice %arg3[%add3A_676] : memref<16384xi32, #tpu.memory_space<hbm>> -> memref<32xi32, #tpu.memory_space<hbm>>
      %dma_start3A_885 = arith.constant 0 : i32
      %dma_start3A_886 = tpu.memref_slice %arg5[%run_scoped3A_677, %dma_start3A_885] : memref<2x32xi32, #tpu.memory_space<vmem>> -> memref<1x32xi32, #tpu.memory_space<vmem>>
      %dma_start3A_887 = tpu.memref_squeeze %dma_start3A_886 : memref<1x32xi32, #tpu.memory_space<vmem>> -> memref<32xi32, #tpu.memory_space<vmem>>
      %dma_start3A_888 = tpu.memref_slice %arg3[%add3A_676] : memref<16384xi32, #tpu.memory_space<hbm>> -> memref<32xi32, #tpu.memory_space<hbm>>
      tpu.enqueue_dma source(%dma_start3A_888 : memref<32xi32, #tpu.memory_space<hbm>>) target(%dma_start3A_887 : memref<32xi32, #tpu.memory_space<vmem>>) target_semaphore(%run_scoped3A_880 : memref<!tpu.dma_semaphore, #tpu.memory_space<semaphore_mem>>)
      %dma_wait3A_889 = arith.constant 0 : i32
      %dma_wait3A_890 = tpu.memref_slice %arg5[%run_scoped3A_677, %dma_wait3A_889] : memref<2x32xi32, #tpu.memory_space<vmem>> -> memref<1x32xi32, #tpu.memory_space<vmem>>
      %dma_wait3A_891 = tpu.memref_squeeze %dma_wait3A_890 : memref<1x32xi32, #tpu.memory_space<vmem>> -> memref<32xi32, #tpu.memory_space<vmem>>
      %dma_wait3A_892 = tpu.memref_slice %arg3[%add3A_676] : memref<16384xi32, #tpu.memory_space<hbm>> -> memref<32xi32, #tpu.memory_space<hbm>>
      %dma_wait3A_893 = arith.constant 0 : i32
      %dma_wait3A_894 = tpu.memref_slice %arg5[%run_scoped3A_677, %dma_wait3A_893] : memref<2x32xi32, #tpu.memory_space<vmem>> -> memref<1x32xi32, #tpu.memory_space<vmem>>
      %dma_wait3A_895 = tpu.memref_squeeze %dma_wait3A_894 : memref<1x32xi32, #tpu.memory_space<vmem>> -> memref<32xi32, #tpu.memory_space<vmem>>
      %dma_wait3A_896 = tpu.memref_slice %arg3[%add3A_676] : memref<16384xi32, #tpu.memory_space<hbm>> -> memref<32xi32, #tpu.memory_space<hbm>>
      tpu.wait_dma2 semaphore(%run_scoped3A_880 : memref<!tpu.dma_semaphore, #tpu.memory_space<semaphore_mem>>) src(%dma_wait3A_896 : memref<32xi32, #tpu.memory_space<hbm>>) dst(%dma_wait3A_895 : memref<32xi32, #tpu.memory_space<vmem>>)
      tpu.yield
    }) : () -> ()
    %dma_start3A_678 = arith.constant 1 : i32
    %dma_start3A_679 = arith.constant 1 : i32
    %dma_start3A_680 = arith.constant 0 : i32
    %dma_start3A_681 = arith.constant 0 : i32
    %dma_start3A_682 = tpu.memref_slice %arg6[%dma_start3A_679, %dma_start3A_680, %dma_start3A_681] : memref<2x32x1024xf32, #tpu.memory_space<vmem>> -> memref<1x32x1024xf32, #tpu.memory_space<vmem>>
    %dma_start3A_683 = tpu.memref_squeeze %dma_start3A_682 : memref<1x32x1024xf32, #tpu.memory_space<vmem>> -> memref<32x1024xf32, #tpu.memory_space<vmem>>
    %dma_start3A_684 = arith.constant 0 : i32
    %dma_start3A_685 = tpu.memref_slice %arg5[%dma_start3A_678, %dma_start3A_684] : memref<2x32xi32, #tpu.memory_space<vmem>> -> memref<1x32xi32, #tpu.memory_space<vmem>>
    %dma_start3A_686 = tpu.memref_squeeze %dma_start3A_685 : memref<1x32xi32, #tpu.memory_space<vmem>> -> memref<32xi32, #tpu.memory_space<vmem>>
    %dma_start3A_687 = arith.constant 0 : i32
    %dma_start3A_688 = arith.constant 0 : i32
    %dma_start3A_689 = tpu.memref_slice %arg2[%dma_start3A_687, %dma_start3A_688] : memref<20800x1024xf32, #tpu.memory_space<hbm>> -> memref<20800x1024xf32, #tpu.memory_space<hbm>>
    tpu.enqueue_indirect_dma source(%dma_start3A_689 : memref<20800x1024xf32, #tpu.memory_space<hbm>>) target(%dma_start3A_683 : memref<32x1024xf32, #tpu.memory_space<vmem>>) offsets(%dma_start3A_686 : memref<32xi32, #tpu.memory_space<vmem>>) semaphore(%arg8 : memref<!tpu.dma_semaphore, #tpu.memory_space<semaphore_mem>>)
    %dma_wait3A_690 = arith.constant 0 : i32
    %dma_wait3A_691 = arith.constant 0 : i32
    %dma_wait3A_692 = arith.constant 0 : i32
    %dma_wait3A_693 = arith.constant 0 : i32
    %dma_wait3A_694 = tpu.memref_slice %arg6[%dma_wait3A_691, %dma_wait3A_692, %dma_wait3A_693] : memref<2x32x1024xf32, #tpu.memory_space<vmem>> -> memref<1x32x1024xf32, #tpu.memory_space<vmem>>
    %dma_wait3A_695 = tpu.memref_squeeze %dma_wait3A_694 : memref<1x32x1024xf32, #tpu.memory_space<vmem>> -> memref<32x1024xf32, #tpu.memory_space<vmem>>
    %dma_wait3A_696 = arith.constant 0 : i32
    %dma_wait3A_697 = tpu.memref_slice %arg5[%dma_wait3A_690, %dma_wait3A_696] : memref<2x32xi32, #tpu.memory_space<vmem>> -> memref<1x32xi32, #tpu.memory_space<vmem>>
    %dma_wait3A_698 = tpu.memref_squeeze %dma_wait3A_697 : memref<1x32xi32, #tpu.memory_space<vmem>> -> memref<32xi32, #tpu.memory_space<vmem>>
    %dma_wait3A_699 = arith.constant 0 : i32
    %dma_wait3A_700 = arith.constant 0 : i32
    %dma_wait3A_701 = tpu.memref_slice %arg2[%dma_wait3A_699, %dma_wait3A_700] : memref<20800x1024xf32, #tpu.memory_space<hbm>> -> memref<20800x1024xf32, #tpu.memory_space<hbm>>
    tpu.wait_indirect_dma semaphore(%arg7 : memref<!tpu.dma_semaphore, #tpu.memory_space<semaphore_mem>>) src(%dma_wait3A_701 : memref<20800x1024xf32, #tpu.memory_space<hbm>>) dst(%dma_wait3A_695 : memref<32x1024xf32, #tpu.memory_space<vmem>>)
    %add3A_702 = arith.constant 384 : i32
    %add3A_703 = arith.addi %mul3A_2, %add3A_702 : i32
    %dma_start3A_704 = arith.constant 0 : i32
    %dma_start3A_705 = arith.constant 0 : i32
    %dma_start3A_706 = arith.constant 0 : i32
    %dma_start3A_707 = tpu.memref_slice %arg6[%dma_start3A_704, %dma_start3A_705, %dma_start3A_706] : memref<2x32x1024xf32, #tpu.memory_space<vmem>> -> memref<1x32x1024xf32, #tpu.memory_space<vmem>>
    %dma_start3A_708 = tpu.memref_squeeze %dma_start3A_707 : memref<1x32x1024xf32, #tpu.memory_space<vmem>> -> memref<32x1024xf32, #tpu.memory_space<vmem>>
    %dma_start3A_709 = arith.constant 0 : i32
    %dma_start3A_710 = tpu.memref_slice %arg4[%add3A_703, %dma_start3A_709] : memref<16384x1024xf32, #tpu.memory_space<hbm>> -> memref<32x1024xf32, #tpu.memory_space<hbm>>
    %dma_start3A_711 = arith.constant 0 : i32
    %dma_start3A_712 = tpu.memref_slice %arg4[%add3A_703, %dma_start3A_711] : memref<16384x1024xf32, #tpu.memory_space<hbm>> -> memref<32x1024xf32, #tpu.memory_space<hbm>>
    %dma_start3A_713 = arith.constant 0 : i32
    %dma_start3A_714 = arith.constant 0 : i32
    %dma_start3A_715 = tpu.memref_slice %arg6[%dma_start3A_704, %dma_start3A_713, %dma_start3A_714] : memref<2x32x1024xf32, #tpu.memory_space<vmem>> -> memref<1x32x1024xf32, #tpu.memory_space<vmem>>
    %dma_start3A_716 = tpu.memref_squeeze %dma_start3A_715 : memref<1x32x1024xf32, #tpu.memory_space<vmem>> -> memref<32x1024xf32, #tpu.memory_space<vmem>>
    tpu.enqueue_dma source(%dma_start3A_716 : memref<32x1024xf32, #tpu.memory_space<vmem>>) target(%dma_start3A_712 : memref<32x1024xf32, #tpu.memory_space<hbm>>) target_semaphore(%arg9 : memref<!tpu.dma_semaphore, #tpu.memory_space<semaphore_mem>>)
    %dma_wait3A_717 = arith.constant 0 : i32
    %dma_wait3A_718 = arith.constant 0 : i32
    %dma_wait3A_719 = arith.constant 0 : i32
    %dma_wait3A_720 = tpu.memref_slice %arg6[%dma_wait3A_717, %dma_wait3A_718, %dma_wait3A_719] : memref<2x32x1024xf32, #tpu.memory_space<vmem>> -> memref<1x32x1024xf32, #tpu.memory_space<vmem>>
    %dma_wait3A_721 = tpu.memref_squeeze %dma_wait3A_720 : memref<1x32x1024xf32, #tpu.memory_space<vmem>> -> memref<32x1024xf32, #tpu.memory_space<vmem>>
    %dma_wait3A_722 = arith.constant 0 : i32
    %dma_wait3A_723 = tpu.memref_slice %arg4[%add3A_703, %dma_wait3A_722] : memref<16384x1024xf32, #tpu.memory_space<hbm>> -> memref<32x1024xf32, #tpu.memory_space<hbm>>
    %dma_wait3A_724 = arith.constant 0 : i32
    %dma_wait3A_725 = tpu.memref_slice %arg4[%add3A_703, %dma_wait3A_724] : memref<16384x1024xf32, #tpu.memory_space<hbm>> -> memref<32x1024xf32, #tpu.memory_space<hbm>>
    %dma_wait3A_726 = arith.constant 0 : i32
    %dma_wait3A_727 = arith.constant 0 : i32
    %dma_wait3A_728 = tpu.memref_slice %arg6[%dma_wait3A_717, %dma_wait3A_726, %dma_wait3A_727] : memref<2x32x1024xf32, #tpu.memory_space<vmem>> -> memref<1x32x1024xf32, #tpu.memory_space<vmem>>
    %dma_wait3A_729 = tpu.memref_squeeze %dma_wait3A_728 : memref<1x32x1024xf32, #tpu.memory_space<vmem>> -> memref<32x1024xf32, #tpu.memory_space<vmem>>
    tpu.wait_dma2 semaphore(%arg9 : memref<!tpu.dma_semaphore, #tpu.memory_space<semaphore_mem>>) src(%dma_wait3A_729 : memref<32x1024xf32, #tpu.memory_space<vmem>>) dst(%dma_wait3A_725 : memref<32x1024xf32, #tpu.memory_space<hbm>>)
    %add3A_730 = arith.constant 448 : i32
    %add3A_731 = arith.addi %mul3A_2, %add3A_730 : i32
    %run_scoped3A_732 = arith.constant 0 : i32
    "tpu.region"() ({
      %run_scoped3A_880 = tpu.sem_alloc : memref<!tpu.dma_semaphore, #tpu.memory_space<semaphore_mem>>
      %dma_start3A_881 = arith.constant 0 : i32
      %dma_start3A_882 = tpu.memref_slice %arg5[%run_scoped3A_732, %dma_start3A_881] : memref<2x32xi32, #tpu.memory_space<vmem>> -> memref<1x32xi32, #tpu.memory_space<vmem>>
      %dma_start3A_883 = tpu.memref_squeeze %dma_start3A_882 : memref<1x32xi32, #tpu.memory_space<vmem>> -> memref<32xi32, #tpu.memory_space<vmem>>
      %dma_start3A_884 = tpu.memref_slice %arg3[%add3A_731] : memref<16384xi32, #tpu.memory_space<hbm>> -> memref<32xi32, #tpu.memory_space<hbm>>
      %dma_start3A_885 = arith.constant 0 : i32
      %dma_start3A_886 = tpu.memref_slice %arg5[%run_scoped3A_732, %dma_start3A_885] : memref<2x32xi32, #tpu.memory_space<vmem>> -> memref<1x32xi32, #tpu.memory_space<vmem>>
      %dma_start3A_887 = tpu.memref_squeeze %dma_start3A_886 : memref<1x32xi32, #tpu.memory_space<vmem>> -> memref<32xi32, #tpu.memory_space<vmem>>
      %dma_start3A_888 = tpu.memref_slice %arg3[%add3A_731] : memref<16384xi32, #tpu.memory_space<hbm>> -> memref<32xi32, #tpu.memory_space<hbm>>
      tpu.enqueue_dma source(%dma_start3A_888 : memref<32xi32, #tpu.memory_space<hbm>>) target(%dma_start3A_887 : memref<32xi32, #tpu.memory_space<vmem>>) target_semaphore(%run_scoped3A_880 : memref<!tpu.dma_semaphore, #tpu.memory_space<semaphore_mem>>)
      %dma_wait3A_889 = arith.constant 0 : i32
      %dma_wait3A_890 = tpu.memref_slice %arg5[%run_scoped3A_732, %dma_wait3A_889] : memref<2x32xi32, #tpu.memory_space<vmem>> -> memref<1x32xi32, #tpu.memory_space<vmem>>
      %dma_wait3A_891 = tpu.memref_squeeze %dma_wait3A_890 : memref<1x32xi32, #tpu.memory_space<vmem>> -> memref<32xi32, #tpu.memory_space<vmem>>
      %dma_wait3A_892 = tpu.memref_slice %arg3[%add3A_731] : memref<16384xi32, #tpu.memory_space<hbm>> -> memref<32xi32, #tpu.memory_space<hbm>>
      %dma_wait3A_893 = arith.constant 0 : i32
      %dma_wait3A_894 = tpu.memref_slice %arg5[%run_scoped3A_732, %dma_wait3A_893] : memref<2x32xi32, #tpu.memory_space<vmem>> -> memref<1x32xi32, #tpu.memory_space<vmem>>
      %dma_wait3A_895 = tpu.memref_squeeze %dma_wait3A_894 : memref<1x32xi32, #tpu.memory_space<vmem>> -> memref<32xi32, #tpu.memory_space<vmem>>
      %dma_wait3A_896 = tpu.memref_slice %arg3[%add3A_731] : memref<16384xi32, #tpu.memory_space<hbm>> -> memref<32xi32, #tpu.memory_space<hbm>>
      tpu.wait_dma2 semaphore(%run_scoped3A_880 : memref<!tpu.dma_semaphore, #tpu.memory_space<semaphore_mem>>) src(%dma_wait3A_896 : memref<32xi32, #tpu.memory_space<hbm>>) dst(%dma_wait3A_895 : memref<32xi32, #tpu.memory_space<vmem>>)
      tpu.yield
    }) : () -> ()
    %dma_start3A_733 = arith.constant 0 : i32
    %dma_start3A_734 = arith.constant 0 : i32
    %dma_start3A_735 = arith.constant 0 : i32
    %dma_start3A_736 = arith.constant 0 : i32
    %dma_start3A_737 = tpu.memref_slice %arg6[%dma_start3A_734, %dma_start3A_735, %dma_start3A_736] : memref<2x32x1024xf32, #tpu.memory_space<vmem>> -> memref<1x32x1024xf32, #tpu.memory_space<vmem>>
    %dma_start3A_738 = tpu.memref_squeeze %dma_start3A_737 : memref<1x32x1024xf32, #tpu.memory_space<vmem>> -> memref<32x1024xf32, #tpu.memory_space<vmem>>
    %dma_start3A_739 = arith.constant 0 : i32
    %dma_start3A_740 = tpu.memref_slice %arg5[%dma_start3A_733, %dma_start3A_739] : memref<2x32xi32, #tpu.memory_space<vmem>> -> memref<1x32xi32, #tpu.memory_space<vmem>>
    %dma_start3A_741 = tpu.memref_squeeze %dma_start3A_740 : memref<1x32xi32, #tpu.memory_space<vmem>> -> memref<32xi32, #tpu.memory_space<vmem>>
    %dma_start3A_742 = arith.constant 0 : i32
    %dma_start3A_743 = arith.constant 0 : i32
    %dma_start3A_744 = tpu.memref_slice %arg2[%dma_start3A_742, %dma_start3A_743] : memref<20800x1024xf32, #tpu.memory_space<hbm>> -> memref<20800x1024xf32, #tpu.memory_space<hbm>>
    tpu.enqueue_indirect_dma source(%dma_start3A_744 : memref<20800x1024xf32, #tpu.memory_space<hbm>>) target(%dma_start3A_738 : memref<32x1024xf32, #tpu.memory_space<vmem>>) offsets(%dma_start3A_741 : memref<32xi32, #tpu.memory_space<vmem>>) semaphore(%arg7 : memref<!tpu.dma_semaphore, #tpu.memory_space<semaphore_mem>>)
    %dma_wait3A_745 = arith.constant 1 : i32
    %dma_wait3A_746 = arith.constant 1 : i32
    %dma_wait3A_747 = arith.constant 0 : i32
    %dma_wait3A_748 = arith.constant 0 : i32
    %dma_wait3A_749 = tpu.memref_slice %arg6[%dma_wait3A_746, %dma_wait3A_747, %dma_wait3A_748] : memref<2x32x1024xf32, #tpu.memory_space<vmem>> -> memref<1x32x1024xf32, #tpu.memory_space<vmem>>
    %dma_wait3A_750 = tpu.memref_squeeze %dma_wait3A_749 : memref<1x32x1024xf32, #tpu.memory_space<vmem>> -> memref<32x1024xf32, #tpu.memory_space<vmem>>
    %dma_wait3A_751 = arith.constant 0 : i32
    %dma_wait3A_752 = tpu.memref_slice %arg5[%dma_wait3A_745, %dma_wait3A_751] : memref<2x32xi32, #tpu.memory_space<vmem>> -> memref<1x32xi32, #tpu.memory_space<vmem>>
    %dma_wait3A_753 = tpu.memref_squeeze %dma_wait3A_752 : memref<1x32xi32, #tpu.memory_space<vmem>> -> memref<32xi32, #tpu.memory_space<vmem>>
    %dma_wait3A_754 = arith.constant 0 : i32
    %dma_wait3A_755 = arith.constant 0 : i32
    %dma_wait3A_756 = tpu.memref_slice %arg2[%dma_wait3A_754, %dma_wait3A_755] : memref<20800x1024xf32, #tpu.memory_space<hbm>> -> memref<20800x1024xf32, #tpu.memory_space<hbm>>
    tpu.wait_indirect_dma semaphore(%arg8 : memref<!tpu.dma_semaphore, #tpu.memory_space<semaphore_mem>>) src(%dma_wait3A_756 : memref<20800x1024xf32, #tpu.memory_space<hbm>>) dst(%dma_wait3A_750 : memref<32x1024xf32, #tpu.memory_space<vmem>>)
    %add3A_757 = arith.constant 416 : i32
    %add3A_758 = arith.addi %mul3A_2, %add3A_757 : i32
    %dma_start3A_759 = arith.constant 1 : i32
    %dma_start3A_760 = arith.constant 0 : i32
    %dma_start3A_761 = arith.constant 0 : i32
    %dma_start3A_762 = tpu.memref_slice %arg6[%dma_start3A_759, %dma_start3A_760, %dma_start3A_761] : memref<2x32x1024xf32, #tpu.memory_space<vmem>> -> memref<1x32x1024xf32, #tpu.memory_space<vmem>>
    %dma_start3A_763 = tpu.memref_squeeze %dma_start3A_762 : memref<1x32x1024xf32, #tpu.memory_space<vmem>> -> memref<32x1024xf32, #tpu.memory_space<vmem>>
    %dma_start3A_764 = arith.constant 0 : i32
    %dma_start3A_765 = tpu.memref_slice %arg4[%add3A_758, %dma_start3A_764] : memref<16384x1024xf32, #tpu.memory_space<hbm>> -> memref<32x1024xf32, #tpu.memory_space<hbm>>
    %dma_start3A_766 = arith.constant 0 : i32
    %dma_start3A_767 = tpu.memref_slice %arg4[%add3A_758, %dma_start3A_766] : memref<16384x1024xf32, #tpu.memory_space<hbm>> -> memref<32x1024xf32, #tpu.memory_space<hbm>>
    %dma_start3A_768 = arith.constant 0 : i32
    %dma_start3A_769 = arith.constant 0 : i32
    %dma_start3A_770 = tpu.memref_slice %arg6[%dma_start3A_759, %dma_start3A_768, %dma_start3A_769] : memref<2x32x1024xf32, #tpu.memory_space<vmem>> -> memref<1x32x1024xf32, #tpu.memory_space<vmem>>
    %dma_start3A_771 = tpu.memref_squeeze %dma_start3A_770 : memref<1x32x1024xf32, #tpu.memory_space<vmem>> -> memref<32x1024xf32, #tpu.memory_space<vmem>>
    tpu.enqueue_dma source(%dma_start3A_771 : memref<32x1024xf32, #tpu.memory_space<vmem>>) target(%dma_start3A_767 : memref<32x1024xf32, #tpu.memory_space<hbm>>) target_semaphore(%arg10 : memref<!tpu.dma_semaphore, #tpu.memory_space<semaphore_mem>>)
    %dma_wait3A_772 = arith.constant 1 : i32
    %dma_wait3A_773 = arith.constant 0 : i32
    %dma_wait3A_774 = arith.constant 0 : i32
    %dma_wait3A_775 = tpu.memref_slice %arg6[%dma_wait3A_772, %dma_wait3A_773, %dma_wait3A_774] : memref<2x32x1024xf32, #tpu.memory_space<vmem>> -> memref<1x32x1024xf32, #tpu.memory_space<vmem>>
    %dma_wait3A_776 = tpu.memref_squeeze %dma_wait3A_775 : memref<1x32x1024xf32, #tpu.memory_space<vmem>> -> memref<32x1024xf32, #tpu.memory_space<vmem>>
    %dma_wait3A_777 = arith.constant 0 : i32
    %dma_wait3A_778 = tpu.memref_slice %arg4[%add3A_758, %dma_wait3A_777] : memref<16384x1024xf32, #tpu.memory_space<hbm>> -> memref<32x1024xf32, #tpu.memory_space<hbm>>
    %dma_wait3A_779 = arith.constant 0 : i32
    %dma_wait3A_780 = tpu.memref_slice %arg4[%add3A_758, %dma_wait3A_779] : memref<16384x1024xf32, #tpu.memory_space<hbm>> -> memref<32x1024xf32, #tpu.memory_space<hbm>>
    %dma_wait3A_781 = arith.constant 0 : i32
    %dma_wait3A_782 = arith.constant 0 : i32
    %dma_wait3A_783 = tpu.memref_slice %arg6[%dma_wait3A_772, %dma_wait3A_781, %dma_wait3A_782] : memref<2x32x1024xf32, #tpu.memory_space<vmem>> -> memref<1x32x1024xf32, #tpu.memory_space<vmem>>
    %dma_wait3A_784 = tpu.memref_squeeze %dma_wait3A_783 : memref<1x32x1024xf32, #tpu.memory_space<vmem>> -> memref<32x1024xf32, #tpu.memory_space<vmem>>
    tpu.wait_dma2 semaphore(%arg10 : memref<!tpu.dma_semaphore, #tpu.memory_space<semaphore_mem>>) src(%dma_wait3A_784 : memref<32x1024xf32, #tpu.memory_space<vmem>>) dst(%dma_wait3A_780 : memref<32x1024xf32, #tpu.memory_space<hbm>>)
    %add3A_785 = arith.constant 480 : i32
    %add3A_786 = arith.addi %mul3A_2, %add3A_785 : i32
    %run_scoped3A_787 = arith.constant 1 : i32
    "tpu.region"() ({
      %run_scoped3A_880 = tpu.sem_alloc : memref<!tpu.dma_semaphore, #tpu.memory_space<semaphore_mem>>
      %dma_start3A_881 = arith.constant 0 : i32
      %dma_start3A_882 = tpu.memref_slice %arg5[%run_scoped3A_787, %dma_start3A_881] : memref<2x32xi32, #tpu.memory_space<vmem>> -> memref<1x32xi32, #tpu.memory_space<vmem>>
      %dma_start3A_883 = tpu.memref_squeeze %dma_start3A_882 : memref<1x32xi32, #tpu.memory_space<vmem>> -> memref<32xi32, #tpu.memory_space<vmem>>
      %dma_start3A_884 = tpu.memref_slice %arg3[%add3A_786] : memref<16384xi32, #tpu.memory_space<hbm>> -> memref<32xi32, #tpu.memory_space<hbm>>
      %dma_start3A_885 = arith.constant 0 : i32
      %dma_start3A_886 = tpu.memref_slice %arg5[%run_scoped3A_787, %dma_start3A_885] : memref<2x32xi32, #tpu.memory_space<vmem>> -> memref<1x32xi32, #tpu.memory_space<vmem>>
      %dma_start3A_887 = tpu.memref_squeeze %dma_start3A_886 : memref<1x32xi32, #tpu.memory_space<vmem>> -> memref<32xi32, #tpu.memory_space<vmem>>
      %dma_start3A_888 = tpu.memref_slice %arg3[%add3A_786] : memref<16384xi32, #tpu.memory_space<hbm>> -> memref<32xi32, #tpu.memory_space<hbm>>
      tpu.enqueue_dma source(%dma_start3A_888 : memref<32xi32, #tpu.memory_space<hbm>>) target(%dma_start3A_887 : memref<32xi32, #tpu.memory_space<vmem>>) target_semaphore(%run_scoped3A_880 : memref<!tpu.dma_semaphore, #tpu.memory_space<semaphore_mem>>)
      %dma_wait3A_889 = arith.constant 0 : i32
      %dma_wait3A_890 = tpu.memref_slice %arg5[%run_scoped3A_787, %dma_wait3A_889] : memref<2x32xi32, #tpu.memory_space<vmem>> -> memref<1x32xi32, #tpu.memory_space<vmem>>
      %dma_wait3A_891 = tpu.memref_squeeze %dma_wait3A_890 : memref<1x32xi32, #tpu.memory_space<vmem>> -> memref<32xi32, #tpu.memory_space<vmem>>
      %dma_wait3A_892 = tpu.memref_slice %arg3[%add3A_786] : memref<16384xi32, #tpu.memory_space<hbm>> -> memref<32xi32, #tpu.memory_space<hbm>>
      %dma_wait3A_893 = arith.constant 0 : i32
      %dma_wait3A_894 = tpu.memref_slice %arg5[%run_scoped3A_787, %dma_wait3A_893] : memref<2x32xi32, #tpu.memory_space<vmem>> -> memref<1x32xi32, #tpu.memory_space<vmem>>
      %dma_wait3A_895 = tpu.memref_squeeze %dma_wait3A_894 : memref<1x32xi32, #tpu.memory_space<vmem>> -> memref<32xi32, #tpu.memory_space<vmem>>
      %dma_wait3A_896 = tpu.memref_slice %arg3[%add3A_786] : memref<16384xi32, #tpu.memory_space<hbm>> -> memref<32xi32, #tpu.memory_space<hbm>>
      tpu.wait_dma2 semaphore(%run_scoped3A_880 : memref<!tpu.dma_semaphore, #tpu.memory_space<semaphore_mem>>) src(%dma_wait3A_896 : memref<32xi32, #tpu.memory_space<hbm>>) dst(%dma_wait3A_895 : memref<32xi32, #tpu.memory_space<vmem>>)
      tpu.yield
    }) : () -> ()
    %dma_start3A_788 = arith.constant 1 : i32
    %dma_start3A_789 = arith.constant 1 : i32
    %dma_start3A_790 = arith.constant 0 : i32
    %dma_start3A_791 = arith.constant 0 : i32
    %dma_start3A_792 = tpu.memref_slice %arg6[%dma_start3A_789, %dma_start3A_790, %dma_start3A_791] : memref<2x32x1024xf32, #tpu.memory_space<vmem>> -> memref<1x32x1024xf32, #tpu.memory_space<vmem>>
    %dma_start3A_793 = tpu.memref_squeeze %dma_start3A_792 : memref<1x32x1024xf32, #tpu.memory_space<vmem>> -> memref<32x1024xf32, #tpu.memory_space<vmem>>
    %dma_start3A_794 = arith.constant 0 : i32
    %dma_start3A_795 = tpu.memref_slice %arg5[%dma_start3A_788, %dma_start3A_794] : memref<2x32xi32, #tpu.memory_space<vmem>> -> memref<1x32xi32, #tpu.memory_space<vmem>>
    %dma_start3A_796 = tpu.memref_squeeze %dma_start3A_795 : memref<1x32xi32, #tpu.memory_space<vmem>> -> memref<32xi32, #tpu.memory_space<vmem>>
    %dma_start3A_797 = arith.constant 0 : i32
    %dma_start3A_798 = arith.constant 0 : i32
    %dma_start3A_799 = tpu.memref_slice %arg2[%dma_start3A_797, %dma_start3A_798] : memref<20800x1024xf32, #tpu.memory_space<hbm>> -> memref<20800x1024xf32, #tpu.memory_space<hbm>>
    tpu.enqueue_indirect_dma source(%dma_start3A_799 : memref<20800x1024xf32, #tpu.memory_space<hbm>>) target(%dma_start3A_793 : memref<32x1024xf32, #tpu.memory_space<vmem>>) offsets(%dma_start3A_796 : memref<32xi32, #tpu.memory_space<vmem>>) semaphore(%arg8 : memref<!tpu.dma_semaphore, #tpu.memory_space<semaphore_mem>>)
    %dma_wait3A_800 = arith.constant 0 : i32
    %dma_wait3A_801 = arith.constant 0 : i32
    %dma_wait3A_802 = arith.constant 0 : i32
    %dma_wait3A_803 = arith.constant 0 : i32
    %dma_wait3A_804 = tpu.memref_slice %arg6[%dma_wait3A_801, %dma_wait3A_802, %dma_wait3A_803] : memref<2x32x1024xf32, #tpu.memory_space<vmem>> -> memref<1x32x1024xf32, #tpu.memory_space<vmem>>
    %dma_wait3A_805 = tpu.memref_squeeze %dma_wait3A_804 : memref<1x32x1024xf32, #tpu.memory_space<vmem>> -> memref<32x1024xf32, #tpu.memory_space<vmem>>
    %dma_wait3A_806 = arith.constant 0 : i32
    %dma_wait3A_807 = tpu.memref_slice %arg5[%dma_wait3A_800, %dma_wait3A_806] : memref<2x32xi32, #tpu.memory_space<vmem>> -> memref<1x32xi32, #tpu.memory_space<vmem>>
    %dma_wait3A_808 = tpu.memref_squeeze %dma_wait3A_807 : memref<1x32xi32, #tpu.memory_space<vmem>> -> memref<32xi32, #tpu.memory_space<vmem>>
    %dma_wait3A_809 = arith.constant 0 : i32
    %dma_wait3A_810 = arith.constant 0 : i32
    %dma_wait3A_811 = tpu.memref_slice %arg2[%dma_wait3A_809, %dma_wait3A_810] : memref<20800x1024xf32, #tpu.memory_space<hbm>> -> memref<20800x1024xf32, #tpu.memory_space<hbm>>
    tpu.wait_indirect_dma semaphore(%arg7 : memref<!tpu.dma_semaphore, #tpu.memory_space<semaphore_mem>>) src(%dma_wait3A_811 : memref<20800x1024xf32, #tpu.memory_space<hbm>>) dst(%dma_wait3A_805 : memref<32x1024xf32, #tpu.memory_space<vmem>>)
    %add3A_812 = arith.constant 448 : i32
    %add3A_813 = arith.addi %mul3A_2, %add3A_812 : i32
    %dma_start3A_814 = arith.constant 0 : i32
    %dma_start3A_815 = arith.constant 0 : i32
    %dma_start3A_816 = arith.constant 0 : i32
    %dma_start3A_817 = tpu.memref_slice %arg6[%dma_start3A_814, %dma_start3A_815, %dma_start3A_816] : memref<2x32x1024xf32, #tpu.memory_space<vmem>> -> memref<1x32x1024xf32, #tpu.memory_space<vmem>>
    %dma_start3A_818 = tpu.memref_squeeze %dma_start3A_817 : memref<1x32x1024xf32, #tpu.memory_space<vmem>> -> memref<32x1024xf32, #tpu.memory_space<vmem>>
    %dma_start3A_819 = arith.constant 0 : i32
    %dma_start3A_820 = tpu.memref_slice %arg4[%add3A_813, %dma_start3A_819] : memref<16384x1024xf32, #tpu.memory_space<hbm>> -> memref<32x1024xf32, #tpu.memory_space<hbm>>
    %dma_start3A_821 = arith.constant 0 : i32
    %dma_start3A_822 = tpu.memref_slice %arg4[%add3A_813, %dma_start3A_821] : memref<16384x1024xf32, #tpu.memory_space<hbm>> -> memref<32x1024xf32, #tpu.memory_space<hbm>>
    %dma_start3A_823 = arith.constant 0 : i32
    %dma_start3A_824 = arith.constant 0 : i32
    %dma_start3A_825 = tpu.memref_slice %arg6[%dma_start3A_814, %dma_start3A_823, %dma_start3A_824] : memref<2x32x1024xf32, #tpu.memory_space<vmem>> -> memref<1x32x1024xf32, #tpu.memory_space<vmem>>
    %dma_start3A_826 = tpu.memref_squeeze %dma_start3A_825 : memref<1x32x1024xf32, #tpu.memory_space<vmem>> -> memref<32x1024xf32, #tpu.memory_space<vmem>>
    tpu.enqueue_dma source(%dma_start3A_826 : memref<32x1024xf32, #tpu.memory_space<vmem>>) target(%dma_start3A_822 : memref<32x1024xf32, #tpu.memory_space<hbm>>) target_semaphore(%arg9 : memref<!tpu.dma_semaphore, #tpu.memory_space<semaphore_mem>>)
    %dma_wait3A_827 = arith.constant 1 : i32
    %dma_wait3A_828 = arith.constant 1 : i32
    %dma_wait3A_829 = arith.constant 0 : i32
    %dma_wait3A_830 = arith.constant 0 : i32
    %dma_wait3A_831 = tpu.memref_slice %arg6[%dma_wait3A_828, %dma_wait3A_829, %dma_wait3A_830] : memref<2x32x1024xf32, #tpu.memory_space<vmem>> -> memref<1x32x1024xf32, #tpu.memory_space<vmem>>
    %dma_wait3A_832 = tpu.memref_squeeze %dma_wait3A_831 : memref<1x32x1024xf32, #tpu.memory_space<vmem>> -> memref<32x1024xf32, #tpu.memory_space<vmem>>
    %dma_wait3A_833 = arith.constant 0 : i32
    %dma_wait3A_834 = tpu.memref_slice %arg5[%dma_wait3A_827, %dma_wait3A_833] : memref<2x32xi32, #tpu.memory_space<vmem>> -> memref<1x32xi32, #tpu.memory_space<vmem>>
    %dma_wait3A_835 = tpu.memref_squeeze %dma_wait3A_834 : memref<1x32xi32, #tpu.memory_space<vmem>> -> memref<32xi32, #tpu.memory_space<vmem>>
    %dma_wait3A_836 = arith.constant 0 : i32
    %dma_wait3A_837 = arith.constant 0 : i32
    %dma_wait3A_838 = tpu.memref_slice %arg2[%dma_wait3A_836, %dma_wait3A_837] : memref<20800x1024xf32, #tpu.memory_space<hbm>> -> memref<20800x1024xf32, #tpu.memory_space<hbm>>
    tpu.wait_indirect_dma semaphore(%arg8 : memref<!tpu.dma_semaphore, #tpu.memory_space<semaphore_mem>>) src(%dma_wait3A_838 : memref<20800x1024xf32, #tpu.memory_space<hbm>>) dst(%dma_wait3A_832 : memref<32x1024xf32, #tpu.memory_space<vmem>>)
    %add3A_839 = arith.constant 480 : i32
    %add3A_840 = arith.addi %mul3A_2, %add3A_839 : i32
    %dma_start3A_841 = arith.constant 1 : i32
    %dma_start3A_842 = arith.constant 0 : i32
    %dma_start3A_843 = arith.constant 0 : i32
    %dma_start3A_844 = tpu.memref_slice %arg6[%dma_start3A_841, %dma_start3A_842, %dma_start3A_843] : memref<2x32x1024xf32, #tpu.memory_space<vmem>> -> memref<1x32x1024xf32, #tpu.memory_space<vmem>>
    %dma_start3A_845 = tpu.memref_squeeze %dma_start3A_844 : memref<1x32x1024xf32, #tpu.memory_space<vmem>> -> memref<32x1024xf32, #tpu.memory_space<vmem>>
    %dma_start3A_846 = arith.constant 0 : i32
    %dma_start3A_847 = tpu.memref_slice %arg4[%add3A_840, %dma_start3A_846] : memref<16384x1024xf32, #tpu.memory_space<hbm>> -> memref<32x1024xf32, #tpu.memory_space<hbm>>
    %dma_start3A_848 = arith.constant 0 : i32
    %dma_start3A_849 = tpu.memref_slice %arg4[%add3A_840, %dma_start3A_848] : memref<16384x1024xf32, #tpu.memory_space<hbm>> -> memref<32x1024xf32, #tpu.memory_space<hbm>>
    %dma_start3A_850 = arith.constant 0 : i32
    %dma_start3A_851 = arith.constant 0 : i32
    %dma_start3A_852 = tpu.memref_slice %arg6[%dma_start3A_841, %dma_start3A_850, %dma_start3A_851] : memref<2x32x1024xf32, #tpu.memory_space<vmem>> -> memref<1x32x1024xf32, #tpu.memory_space<vmem>>
    %dma_start3A_853 = tpu.memref_squeeze %dma_start3A_852 : memref<1x32x1024xf32, #tpu.memory_space<vmem>> -> memref<32x1024xf32, #tpu.memory_space<vmem>>
    tpu.enqueue_dma source(%dma_start3A_853 : memref<32x1024xf32, #tpu.memory_space<vmem>>) target(%dma_start3A_849 : memref<32x1024xf32, #tpu.memory_space<hbm>>) target_semaphore(%arg10 : memref<!tpu.dma_semaphore, #tpu.memory_space<semaphore_mem>>)
    %dma_wait3A_854 = arith.constant 1 : i32
    %dma_wait3A_855 = arith.constant 0 : i32
    %dma_wait3A_856 = arith.constant 0 : i32
    %dma_wait3A_857 = tpu.memref_slice %arg6[%dma_wait3A_854, %dma_wait3A_855, %dma_wait3A_856] : memref<2x32x1024xf32, #tpu.memory_space<vmem>> -> memref<1x32x1024xf32, #tpu.memory_space<vmem>>
    %dma_wait3A_858 = tpu.memref_squeeze %dma_wait3A_857 : memref<1x32x1024xf32, #tpu.memory_space<vmem>> -> memref<32x1024xf32, #tpu.memory_space<vmem>>
    %dma_wait3A_859 = arith.constant 0 : i32
    %dma_wait3A_860 = tpu.memref_slice %arg4[%add3A_840, %dma_wait3A_859] : memref<16384x1024xf32, #tpu.memory_space<hbm>> -> memref<32x1024xf32, #tpu.memory_space<hbm>>
    %dma_wait3A_861 = arith.constant 0 : i32
    %dma_wait3A_862 = tpu.memref_slice %arg4[%add3A_840, %dma_wait3A_861] : memref<16384x1024xf32, #tpu.memory_space<hbm>> -> memref<32x1024xf32, #tpu.memory_space<hbm>>
    %dma_wait3A_863 = arith.constant 0 : i32
    %dma_wait3A_864 = arith.constant 0 : i32
    %dma_wait3A_865 = tpu.memref_slice %arg6[%dma_wait3A_854, %dma_wait3A_863, %dma_wait3A_864] : memref<2x32x1024xf32, #tpu.memory_space<vmem>> -> memref<1x32x1024xf32, #tpu.memory_space<vmem>>
    %dma_wait3A_866 = tpu.memref_squeeze %dma_wait3A_865 : memref<1x32x1024xf32, #tpu.memory_space<vmem>> -> memref<32x1024xf32, #tpu.memory_space<vmem>>
    tpu.wait_dma2 semaphore(%arg10 : memref<!tpu.dma_semaphore, #tpu.memory_space<semaphore_mem>>) src(%dma_wait3A_866 : memref<32x1024xf32, #tpu.memory_space<vmem>>) dst(%dma_wait3A_862 : memref<32x1024xf32, #tpu.memory_space<hbm>>)
    %dma_wait3A_867 = arith.constant 0 : i32
    %dma_wait3A_868 = arith.constant 0 : i32
    %dma_wait3A_869 = arith.constant 0 : i32
    %dma_wait3A_870 = tpu.memref_slice %arg6[%dma_wait3A_867, %dma_wait3A_868, %dma_wait3A_869] : memref<2x32x1024xf32, #tpu.memory_space<vmem>> -> memref<1x32x1024xf32, #tpu.memory_space<vmem>>
    %dma_wait3A_871 = tpu.memref_squeeze %dma_wait3A_870 : memref<1x32x1024xf32, #tpu.memory_space<vmem>> -> memref<32x1024xf32, #tpu.memory_space<vmem>>
    %dma_wait3A_872 = arith.constant 0 : i32
    %dma_wait3A_873 = tpu.memref_slice %arg4[%add3A_813, %dma_wait3A_872] : memref<16384x1024xf32, #tpu.memory_space<hbm>> -> memref<32x1024xf32, #tpu.memory_space<hbm>>
    %dma_wait3A_874 = arith.constant 0 : i32
    %dma_wait3A_875 = tpu.memref_slice %arg4[%add3A_813, %dma_wait3A_874] : memref<16384x1024xf32, #tpu.memory_space<hbm>> -> memref<32x1024xf32, #tpu.memory_space<hbm>>
    %dma_wait3A_876 = arith.constant 0 : i32
    %dma_wait3A_877 = arith.constant 0 : i32
    %dma_wait3A_878 = tpu.memref_slice %arg6[%dma_wait3A_867, %dma_wait3A_876, %dma_wait3A_877] : memref<2x32x1024xf32, #tpu.memory_space<vmem>> -> memref<1x32x1024xf32, #tpu.memory_space<vmem>>
    %dma_wait3A_879 = tpu.memref_squeeze %dma_wait3A_878 : memref<1x32x1024xf32, #tpu.memory_space<vmem>> -> memref<32x1024xf32, #tpu.memory_space<vmem>>
    tpu.wait_dma2 semaphore(%arg9 : memref<!tpu.dma_semaphore, #tpu.memory_space<semaphore_mem>>) src(%dma_wait3A_879 : memref<32x1024xf32, #tpu.memory_space<vmem>>) dst(%dma_wait3A_875 : memref<32x1024xf32, #tpu.memory_space<hbm>>)
    return
  }
}

module attributes {stable_mosaic.version = 14 : i64} {
  func.func @_ffn_body(%arg0: i32, %arg1: memref<1x320x512xi32, #tpu.memory_space<vmem>>, %arg2: memref<1x1024x1024xf32, #tpu.memory_space<vmem>>, %arg3: memref<1x1024x1024xf32, #tpu.memory_space<vmem>>, %arg4: memref<1x320x1024xf32, #tpu.memory_space<vmem>>) attributes {dimension_semantics = [#tpu.dimension_semantics<parallel>], iteration_bounds = array<i64: 65>, scalar_prefetch = 0 : i64, scratch_operands = 0 : i64, tpu.core_type = #tpu.core_type<tc>, window_params = [{transform_indices = @transform_0, window_bounds = array<i64: 1, 320, 512>}, {transform_indices = @transform_1, window_bounds = array<i64: 1, 1024, 1024>}, {transform_indices = @transform_2, window_bounds = array<i64: 1, 1024, 1024>}, {transform_indices = @transform_3, window_bounds = array<i64: 1, 320, 1024>}]} {
    %get3A = arith.constant 0 : index
    %get3A_0 = arith.constant 0 : index
    %get3A_1 = arith.constant 0 : index
    %get3A_2 = vector.load %arg1[%get3A, %get3A_0, %get3A_1] : memref<1x320x512xi32, #tpu.memory_space<vmem>>, vector<1x320x512xi32>
    %get3A_3 = vector.shape_cast %get3A_2 : vector<1x320x512xi32> to vector<320x512xi32>
    %and3A = arith.constant 65535 : i32
    %and3A_4 = vector.broadcast %and3A : i32 to vector<320x512xi32>
    %and3A_5 = arith.andi %get3A_3, %and3A_4 : vector<320x512xi32>
    %convert_element_type3A = arith.trunci %and3A_5 : vector<320x512xi32> to vector<320x512xi16>
    %bitcast_convert_type3A = tpu.bitcast %convert_element_type3A : vector<320x512xi16> -> vector<320x512xbf16>
    %shift_right_logical3A = arith.constant 16 : i32
    %shift_right_logical3A_6 = vector.broadcast %shift_right_logical3A : i32 to vector<320x512xi32>
    %shift_right_logical3A_7 = arith.shrui %get3A_3, %shift_right_logical3A_6 : vector<320x512xi32>
    %convert_element_type3A_8 = arith.trunci %shift_right_logical3A_7 : vector<320x512xi32> to vector<320x512xi16>
    %bitcast_convert_type3A_9 = tpu.bitcast %convert_element_type3A_8 : vector<320x512xi16> -> vector<320x512xbf16>
    %concatenate3A = tpu.concatenate %bitcast_convert_type3A, %bitcast_convert_type3A_9 in 1 : vector<320x512xbf16>, vector<320x512xbf16> -> vector<320x1024xbf16>
    %get3A_10 = arith.constant 0 : index
    %get3A_11 = arith.constant 0 : index
    %get3A_12 = arith.constant 0 : index
    %get3A_13 = vector.load %arg2[%get3A_10, %get3A_11, %get3A_12] : memref<1x1024x1024xf32, #tpu.memory_space<vmem>>, vector<1x1024x1024xf32>
    %get3A_14 = vector.shape_cast %get3A_13 : vector<1x1024x1024xf32> to vector<1024x1024xf32>
    %convert_element_type3A_15 = arith.truncf %get3A_14 : vector<1024x1024xf32> to vector<1024x1024xbf16>
    %dot_general3A = arith.constant dense<0.000000e+00> : vector<320x1024xf32>
    %dot_general3A_16 = tpu.matmul %concatenate3A, %convert_element_type3A_15, %dot_general3A {dimension_numbers = #tpu.dot_dimension_numbers<[1], [0], [0], [1], [0, 0, 1, 1], [], []>, transpose_lhs_hint = false} : vector<320x1024xbf16>, vector<1024x1024xbf16>, vector<320x1024xf32> -> vector<320x1024xf32>
    %max3A = arith.constant 0.000000e+00 : f32
    %max3A_17 = vector.broadcast %max3A : f32 to vector<320x1024xf32>
    %max3A_18 = arith.maximumf %dot_general3A_16, %max3A_17 : vector<320x1024xf32>
    %convert_element_type3A_19 = arith.truncf %max3A_18 : vector<320x1024xf32> to vector<320x1024xbf16>
    %get3A_20 = arith.constant 0 : index
    %get3A_21 = arith.constant 0 : index
    %get3A_22 = arith.constant 0 : index
    %get3A_23 = vector.load %arg3[%get3A_20, %get3A_21, %get3A_22] : memref<1x1024x1024xf32, #tpu.memory_space<vmem>>, vector<1x1024x1024xf32>
    %get3A_24 = vector.shape_cast %get3A_23 : vector<1x1024x1024xf32> to vector<1024x1024xf32>
    %convert_element_type3A_25 = arith.truncf %get3A_24 : vector<1024x1024xf32> to vector<1024x1024xbf16>
    %dot_general3A_26 = arith.constant dense<0.000000e+00> : vector<320x1024xf32>
    %dot_general3A_27 = tpu.matmul %convert_element_type3A_19, %convert_element_type3A_25, %dot_general3A_26 {dimension_numbers = #tpu.dot_dimension_numbers<[1], [0], [0], [1], [0, 0, 1, 1], [], []>, transpose_lhs_hint = false} : vector<320x1024xbf16>, vector<1024x1024xbf16>, vector<320x1024xf32> -> vector<320x1024xf32>
    %eq3A = arith.constant 64 : i32
    %eq3A_28 = arith.cmpi eq, %arg0, %eq3A : i32
    %jit3A = arith.constant 0.000000e+00 : f32
    %broadcast_in_dim3A = vector.broadcast %jit3A : f32 to vector<320x1024xf32>
    %select_n3A = arith.select %eq3A_28, %broadcast_in_dim3A, %dot_general3A_27 : vector<320x1024xf32>
    %swap3A = arith.constant 0 : index
    %swap3A_29 = arith.constant 0 : index
    %swap3A_30 = arith.constant 0 : index
    %swap3A_31 = vector.load %arg4[%swap3A, %swap3A_29, %swap3A_30] : memref<1x320x1024xf32, #tpu.memory_space<vmem>>, vector<1x320x1024xf32>
    %swap3A_32 = vector.shape_cast %swap3A_31 : vector<1x320x1024xf32> to vector<320x1024xf32>
    %swap3A_33 = vector.shape_cast %select_n3A : vector<320x1024xf32> to vector<1x320x1024xf32>
    tpu.vector_store %arg4[%swap3A, %swap3A_29, %swap3A_30], %swap3A_33 {strides = array<i32>} : memref<1x320x1024xf32, #tpu.memory_space<vmem>>, vector<1x320x1024xf32>,
    return
  }
  func.func @transform_0(%arg0: i32) -> (i32, i32, i32) {
    %c0_i32 = arith.constant 0 : i32
    %c0_i32_0 = arith.constant 0 : i32
    %c0_i32_1 = arith.constant 0 : i32
    return %arg0, %c0_i32, %c0_i32_0 : i32, i32, i32
  }
  func.func @transform_1(%arg0: i32) -> (i32, i32, i32) {
    %min3A = arith.constant 63 : i32
    %min3A_0 = arith.minsi %arg0, %min3A : i32
    %c0_i32 = arith.constant 0 : i32
    %c0_i32_1 = arith.constant 0 : i32
    %c0_i32_2 = arith.constant 0 : i32
    return %min3A_0, %c0_i32, %c0_i32_1 : i32, i32, i32
  }
  func.func @transform_2(%arg0: i32) -> (i32, i32, i32) {
    %min3A = arith.constant 63 : i32
    %min3A_0 = arith.minsi %arg0, %min3A : i32
    %c0_i32 = arith.constant 0 : i32
    %c0_i32_1 = arith.constant 0 : i32
    %c0_i32_2 = arith.constant 0 : i32
    return %min3A_0, %c0_i32, %c0_i32_1 : i32, i32, i32
  }
  func.func @transform_3(%arg0: i32) -> (i32, i32, i32) {
    %c0_i32 = arith.constant 0 : i32
    %c0_i32_0 = arith.constant 0 : i32
    %c0_i32_1 = arith.constant 0 : i32
    return %arg0, %c0_i32, %c0_i32_0 : i32, i32, i32
  }
}

module attributes {stable_mosaic.version = 14 : i64} {
  func.func @_router_body(%arg0: i32, %arg1: memref<2048x1024xf32, #tpu.memory_space<vmem>>, %arg2: memref<1024x64xf32, #tpu.memory_space<vmem>>, %arg3: memref<1x1x2048xi32, #tpu.memory_space<vmem>>, %arg4: memref<2048x512xi32, #tpu.memory_space<vmem>>, %arg5: memref<1x64xf32, #tpu.memory_space<vmem>>, %arg6: memref<256x256xbf16, #tpu.memory_space<vmem>>) attributes {dimension_semantics = [#tpu.dimension_semantics<arbitrary>], iteration_bounds = array<i64: 8>, scalar_prefetch = 0 : i64, scratch_operands = 2 : i64, tpu.core_type = #tpu.core_type<tc>, window_params = [{transform_indices = @transform_0, window_bounds = array<i64: 2048, 1024>}, {pipeline_mode = #tpu.pipeline_mode<synchronous>, transform_indices = @transform_1, window_bounds = array<i64: 1024, 64>}, {transform_indices = @transform_2, window_bounds = array<i64: 1, 1, 2048>}, {transform_indices = @transform_3, window_bounds = array<i64: 2048, 512>}]} {
    %eq3A = arith.constant 0 : i32
    %eq3A_0 = arith.cmpi eq, %arg0, %eq3A : i32
    %convert_element_type3A = arith.extui %eq3A_0 : i1 to i32
    %cond3A = arith.constant 0 : i32
    %cond3A_1 = arith.cmpi ne, %convert_element_type3A, %cond3A : i32
    scf.if %cond3A_1 {
      %broadcast_in_dim3A_149 = arith.constant 0.000000e+00 : f32
      %broadcast_in_dim3A_150 = vector.broadcast %broadcast_in_dim3A_149 : f32 to vector<1x64xf32>
      %swap3A_151 = arith.constant 0 : index
      %swap3A_152 = arith.constant 0 : index
      %swap3A_153 = vector.load %arg5[%swap3A_151, %swap3A_152] : memref<1x64xf32, #tpu.memory_space<vmem>>, vector<1x64xf32>
      tpu.vector_store %arg5[%swap3A_151, %swap3A_152], %broadcast_in_dim3A_150 {strides = array<i32>} : memref<1x64xf32, #tpu.memory_space<vmem>>, vector<1x64xf32>,
      %iota3A_154 = tpu.iota {dimensions = array<i32: 0>} : vector<256x256xi32>
      %iota3A_155 = tpu.iota {dimensions = array<i32: 1>} : vector<256x256xi32>
      %lt3A_156 = arith.cmpi slt, %iota3A_155, %iota3A_154 : vector<256x256xi32>
      %convert_element_type3A_157 = arith.extui %lt3A_156 : vector<256x256xi1> to vector<256x256xi32>
      %convert_element_type3A_158 = arith.sitofp %convert_element_type3A_157 : vector<256x256xi32> to vector<256x256xf32>
      %convert_element_type3A_159 = arith.truncf %convert_element_type3A_158 : vector<256x256xf32> to vector<256x256xbf16>
      %swap3A_160 = arith.constant 0 : index
      %swap3A_161 = arith.constant 0 : index
      %swap3A_162 = vector.load %arg6[%swap3A_160, %swap3A_161] : memref<256x256xbf16, #tpu.memory_space<vmem>>, vector<256x256xbf16>
      tpu.vector_store %arg6[%swap3A_160, %swap3A_161], %convert_element_type3A_159 {strides = array<i32>} : memref<256x256xbf16, #tpu.memory_space<vmem>>, vector<256x256xbf16>,
    } else {
    }
    %get3A = arith.constant 0 : index
    %get3A_2 = arith.constant 0 : index
    %get3A_3 = vector.load %arg1[%get3A, %get3A_2] : memref<2048x1024xf32, #tpu.memory_space<vmem>>, vector<2048x1024xf32>
    %get3A_4 = arith.constant 0 : index
    %get3A_5 = arith.constant 0 : index
    %get3A_6 = vector.load %arg2[%get3A_4, %get3A_5] : memref<1024x64xf32, #tpu.memory_space<vmem>>, vector<1024x64xf32>
    %convert_element_type3A_7 = arith.truncf %get3A_3 : vector<2048x1024xf32> to vector<2048x1024xbf16>
    %convert_element_type3A_8 = arith.truncf %get3A_6 : vector<1024x64xf32> to vector<1024x64xbf16>
    %dot_general3A = arith.constant dense<0.000000e+00> : vector<2048x64xf32>
    %dot_general3A_9 = tpu.matmul %convert_element_type3A_7, %convert_element_type3A_8, %dot_general3A {dimension_numbers = #tpu.dot_dimension_numbers<[1], [0], [0], [1], [0, 0, 1, 1], [], []>, transpose_lhs_hint = false} : vector<2048x1024xbf16>, vector<1024x64xbf16>, vector<2048x64xf32> -> vector<2048x64xf32>
    %reduce_max3A = arith.constant dense<0xFF800000> : vector<2048xf32>
    %reduce_max3A_10 = vector.multi_reduction <maximumf>, %dot_general3A_9, %reduce_max3A [1] : vector<2048x64xf32> to vector<2048xf32>
    %broadcast_in_dim3A = vector.shape_cast %reduce_max3A_10 : vector<2048xf32> to vector<2048x1xf32>
    %sub3A = vector.broadcast %broadcast_in_dim3A : vector<2048x1xf32> to vector<2048x64xf32>
    %sub3A_11 = arith.subf %dot_general3A_9, %sub3A : vector<2048x64xf32>
    %exp3A = math.exp %sub3A_11 : vector<2048x64xf32>
    %reduce_sum3A = arith.constant dense<0.000000e+00> : vector<2048xf32>
    %reduce_sum3A_12 = vector.multi_reduction <add>, %exp3A, %reduce_sum3A [1] : vector<2048x64xf32> to vector<2048xf32>
    %div3A = arith.constant 1.000000e+00 : f32
    %div3A_13 = vector.broadcast %div3A : f32 to vector<2048xf32>
    %div3A_14 = arith.divf %div3A_13, %reduce_sum3A_12 : vector<2048xf32>
    %iota3A = tpu.iota {dimensions = array<i32: 1>} : vector<2048x64xi32>
    %eq3A_15 = vector.broadcast %broadcast_in_dim3A : vector<2048x1xf32> to vector<2048x64xf32>
    %eq3A_16 = arith.cmpf oeq, %dot_general3A_9, %eq3A_15 : vector<2048x64xf32>
    %jit3A = arith.constant 64 : i32
    %broadcast_in_dim3A_17 = vector.broadcast %jit3A : i32 to vector<2048x64xi32>
    %select_n3A = arith.select %eq3A_16, %iota3A, %broadcast_in_dim3A_17 : vector<2048x64xi1>, vector<2048x64xi32>
    %reduce_min3A = arith.constant dense<2147483647> : vector<2048xi32>
    %reduce_min3A_18 = vector.multi_reduction <minsi>, %select_n3A, %reduce_min3A [1] : vector<2048x64xi32> to vector<2048xi32>
    %broadcast_in_dim3A_19 = vector.shape_cast %reduce_min3A_18 : vector<2048xi32> to vector<2048x1xi32>
    %eq3A_20 = vector.broadcast %broadcast_in_dim3A_19 : vector<2048x1xi32> to vector<2048x64xi32>
    %eq3A_21 = arith.cmpi eq, %iota3A, %eq3A_20 : vector<2048x64xi32>
    %convert_element_type3A_22 = arith.extui %eq3A_21 : vector<2048x64xi1> to vector<2048x64xi32>
    %convert_element_type3A_23 = arith.sitofp %convert_element_type3A_22 : vector<2048x64xi32> to vector<2048x64xf32>
    %convert_element_type3A_24 = arith.extui %eq3A_21 : vector<2048x64xi1> to vector<2048x64xi32>
    %convert_element_type3A_25 = arith.sitofp %convert_element_type3A_24 : vector<2048x64xi32> to vector<2048x64xf32>
    %convert_element_type3A_26 = arith.truncf %convert_element_type3A_25 : vector<2048x64xf32> to vector<2048x64xbf16>
    %get3A_27 = arith.constant 0 : index
    %get3A_28 = arith.constant 0 : index
    %get3A_29 = vector.load %arg6[%get3A_27, %get3A_28] : memref<256x256xbf16, #tpu.memory_space<vmem>>, vector<256x256xbf16>
    %get3A_30 = arith.constant 0 : index
    %get3A_31 = arith.constant 0 : index
    %get3A_32 = vector.load %arg5[%get3A_30, %get3A_31] : memref<1x64xf32, #tpu.memory_space<vmem>>, vector<1x64xf32>
    %slice3A = vector.extract_strided_slice %convert_element_type3A_26 {offsets = [0, 0], sizes = [256, 64], strides = [1, 1]} : vector<2048x64xbf16> to vector<256x64xbf16>
    %dot_general3A_33 = arith.constant dense<0.000000e+00> : vector<256x64xf32>
    %dot_general3A_34 = tpu.matmul %get3A_29, %slice3A, %dot_general3A_33 {dimension_numbers = #tpu.dot_dimension_numbers<[1], [0], [0], [1], [0, 0, 1, 1], [], []>, transpose_lhs_hint = false} : vector<256x256xbf16>, vector<256x64xbf16>, vector<256x64xf32> -> vector<256x64xf32>
    %add3A = vector.broadcast %get3A_32 : vector<1x64xf32> to vector<256x64xf32>
    %add3A_35 = arith.addf %dot_general3A_34, %add3A : vector<256x64xf32>
    %slice3A_36 = vector.extract_strided_slice %convert_element_type3A_23 {offsets = [0, 0], sizes = [256, 64], strides = [1, 1]} : vector<2048x64xf32> to vector<256x64xf32>
    %reduce_sum3A_37 = arith.constant dense<0.000000e+00> : vector<64xf32>
    %reduce_sum3A_38 = vector.multi_reduction <add>, %slice3A_36, %reduce_sum3A_37 [0] : vector<256x64xf32> to vector<64xf32>
    %broadcast_in_dim3A_39 = vector.shape_cast %reduce_sum3A_38 : vector<64xf32> to vector<1x64xf32>
    %add3A_40 = arith.addf %get3A_32, %broadcast_in_dim3A_39 : vector<1x64xf32>
    %slice3A_41 = vector.extract_strided_slice %convert_element_type3A_26 {offsets = [256, 0], sizes = [256, 64], strides = [1, 1]} : vector<2048x64xbf16> to vector<256x64xbf16>
    %dot_general3A_42 = arith.constant dense<0.000000e+00> : vector<256x64xf32>
    %dot_general3A_43 = tpu.matmul %get3A_29, %slice3A_41, %dot_general3A_42 {dimension_numbers = #tpu.dot_dimension_numbers<[1], [0], [0], [1], [0, 0, 1, 1], [], []>, transpose_lhs_hint = false} : vector<256x256xbf16>, vector<256x64xbf16>, vector<256x64xf32> -> vector<256x64xf32>
    %add3A_44 = vector.broadcast %add3A_40 : vector<1x64xf32> to vector<256x64xf32>
    %add3A_45 = arith.addf %dot_general3A_43, %add3A_44 : vector<256x64xf32>
    %slice3A_46 = vector.extract_strided_slice %convert_element_type3A_23 {offsets = [256, 0], sizes = [256, 64], strides = [1, 1]} : vector<2048x64xf32> to vector<256x64xf32>
    %reduce_sum3A_47 = arith.constant dense<0.000000e+00> : vector<64xf32>
    %reduce_sum3A_48 = vector.multi_reduction <add>, %slice3A_46, %reduce_sum3A_47 [0] : vector<256x64xf32> to vector<64xf32>
    %broadcast_in_dim3A_49 = vector.shape_cast %reduce_sum3A_48 : vector<64xf32> to vector<1x64xf32>
    %add3A_50 = arith.addf %add3A_40, %broadcast_in_dim3A_49 : vector<1x64xf32>
    %slice3A_51 = vector.extract_strided_slice %convert_element_type3A_26 {offsets = [512, 0], sizes = [256, 64], strides = [1, 1]} : vector<2048x64xbf16> to vector<256x64xbf16>
    %dot_general3A_52 = arith.constant dense<0.000000e+00> : vector<256x64xf32>
    %dot_general3A_53 = tpu.matmul %get3A_29, %slice3A_51, %dot_general3A_52 {dimension_numbers = #tpu.dot_dimension_numbers<[1], [0], [0], [1], [0, 0, 1, 1], [], []>, transpose_lhs_hint = false} : vector<256x256xbf16>, vector<256x64xbf16>, vector<256x64xf32> -> vector<256x64xf32>
    %add3A_54 = vector.broadcast %add3A_50 : vector<1x64xf32> to vector<256x64xf32>
    %add3A_55 = arith.addf %dot_general3A_53, %add3A_54 : vector<256x64xf32>
    %slice3A_56 = vector.extract_strided_slice %convert_element_type3A_23 {offsets = [512, 0], sizes = [256, 64], strides = [1, 1]} : vector<2048x64xf32> to vector<256x64xf32>
    %reduce_sum3A_57 = arith.constant dense<0.000000e+00> : vector<64xf32>
    %reduce_sum3A_58 = vector.multi_reduction <add>, %slice3A_56, %reduce_sum3A_57 [0] : vector<256x64xf32> to vector<64xf32>
    %broadcast_in_dim3A_59 = vector.shape_cast %reduce_sum3A_58 : vector<64xf32> to vector<1x64xf32>
    %add3A_60 = arith.addf %add3A_50, %broadcast_in_dim3A_59 : vector<1x64xf32>
    %slice3A_61 = vector.extract_strided_slice %convert_element_type3A_26 {offsets = [768, 0], sizes = [256, 64], strides = [1, 1]} : vector<2048x64xbf16> to vector<256x64xbf16>
    %dot_general3A_62 = arith.constant dense<0.000000e+00> : vector<256x64xf32>
    %dot_general3A_63 = tpu.matmul %get3A_29, %slice3A_61, %dot_general3A_62 {dimension_numbers = #tpu.dot_dimension_numbers<[1], [0], [0], [1], [0, 0, 1, 1], [], []>, transpose_lhs_hint = false} : vector<256x256xbf16>, vector<256x64xbf16>, vector<256x64xf32> -> vector<256x64xf32>
    %add3A_64 = vector.broadcast %add3A_60 : vector<1x64xf32> to vector<256x64xf32>
    %add3A_65 = arith.addf %dot_general3A_63, %add3A_64 : vector<256x64xf32>
    %slice3A_66 = vector.extract_strided_slice %convert_element_type3A_23 {offsets = [768, 0], sizes = [256, 64], strides = [1, 1]} : vector<2048x64xf32> to vector<256x64xf32>
    %reduce_sum3A_67 = arith.constant dense<0.000000e+00> : vector<64xf32>
    %reduce_sum3A_68 = vector.multi_reduction <add>, %slice3A_66, %reduce_sum3A_67 [0] : vector<256x64xf32> to vector<64xf32>
    %broadcast_in_dim3A_69 = vector.shape_cast %reduce_sum3A_68 : vector<64xf32> to vector<1x64xf32>
    %add3A_70 = arith.addf %add3A_60, %broadcast_in_dim3A_69 : vector<1x64xf32>
    %slice3A_71 = vector.extract_strided_slice %convert_element_type3A_26 {offsets = [1024, 0], sizes = [256, 64], strides = [1, 1]} : vector<2048x64xbf16> to vector<256x64xbf16>
    %dot_general3A_72 = arith.constant dense<0.000000e+00> : vector<256x64xf32>
    %dot_general3A_73 = tpu.matmul %get3A_29, %slice3A_71, %dot_general3A_72 {dimension_numbers = #tpu.dot_dimension_numbers<[1], [0], [0], [1], [0, 0, 1, 1], [], []>, transpose_lhs_hint = false} : vector<256x256xbf16>, vector<256x64xbf16>, vector<256x64xf32> -> vector<256x64xf32>
    %add3A_74 = vector.broadcast %add3A_70 : vector<1x64xf32> to vector<256x64xf32>
    %add3A_75 = arith.addf %dot_general3A_73, %add3A_74 : vector<256x64xf32>
    %slice3A_76 = vector.extract_strided_slice %convert_element_type3A_23 {offsets = [1024, 0], sizes = [256, 64], strides = [1, 1]} : vector<2048x64xf32> to vector<256x64xf32>
    %reduce_sum3A_77 = arith.constant dense<0.000000e+00> : vector<64xf32>
    %reduce_sum3A_78 = vector.multi_reduction <add>, %slice3A_76, %reduce_sum3A_77 [0] : vector<256x64xf32> to vector<64xf32>
    %broadcast_in_dim3A_79 = vector.shape_cast %reduce_sum3A_78 : vector<64xf32> to vector<1x64xf32>
    %add3A_80 = arith.addf %add3A_70, %broadcast_in_dim3A_79 : vector<1x64xf32>
    %slice3A_81 = vector.extract_strided_slice %convert_element_type3A_26 {offsets = [1280, 0], sizes = [256, 64], strides = [1, 1]} : vector<2048x64xbf16> to vector<256x64xbf16>
    %dot_general3A_82 = arith.constant dense<0.000000e+00> : vector<256x64xf32>
    %dot_general3A_83 = tpu.matmul %get3A_29, %slice3A_81, %dot_general3A_82 {dimension_numbers = #tpu.dot_dimension_numbers<[1], [0], [0], [1], [0, 0, 1, 1], [], []>, transpose_lhs_hint = false} : vector<256x256xbf16>, vector<256x64xbf16>, vector<256x64xf32> -> vector<256x64xf32>
    %add3A_84 = vector.broadcast %add3A_80 : vector<1x64xf32> to vector<256x64xf32>
    %add3A_85 = arith.addf %dot_general3A_83, %add3A_84 : vector<256x64xf32>
    %slice3A_86 = vector.extract_strided_slice %convert_element_type3A_23 {offsets = [1280, 0], sizes = [256, 64], strides = [1, 1]} : vector<2048x64xf32> to vector<256x64xf32>
    %reduce_sum3A_87 = arith.constant dense<0.000000e+00> : vector<64xf32>
    %reduce_sum3A_88 = vector.multi_reduction <add>, %slice3A_86, %reduce_sum3A_87 [0] : vector<256x64xf32> to vector<64xf32>
    %broadcast_in_dim3A_89 = vector.shape_cast %reduce_sum3A_88 : vector<64xf32> to vector<1x64xf32>
    %add3A_90 = arith.addf %add3A_80, %broadcast_in_dim3A_89 : vector<1x64xf32>
    %slice3A_91 = vector.extract_strided_slice %convert_element_type3A_26 {offsets = [1536, 0], sizes = [256, 64], strides = [1, 1]} : vector<2048x64xbf16> to vector<256x64xbf16>
    %dot_general3A_92 = arith.constant dense<0.000000e+00> : vector<256x64xf32>
    %dot_general3A_93 = tpu.matmul %get3A_29, %slice3A_91, %dot_general3A_92 {dimension_numbers = #tpu.dot_dimension_numbers<[1], [0], [0], [1], [0, 0, 1, 1], [], []>, transpose_lhs_hint = false} : vector<256x256xbf16>, vector<256x64xbf16>, vector<256x64xf32> -> vector<256x64xf32>
    %add3A_94 = vector.broadcast %add3A_90 : vector<1x64xf32> to vector<256x64xf32>
    %add3A_95 = arith.addf %dot_general3A_93, %add3A_94 : vector<256x64xf32>
    %slice3A_96 = vector.extract_strided_slice %convert_element_type3A_23 {offsets = [1536, 0], sizes = [256, 64], strides = [1, 1]} : vector<2048x64xf32> to vector<256x64xf32>
    %reduce_sum3A_97 = arith.constant dense<0.000000e+00> : vector<64xf32>
    %reduce_sum3A_98 = vector.multi_reduction <add>, %slice3A_96, %reduce_sum3A_97 [0] : vector<256x64xf32> to vector<64xf32>
    %broadcast_in_dim3A_99 = vector.shape_cast %reduce_sum3A_98 : vector<64xf32> to vector<1x64xf32>
    %add3A_100 = arith.addf %add3A_90, %broadcast_in_dim3A_99 : vector<1x64xf32>
    %slice3A_101 = vector.extract_strided_slice %convert_element_type3A_26 {offsets = [1792, 0], sizes = [256, 64], strides = [1, 1]} : vector<2048x64xbf16> to vector<256x64xbf16>
    %dot_general3A_102 = arith.constant dense<0.000000e+00> : vector<256x64xf32>
    %dot_general3A_103 = tpu.matmul %get3A_29, %slice3A_101, %dot_general3A_102 {dimension_numbers = #tpu.dot_dimension_numbers<[1], [0], [0], [1], [0, 0, 1, 1], [], []>, transpose_lhs_hint = false} : vector<256x256xbf16>, vector<256x64xbf16>, vector<256x64xf32> -> vector<256x64xf32>
    %add3A_104 = vector.broadcast %add3A_100 : vector<1x64xf32> to vector<256x64xf32>
    %add3A_105 = arith.addf %dot_general3A_103, %add3A_104 : vector<256x64xf32>
    %slice3A_106 = vector.extract_strided_slice %convert_element_type3A_23 {offsets = [1792, 0], sizes = [256, 64], strides = [1, 1]} : vector<2048x64xf32> to vector<256x64xf32>
    %reduce_sum3A_107 = arith.constant dense<0.000000e+00> : vector<64xf32>
    %reduce_sum3A_108 = vector.multi_reduction <add>, %slice3A_106, %reduce_sum3A_107 [0] : vector<256x64xf32> to vector<64xf32>
    %broadcast_in_dim3A_109 = vector.shape_cast %reduce_sum3A_108 : vector<64xf32> to vector<1x64xf32>
    %add3A_110 = arith.addf %add3A_100, %broadcast_in_dim3A_109 : vector<1x64xf32>
    %concatenate3A = tpu.concatenate %add3A_35, %add3A_45, %add3A_55, %add3A_65, %add3A_75, %add3A_85, %add3A_95, %add3A_105 in 0 : vector<256x64xf32>, vector<256x64xf32>, vector<256x64xf32>, vector<256x64xf32>, vector<256x64xf32>, vector<256x64xf32>, vector<256x64xf32>, vector<256x64xf32> -> vector<2048x64xf32>
    %mul3A = arith.mulf %concatenate3A, %convert_element_type3A_23 : vector<2048x64xf32>
    %reduce_sum3A_111 = arith.constant dense<0.000000e+00> : vector<2048xf32>
    %reduce_sum3A_112 = vector.multi_reduction <add>, %mul3A, %reduce_sum3A_111 [1] : vector<2048x64xf32> to vector<2048xf32>
    %convert_element_type3A_113 = arith.fptosi %reduce_sum3A_112 : vector<2048xf32> to vector<2048xi32>
    %swap3A = arith.constant 0 : index
    %swap3A_114 = arith.constant 0 : index
    %swap3A_115 = vector.load %arg5[%swap3A, %swap3A_114] : memref<1x64xf32, #tpu.memory_space<vmem>>, vector<1x64xf32>
    tpu.vector_store %arg5[%swap3A, %swap3A_114], %add3A_110 {strides = array<i32>} : memref<1x64xf32, #tpu.memory_space<vmem>>, vector<1x64xf32>,
    %lt3A = arith.constant 320 : i32
    %lt3A_116 = vector.broadcast %lt3A : i32 to vector<2048xi32>
    %lt3A_117 = arith.cmpi slt, %convert_element_type3A_113, %lt3A_116 : vector<2048xi32>
    %mul3A_118 = arith.constant 320 : i32
    %mul3A_119 = vector.broadcast %mul3A_118 : i32 to vector<2048xi32>
    %mul3A_120 = arith.muli %reduce_min3A_18, %mul3A_119 : vector<2048xi32>
    %add3A_121 = arith.addi %mul3A_120, %convert_element_type3A_113 : vector<2048xi32>
    %jit3A_122 = arith.constant 20480 : i32
    %broadcast_in_dim3A_123 = vector.broadcast %jit3A_122 : i32 to vector<2048xi32>
    %select_n3A_124 = arith.select %lt3A_117, %add3A_121, %broadcast_in_dim3A_123 : vector<2048xi1>, vector<2048xi32>
    %jit3A_125 = arith.constant 0.000000e+00 : f32
    %broadcast_in_dim3A_126 = vector.broadcast %jit3A_125 : f32 to vector<2048xf32>
    %select_n3A_127 = arith.select %lt3A_117, %div3A_14, %broadcast_in_dim3A_126 : vector<2048xi1>, vector<2048xf32>
    %swap3A_128 = arith.constant 0 : index
    %swap3A_129 = arith.constant 0 : index
    %swap3A_130 = arith.constant 0 : index
    %swap3A_131 = vector.load %arg3[%swap3A_128, %swap3A_129, %swap3A_130] : memref<1x1x2048xi32, #tpu.memory_space<vmem>>, vector<1x1x2048xi32>
    %swap3A_132 = vector.shape_cast %swap3A_131 : vector<1x1x2048xi32> to vector<2048xi32>
    %swap3A_133 = vector.shape_cast %select_n3A_124 : vector<2048xi32> to vector<1x1x2048xi32>
    tpu.vector_store %arg3[%swap3A_128, %swap3A_129, %swap3A_130], %swap3A_133 {strides = array<i32>} : memref<1x1x2048xi32, #tpu.memory_space<vmem>>, vector<1x1x2048xi32>,
    %broadcast_in_dim3A_134 = vector.shape_cast %select_n3A_127 : vector<2048xf32> to vector<2048x1xf32>
    %mul3A_135 = vector.broadcast %broadcast_in_dim3A_134 : vector<2048x1xf32> to vector<2048x1024xf32>
    %mul3A_136 = arith.mulf %get3A_3, %mul3A_135 : vector<2048x1024xf32>
    %convert_element_type3A_137 = arith.truncf %mul3A_136 : vector<2048x1024xf32> to vector<2048x1024xbf16>
    %slice3A_138 = vector.extract_strided_slice %convert_element_type3A_137 {offsets = [0, 0], sizes = [2048, 512], strides = [1, 1]} : vector<2048x1024xbf16> to vector<2048x512xbf16>
    %bitcast_convert_type3A = tpu.bitcast %slice3A_138 : vector<2048x512xbf16> -> vector<2048x512xi16>
    %convert_element_type3A_139 = arith.extui %bitcast_convert_type3A : vector<2048x512xi16> to vector<2048x512xi32>
    %slice3A_140 = vector.extract_strided_slice %convert_element_type3A_137 {offsets = [0, 512], sizes = [2048, 512], strides = [1, 1]} : vector<2048x1024xbf16> to vector<2048x512xbf16>
    %bitcast_convert_type3A_141 = tpu.bitcast %slice3A_140 : vector<2048x512xbf16> -> vector<2048x512xi16>
    %convert_element_type3A_142 = arith.extui %bitcast_convert_type3A_141 : vector<2048x512xi16> to vector<2048x512xi32>
    %shift_left3A = arith.constant 16 : i32
    %shift_left3A_143 = vector.broadcast %shift_left3A : i32 to vector<2048x512xi32>
    %shift_left3A_144 = arith.shli %convert_element_type3A_142, %shift_left3A_143 : vector<2048x512xi32>
    %or3A = arith.ori %convert_element_type3A_139, %shift_left3A_144 : vector<2048x512xi32>
    %bitcast_convert_type3A_145 = tpu.bitcast %or3A : vector<2048x512xi32> -> vector<2048x512xi32>
    %swap3A_146 = arith.constant 0 : index
    %swap3A_147 = arith.constant 0 : index
    %swap3A_148 = vector.load %arg4[%swap3A_146, %swap3A_147] : memref<2048x512xi32, #tpu.memory_space<vmem>>, vector<2048x512xi32>
    tpu.vector_store %arg4[%swap3A_146, %swap3A_147], %bitcast_convert_type3A_145 {strides = array<i32>} : memref<2048x512xi32, #tpu.memory_space<vmem>>, vector<2048x512xi32>,
    return
  }
  func.func @transform_0(%arg0: i32) -> (i32, i32) {
    %c0_i32 = arith.constant 0 : i32
    %c0_i32_0 = arith.constant 0 : i32
    return %arg0, %c0_i32 : i32, i32
  }
  func.func @transform_1(%arg0: i32) -> (i32, i32) {
    %c0_i32 = arith.constant 0 : i32
    %c0_i32_0 = arith.constant 0 : i32
    %c0_i32_1 = arith.constant 0 : i32
    return %c0_i32, %c0_i32_0 : i32, i32
  }
  func.func @transform_2(%arg0: i32) -> (i32, i32, i32) {
    %c0_i32 = arith.constant 0 : i32
    %c0_i32_0 = arith.constant 0 : i32
    %c0_i32_1 = arith.constant 0 : i32
    return %arg0, %c0_i32, %c0_i32_0 : i32, i32, i32
  }
  func.func @transform_3(%arg0: i32) -> (i32, i32) {
    %c0_i32 = arith.constant 0 : i32
    %c0_i32_0 = arith.constant 0 : i32
    return %arg0, %c0_i32 : i32, i32
  }
}

</mosaic_0001>

<sc_bundles>
// kernel: kernel.6.cloned.1.call-start
scs
__scs_entry_jumppad:
0x0: {  	(pc) =	sbr.rel $0x88, $3  }
0x1: {  	(tag) =	ssettag $0x0;
	lr =	simm.s32 $0x1  }
0x2: {  	[smem:$0x3F9D] =	sst lr;
	_ =	strace $0xD0000000  }
0x3: {  	_ = 	snop  }
0x4: {  	_ = 	snop  }
0x5: {  	_ = 	snop  }
0x6: {  	_ = 	snop  }
0x7: {  	_ = 	snop  }
__scs_overlays_trampoline_lowered:
0x8: {  	[smem:$0x3FAC] =	sst s0  }
0x9: {  	[smem:$0x3FAD] =	sst s1  }
0xa: {  	[smem:$0x3FAE] =	sst s2  }
0xb: {  	[smem:$0x3FAF] =	sst s3  }
0xc: {  	[smem:$0x3FB0] =	sst s4  }
0xd: {  	[smem:$0x3FB1] =	sst s5  }
0xe: {  	[smem:$0x3FB2] =	sst s6  }
0xf: {  	[smem:$0x3FB3] =	sst s7  }
0x10: {  	[smem:$0x3FB4] =	sst s8  }
0x11: {  	[smem:$0x3FB5] =	sst s9;
	s0 =	simm.s32 @!p0 $0x0  }
0x12: {  	s1 =	sld [smem:$0x3F9B];
	s0 =	simm.s32 @p0 $0x1  }
0x13: {  	[smem:$0x3FB6] =	sst s0;
	s0 =	simm.s32 @!p1 $0x0  }
0x14: {  	s2 =	sld [smem:$0x3F9A];
	s0 =	simm.s32 @p1 $0x1  }
0x15: {  	[smem:$0x3FB7] =	sst s0;
	s0 =	simm.s32 @!p2 $0x0  }
0x16: {  	s3 =	sld [smem:$0x3FDB];
	s0 =	simm.s32 @p2 $0x1  }
0x17: {  	s4 =	simm.s32 $0x1BF5;
	[smem:$0x3FB9] =	sst s0  }
0x18: {  	s0 =	sld [smem:$0x3F9C];
	_ =	swait.ge [sflag:s4], $0x0  }
0x19: {  	s7 =	sld [smem:$0x3F9D]  }
0x1a: {  	s8 =	sadd.s32 $0xFFFFE003, lr  }
0x1b: {  	s9 =	sadd.s32 $0xFFFFFEF7, lr;
	s5 =	simm.s32 $0xFFFFFFFF;
	p2 =	slt.u32 s8, $0xFFFFF086  }
0x1c: {  	p1 =	slt.u32 s9, $0xF7A;
	s5 =	simm.s32 @!p2 $0x0  }
0x1d: {  	s5 =	simm.s32 @p1 $0x1;
	p0 =	seq.s32 s7, s2  }
0x1e: {  	s7 =	smul.u32 @!p0 $0xF7A, s2;
	p2 =	seq.s32 @!p0 s5, $0x0  }
0x1f: {  	s9 =	smul.u32 $0xF7A, s1;
	s8 =	simm.s32 @!p0 $0x1BF5;
	p2 =	por !p2, p0  }
0x20: {  	[sflag:s8] =	ssyncset.s32 @!p0 $0xFFFFF086;
	s6 =	sadd.s32 @!p0 s3, s7;
	s7 =	simm.s32 @!p0 $0x108  }
0x21: {  	s3 =	sadd.s32 s3, s9;
	s6 =	sadd.s32 @!p0 $0x88, s6;
	s7 =	simm.s32 @p2 $0x1082  }
0x22: {  	[simem:s7], [sflag:s8] =	dma.local @!p0 [hbm:s6], $0xF7A  }
0x23: {  	s9 =	sor.u32 $0xD0000000, s2;
	s6 =	simm.s32 $0x108;
	_ =	swait.ge @!p0 [sflag:s8], $0x0  }
0x24: {  	s3 =	sadd.s32 $0x88, s3;
	s6 =	simm.s32 @!p1 $0x1082;
	[sflag:s4] =	ssyncset.s32 $0xFFFFF086  }
0x25: {  	[simem:s6], [sflag:s4] =	dma.local [hbm:s3], $0xF7A  }
0x26: {  	[smem:$0x3F9D] =	sst s1;
	(tag) =	ssettag s2;
	_ =	strace s9  }
0x27: {  	s1 =	sld [smem:$0x3FAD]  }
0x28: {  	s2 =	sld [smem:$0x3FAE]  }
0x29: {  	s4 =	sld [smem:$0x3FB0]  }
0x2a: {  	p0 =	seq.s32 s5, $0x0;
	s5 =	sld [smem:$0x3FB1]  }
0x2b: {  	s6 =	sld [smem:$0x3FB2]  }
0x2c: {  	s7 =	sld [smem:$0x3FB3]  }
0x2d: {  	s3 =	simm.s32 $0x108;
	s8 =	sld [smem:$0x3FB4]  }
0x2e: {  	s3 =	simm.s32 @!p0 $0x1082;
	s9 =	sld [smem:$0x3FB5]  }
0x2f: {  	lr =	sadd.s32 s0, s3;
	s0 =	sld [smem:$0x3FAC]  }
0x30: {  	s3 =	sld [smem:$0x3FAF]  }
0x31: {  	[smem:$0x3FB8] =	sst s10  }
0x32: {  	s10 =	sld [smem:$0x3FB6];
	_ =	sdelay $0x3  }
0x33: {  	p0 =	seq.s32 s10, $0x1;
	s10 =	sld [smem:$0x3FB8];
	_ =	sdelay $0x3  }
0x34: {  	[smem:$0x3FB8] =	sst s10  }
0x35: {  	s10 =	sld [smem:$0x3FB7];
	_ =	sdelay $0x3  }
0x36: {  	p1 =	seq.s32 s10, $0x1;
	s10 =	sld [smem:$0x3FB8];
	_ =	sdelay $0x3  }
0x37: {  	[smem:$0x3FB8] =	sst s10  }
0x38: {  	s10 =	sld [smem:$0x3FB9]  }
0x39: {  	_ = 	snop;
	(pc) =	sbr.ind lr, $3  }
0x3a: {  	_ = 	snop  }
0x3b: {  	_ = 	snop  }
0x3c: {  	p2 =	seq.s32 s10, $0x1;
	s10 =	sld [smem:$0x3FB8]  }
0x3d: {  	_ =	shalt  }
0x3e: {  	_ =	shalt  }
0x3f: {  	_ =	shalt  }
0x40: {  	_ =	shalt  }
0x41: {  	_ =	shalt  }
0x42: {  	_ =	shalt  }
0x43: {  	_ =	shalt  }
0x44: {  	_ =	shalt  }
0x45: {  	_ =	shalt  }
0x46: {  	_ =	shalt  }
0x47: {  	_ =	shalt  }
0x48: {  	_ =	shalt  }
0x49: {  	_ =	shalt  }
0x4a: {  	_ =	shalt  }
0x4b: {  	_ =	shalt  }
0x4c: {  	_ =	shalt  }
0x4d: {  	_ =	shalt  }
0x4e: {  	_ =	shalt  }
0x4f: {  	_ =	shalt  }
0x50: {  	_ =	shalt  }
0x51: {  	_ =	shalt  }
0x52: {  	_ =	shalt  }
0x53: {  	_ =	shalt  }
0x54: {  	_ =	shalt  }
0x55: {  	_ =	shalt  }
0x56: {  	_ =	shalt  }
0x57: {  	_ =	shalt  }
0x58: {  	_ =	shalt  }
0x59: {  	_ =	shalt  }
0x5a: {  	_ =	shalt  }
0x5b: {  	_ =	shalt  }
0x5c: {  	_ =	shalt  }
0x5d: {  	_ =	shalt  }
0x5e: {  	_ =	shalt  }
0x5f: {  	_ =	shalt  }
0x60: {  	_ =	shalt  }
0x61: {  	_ =	shalt  }
0x62: {  	_ =	shalt  }
0x63: {  	_ =	shalt  }
0x64: {  	_ =	shalt  }
0x65: {  	_ =	shalt  }
0x66: {  	_ =	shalt  }
0x67: {  	_ =	shalt  }
0x68: {  	_ =	shalt  }
0x69: {  	_ =	shalt  }
0x6a: {  	_ =	shalt  }
0x6b: {  	_ =	shalt  }
0x6c: {  	_ =	shalt  }
0x6d: {  	_ =	shalt  }
0x6e: {  	_ =	shalt  }
0x6f: {  	_ =	shalt  }
0x70: {  	_ =	shalt  }
0x71: {  	_ =	shalt  }
0x72: {  	_ =	shalt  }
0x73: {  	_ =	shalt  }
0x74: {  	_ =	shalt  }
0x75: {  	_ =	shalt  }
0x76: {  	_ =	shalt  }
0x77: {  	_ =	shalt  }
0x78: {  	_ =	shalt  }
0x79: {  	_ =	shalt  }
0x7a: {  	_ =	shalt  }
0x7b: {  	_ =	shalt  }
0x7c: {  	_ =	shalt  }
0x7d: {  	_ =	shalt  }
0x7e: {  	_ =	shalt  }
0x7f: {  	_ =	shalt  }
0x80: {  	_ =	shalt  }
0x81: {  	_ =	shalt  }
0x82: {  	_ =	shalt  }
0x83: {  	_ =	shalt  }
0x84: {  	_ =	shalt  }
0x85: {  	_ =	shalt  }
0x86: {  	_ =	shalt  }
0x87: {  	_ =	shalt  }
.Lfunc_end0:
.L_simem_size_0:
called_computation_lowered:
.L_overlay_start_0:
0x88: {  	s2 =	sld [smem:$0x3FD9]  }
0x89: {  	s3 =	sld [smem:$0x3FFE];
	_ =	sdelay $0x1  }
0x8a: {  	s1 =	srdreg.scid  }
0x8b: {  	s0 =	sand.u32 $0x1, s1  }
0x8c: {  	s17 =	sshll.u32 s0, $0xA;
	s2 =	sadd.s32 s3, s2  }
0x8d: {  	s2 =	sadd.s32 s2, s17  }
0x8e: {  	[smem:$0x3FC4] =	sst s2  }
0x8f: {  	_ = 	snop  }
0x90: {  	s2 =	sld [smem:$0x3FD0];
	(tm) =	ssettm $0x1  }
0x91: {  	s18 =	sld [smem:$0x3FFB];
	_ =	sdelay $0x3  }
0x92: {  	_ =	strace s18  }
0x93: {  	s3 =	sld [smem:$0x3FFC];
	_ =	sdelay $0x3  }
0x94: {  	_ =	strace s3  }
0x95: {  	s3 =	sld [smem:$0x3FFD];
	_ =	sdelay $0x3  }
0x96: {  	_ =	strace s3  }
0x97: {  	_ =	strace $0x8FFFFFFF  }
0x98: {  	s19 =	sld [smem:$0x3FDB];
	_ =	sdelay $0x1  }
0x99: {  	s4 =	simm.s32 $_scs_section_size  }
0x9a: {  	s5 =	simm.s32 $_size__tile_overlayer_lowered;
	s6 =	simm.s32 $_tile_overlayer_lowered  }
0x9b: {  	s22 =	simm.s32 $0x1BFF;
	s21 =	sshll.u32 s6, $0x1;
	s3 =	sadd.s32 s4, s19  }
0x9c: {  	s7 =	simm.s32 $0x0;
	s20 =	sshll.u32 s5, $0x1;
	s5 =	sadd.s32 s21, s3  }
0x9d: {  	[timem:s7], [sflag:s22] =	dma.local [hbm:s5], s20  }
0x9e: {  	_ =	swait.ge [sflag:s22], s20  }
0x9f: {  	s4 =	ssub.s32 $0x0, s20;
	[sflag:s22] =	ssyncset.done $0x0  }
0xa0: {  	[sflag:s22] =	ssyncadd.s32 s4;
	_ =	sdelay $0x1  }
0xa1: {  	s23 =	simm.s32 $0x1B8B  }
0xa2: {  	_ =	swait.ge [sflag:s23], $0x1  }
0xa3: {  	[sflag:s23] =	ssyncset.done $0x0  }
0xa4: {  	s25 =	simm.s32 $0x1B8E;
	s24 =	sld [smem:$0x3FFE];
	[sflag:s23] =	ssyncadd.s32 $0xFFFFFFFF  }
0xa5: {  	s26 =	simm.s32 $execute0_lowered;
	[smem:$0x3FD2] =	sst s25  }
0xa6: {  	s5 =	sshll.u32 s26, $0x1;
	_ =	strace $0x80000046;
	[dreg:$0x1] =	wrdreg $0xFFFFFFFF  }
0xa7: {  	s28 =	simm.s32 $_size_execute0_lowered;
	s3 =	sadd.s32 s3, s5;
	[dreg:$0x0] =	wrdreg $0x0  }
0xa8: {  	s5 =	sshll.u32 s28, $0x1;
	[dreg:$0x2] =	wrdreg s3  }
0xa9: {  	[dreg:$0x3] =	wrdreg s5  }
0xaa: {  	[dreg:$0x4] =	wrdreg $0xC0  }
0xab: {  	_ =	task [dreg:s7], $0x5FFFF  }
0xac: {  	[dreg:$0x1] =	wrdreg $0xFFFFFFFF  }
0xad: {  	[dreg:$0x0] =	wrdreg $0x60  }
0xae: {  	[dreg:$0x2] =	wrdreg s24  }
0xaf: {  	[dreg:$0x3] =	wrdreg s2  }
0xb0: {  	[dreg:$0x4] =	wrdreg $0x9  }
0xb1: {  	_ =	task.clear_ibuf [dreg:s7], $0x5FFFF;
	_ =	strace $0x90000046  }
0xb2: {  	s29 =	simm.s32 $0x9;
	_ =	strace $0x80000048  }
0xb3: {  	_ =	swait.ge [sflag:s29], $0x1  }
0xb4: {  	[sflag:s29] =	ssyncadd.s32 $0xFFFFFFFF  }
0xb5: {  	_ =	strace $0x90000048  }
0xb6: {  	_ =	sfence  }
0xb7: {  	s30 =	sld [smem:$0x0];
	_ =	sdelay $0x2  }
0xb8: {  	s31 =	sshll.u32 s1, $0xD;
	s1 =	sshrl.u32 s1, $0x2  }
0xb9: {  	s3 =	sand.u32 $0x4000, s31;
	s1 =	sadd.s32 s1, s30  }
0xba: {  	s0 =	sor.u32 s3, s0;
	s1 =	sshll.u32 s1, $0x11  }
0xbb: {  	s0 =	sor.u32 s1, s0  }
0xbc: {  	s0 =	sadd.s32 $0x8F2B, s0  }
0xbd: {  	[sflag:s0] =	ssyncadd.remote.s32 $0x1  }
0xbe: {  	_ =	sfence.sel $0xFFFF  }
0xbf: {  	[dreg:$0x0] =	wrdreg $0xFFFFFFFF;
	(pc) =	sbr.abs _section_cstart, $3  }
0xc0: {  	[dreg:$0x1] =	wrdreg $0xFFFFFFFF  }
0xc1: {  	_ =	task.clear_ibuf [dreg:s7], $0x2FFFF;
	_ =	strace $0x9FFFFFFF  }
0xc2: {  	(tm) =	ssettm $0x7FFFFFFF  }
0xc3: {  	_ =	shalt  }
tec
execute0_lowered:
.L_overlay_start_1:
0x0: {  	(tag) =	ssettag $0x1  }
0x1: {  	s0 =	rddreg [dreg:$0x0]  }
0x2: {  	s2 =	rddreg [dreg:$0x1];
	s1 =	srdreg.scid;
	s3 =	simm.s32 $0x0  }
0x3: {  	s4 =	stileid.u32;
	s29 =	simm.s32 $0x100;
	s28 =	simm.s32 $0x4  }
0x4: {  	s1 =	sand.u32 $0x1, s1;
	[smem:$0x7FF] =	sst s3;
	s4 =	sshll.u32 s4, $0xA  }
0x5: {  	s5 =	sshll.u32 s1, $0x9;
	_ =	strace $0x80000047;
	s1 =	ssub.s32 $0x2, s1  }
0x6: {  	s4 =	sor.u32 s5, s4;
	s5 =	sadd.s32 $0xC00, s0;
	s0 =	sadd.s32 $0x100C00, s0  }
0x7: {  	s16 =	sshrl.u32 s1, $0x1;
	s6 =	sshrl.u32 s4, $0x3;
	s7 =	sshll.u32 s4, $0x6  }
0x8: {  	s8 =	sor.u32 $0x40, s4;
	s31 =	sor.u32 $0x80, s4;
	s9 =	sor.u32 $0xC0, s4  }
0x9: {  	s15 =	sor.u32 $0x100, s4;
	s1 =	ssub.s32 s1, s16;
	s6 =	sadd.s32 s0, s6  }
0xa: {  	s23 =	sadd.s32 s5, s7;
	s24 =	sshrl.u32 s8, $0x3;
	s26 =	sshll.u32 s8, $0x6  }
0xb: {  	s8 =	sshrl.u32 s31, $0x3;
	s7 =	sshll.u32 s31, $0x6;
	s11 =	sshrl.u32 s9, $0x3  }
0xc: {  	s13 =	sshll.u32 s9, $0x6;
	s17 =	sshrl.u32 s15, $0x3;
	[dreg:$0x3] =	wrdreg s6  }
0xd: {  	s9 =	sor.u32 $0x140, s4;
	[dreg:$0x4] =	wrdreg s23;
	s25 =	sadd.s32 s0, s24  }
0xe: {  	s30 =	sadd.s32 s5, s26;
	s6 =	sadd.s32 s0, s8;
	[dreg:$0x5] =	wrdreg s25  }
0xf: {  	s10 =	sadd.s32 s5, s7;
	s12 =	sadd.s32 s0, s11;
	[dreg:$0x6] =	wrdreg s30  }
0x10: {  	s14 =	sadd.s32 s5, s13;
	s7 =	sshll.u32 s15, $0x6;
	[dreg:$0x7] =	wrdreg s6  }
0x11: {  	s19 =	sshrl.u32 s9, $0x3;
	s21 =	sshll.u32 s9, $0x6;
	[dreg:$0x8] =	wrdreg s10  }
0x12: {  	s23 =	sor.u32 $0x180, s4;
	s4 =	sor.u32 $0x1C0, s4;
	[dreg:$0x9] =	wrdreg s12  }
0x13: {  	s8 =	simm.s32 $0x3;
	[dreg:$0xa] =	wrdreg s14;
	s6 =	sadd.s32 s0, s17  }
0x14: {  	s18 =	sadd.s32 s5, s7;
	s20 =	sadd.s32 s0, s19;
	[dreg:$0xb] =	wrdreg s6  }
0x15: {  	s22 =	sadd.s32 s5, s21;
	s24 =	sshrl.u32 s23, $0x3;
	[dreg:$0xc] =	wrdreg s18  }
0x16: {  	s7 =	sshll.u32 s23, $0x6;
	s26 =	sshrl.u32 s4, $0x3;
	[dreg:$0xd] =	wrdreg s20  }
0x17: {  	s30 =	sshll.u32 s4, $0x6;
	[dreg:$0xe] =	wrdreg s22;
	s6 =	sadd.s32 s0, s24  }
0x18: {  	s4 =	sadd.s32 $0x100, s2;
	s25 =	sadd.s32 s5, s7;
	[dreg:$0xf] =	wrdreg s6  }
0x19: {  	v2 =	vlaneseq.u32;
	s0 =	sadd.s32 s0, s26;
	s31 =	sadd.s32 s5, s30;
	[dreg:$0x10] =	wrdreg s25  }
0x1a: {  	vm0 =	vmmov $0xffff;
	v1 =	vshrl.u32 v2, $0x3;
	s5 =	smax.u32 s1, $0x1;
	s7 =	simm.s32 $0x1;
	[dreg:$0x11] =	wrdreg s0  }
0x1b: {  	v0 =	vand.u32 $0x7, v2;
	v2 =	vor.u32 $0x8, v2;
	v1 =	vmul.u32 $0x8, v1;
	s26 =	simm.s32 $0x2;
	[dreg:$0x12] =	wrdreg s31;
	s25 =	simm.s32 $0x8100  }
.LBB2_1:
0x1c: {  	s19 =	rddreg [dreg:$0x3]  }
0x1d: {  	[tilespmem:s3], [sflag:$0x1] =	stream.linear.gather [hbm4b:s19+s3], $0x40, $0x38;
	[tilespmem:$0x10100] =	vst v63  }
0x1e: {  	s20 =	rddreg [dreg:$0x4]  }
0x1f: {  	[tilespmem:s29], [sflag:$0x3] =	stream.linear.gather [hbm4b:s20+s3], $0x8000, $0x38;
	[tilespmem:$0x10100] =	vst v63  }
0x20: {  	_ =	swait.ge [sflag:s7], $0x40  }
0x21: {  	[sflag:s7] =	ssyncset.done $0x0  }
0x22: {  	[sflag:s7] =	ssyncadd.s32 $0xFFFFFFC0  }
0x23: {  	_ =	swait.ge [sflag:s8], $0x8000  }
0x24: {  	[sflag:s8] =	ssyncset.done $0x0  }
0x25: {  	[sflag:s8] =	ssyncadd.s32 $0xFFFF8000  }
0x26: {  	v3 =	vld [tilespmem:$0x0];
	_ =	sdelay $0x4  }
0x27: {  	v4 =	vshll.u32 v3, $0x2  }
0x28: {  	v3 =	vand.u32 $0x7, v3;
	v4 =	vand.u32 $0xFFFFFFE0, v4  }
0x29: {  	v3 =	vor.u32 v3, v4  }
0x2a: {  	v4 =	vperm.xlane v3, v0;
	_ =	sdelay $0x1  }
0x2b: {  	v4 =	vadd.s32 v1, v4;
	_ =	sdelay $0x1  }
0x2c: {  	v3 =	vperm.xlane v3, v2;
	_ =	sdelay $0x1  }
0x2d: {  	v3 =	vadd.s32 v1, v3  }
0x2e: {  	[hbm4b:s2+s3] =	stream.indirect_vreg.scatter [tilespmem:s29], [sflag:$0x1], $0x80, v4, vm0, $0xb8;
	[tilespmem:$0x10100] =	vst v63  }
0x2f: {  	s0 =	simm.s32 $0x900  }
0x30: {  	[hbm4b:s4+s3] =	stream.indirect_vreg.scatter [tilespmem:s0], [sflag:$0x1], $0x80, v4, vm0, $0xb8;
	[tilespmem:$0x10100] =	vst v63  }
0x31: {  	s23 =	simm.s32 $0x1100  }
0x32: {  	[hbm4b:s2+s3] =	stream.indirect_vreg.scatter [tilespmem:s23], [sflag:$0x1], $0x80, v3, vm0, $0xb8;
	[tilespmem:$0x10100] =	vst v63  }
0x33: {  	s24 =	simm.s32 $0x1900  }
0x34: {  	[hbm4b:s4+s3] =	stream.indirect_vreg.scatter [tilespmem:s24], [sflag:$0x1], $0x80, v3, vm0, $0xb8;
	[tilespmem:$0x10100] =	vst v63  }
0x35: {  	v3 =	vld [tilespmem:$0x10];
	_ =	sdelay $0x4  }
0x36: {  	v33 =	vshll.u32 v3, $0x2  }
0x37: {  	v3 =	vand.u32 $0x7, v3;
	v4 =	vand.u32 $0xFFFFFFE0, v33  }
0x38: {  	v3 =	vor.u32 v3, v4  }
0x39: {  	v4 =	vperm.xlane v3, v0;
	_ =	sdelay $0x1  }
0x3a: {  	v4 =	vadd.s32 v1, v4;
	_ =	sdelay $0x1  }
0x3b: {  	v3 =	vperm.xlane v3, v2;
	_ =	sdelay $0x1  }
0x3c: {  	s30 =	simm.s32 $0x2100;
	v3 =	vadd.s32 v1, v3  }
0x3d: {  	[hbm4b:s2+s3] =	stream.indirect_vreg.scatter [tilespmem:s30], [sflag:$0x1], $0x80, v4, vm0, $0xb8;
	[tilespmem:$0x10100] =	vst v63  }
0x3e: {  	s31 =	simm.s32 $0x2900  }
0x3f: {  	[hbm4b:s4+s3] =	stream.indirect_vreg.scatter [tilespmem:s31], [sflag:$0x1], $0x80, v4, vm0, $0xb8;
	[tilespmem:$0x10100] =	vst v63  }
0x40: {  	s1 =	simm.s32 $0x3100  }
0x41: {  	[hbm4b:s2+s3] =	stream.indirect_vreg.scatter [tilespmem:s1], [sflag:$0x1], $0x80, v3, vm0, $0xb8;
	[tilespmem:$0x10100] =	vst v63  }
0x42: {  	s6 =	simm.s32 $0x3900  }
0x43: {  	[hbm4b:s4+s3] =	stream.indirect_vreg.scatter [tilespmem:s6], [sflag:$0x1], $0x80, v3, vm0, $0xb8;
	[tilespmem:$0x10100] =	vst v63  }
0x44: {  	v3 =	vld [tilespmem:$0x20];
	_ =	sdelay $0x4  }
0x45: {  	v34 =	vshll.u32 v3, $0x2  }
0x46: {  	v3 =	vand.u32 $0x7, v3;
	v4 =	vand.u32 $0xFFFFFFE0, v34  }
0x47: {  	v3 =	vor.u32 v3, v4  }
0x48: {  	v4 =	vperm.xlane v3, v0;
	_ =	sdelay $0x1  }
0x49: {  	v4 =	vadd.s32 v1, v4;
	_ =	sdelay $0x1  }
0x4a: {  	v3 =	vperm.xlane v3, v2;
	_ =	sdelay $0x1  }
0x4b: {  	s9 =	simm.s32 $0x4100;
	v3 =	vadd.s32 v1, v3  }
0x4c: {  	[hbm4b:s2+s3] =	stream.indirect_vreg.scatter [tilespmem:s9], [sflag:$0x1], $0x80, v4, vm0, $0xb8;
	[tilespmem:$0x10100] =	vst v63  }
0x4d: {  	s14 =	simm.s32 $0x4900  }
0x4e: {  	[hbm4b:s4+s3] =	stream.indirect_vreg.scatter [tilespmem:s14], [sflag:$0x1], $0x80, v4, vm0, $0xb8;
	[tilespmem:$0x10100] =	vst v63  }
0x4f: {  	s15 =	simm.s32 $0x5100  }
0x50: {  	[hbm4b:s2+s3] =	stream.indirect_vreg.scatter [tilespmem:s15], [sflag:$0x1], $0x80, v3, vm0, $0xb8;
	[tilespmem:$0x10100] =	vst v63  }
0x51: {  	s16 =	simm.s32 $0x5900  }
0x52: {  	[hbm4b:s4+s3] =	stream.indirect_vreg.scatter [tilespmem:s16], [sflag:$0x1], $0x80, v3, vm0, $0xb8;
	[tilespmem:$0x10100] =	vst v63  }
0x53: {  	v3 =	vld [tilespmem:$0x30];
	_ =	sdelay $0x4  }
0x54: {  	v35 =	vshll.u32 v3, $0x2  }
0x55: {  	v3 =	vand.u32 $0x7, v3;
	v4 =	vand.u32 $0xFFFFFFE0, v35  }
0x56: {  	v3 =	vor.u32 v3, v4  }
0x57: {  	v4 =	vperm.xlane v3, v0;
	_ =	sdelay $0x1  }
0x58: {  	v4 =	vadd.s32 v1, v4;
	_ =	sdelay $0x1  }
0x59: {  	v3 =	vperm.xlane v3, v2;
	_ =	sdelay $0x1  }
0x5a: {  	s17 =	simm.s32 $0x6100;
	v3 =	vadd.s32 v1, v3  }
0x5b: {  	[hbm4b:s2+s3] =	stream.indirect_vreg.scatter [tilespmem:s17], [sflag:$0x1], $0x80, v4, vm0, $0xb8;
	[tilespmem:$0x10100] =	vst v63  }
0x5c: {  	s18 =	simm.s32 $0x6900  }
0x5d: {  	[hbm4b:s4+s3] =	stream.indirect_vreg.scatter [tilespmem:s18], [sflag:$0x1], $0x80, v4, vm0, $0xb8;
	[tilespmem:$0x10100] =	vst v63  }
0x5e: {  	s19 =	simm.s32 $0x7100  }
0x5f: {  	[hbm4b:s2+s3] =	stream.indirect_vreg.scatter [tilespmem:s19], [sflag:$0x1], $0x80, v3, vm0, $0xb8;
	[tilespmem:$0x10100] =	vst v63  }
0x60: {  	s21 =	simm.s32 $0x7900  }
0x61: {  	[hbm4b:s4+s3] =	stream.indirect_vreg.scatter [tilespmem:s21], [sflag:$0x1], $0x80, v3, vm0, $0xb8;
	[tilespmem:$0x10100] =	vst v63  }
0x62: {  	s20 =	rddreg [dreg:$0x5];
	s23 =	simm.s32 $0x80  }
0x63: {  	[tilespmem:s23], [sflag:$0x2] =	stream.linear.gather [hbm4b:s20+s3], $0x40, $0x38;
	[tilespmem:$0x10100] =	vst v63  }
0x64: {  	s22 =	rddreg [dreg:$0x6]  }
0x65: {  	[tilespmem:s25], [sflag:$0x4] =	stream.linear.gather [hbm4b:s22+s3], $0x8000, $0x38;
	[tilespmem:$0x10100] =	vst v63  }
0x66: {  	_ =	swait.ge [sflag:s26], $0x40  }
0x67: {  	[sflag:s26] =	ssyncset.done $0x0  }
0x68: {  	[sflag:s26] =	ssyncadd.s32 $0xFFFFFFC0  }
0x69: {  	_ =	swait.ge [sflag:s28], $0x8000  }
0x6a: {  	[sflag:s28] =	ssyncset.done $0x0  }
0x6b: {  	[sflag:s28] =	ssyncadd.s32 $0xFFFF8000  }
0x6c: {  	v3 =	vld [tilespmem:$0x80];
	_ =	sdelay $0x4  }
0x6d: {  	v36 =	vshll.u32 v3, $0x2  }
0x6e: {  	v3 =	vand.u32 $0x7, v3;
	v4 =	vand.u32 $0xFFFFFFE0, v36  }
0x6f: {  	v3 =	vor.u32 v3, v4  }
0x70: {  	v4 =	vperm.xlane v3, v0;
	_ =	sdelay $0x1  }
0x71: {  	v4 =	vadd.s32 v1, v4;
	_ =	sdelay $0x1  }
0x72: {  	v3 =	vperm.xlane v3, v2;
	_ =	sdelay $0x1  }
0x73: {  	v3 =	vadd.s32 v1, v3  }
0x74: {  	[hbm4b:s2+s3] =	stream.indirect_vreg.scatter [tilespmem:s25], [sflag:$0x2], $0x80, v4, vm0, $0xb8;
	[tilespmem:$0x10100] =	vst v63  }
0x75: {  	s24 =	simm.s32 $0x8900  }
0x76: {  	[hbm4b:s4+s3] =	stream.indirect_vreg.scatter [tilespmem:s24], [sflag:$0x2], $0x80, v4, vm0, $0xb8;
	[tilespmem:$0x10100] =	vst v63  }
0x77: {  	s30 =	simm.s32 $0x9100  }
0x78: {  	[hbm4b:s2+s3] =	stream.indirect_vreg.scatter [tilespmem:s30], [sflag:$0x2], $0x80, v3, vm0, $0xb8;
	[tilespmem:$0x10100] =	vst v63  }
0x79: {  	s31 =	simm.s32 $0x9900  }
0x7a: {  	[hbm4b:s4+s3] =	stream.indirect_vreg.scatter [tilespmem:s31], [sflag:$0x2], $0x80, v3, vm0, $0xb8;
	[tilespmem:$0x10100] =	vst v63  }
0x7b: {  	v3 =	vld [tilespmem:$0x90];
	_ =	sdelay $0x4  }
0x7c: {  	v37 =	vshll.u32 v3, $0x2  }
0x7d: {  	v3 =	vand.u32 $0x7, v3;
	v4 =	vand.u32 $0xFFFFFFE0, v37  }
0x7e: {  	v3 =	vor.u32 v3, v4  }
0x7f: {  	v4 =	vperm.xlane v3, v0;
	_ =	sdelay $0x1  }
0x80: {  	v4 =	vadd.s32 v1, v4;
	_ =	sdelay $0x1  }
0x81: {  	v3 =	vperm.xlane v3, v2;
	_ =	sdelay $0x1  }
0x82: {  	s6 =	simm.s32 $0xA100;
	v3 =	vadd.s32 v1, v3  }
0x83: {  	[hbm4b:s2+s3] =	stream.indirect_vreg.scatter [tilespmem:s6], [sflag:$0x2], $0x80, v4, vm0, $0xb8;
	[tilespmem:$0x10100] =	vst v63  }
0x84: {  	s9 =	simm.s32 $0xA900  }
0x85: {  	[hbm4b:s4+s3] =	stream.indirect_vreg.scatter [tilespmem:s9], [sflag:$0x2], $0x80, v4, vm0, $0xb8;
	[tilespmem:$0x10100] =	vst v63  }
0x86: {  	s15 =	simm.s32 $0xB100  }
0x87: {  	[hbm4b:s2+s3] =	stream.indirect_vreg.scatter [tilespmem:s15], [sflag:$0x2], $0x80, v3, vm0, $0xb8;
	[tilespmem:$0x10100] =	vst v63  }
0x88: {  	s16 =	simm.s32 $0xB900  }
0x89: {  	[hbm4b:s4+s3] =	stream.indirect_vreg.scatter [tilespmem:s16], [sflag:$0x2], $0x80, v3, vm0, $0xb8;
	[tilespmem:$0x10100] =	vst v63  }
0x8a: {  	v3 =	vld [tilespmem:$0xA0];
	_ =	sdelay $0x4  }
0x8b: {  	v38 =	vshll.u32 v3, $0x2  }
0x8c: {  	v3 =	vand.u32 $0x7, v3;
	v4 =	vand.u32 $0xFFFFFFE0, v38  }
0x8d: {  	v3 =	vor.u32 v3, v4  }
0x8e: {  	v4 =	vperm.xlane v3, v0;
	_ =	sdelay $0x1  }
0x8f: {  	v4 =	vadd.s32 v1, v4;
	_ =	sdelay $0x1  }
0x90: {  	v3 =	vperm.xlane v3, v2;
	_ =	sdelay $0x1  }
0x91: {  	s17 =	simm.s32 $0xC100;
	v3 =	vadd.s32 v1, v3  }
0x92: {  	[hbm4b:s2+s3] =	stream.indirect_vreg.scatter [tilespmem:s17], [sflag:$0x2], $0x80, v4, vm0, $0xb8;
	[tilespmem:$0x10100] =	vst v63  }
0x93: {  	s18 =	simm.s32 $0xC900  }
0x94: {  	[hbm4b:s4+s3] =	stream.indirect_vreg.scatter [tilespmem:s18], [sflag:$0x2], $0x80, v4, vm0, $0xb8;
	[tilespmem:$0x10100] =	vst v63  }
0x95: {  	s20 =	simm.s32 $0xD100  }
0x96: {  	[hbm4b:s2+s3] =	stream.indirect_vreg.scatter [tilespmem:s20], [sflag:$0x2], $0x80, v3, vm0, $0xb8;
	[tilespmem:$0x10100] =	vst v63  }
0x97: {  	s21 =	simm.s32 $0xD900  }
0x98: {  	[hbm4b:s4+s3] =	stream.indirect_vreg.scatter [tilespmem:s21], [sflag:$0x2], $0x80, v3, vm0, $0xb8;
	[tilespmem:$0x10100] =	vst v63  }
0x99: {  	v3 =	vld [tilespmem:$0xB0];
	_ =	sdelay $0x4  }
0x9a: {  	v39 =	vshll.u32 v3, $0x2  }
0x9b: {  	v3 =	vand.u32 $0x7, v3;
	v4 =	vand.u32 $0xFFFFFFE0, v39  }
0x9c: {  	v3 =	vor.u32 v3, v4  }
0x9d: {  	v4 =	vperm.xlane v3, v0;
	_ =	sdelay $0x1  }
0x9e: {  	v4 =	vadd.s32 v1, v4;
	_ =	sdelay $0x1  }
0x9f: {  	v3 =	vperm.xlane v3, v2;
	_ =	sdelay $0x1  }
0xa0: {  	s0 =	simm.s32 $0xE100;
	v3 =	vadd.s32 v1, v3  }
0xa1: {  	[hbm4b:s2+s3] =	stream.indirect_vreg.scatter [tilespmem:s0], [sflag:$0x2], $0x80, v4, vm0, $0xb8;
	[tilespmem:$0x10100] =	vst v63  }
0xa2: {  	s6 =	simm.s32 $0xE900  }
0xa3: {  	[hbm4b:s4+s3] =	stream.indirect_vreg.scatter [tilespmem:s6], [sflag:$0x2], $0x80, v4, vm0, $0xb8;
	[tilespmem:$0x10100] =	vst v63  }
0xa4: {  	s9 =	simm.s32 $0xF100  }
0xa5: {  	[hbm4b:s2+s3] =	stream.indirect_vreg.scatter [tilespmem:s9], [sflag:$0x2], $0x80, v3, vm0, $0xb8;
	[tilespmem:$0x10100] =	vst v63  }
0xa6: {  	s15 =	simm.s32 $0xF900  }
0xa7: {  	[hbm4b:s4+s3] =	stream.indirect_vreg.scatter [tilespmem:s15], [sflag:$0x2], $0x80, v3, vm0, $0xb8;
	[tilespmem:$0x10100] =	vst v63  }
0xa8: {  	_ =	swait.ge [sflag:s7], $0x8000  }
0xa9: {  	[sflag:s7] =	ssyncset.done $0x0  }
0xaa: {  	s16 =	rddreg [dreg:$0x7];
	[sflag:s7] =	ssyncadd.s32 $0xFFFF8000  }
0xab: {  	[tilespmem:s3], [sflag:$0x1] =	stream.linear.gather [hbm4b:s16+s3], $0x40, $0x38;
	[tilespmem:$0x10100] =	vst v63  }
0xac: {  	s17 =	rddreg [dreg:$0x8]  }
0xad: {  	[tilespmem:s29], [sflag:$0x3] =	stream.linear.gather [hbm4b:s17+s3], $0x8000, $0x38;
	[tilespmem:$0x10100] =	vst v63  }
0xae: {  	_ =	swait.ge [sflag:s7], $0x40  }
0xaf: {  	[sflag:s7] =	ssyncset.done $0x0  }
0xb0: {  	[sflag:s7] =	ssyncadd.s32 $0xFFFFFFC0  }
0xb1: {  	_ =	swait.ge [sflag:s8], $0x8000  }
0xb2: {  	[sflag:s8] =	ssyncset.done $0x0  }
0xb3: {  	[sflag:s8] =	ssyncadd.s32 $0xFFFF8000  }
0xb4: {  	v3 =	vld [tilespmem:$0x0];
	_ =	sdelay $0x4  }
0xb5: {  	v40 =	vshll.u32 v3, $0x2  }
0xb6: {  	v3 =	vand.u32 $0x7, v3;
	v4 =	vand.u32 $0xFFFFFFE0, v40  }
0xb7: {  	v3 =	vor.u32 v3, v4  }
0xb8: {  	v4 =	vperm.xlane v3, v0;
	_ =	sdelay $0x1  }
0xb9: {  	v4 =	vadd.s32 v1, v4;
	_ =	sdelay $0x1  }
0xba: {  	v3 =	vperm.xlane v3, v2;
	_ =	sdelay $0x1  }
0xbb: {  	v3 =	vadd.s32 v1, v3  }
0xbc: {  	[hbm4b:s2+s3] =	stream.indirect_vreg.scatter [tilespmem:s29], [sflag:$0x1], $0x80, v4, vm0, $0xb8;
	[tilespmem:$0x10100] =	vst v63  }
0xbd: {  	s6 =	simm.s32 $0x900  }
0xbe: {  	[hbm4b:s4+s3] =	stream.indirect_vreg.scatter [tilespmem:s6], [sflag:$0x1], $0x80, v4, vm0, $0xb8;
	[tilespmem:$0x10100] =	vst v63  }
0xbf: {  	s9 =	simm.s32 $0x1100  }
0xc0: {  	[hbm4b:s2+s3] =	stream.indirect_vreg.scatter [tilespmem:s9], [sflag:$0x1], $0x80, v3, vm0, $0xb8;
	[tilespmem:$0x10100] =	vst v63  }
0xc1: {  	s10 =	simm.s32 $0x1900  }
0xc2: {  	[hbm4b:s4+s3] =	stream.indirect_vreg.scatter [tilespmem:s10], [sflag:$0x1], $0x80, v3, vm0, $0xb8;
	[tilespmem:$0x10100] =	vst v63  }
0xc3: {  	v3 =	vld [tilespmem:$0x10];
	_ =	sdelay $0x4  }
0xc4: {  	v41 =	vshll.u32 v3, $0x2  }
0xc5: {  	v3 =	vand.u32 $0x7, v3;
	v4 =	vand.u32 $0xFFFFFFE0, v41  }
0xc6: {  	v3 =	vor.u32 v3, v4  }
0xc7: {  	v4 =	vperm.xlane v3, v0;
	_ =	sdelay $0x1  }
0xc8: {  	v4 =	vadd.s32 v1, v4;
	_ =	sdelay $0x1  }
0xc9: {  	v3 =	vperm.xlane v3, v2;
	_ =	sdelay $0x1  }
0xca: {  	s10 =	simm.s32 $0x2100;
	v3 =	vadd.s32 v1, v3  }
0xcb: {  	[hbm4b:s2+s3] =	stream.indirect_vreg.scatter [tilespmem:s10], [sflag:$0x1], $0x80, v4, vm0, $0xb8;
	[tilespmem:$0x10100] =	vst v63  }
0xcc: {  	s11 =	simm.s32 $0x2900  }
0xcd: {  	[hbm4b:s4+s3] =	stream.indirect_vreg.scatter [tilespmem:s11], [sflag:$0x1], $0x80, v4, vm0, $0xb8;
	[tilespmem:$0x10100] =	vst v63  }
0xce: {  	s12 =	simm.s32 $0x3100  }
0xcf: {  	[hbm4b:s2+s3] =	stream.indirect_vreg.scatter [tilespmem:s12], [sflag:$0x1], $0x80, v3, vm0, $0xb8;
	[tilespmem:$0x10100] =	vst v63  }
0xd0: {  	s13 =	simm.s32 $0x3900  }
0xd1: {  	[hbm4b:s4+s3] =	stream.indirect_vreg.scatter [tilespmem:s13], [sflag:$0x1], $0x80, v3, vm0, $0xb8;
	[tilespmem:$0x10100] =	vst v63  }
0xd2: {  	v3 =	vld [tilespmem:$0x20];
	_ =	sdelay $0x4  }
0xd3: {  	v42 =	vshll.u32 v3, $0x2  }
0xd4: {  	v3 =	vand.u32 $0x7, v3;
	v4 =	vand.u32 $0xFFFFFFE0, v42  }
0xd5: {  	v3 =	vor.u32 v3, v4  }
0xd6: {  	v4 =	vperm.xlane v3, v0;
	_ =	sdelay $0x1  }
0xd7: {  	v4 =	vadd.s32 v1, v4;
	_ =	sdelay $0x1  }
0xd8: {  	v3 =	vperm.xlane v3, v2;
	_ =	sdelay $0x1  }
0xd9: {  	s11 =	simm.s32 $0x4100;
	v3 =	vadd.s32 v1, v3  }
0xda: {  	[hbm4b:s2+s3] =	stream.indirect_vreg.scatter [tilespmem:s11], [sflag:$0x1], $0x80, v4, vm0, $0xb8;
	[tilespmem:$0x10100] =	vst v63  }
0xdb: {  	s12 =	simm.s32 $0x4900  }
0xdc: {  	[hbm4b:s4+s3] =	stream.indirect_vreg.scatter [tilespmem:s12], [sflag:$0x1], $0x80, v4, vm0, $0xb8;
	[tilespmem:$0x10100] =	vst v63  }
0xdd: {  	s13 =	simm.s32 $0x5100  }
0xde: {  	[hbm4b:s2+s3] =	stream.indirect_vreg.scatter [tilespmem:s13], [sflag:$0x1], $0x80, v3, vm0, $0xb8;
	[tilespmem:$0x10100] =	vst v63  }
0xdf: {  	s14 =	simm.s32 $0x5900  }
0xe0: {  	[hbm4b:s4+s3] =	stream.indirect_vreg.scatter [tilespmem:s14], [sflag:$0x1], $0x80, v3, vm0, $0xb8;
	[tilespmem:$0x10100] =	vst v63  }
0xe1: {  	v3 =	vld [tilespmem:$0x30];
	_ =	sdelay $0x4  }
0xe2: {  	v43 =	vshll.u32 v3, $0x2  }
0xe3: {  	v3 =	vand.u32 $0x7, v3;
	v4 =	vand.u32 $0xFFFFFFE0, v43  }
0xe4: {  	v3 =	vor.u32 v3, v4  }
0xe5: {  	v4 =	vperm.xlane v3, v0;
	_ =	sdelay $0x1  }
0xe6: {  	v4 =	vadd.s32 v1, v4;
	_ =	sdelay $0x1  }
0xe7: {  	v3 =	vperm.xlane v3, v2;
	_ =	sdelay $0x1  }
0xe8: {  	s14 =	simm.s32 $0x6100;
	v3 =	vadd.s32 v1, v3  }
0xe9: {  	[hbm4b:s2+s3] =	stream.indirect_vreg.scatter [tilespmem:s14], [sflag:$0x1], $0x80, v4, vm0, $0xb8;
	[tilespmem:$0x10100] =	vst v63  }
0xea: {  	s15 =	simm.s32 $0x6900  }
0xeb: {  	[hbm4b:s4+s3] =	stream.indirect_vreg.scatter [tilespmem:s15], [sflag:$0x1], $0x80, v4, vm0, $0xb8;
	[tilespmem:$0x10100] =	vst v63  }
0xec: {  	s16 =	simm.s32 $0x7100  }
0xed: {  	[hbm4b:s2+s3] =	stream.indirect_vreg.scatter [tilespmem:s16], [sflag:$0x1], $0x80, v3, vm0, $0xb8;
	[tilespmem:$0x10100] =	vst v63  }
0xee: {  	s17 =	simm.s32 $0x7900  }
0xef: {  	[hbm4b:s4+s3] =	stream.indirect_vreg.scatter [tilespmem:s17], [sflag:$0x1], $0x80, v3, vm0, $0xb8;
	[tilespmem:$0x10100] =	vst v63  }
0xf0: {  	_ =	swait.ge [sflag:s26], $0x8000  }
0xf1: {  	[sflag:s26] =	ssyncset.done $0x0  }
0xf2: {  	s1 =	simm.s32 $0x80;
	s20 =	rddreg [dreg:$0x9];
	[sflag:s26] =	ssyncadd.s32 $0xFFFF8000  }
0xf3: {  	[tilespmem:s1], [sflag:$0x2] =	stream.linear.gather [hbm4b:s20+s3], $0x40, $0x38;
	[tilespmem:$0x10100] =	vst v63  }
0xf4: {  	s0 =	rddreg [dreg:$0xa]  }
0xf5: {  	[tilespmem:s25], [sflag:$0x4] =	stream.linear.gather [hbm4b:s0+s3], $0x8000, $0x38;
	[tilespmem:$0x10100] =	vst v63  }
0xf6: {  	_ =	swait.ge [sflag:s26], $0x40  }
0xf7: {  	[sflag:s26] =	ssyncset.done $0x0  }
0xf8: {  	[sflag:s26] =	ssyncadd.s32 $0xFFFFFFC0  }
0xf9: {  	_ =	swait.ge [sflag:s28], $0x8000  }
0xfa: {  	[sflag:s28] =	ssyncset.done $0x0  }
0xfb: {  	[sflag:s28] =	ssyncadd.s32 $0xFFFF8000  }
0xfc: {  	v3 =	vld [tilespmem:$0x80];
	_ =	sdelay $0x4  }
0xfd: {  	v44 =	vshll.u32 v3, $0x2  }
0xfe: {  	v3 =	vand.u32 $0x7, v3;
	v4 =	vand.u32 $0xFFFFFFE0, v44  }
0xff: {  	v3 =	vor.u32 v3, v4  }
0x100: {  	v4 =	vperm.xlane v3, v0;
	_ =	sdelay $0x1  }
0x101: {  	v4 =	vadd.s32 v1, v4;
	_ =	sdelay $0x1  }
0x102: {  	v3 =	vperm.xlane v3, v2;
	_ =	sdelay $0x1  }
0x103: {  	v3 =	vadd.s32 v1, v3  }
0x104: {  	[hbm4b:s2+s3] =	stream.indirect_vreg.scatter [tilespmem:s25], [sflag:$0x2], $0x80, v4, vm0, $0xb8;
	[tilespmem:$0x10100] =	vst v63  }
0x105: {  	s0 =	simm.s32 $0x8900  }
0x106: {  	[hbm4b:s4+s3] =	stream.indirect_vreg.scatter [tilespmem:s0], [sflag:$0x2], $0x80, v4, vm0, $0xb8;
	[tilespmem:$0x10100] =	vst v63  }
0x107: {  	s1 =	simm.s32 $0x9100  }
0x108: {  	[hbm4b:s2+s3] =	stream.indirect_vreg.scatter [tilespmem:s1], [sflag:$0x2], $0x80, v3, vm0, $0xb8;
	[tilespmem:$0x10100] =	vst v63  }
0x109: {  	s22 =	simm.s32 $0x9900  }
0x10a: {  	[hbm4b:s4+s3] =	stream.indirect_vreg.scatter [tilespmem:s22], [sflag:$0x2], $0x80, v3, vm0, $0xb8;
	[tilespmem:$0x10100] =	vst v63  }
0x10b: {  	v3 =	vld [tilespmem:$0x90];
	_ =	sdelay $0x4  }
0x10c: {  	v45 =	vshll.u32 v3, $0x2  }
0x10d: {  	v3 =	vand.u32 $0x7, v3;
	v4 =	vand.u32 $0xFFFFFFE0, v45  }
0x10e: {  	v3 =	vor.u32 v3, v4  }
0x10f: {  	v4 =	vperm.xlane v3, v0;
	_ =	sdelay $0x1  }
0x110: {  	v4 =	vadd.s32 v1, v4;
	_ =	sdelay $0x1  }
0x111: {  	v3 =	vperm.xlane v3, v2;
	_ =	sdelay $0x1  }
0x112: {  	s24 =	simm.s32 $0xA100;
	v3 =	vadd.s32 v1, v3  }
0x113: {  	[hbm4b:s2+s3] =	stream.indirect_vreg.scatter [tilespmem:s24], [sflag:$0x2], $0x80, v4, vm0, $0xb8;
	[tilespmem:$0x10100] =	vst v63  }
0x114: {  	s30 =	simm.s32 $0xA900  }
0x115: {  	[hbm4b:s4+s3] =	stream.indirect_vreg.scatter [tilespmem:s30], [sflag:$0x2], $0x80, v4, vm0, $0xb8;
	[tilespmem:$0x10100] =	vst v63  }
0x116: {  	s31 =	simm.s32 $0xB100  }
0x117: {  	[hbm4b:s2+s3] =	stream.indirect_vreg.scatter [tilespmem:s31], [sflag:$0x2], $0x80, v3, vm0, $0xb8;
	[tilespmem:$0x10100] =	vst v63  }
0x118: {  	s23 =	simm.s32 $0xB900  }
0x119: {  	[hbm4b:s4+s3] =	stream.indirect_vreg.scatter [tilespmem:s23], [sflag:$0x2], $0x80, v3, vm0, $0xb8;
	[tilespmem:$0x10100] =	vst v63  }
0x11a: {  	v3 =	vld [tilespmem:$0xA0];
	_ =	sdelay $0x4  }
0x11b: {  	v46 =	vshll.u32 v3, $0x2  }
0x11c: {  	v3 =	vand.u32 $0x7, v3;
	v4 =	vand.u32 $0xFFFFFFE0, v46  }
0x11d: {  	v3 =	vor.u32 v3, v4  }
0x11e: {  	v4 =	vperm.xlane v3, v0;
	_ =	sdelay $0x1  }
0x11f: {  	v4 =	vadd.s32 v1, v4;
	_ =	sdelay $0x1  }
0x120: {  	v3 =	vperm.xlane v3, v2;
	_ =	sdelay $0x1  }
0x121: {  	s23 =	simm.s32 $0xC100;
	v3 =	vadd.s32 v1, v3  }
0x122: {  	[hbm4b:s2+s3] =	stream.indirect_vreg.scatter [tilespmem:s23], [sflag:$0x2], $0x80, v4, vm0, $0xb8;
	[tilespmem:$0x10100] =	vst v63  }
0x123: {  	s31 =	simm.s32 $0xC900  }
0x124: {  	[hbm4b:s4+s3] =	stream.indirect_vreg.scatter [tilespmem:s31], [sflag:$0x2], $0x80, v4, vm0, $0xb8;
	[tilespmem:$0x10100] =	vst v63  }
0x125: {  	s20 =	simm.s32 $0xD100  }
0x126: {  	[hbm4b:s2+s3] =	stream.indirect_vreg.scatter [tilespmem:s20], [sflag:$0x2], $0x80, v3, vm0, $0xb8;
	[tilespmem:$0x10100] =	vst v63  }
0x127: {  	s18 =	simm.s32 $0xD900  }
0x128: {  	[hbm4b:s4+s3] =	stream.indirect_vreg.scatter [tilespmem:s18], [sflag:$0x2], $0x80, v3, vm0, $0xb8;
	[tilespmem:$0x10100] =	vst v63  }
0x129: {  	v3 =	vld [tilespmem:$0xB0];
	_ =	sdelay $0x4  }
0x12a: {  	v47 =	vshll.u32 v3, $0x2  }
0x12b: {  	v3 =	vand.u32 $0x7, v3;
	v4 =	vand.u32 $0xFFFFFFE0, v47  }
0x12c: {  	v3 =	vor.u32 v3, v4  }
0x12d: {  	v4 =	vperm.xlane v3, v0;
	_ =	sdelay $0x1  }
0x12e: {  	v4 =	vadd.s32 v1, v4;
	_ =	sdelay $0x1  }
0x12f: {  	v3 =	vperm.xlane v3, v2;
	_ =	sdelay $0x1  }
0x130: {  	s19 =	simm.s32 $0xE100;
	v3 =	vadd.s32 v1, v3  }
0x131: {  	[hbm4b:s2+s3] =	stream.indirect_vreg.scatter [tilespmem:s19], [sflag:$0x2], $0x80, v4, vm0, $0xb8;
	[tilespmem:$0x10100] =	vst v63  }
0x132: {  	s20 =	simm.s32 $0xE900  }
0x133: {  	[hbm4b:s4+s3] =	stream.indirect_vreg.scatter [tilespmem:s20], [sflag:$0x2], $0x80, v4, vm0, $0xb8;
	[tilespmem:$0x10100] =	vst v63  }
0x134: {  	s20 =	simm.s32 $0xF100  }
0x135: {  	[hbm4b:s2+s3] =	stream.indirect_vreg.scatter [tilespmem:s20], [sflag:$0x2], $0x80, v3, vm0, $0xb8;
	[tilespmem:$0x10100] =	vst v63  }
0x136: {  	s21 =	simm.s32 $0xF900  }
0x137: {  	[hbm4b:s4+s3] =	stream.indirect_vreg.scatter [tilespmem:s21], [sflag:$0x2], $0x80, v3, vm0, $0xb8;
	[tilespmem:$0x10100] =	vst v63  }
0x138: {  	_ =	swait.ge [sflag:s7], $0x8000  }
0x139: {  	[sflag:s7] =	ssyncset.done $0x0  }
0x13a: {  	s20 =	rddreg [dreg:$0xb];
	[sflag:s7] =	ssyncadd.s32 $0xFFFF8000  }
0x13b: {  	[tilespmem:s3], [sflag:$0x1] =	stream.linear.gather [hbm4b:s20+s3], $0x40, $0x38;
	[tilespmem:$0x10100] =	vst v63  }
0x13c: {  	s21 =	rddreg [dreg:$0xc]  }
0x13d: {  	[tilespmem:s29], [sflag:$0x3] =	stream.linear.gather [hbm4b:s21+s3], $0x8000, $0x38;
	[tilespmem:$0x10100] =	vst v63  }
0x13e: {  	_ =	swait.ge [sflag:s7], $0x40  }
0x13f: {  	[sflag:s7] =	ssyncset.done $0x0  }
0x140: {  	[sflag:s7] =	ssyncadd.s32 $0xFFFFFFC0  }
0x141: {  	_ =	swait.ge [sflag:s8], $0x8000  }
0x142: {  	[sflag:s8] =	ssyncset.done $0x0  }
0x143: {  	[sflag:s8] =	ssyncadd.s32 $0xFFFF8000  }
0x144: {  	v3 =	vld [tilespmem:$0x0];
	_ =	sdelay $0x4  }
0x145: {  	v48 =	vshll.u32 v3, $0x2  }
0x146: {  	v3 =	vand.u32 $0x7, v3;
	v4 =	vand.u32 $0xFFFFFFE0, v48  }
0x147: {  	v3 =	vor.u32 v3, v4  }
0x148: {  	v4 =	vperm.xlane v3, v0;
	_ =	sdelay $0x1  }
0x149: {  	v4 =	vadd.s32 v1, v4;
	_ =	sdelay $0x1  }
0x14a: {  	v3 =	vperm.xlane v3, v2;
	_ =	sdelay $0x1  }
0x14b: {  	v3 =	vadd.s32 v1, v3  }
0x14c: {  	[hbm4b:s2+s3] =	stream.indirect_vreg.scatter [tilespmem:s29], [sflag:$0x1], $0x80, v4, vm0, $0xb8;
	[tilespmem:$0x10100] =	vst v63  }
0x14d: {  	_ = 	snop  }
0x14e: {  	[hbm4b:s4+s3] =	stream.indirect_vreg.scatter [tilespmem:s6], [sflag:$0x1], $0x80, v4, vm0, $0xb8;
	[tilespmem:$0x10100] =	vst v63  }
0x14f: {  	_ = 	snop  }
0x150: {  	[hbm4b:s2+s3] =	stream.indirect_vreg.scatter [tilespmem:s9], [sflag:$0x1], $0x80, v3, vm0, $0xb8;
	[tilespmem:$0x10100] =	vst v63  }
0x151: {  	s20 =	simm.s32 $0x1900  }
0x152: {  	[hbm4b:s4+s3] =	stream.indirect_vreg.scatter [tilespmem:s20], [sflag:$0x1], $0x80, v3, vm0, $0xb8;
	[tilespmem:$0x10100] =	vst v63  }
0x153: {  	v3 =	vld [tilespmem:$0x10];
	_ =	sdelay $0x4  }
0x154: {  	v49 =	vshll.u32 v3, $0x2  }
0x155: {  	v3 =	vand.u32 $0x7, v3;
	v4 =	vand.u32 $0xFFFFFFE0, v49  }
0x156: {  	v3 =	vor.u32 v3, v4  }
0x157: {  	v4 =	vperm.xlane v3, v0;
	_ =	sdelay $0x1  }
0x158: {  	v4 =	vadd.s32 v1, v4;
	_ =	sdelay $0x1  }
0x159: {  	v3 =	vperm.xlane v3, v2;
	_ =	sdelay $0x1  }
0x15a: {  	v3 =	vadd.s32 v1, v3  }
0x15b: {  	[hbm4b:s2+s3] =	stream.indirect_vreg.scatter [tilespmem:s10], [sflag:$0x1], $0x80, v4, vm0, $0xb8;
	[tilespmem:$0x10100] =	vst v63  }
0x15c: {  	s21 =	simm.s32 $0x2900  }
0x15d: {  	[hbm4b:s4+s3] =	stream.indirect_vreg.scatter [tilespmem:s21], [sflag:$0x1], $0x80, v4, vm0, $0xb8;
	[tilespmem:$0x10100] =	vst v63  }
0x15e: {  	s20 =	simm.s32 $0x3100  }
0x15f: {  	[hbm4b:s2+s3] =	stream.indirect_vreg.scatter [tilespmem:s20], [sflag:$0x1], $0x80, v3, vm0, $0xb8;
	[tilespmem:$0x10100] =	vst v63  }
0x160: {  	s21 =	simm.s32 $0x3900  }
0x161: {  	[hbm4b:s4+s3] =	stream.indirect_vreg.scatter [tilespmem:s21], [sflag:$0x1], $0x80, v3, vm0, $0xb8;
	[tilespmem:$0x10100] =	vst v63  }
0x162: {  	v3 =	vld [tilespmem:$0x20];
	_ =	sdelay $0x4  }
0x163: {  	v50 =	vshll.u32 v3, $0x2  }
0x164: {  	v3 =	vand.u32 $0x7, v3;
	v4 =	vand.u32 $0xFFFFFFE0, v50  }
0x165: {  	v3 =	vor.u32 v3, v4  }
0x166: {  	v4 =	vperm.xlane v3, v0;
	_ =	sdelay $0x1  }
0x167: {  	v4 =	vadd.s32 v1, v4;
	_ =	sdelay $0x1  }
0x168: {  	v3 =	vperm.xlane v3, v2;
	_ =	sdelay $0x1  }
0x169: {  	v3 =	vadd.s32 v1, v3  }
0x16a: {  	[hbm4b:s2+s3] =	stream.indirect_vreg.scatter [tilespmem:s11], [sflag:$0x1], $0x80, v4, vm0, $0xb8;
	[tilespmem:$0x10100] =	vst v63  }
0x16b: {  	_ = 	snop  }
0x16c: {  	[hbm4b:s4+s3] =	stream.indirect_vreg.scatter [tilespmem:s12], [sflag:$0x1], $0x80, v4, vm0, $0xb8;
	[tilespmem:$0x10100] =	vst v63  }
0x16d: {  	_ = 	snop  }
0x16e: {  	[hbm4b:s2+s3] =	stream.indirect_vreg.scatter [tilespmem:s13], [sflag:$0x1], $0x80, v3, vm0, $0xb8;
	[tilespmem:$0x10100] =	vst v63  }
0x16f: {  	s20 =	simm.s32 $0x5900  }
0x170: {  	[hbm4b:s4+s3] =	stream.indirect_vreg.scatter [tilespmem:s20], [sflag:$0x1], $0x80, v3, vm0, $0xb8;
	[tilespmem:$0x10100] =	vst v63  }
0x171: {  	v3 =	vld [tilespmem:$0x30];
	_ =	sdelay $0x4  }
0x172: {  	v51 =	vshll.u32 v3, $0x2  }
0x173: {  	v3 =	vand.u32 $0x7, v3;
	v4 =	vand.u32 $0xFFFFFFE0, v51  }
0x174: {  	v3 =	vor.u32 v3, v4  }
0x175: {  	v4 =	vperm.xlane v3, v0;
	_ =	sdelay $0x1  }
0x176: {  	v4 =	vadd.s32 v1, v4;
	_ =	sdelay $0x1  }
0x177: {  	v3 =	vperm.xlane v3, v2;
	_ =	sdelay $0x1  }
0x178: {  	v3 =	vadd.s32 v1, v3  }
0x179: {  	[hbm4b:s2+s3] =	stream.indirect_vreg.scatter [tilespmem:s14], [sflag:$0x1], $0x80, v4, vm0, $0xb8;
	[tilespmem:$0x10100] =	vst v63  }
0x17a: {  	_ = 	snop  }
0x17b: {  	[hbm4b:s4+s3] =	stream.indirect_vreg.scatter [tilespmem:s15], [sflag:$0x1], $0x80, v4, vm0, $0xb8;
	[tilespmem:$0x10100] =	vst v63  }
0x17c: {  	_ = 	snop  }
0x17d: {  	[hbm4b:s2+s3] =	stream.indirect_vreg.scatter [tilespmem:s16], [sflag:$0x1], $0x80, v3, vm0, $0xb8;
	[tilespmem:$0x10100] =	vst v63  }
0x17e: {  	_ = 	snop  }
0x17f: {  	[hbm4b:s4+s3] =	stream.indirect_vreg.scatter [tilespmem:s17], [sflag:$0x1], $0x80, v3, vm0, $0xb8;
	[tilespmem:$0x10100] =	vst v63  }
0x180: {  	_ =	swait.ge [sflag:s26], $0x8000  }
0x181: {  	[sflag:s26] =	ssyncset.done $0x0  }
0x182: {  	s21 =	simm.s32 $0x80;
	s19 =	rddreg [dreg:$0xd];
	[sflag:s26] =	ssyncadd.s32 $0xFFFF8000  }
0x183: {  	[tilespmem:s21], [sflag:$0x2] =	stream.linear.gather [hbm4b:s19+s3], $0x40, $0x38;
	[tilespmem:$0x10100] =	vst v63  }
0x184: {  	s20 =	rddreg [dreg:$0xe]  }
0x185: {  	[tilespmem:s25], [sflag:$0x4] =	stream.linear.gather [hbm4b:s20+s3], $0x8000, $0x38;
	[tilespmem:$0x10100] =	vst v63  }
0x186: {  	_ =	swait.ge [sflag:s26], $0x40  }
0x187: {  	[sflag:s26] =	ssyncset.done $0x0  }
0x188: {  	[sflag:s26] =	ssyncadd.s32 $0xFFFFFFC0  }
0x189: {  	_ =	swait.ge [sflag:s28], $0x8000  }
0x18a: {  	[sflag:s28] =	ssyncset.done $0x0  }
0x18b: {  	[sflag:s28] =	ssyncadd.s32 $0xFFFF8000  }
0x18c: {  	v3 =	vld [tilespmem:$0x80];
	_ =	sdelay $0x4  }
0x18d: {  	v52 =	vshll.u32 v3, $0x2  }
0x18e: {  	v3 =	vand.u32 $0x7, v3;
	v4 =	vand.u32 $0xFFFFFFE0, v52  }
0x18f: {  	v3 =	vor.u32 v3, v4  }
0x190: {  	v4 =	vperm.xlane v3, v0;
	_ =	sdelay $0x1  }
0x191: {  	v4 =	vadd.s32 v1, v4;
	_ =	sdelay $0x1  }
0x192: {  	v3 =	vperm.xlane v3, v2;
	_ =	sdelay $0x1  }
0x193: {  	v3 =	vadd.s32 v1, v3  }
0x194: {  	[hbm4b:s2+s3] =	stream.indirect_vreg.scatter [tilespmem:s25], [sflag:$0x2], $0x80, v4, vm0, $0xb8;
	[tilespmem:$0x10100] =	vst v63  }
0x195: {  	_ = 	snop  }
0x196: {  	[hbm4b:s4+s3] =	stream.indirect_vreg.scatter [tilespmem:s0], [sflag:$0x2], $0x80, v4, vm0, $0xb8;
	[tilespmem:$0x10100] =	vst v63  }
0x197: {  	_ = 	snop  }
0x198: {  	[hbm4b:s2+s3] =	stream.indirect_vreg.scatter [tilespmem:s1], [sflag:$0x2], $0x80, v3, vm0, $0xb8;
	[tilespmem:$0x10100] =	vst v63  }
0x199: {  	s21 =	simm.s32 $0x9900  }
0x19a: {  	[hbm4b:s4+s3] =	stream.indirect_vreg.scatter [tilespmem:s21], [sflag:$0x2], $0x80, v3, vm0, $0xb8;
	[tilespmem:$0x10100] =	vst v63  }
0x19b: {  	v3 =	vld [tilespmem:$0x90];
	_ =	sdelay $0x4  }
0x19c: {  	v53 =	vshll.u32 v3, $0x2  }
0x19d: {  	v3 =	vand.u32 $0x7, v3;
	v4 =	vand.u32 $0xFFFFFFE0, v53  }
0x19e: {  	v3 =	vor.u32 v3, v4  }
0x19f: {  	v4 =	vperm.xlane v3, v0;
	_ =	sdelay $0x1  }
0x1a0: {  	v4 =	vadd.s32 v1, v4;
	_ =	sdelay $0x1  }
0x1a1: {  	v3 =	vperm.xlane v3, v2;
	_ =	sdelay $0x1  }
0x1a2: {  	s22 =	simm.s32 $0xA100;
	v3 =	vadd.s32 v1, v3  }
0x1a3: {  	[hbm4b:s2+s3] =	stream.indirect_vreg.scatter [tilespmem:s22], [sflag:$0x2], $0x80, v4, vm0, $0xb8;
	[tilespmem:$0x10100] =	vst v63  }
0x1a4: {  	s24 =	simm.s32 $0xA900  }
0x1a5: {  	[hbm4b:s4+s3] =	stream.indirect_vreg.scatter [tilespmem:s24], [sflag:$0x2], $0x80, v4, vm0, $0xb8;
	[tilespmem:$0x10100] =	vst v63  }
0x1a6: {  	s30 =	simm.s32 $0xB100  }
0x1a7: {  	[hbm4b:s2+s3] =	stream.indirect_vreg.scatter [tilespmem:s30], [sflag:$0x2], $0x80, v3, vm0, $0xb8;
	[tilespmem:$0x10100] =	vst v63  }
0x1a8: {  	s30 =	simm.s32 $0xB900  }
0x1a9: {  	[hbm4b:s4+s3] =	stream.indirect_vreg.scatter [tilespmem:s30], [sflag:$0x2], $0x80, v3, vm0, $0xb8;
	[tilespmem:$0x10100] =	vst v63  }
0x1aa: {  	v3 =	vld [tilespmem:$0xA0];
	_ =	sdelay $0x4  }
0x1ab: {  	v54 =	vshll.u32 v3, $0x2  }
0x1ac: {  	v3 =	vand.u32 $0x7, v3;
	v4 =	vand.u32 $0xFFFFFFE0, v54  }
0x1ad: {  	v3 =	vor.u32 v3, v4  }
0x1ae: {  	v4 =	vperm.xlane v3, v0;
	_ =	sdelay $0x1  }
0x1af: {  	v4 =	vadd.s32 v1, v4;
	_ =	sdelay $0x1  }
0x1b0: {  	v3 =	vperm.xlane v3, v2;
	_ =	sdelay $0x1  }
0x1b1: {  	s23 =	simm.s32 $0xC100;
	v3 =	vadd.s32 v1, v3  }
0x1b2: {  	[hbm4b:s2+s3] =	stream.indirect_vreg.scatter [tilespmem:s23], [sflag:$0x2], $0x80, v4, vm0, $0xb8;
	[tilespmem:$0x10100] =	vst v63  }
0x1b3: {  	s31 =	simm.s32 $0xC900  }
0x1b4: {  	[hbm4b:s4+s3] =	stream.indirect_vreg.scatter [tilespmem:s31], [sflag:$0x2], $0x80, v4, vm0, $0xb8;
	[tilespmem:$0x10100] =	vst v63  }
0x1b5: {  	s31 =	simm.s32 $0xD100  }
0x1b6: {  	[hbm4b:s2+s3] =	stream.indirect_vreg.scatter [tilespmem:s31], [sflag:$0x2], $0x80, v3, vm0, $0xb8;
	[tilespmem:$0x10100] =	vst v63  }
0x1b7: {  	s20 =	simm.s32 $0xD900  }
0x1b8: {  	[hbm4b:s4+s3] =	stream.indirect_vreg.scatter [tilespmem:s20], [sflag:$0x2], $0x80, v3, vm0, $0xb8;
	[tilespmem:$0x10100] =	vst v63  }
0x1b9: {  	v3 =	vld [tilespmem:$0xB0];
	_ =	sdelay $0x4  }
0x1ba: {  	v55 =	vshll.u32 v3, $0x2  }
0x1bb: {  	v3 =	vand.u32 $0x7, v3;
	v4 =	vand.u32 $0xFFFFFFE0, v55  }
0x1bc: {  	v3 =	vor.u32 v3, v4  }
0x1bd: {  	v4 =	vperm.xlane v3, v0;
	_ =	sdelay $0x1  }
0x1be: {  	v4 =	vadd.s32 v1, v4;
	_ =	sdelay $0x1  }
0x1bf: {  	v3 =	vperm.xlane v3, v2;
	_ =	sdelay $0x1  }
0x1c0: {  	s18 =	simm.s32 $0xE100;
	v3 =	vadd.s32 v1, v3  }
0x1c1: {  	[hbm4b:s2+s3] =	stream.indirect_vreg.scatter [tilespmem:s18], [sflag:$0x2], $0x80, v4, vm0, $0xb8;
	[tilespmem:$0x10100] =	vst v63  }
0x1c2: {  	s20 =	simm.s32 $0xE900  }
0x1c3: {  	[hbm4b:s4+s3] =	stream.indirect_vreg.scatter [tilespmem:s20], [sflag:$0x2], $0x80, v4, vm0, $0xb8;
	[tilespmem:$0x10100] =	vst v63  }
0x1c4: {  	s20 =	simm.s32 $0xF100  }
0x1c5: {  	[hbm4b:s2+s3] =	stream.indirect_vreg.scatter [tilespmem:s20], [sflag:$0x2], $0x80, v3, vm0, $0xb8;
	[tilespmem:$0x10100] =	vst v63  }
0x1c6: {  	s20 =	simm.s32 $0xF900  }
0x1c7: {  	[hbm4b:s4+s3] =	stream.indirect_vreg.scatter [tilespmem:s20], [sflag:$0x2], $0x80, v3, vm0, $0xb8;
	[tilespmem:$0x10100] =	vst v63  }
0x1c8: {  	_ =	swait.ge [sflag:s7], $0x8000  }
0x1c9: {  	[sflag:s7] =	ssyncset.done $0x0  }
0x1ca: {  	s19 =	rddreg [dreg:$0xf];
	[sflag:s7] =	ssyncadd.s32 $0xFFFF8000  }
0x1cb: {  	[tilespmem:s3], [sflag:$0x1] =	stream.linear.gather [hbm4b:s19+s3], $0x40, $0x38;
	[tilespmem:$0x10100] =	vst v63  }
0x1cc: {  	s20 =	rddreg [dreg:$0x10]  }
0x1cd: {  	[tilespmem:s29], [sflag:$0x3] =	stream.linear.gather [hbm4b:s20+s3], $0x8000, $0x38;
	[tilespmem:$0x10100] =	vst v63  }
0x1ce: {  	_ =	swait.ge [sflag:s7], $0x40  }
0x1cf: {  	[sflag:s7] =	ssyncset.done $0x0  }
0x1d0: {  	[sflag:s7] =	ssyncadd.s32 $0xFFFFFFC0  }
0x1d1: {  	_ =	swait.ge [sflag:s8], $0x8000  }
0x1d2: {  	[sflag:s8] =	ssyncset.done $0x0  }
0x1d3: {  	[sflag:s8] =	ssyncadd.s32 $0xFFFF8000  }
0x1d4: {  	v3 =	vld [tilespmem:$0x0];
	_ =	sdelay $0x4  }
0x1d5: {  	v56 =	vshll.u32 v3, $0x2  }
0x1d6: {  	v3 =	vand.u32 $0x7, v3;
	v4 =	vand.u32 $0xFFFFFFE0, v56  }
0x1d7: {  	v3 =	vor.u32 v3, v4  }
0x1d8: {  	v4 =	vperm.xlane v3, v0;
	_ =	sdelay $0x1  }
0x1d9: {  	v4 =	vadd.s32 v1, v4;
	_ =	sdelay $0x1  }
0x1da: {  	v3 =	vperm.xlane v3, v2;
	_ =	sdelay $0x1  }
0x1db: {  	v3 =	vadd.s32 v1, v3  }
0x1dc: {  	[hbm4b:s2+s3] =	stream.indirect_vreg.scatter [tilespmem:s29], [sflag:$0x1], $0x80, v4, vm0, $0xb8;
	[tilespmem:$0x10100] =	vst v63  }
0x1dd: {  	s6 =	simm.s32 $0x900  }
0x1de: {  	[hbm4b:s4+s3] =	stream.indirect_vreg.scatter [tilespmem:s6], [sflag:$0x1], $0x80, v4, vm0, $0xb8;
	[tilespmem:$0x10100] =	vst v63  }
0x1df: {  	s9 =	simm.s32 $0x1100  }
0x1e0: {  	[hbm4b:s2+s3] =	stream.indirect_vreg.scatter [tilespmem:s9], [sflag:$0x1], $0x80, v3, vm0, $0xb8;
	[tilespmem:$0x10100] =	vst v63  }
0x1e1: {  	s19 =	simm.s32 $0x1900  }
0x1e2: {  	[hbm4b:s4+s3] =	stream.indirect_vreg.scatter [tilespmem:s19], [sflag:$0x1], $0x80, v3, vm0, $0xb8;
	[tilespmem:$0x10100] =	vst v63  }
0x1e3: {  	v3 =	vld [tilespmem:$0x10];
	_ =	sdelay $0x4  }
0x1e4: {  	v57 =	vshll.u32 v3, $0x2  }
0x1e5: {  	v3 =	vand.u32 $0x7, v3;
	v4 =	vand.u32 $0xFFFFFFE0, v57  }
0x1e6: {  	v3 =	vor.u32 v3, v4  }
0x1e7: {  	v4 =	vperm.xlane v3, v0;
	_ =	sdelay $0x1  }
0x1e8: {  	v4 =	vadd.s32 v1, v4;
	_ =	sdelay $0x1  }
0x1e9: {  	v3 =	vperm.xlane v3, v2;
	_ =	sdelay $0x1  }
0x1ea: {  	s10 =	simm.s32 $0x2100;
	v3 =	vadd.s32 v1, v3  }
0x1eb: {  	[hbm4b:s2+s3] =	stream.indirect_vreg.scatter [tilespmem:s10], [sflag:$0x1], $0x80, v4, vm0, $0xb8;
	[tilespmem:$0x10100] =	vst v63  }
0x1ec: {  	s20 =	simm.s32 $0x2900  }
0x1ed: {  	[hbm4b:s4+s3] =	stream.indirect_vreg.scatter [tilespmem:s20], [sflag:$0x1], $0x80, v4, vm0, $0xb8;
	[tilespmem:$0x10100] =	vst v63  }
0x1ee: {  	s9 =	simm.s32 $0x3100  }
0x1ef: {  	[hbm4b:s2+s3] =	stream.indirect_vreg.scatter [tilespmem:s9], [sflag:$0x1], $0x80, v3, vm0, $0xb8;
	[tilespmem:$0x10100] =	vst v63  }
0x1f0: {  	s10 =	simm.s32 $0x3900  }
0x1f1: {  	[hbm4b:s4+s3] =	stream.indirect_vreg.scatter [tilespmem:s10], [sflag:$0x1], $0x80, v3, vm0, $0xb8;
	[tilespmem:$0x10100] =	vst v63  }
0x1f2: {  	v3 =	vld [tilespmem:$0x20];
	_ =	sdelay $0x4  }
0x1f3: {  	v58 =	vshll.u32 v3, $0x2  }
0x1f4: {  	v3 =	vand.u32 $0x7, v3;
	v4 =	vand.u32 $0xFFFFFFE0, v58  }
0x1f5: {  	v3 =	vor.u32 v3, v4  }
0x1f6: {  	v4 =	vperm.xlane v3, v0;
	_ =	sdelay $0x1  }
0x1f7: {  	v4 =	vadd.s32 v1, v4;
	_ =	sdelay $0x1  }
0x1f8: {  	v3 =	vperm.xlane v3, v2;
	_ =	sdelay $0x1  }
0x1f9: {  	s11 =	simm.s32 $0x4100;
	v3 =	vadd.s32 v1, v3  }
0x1fa: {  	[hbm4b:s2+s3] =	stream.indirect_vreg.scatter [tilespmem:s11], [sflag:$0x1], $0x80, v4, vm0, $0xb8;
	[tilespmem:$0x10100] =	vst v63  }
0x1fb: {  	s12 =	simm.s32 $0x4900  }
0x1fc: {  	[hbm4b:s4+s3] =	stream.indirect_vreg.scatter [tilespmem:s12], [sflag:$0x1], $0x80, v4, vm0, $0xb8;
	[tilespmem:$0x10100] =	vst v63  }
0x1fd: {  	s13 =	simm.s32 $0x5100  }
0x1fe: {  	[hbm4b:s2+s3] =	stream.indirect_vreg.scatter [tilespmem:s13], [sflag:$0x1], $0x80, v3, vm0, $0xb8;
	[tilespmem:$0x10100] =	vst v63  }
0x1ff: {  	s13 =	simm.s32 $0x5900  }
0x200: {  	[hbm4b:s4+s3] =	stream.indirect_vreg.scatter [tilespmem:s13], [sflag:$0x1], $0x80, v3, vm0, $0xb8;
	[tilespmem:$0x10100] =	vst v63  }
0x201: {  	v3 =	vld [tilespmem:$0x30];
	_ =	sdelay $0x4  }
0x202: {  	v59 =	vshll.u32 v3, $0x2  }
0x203: {  	v3 =	vand.u32 $0x7, v3;
	v4 =	vand.u32 $0xFFFFFFE0, v59  }
0x204: {  	v3 =	vor.u32 v3, v4  }
0x205: {  	v4 =	vperm.xlane v3, v0;
	_ =	sdelay $0x1  }
0x206: {  	v4 =	vadd.s32 v1, v4;
	_ =	sdelay $0x1  }
0x207: {  	v3 =	vperm.xlane v3, v2;
	_ =	sdelay $0x1  }
0x208: {  	s14 =	simm.s32 $0x6100;
	v3 =	vadd.s32 v1, v3  }
0x209: {  	[hbm4b:s2+s3] =	stream.indirect_vreg.scatter [tilespmem:s14], [sflag:$0x1], $0x80, v4, vm0, $0xb8;
	[tilespmem:$0x10100] =	vst v63  }
0x20a: {  	s15 =	simm.s32 $0x6900  }
0x20b: {  	[hbm4b:s4+s3] =	stream.indirect_vreg.scatter [tilespmem:s15], [sflag:$0x1], $0x80, v4, vm0, $0xb8;
	[tilespmem:$0x10100] =	vst v63  }
0x20c: {  	s16 =	simm.s32 $0x7100  }
0x20d: {  	[hbm4b:s2+s3] =	stream.indirect_vreg.scatter [tilespmem:s16], [sflag:$0x1], $0x80, v3, vm0, $0xb8;
	[tilespmem:$0x10100] =	vst v63  }
0x20e: {  	s17 =	simm.s32 $0x7900  }
0x20f: {  	[hbm4b:s4+s3] =	stream.indirect_vreg.scatter [tilespmem:s17], [sflag:$0x1], $0x80, v3, vm0, $0xb8;
	[tilespmem:$0x10100] =	vst v63  }
0x210: {  	_ =	swait.ge [sflag:s26], $0x8000  }
0x211: {  	[sflag:s26] =	ssyncset.done $0x0  }
0x212: {  	s17 =	simm.s32 $0x80;
	s15 =	rddreg [dreg:$0x11];
	[sflag:s26] =	ssyncadd.s32 $0xFFFF8000  }
0x213: {  	[tilespmem:s17], [sflag:$0x2] =	stream.linear.gather [hbm4b:s15+s3], $0x40, $0x38;
	[tilespmem:$0x10100] =	vst v63  }
0x214: {  	s16 =	rddreg [dreg:$0x12]  }
0x215: {  	[tilespmem:s25], [sflag:$0x4] =	stream.linear.gather [hbm4b:s16+s3], $0x8000, $0x38;
	[tilespmem:$0x10100] =	vst v63  }
0x216: {  	_ =	swait.ge [sflag:s26], $0x40  }
0x217: {  	[sflag:s26] =	ssyncset.done $0x0  }
0x218: {  	[sflag:s26] =	ssyncadd.s32 $0xFFFFFFC0  }
0x219: {  	_ =	swait.ge [sflag:s28], $0x8000  }
0x21a: {  	[sflag:s28] =	ssyncset.done $0x0  }
0x21b: {  	[sflag:s28] =	ssyncadd.s32 $0xFFFF8000  }
0x21c: {  	v3 =	vld [tilespmem:$0x80];
	_ =	sdelay $0x4  }
0x21d: {  	v60 =	vshll.u32 v3, $0x2  }
0x21e: {  	v3 =	vand.u32 $0x7, v3;
	v4 =	vand.u32 $0xFFFFFFE0, v60  }
0x21f: {  	v3 =	vor.u32 v3, v4  }
0x220: {  	v4 =	vperm.xlane v3, v0;
	_ =	sdelay $0x1  }
0x221: {  	v4 =	vadd.s32 v1, v4;
	_ =	sdelay $0x1  }
0x222: {  	v3 =	vperm.xlane v3, v2;
	_ =	sdelay $0x1  }
0x223: {  	v3 =	vadd.s32 v1, v3  }
0x224: {  	[hbm4b:s2+s3] =	stream.indirect_vreg.scatter [tilespmem:s25], [sflag:$0x2], $0x80, v4, vm0, $0xb8;
	[tilespmem:$0x10100] =	vst v63  }
0x225: {  	s0 =	simm.s32 $0x8900  }
0x226: {  	[hbm4b:s4+s3] =	stream.indirect_vreg.scatter [tilespmem:s0], [sflag:$0x2], $0x80, v4, vm0, $0xb8;
	[tilespmem:$0x10100] =	vst v63  }
0x227: {  	s1 =	simm.s32 $0x9100  }
0x228: {  	[hbm4b:s2+s3] =	stream.indirect_vreg.scatter [tilespmem:s1], [sflag:$0x2], $0x80, v3, vm0, $0xb8;
	[tilespmem:$0x10100] =	vst v63  }
0x229: {  	s20 =	simm.s32 $0x9900  }
0x22a: {  	[hbm4b:s4+s3] =	stream.indirect_vreg.scatter [tilespmem:s20], [sflag:$0x2], $0x80, v3, vm0, $0xb8;
	[tilespmem:$0x10100] =	vst v63  }
0x22b: {  	v3 =	vld [tilespmem:$0x90];
	_ =	sdelay $0x4  }
0x22c: {  	v61 =	vshll.u32 v3, $0x2  }
0x22d: {  	v3 =	vand.u32 $0x7, v3;
	v4 =	vand.u32 $0xFFFFFFE0, v61  }
0x22e: {  	v3 =	vor.u32 v3, v4  }
0x22f: {  	v4 =	vperm.xlane v3, v0;
	_ =	sdelay $0x1  }
0x230: {  	v4 =	vadd.s32 v1, v4;
	_ =	sdelay $0x1  }
0x231: {  	v3 =	vperm.xlane v3, v2;
	_ =	sdelay $0x1  }
0x232: {  	s21 =	simm.s32 $0xA100;
	v3 =	vadd.s32 v1, v3  }
0x233: {  	[hbm4b:s2+s3] =	stream.indirect_vreg.scatter [tilespmem:s21], [sflag:$0x2], $0x80, v4, vm0, $0xb8;
	[tilespmem:$0x10100] =	vst v63  }
0x234: {  	s22 =	simm.s32 $0xA900  }
0x235: {  	[hbm4b:s4+s3] =	stream.indirect_vreg.scatter [tilespmem:s22], [sflag:$0x2], $0x80, v4, vm0, $0xb8;
	[tilespmem:$0x10100] =	vst v63  }
0x236: {  	s24 =	simm.s32 $0xB100  }
0x237: {  	[hbm4b:s2+s3] =	stream.indirect_vreg.scatter [tilespmem:s24], [sflag:$0x2], $0x80, v3, vm0, $0xb8;
	[tilespmem:$0x10100] =	vst v63  }
0x238: {  	s22 =	simm.s32 $0xB900  }
0x239: {  	[hbm4b:s4+s3] =	stream.indirect_vreg.scatter [tilespmem:s22], [sflag:$0x2], $0x80, v3, vm0, $0xb8;
	[tilespmem:$0x10100] =	vst v63  }
0x23a: {  	v3 =	vld [tilespmem:$0xA0];
	_ =	sdelay $0x4  }
0x23b: {  	v62 =	vshll.u32 v3, $0x2  }
0x23c: {  	v3 =	vand.u32 $0x7, v3;
	v4 =	vand.u32 $0xFFFFFFE0, v62  }
0x23d: {  	v3 =	vor.u32 v3, v4  }
0x23e: {  	v4 =	vperm.xlane v3, v0;
	_ =	sdelay $0x1  }
0x23f: {  	v4 =	vadd.s32 v1, v4;
	_ =	sdelay $0x1  }
0x240: {  	v3 =	vperm.xlane v3, v2;
	_ =	sdelay $0x1  }
0x241: {  	s30 =	simm.s32 $0xC100;
	v3 =	vadd.s32 v1, v3  }
0x242: {  	[hbm4b:s2+s3] =	stream.indirect_vreg.scatter [tilespmem:s30], [sflag:$0x2], $0x80, v4, vm0, $0xb8;
	[tilespmem:$0x10100] =	vst v63  }
0x243: {  	s23 =	simm.s32 $0xC900  }
0x244: {  	[hbm4b:s4+s3] =	stream.indirect_vreg.scatter [tilespmem:s23], [sflag:$0x2], $0x80, v4, vm0, $0xb8;
	[tilespmem:$0x10100] =	vst v63  }
0x245: {  	s31 =	simm.s32 $0xD100  }
0x246: {  	[hbm4b:s2+s3] =	stream.indirect_vreg.scatter [tilespmem:s31], [sflag:$0x2], $0x80, v3, vm0, $0xb8;
	[tilespmem:$0x10100] =	vst v63  }
0x247: {  	s23 =	simm.s32 $0xD900  }
0x248: {  	[hbm4b:s4+s3] =	stream.indirect_vreg.scatter [tilespmem:s23], [sflag:$0x2], $0x80, v3, vm0, $0xb8;
	[tilespmem:$0x10100] =	vst v63  }
0x249: {  	v3 =	vld [tilespmem:$0xB0];
	_ =	sdelay $0x4  }
0x24a: {  	v63 =	vshll.u32 v3, $0x2  }
0x24b: {  	v3 =	vand.u32 $0x7, v3;
	v4 =	vand.u32 $0xFFFFFFE0, v63  }
0x24c: {  	v3 =	vor.u32 v3, v4  }
0x24d: {  	v4 =	vperm.xlane v3, v0;
	_ =	sdelay $0x1  }
0x24e: {  	v4 =	vadd.s32 v1, v4;
	_ =	sdelay $0x1  }
0x24f: {  	v3 =	vperm.xlane v3, v2;
	_ =	sdelay $0x1  }
0x250: {  	s18 =	simm.s32 $0xE100;
	v3 =	vadd.s32 v1, v3  }
0x251: {  	[hbm4b:s2+s3] =	stream.indirect_vreg.scatter [tilespmem:s18], [sflag:$0x2], $0x80, v4, vm0, $0xb8;
	[tilespmem:$0x10100] =	vst v63  }
0x252: {  	s24 =	simm.s32 $0xE900  }
0x253: {  	[hbm4b:s4+s3] =	stream.indirect_vreg.scatter [tilespmem:s24], [sflag:$0x2], $0x80, v4, vm0, $0xb8;
	[tilespmem:$0x10100] =	vst v63  }
0x254: {  	s30 =	simm.s32 $0xF100  }
0x255: {  	[hbm4b:s2+s3] =	stream.indirect_vreg.scatter [tilespmem:s30], [sflag:$0x2], $0x80, v3, vm0, $0xb8;
	[tilespmem:$0x10100] =	vst v63  }
0x256: {  	s31 =	simm.s32 $0xF900  }
0x257: {  	[hbm4b:s4+s3] =	stream.indirect_vreg.scatter [tilespmem:s31], [sflag:$0x2], $0x80, v3, vm0, $0xb8;
	[tilespmem:$0x10100] =	vst v63  }
0x258: {  	p0 =	sne.s32 s5, $0x1;
	_ =	swait.ge [sflag:s7], $0x8000  }
.Ltmp0:
0x259: {  	[sflag:s7] =	ssyncset.done $0x0;
	(pc) =	sbr.rel @p0 .LBB2_1-.Ltmp0, $4  }
0x25a: {  	[sflag:s7] =	ssyncadd.s32 $0xFFFF8000  }
0x25b: {  	_ =	swait.ge [sflag:s26], $0x8000  }
0x25c: {  	[sflag:s26] =	ssyncset.done $0x0  }
0x25d: {  	s5 =	sadd.s32 $0xFFFFFFFF, s5;
	[sflag:s26] =	ssyncadd.s32 $0xFFFF8000  }
0x25e: {  	_ =	sfence.sel $0x180000  }
0x25f: {  	[bflag:$0x0] =	sbarrier.arrive $0xFFFF  }
0x260: {  	_ =	strace $0x90000047  }
0x261: {  	s0 =	stileid.u32;
	[bflag:$0x2] =	sbarrier.arrive $0xFFFF  }
0x262: {  	p0 =	sne.s32 s0, $0x0;
	s0 =	rddreg [dreg:$0x2]  }
0x263: {  	s0 =	sadd.s32 @!p0 $0x100000, s0  }
0x264: {  	[sflag:s0] =	ssyncadd.tile.s32 @!p0 $0x1;
	_ =	shalt  }
.Lfunc_end2:
_tile_overlayer_lowered:
.L_overlay_start_2:
0x265: {  	(tag) =	ssettag $0x2  }
0x266: {  	s0 =	rddreg [dreg:$0x0];
	s2 =	stileid.u32  }
0x267: {  	s1 =	rddreg [dreg:$0x1];
	p0 =	sne.s32 s2, $0x0  }
0x268: {  	s3 =	rddreg [dreg:$0x2];
	[bflag:$0x3] =	sbarrier.arrive $0xFFFF;
	s2 =	simm.s32 @!p0 $0x1C05  }
0x269: {  	[timem:s3], [sflag:s2] =	dma.local @!p0 [hbm:s0], s1  }
0x26a: {  	s0 =	simm.s32 @!p0 $0x5  }
0x26b: {  	_ =	swait.ge @!p0 [sflag:s0], s1  }
0x26c: {  	s1 =	ssub.s32 @!p0 $0x0, s1;
	[sflag:s0] =	ssyncset.done @!p0 $0x0  }
0x26d: {  	[sflag:s0] =	ssyncadd.s32 @!p0 s1  }
0x26e: {  	[bflag:$0x3] =	sbarrier.arrive $0xFFFF  }
0x26f: {  	_ =	shalt  }

// kernel: kernel.9.cloned.1.call-start
scs
__scs_entry_jumppad:
0x0: {  	(pc) =	sbr.rel $0x88, $3  }
0x1: {  	(tag) =	ssettag $0x0;
	lr =	simm.s32 $0x1  }
0x2: {  	[smem:$0x3F9D] =	sst lr;
	_ =	strace $0xD0000000  }
0x3: {  	_ = 	snop  }
0x4: {  	_ = 	snop  }
0x5: {  	_ = 	snop  }
0x6: {  	_ = 	snop  }
0x7: {  	_ = 	snop  }
__scs_overlays_trampoline_lowered:
0x8: {  	[smem:$0x3FAC] =	sst s0  }
0x9: {  	[smem:$0x3FAD] =	sst s1  }
0xa: {  	[smem:$0x3FAE] =	sst s2  }
0xb: {  	[smem:$0x3FAF] =	sst s3  }
0xc: {  	[smem:$0x3FB0] =	sst s4  }
0xd: {  	[smem:$0x3FB1] =	sst s5  }
0xe: {  	[smem:$0x3FB2] =	sst s6  }
0xf: {  	[smem:$0x3FB3] =	sst s7  }
0x10: {  	[smem:$0x3FB4] =	sst s8  }
0x11: {  	[smem:$0x3FB5] =	sst s9;
	s0 =	simm.s32 @!p0 $0x0  }
0x12: {  	s1 =	sld [smem:$0x3F9B];
	s0 =	simm.s32 @p0 $0x1  }
0x13: {  	[smem:$0x3FB6] =	sst s0;
	s0 =	simm.s32 @!p1 $0x0  }
0x14: {  	s2 =	sld [smem:$0x3F9A];
	s0 =	simm.s32 @p1 $0x1  }
0x15: {  	[smem:$0x3FB7] =	sst s0;
	s0 =	simm.s32 @!p2 $0x0  }
0x16: {  	s3 =	sld [smem:$0x3FDB];
	s0 =	simm.s32 @p2 $0x1  }
0x17: {  	s4 =	simm.s32 $0x1BF5;
	[smem:$0x3FB9] =	sst s0  }
0x18: {  	s0 =	sld [smem:$0x3F9C];
	_ =	swait.ge [sflag:s4], $0x0  }
0x19: {  	s7 =	sld [smem:$0x3F9D]  }
0x1a: {  	s8 =	sadd.s32 $0xFFFFE003, lr  }
0x1b: {  	s9 =	sadd.s32 $0xFFFFFEF7, lr;
	s5 =	simm.s32 $0xFFFFFFFF;
	p2 =	slt.u32 s8, $0xFFFFF086  }
0x1c: {  	p1 =	slt.u32 s9, $0xF7A;
	s5 =	simm.s32 @!p2 $0x0  }
0x1d: {  	s5 =	simm.s32 @p1 $0x1;
	p0 =	seq.s32 s7, s2  }
0x1e: {  	s7 =	smul.u32 @!p0 $0xF7A, s2;
	p2 =	seq.s32 @!p0 s5, $0x0  }
0x1f: {  	s9 =	smul.u32 $0xF7A, s1;
	s8 =	simm.s32 @!p0 $0x1BF5;
	p2 =	por !p2, p0  }
0x20: {  	[sflag:s8] =	ssyncset.s32 @!p0 $0xFFFFF086;
	s6 =	sadd.s32 @!p0 s3, s7;
	s7 =	simm.s32 @!p0 $0x108  }
0x21: {  	s3 =	sadd.s32 s3, s9;
	s6 =	sadd.s32 @!p0 $0x88, s6;
	s7 =	simm.s32 @p2 $0x1082  }
0x22: {  	[simem:s7], [sflag:s8] =	dma.local @!p0 [hbm:s6], $0xF7A  }
0x23: {  	s9 =	sor.u32 $0xD0000000, s2;
	s6 =	simm.s32 $0x108;
	_ =	swait.ge @!p0 [sflag:s8], $0x0  }
0x24: {  	s3 =	sadd.s32 $0x88, s3;
	s6 =	simm.s32 @!p1 $0x1082;
	[sflag:s4] =	ssyncset.s32 $0xFFFFF086  }
0x25: {  	[simem:s6], [sflag:s4] =	dma.local [hbm:s3], $0xF7A  }
0x26: {  	[smem:$0x3F9D] =	sst s1;
	(tag) =	ssettag s2;
	_ =	strace s9  }
0x27: {  	s1 =	sld [smem:$0x3FAD]  }
0x28: {  	s2 =	sld [smem:$0x3FAE]  }
0x29: {  	s4 =	sld [smem:$0x3FB0]  }
0x2a: {  	p0 =	seq.s32 s5, $0x0;
	s5 =	sld [smem:$0x3FB1]  }
0x2b: {  	s6 =	sld [smem:$0x3FB2]  }
0x2c: {  	s7 =	sld [smem:$0x3FB3]  }
0x2d: {  	s3 =	simm.s32 $0x108;
	s8 =	sld [smem:$0x3FB4]  }
0x2e: {  	s3 =	simm.s32 @!p0 $0x1082;
	s9 =	sld [smem:$0x3FB5]  }
0x2f: {  	lr =	sadd.s32 s0, s3;
	s0 =	sld [smem:$0x3FAC]  }
0x30: {  	s3 =	sld [smem:$0x3FAF]  }
0x31: {  	[smem:$0x3FB8] =	sst s10  }
0x32: {  	s10 =	sld [smem:$0x3FB6];
	_ =	sdelay $0x3  }
0x33: {  	p0 =	seq.s32 s10, $0x1;
	s10 =	sld [smem:$0x3FB8];
	_ =	sdelay $0x3  }
0x34: {  	[smem:$0x3FB8] =	sst s10  }
0x35: {  	s10 =	sld [smem:$0x3FB7];
	_ =	sdelay $0x3  }
0x36: {  	p1 =	seq.s32 s10, $0x1;
	s10 =	sld [smem:$0x3FB8];
	_ =	sdelay $0x3  }
0x37: {  	[smem:$0x3FB8] =	sst s10  }
0x38: {  	s10 =	sld [smem:$0x3FB9]  }
0x39: {  	_ = 	snop;
	(pc) =	sbr.ind lr, $3  }
0x3a: {  	_ = 	snop  }
0x3b: {  	_ = 	snop  }
0x3c: {  	p2 =	seq.s32 s10, $0x1;
	s10 =	sld [smem:$0x3FB8]  }
0x3d: {  	_ =	shalt  }
0x3e: {  	_ =	shalt  }
0x3f: {  	_ =	shalt  }
0x40: {  	_ =	shalt  }
0x41: {  	_ =	shalt  }
0x42: {  	_ =	shalt  }
0x43: {  	_ =	shalt  }
0x44: {  	_ =	shalt  }
0x45: {  	_ =	shalt  }
0x46: {  	_ =	shalt  }
0x47: {  	_ =	shalt  }
0x48: {  	_ =	shalt  }
0x49: {  	_ =	shalt  }
0x4a: {  	_ =	shalt  }
0x4b: {  	_ =	shalt  }
0x4c: {  	_ =	shalt  }
0x4d: {  	_ =	shalt  }
0x4e: {  	_ =	shalt  }
0x4f: {  	_ =	shalt  }
0x50: {  	_ =	shalt  }
0x51: {  	_ =	shalt  }
0x52: {  	_ =	shalt  }
0x53: {  	_ =	shalt  }
0x54: {  	_ =	shalt  }
0x55: {  	_ =	shalt  }
0x56: {  	_ =	shalt  }
0x57: {  	_ =	shalt  }
0x58: {  	_ =	shalt  }
0x59: {  	_ =	shalt  }
0x5a: {  	_ =	shalt  }
0x5b: {  	_ =	shalt  }
0x5c: {  	_ =	shalt  }
0x5d: {  	_ =	shalt  }
0x5e: {  	_ =	shalt  }
0x5f: {  	_ =	shalt  }
0x60: {  	_ =	shalt  }
0x61: {  	_ =	shalt  }
0x62: {  	_ =	shalt  }
0x63: {  	_ =	shalt  }
0x64: {  	_ =	shalt  }
0x65: {  	_ =	shalt  }
0x66: {  	_ =	shalt  }
0x67: {  	_ =	shalt  }
0x68: {  	_ =	shalt  }
0x69: {  	_ =	shalt  }
0x6a: {  	_ =	shalt  }
0x6b: {  	_ =	shalt  }
0x6c: {  	_ =	shalt  }
0x6d: {  	_ =	shalt  }
0x6e: {  	_ =	shalt  }
0x6f: {  	_ =	shalt  }
0x70: {  	_ =	shalt  }
0x71: {  	_ =	shalt  }
0x72: {  	_ =	shalt  }
0x73: {  	_ =	shalt  }
0x74: {  	_ =	shalt  }
0x75: {  	_ =	shalt  }
0x76: {  	_ =	shalt  }
0x77: {  	_ =	shalt  }
0x78: {  	_ =	shalt  }
0x79: {  	_ =	shalt  }
0x7a: {  	_ =	shalt  }
0x7b: {  	_ =	shalt  }
0x7c: {  	_ =	shalt  }
0x7d: {  	_ =	shalt  }
0x7e: {  	_ =	shalt  }
0x7f: {  	_ =	shalt  }
0x80: {  	_ =	shalt  }
0x81: {  	_ =	shalt  }
0x82: {  	_ =	shalt  }
0x83: {  	_ =	shalt  }
0x84: {  	_ =	shalt  }
0x85: {  	_ =	shalt  }
0x86: {  	_ =	shalt  }
0x87: {  	_ =	shalt  }
.Lfunc_end0:
.L_simem_size_0:
called_computation.1_lowered:
.L_overlay_start_0:
0x88: {  	s2 =	sld [smem:$0x3FD9]  }
0x89: {  	s3 =	sld [smem:$0x3FFE];
	_ =	sdelay $0x1  }
0x8a: {  	s1 =	srdreg.scid  }
0x8b: {  	s0 =	sand.u32 $0x1, s1  }
0x8c: {  	s17 =	sshll.u32 s0, $0xA;
	s2 =	sadd.s32 s3, s2  }
0x8d: {  	s2 =	sadd.s32 s2, s17  }
0x8e: {  	[smem:$0x3FC4] =	sst s2  }
0x8f: {  	_ = 	snop  }
0x90: {  	s2 =	sld [smem:$0x3FD0];
	(tm) =	ssettm $0x1  }
0x91: {  	s18 =	sld [smem:$0x3FFB];
	_ =	sdelay $0x3  }
0x92: {  	_ =	strace s18  }
0x93: {  	s3 =	sld [smem:$0x3FFC];
	_ =	sdelay $0x3  }
0x94: {  	_ =	strace s3  }
0x95: {  	s3 =	sld [smem:$0x3FFD];
	_ =	sdelay $0x3  }
0x96: {  	_ =	strace s3  }
0x97: {  	_ =	strace $0x8FFFFFFF  }
0x98: {  	s19 =	sld [smem:$0x3FDB];
	_ =	sdelay $0x1  }
0x99: {  	s4 =	simm.s32 $_scs_section_size  }
0x9a: {  	s5 =	simm.s32 $_size__tile_overlayer_lowered;
	s6 =	simm.s32 $_tile_overlayer_lowered  }
0x9b: {  	s22 =	simm.s32 $0x1BFF;
	s21 =	sshll.u32 s6, $0x1;
	s3 =	sadd.s32 s4, s19  }
0x9c: {  	s7 =	simm.s32 $0x0;
	s20 =	sshll.u32 s5, $0x1;
	s5 =	sadd.s32 s21, s3  }
0x9d: {  	[timem:s7], [sflag:s22] =	dma.local [hbm:s5], s20  }
0x9e: {  	_ =	swait.ge [sflag:s22], s20  }
0x9f: {  	s4 =	ssub.s32 $0x0, s20;
	[sflag:s22] =	ssyncset.done $0x0  }
0xa0: {  	[sflag:s22] =	ssyncadd.s32 s4;
	_ =	sdelay $0x1  }
0xa1: {  	s23 =	simm.s32 $0x1B8B  }
0xa2: {  	_ =	swait.ge [sflag:s23], $0x1  }
0xa3: {  	[sflag:s23] =	ssyncset.done $0x0  }
0xa4: {  	s25 =	simm.s32 $0x1B8E;
	s24 =	sld [smem:$0x3FFE];
	[sflag:s23] =	ssyncadd.s32 $0xFFFFFFFF  }
0xa5: {  	s26 =	simm.s32 $execute0_lowered;
	[smem:$0x3FD2] =	sst s25  }
0xa6: {  	s5 =	sshll.u32 s26, $0x1;
	_ =	strace $0x80000049;
	[dreg:$0x1] =	wrdreg $0xFFFFFFFF  }
0xa7: {  	s28 =	simm.s32 $_size_execute0_lowered;
	s3 =	sadd.s32 s3, s5;
	[dreg:$0x0] =	wrdreg $0x0  }
0xa8: {  	s5 =	sshll.u32 s28, $0x1;
	[dreg:$0x2] =	wrdreg s3  }
0xa9: {  	[dreg:$0x3] =	wrdreg s5  }
0xaa: {  	[dreg:$0x4] =	wrdreg $0xC0  }
0xab: {  	_ =	task [dreg:s7], $0x5FFFF  }
0xac: {  	[dreg:$0x1] =	wrdreg $0xFFFFFFFF  }
0xad: {  	[dreg:$0x0] =	wrdreg $0x60  }
0xae: {  	[dreg:$0x2] =	wrdreg s24  }
0xaf: {  	[dreg:$0x3] =	wrdreg s2  }
0xb0: {  	[dreg:$0x4] =	wrdreg $0x9  }
0xb1: {  	_ =	task.clear_ibuf [dreg:s7], $0x5FFFF;
	_ =	strace $0x90000049  }
0xb2: {  	s29 =	simm.s32 $0x9;
	_ =	strace $0x8000004B  }
0xb3: {  	_ =	swait.ge [sflag:s29], $0x1  }
0xb4: {  	[sflag:s29] =	ssyncadd.s32 $0xFFFFFFFF  }
0xb5: {  	_ =	strace $0x9000004B  }
0xb6: {  	_ =	sfence  }
0xb7: {  	s30 =	sld [smem:$0x0];
	_ =	sdelay $0x2  }
0xb8: {  	s31 =	sshll.u32 s1, $0xD;
	s1 =	sshrl.u32 s1, $0x2  }
0xb9: {  	s3 =	sand.u32 $0x4000, s31;
	s1 =	sadd.s32 s1, s30  }
0xba: {  	s0 =	sor.u32 s3, s0;
	s1 =	sshll.u32 s1, $0x11  }
0xbb: {  	s0 =	sor.u32 s1, s0  }
0xbc: {  	s0 =	sadd.s32 $0x8F2B, s0  }
0xbd: {  	[sflag:s0] =	ssyncadd.remote.s32 $0x1  }
0xbe: {  	_ =	sfence.sel $0xFFFF  }
0xbf: {  	[dreg:$0x0] =	wrdreg $0xFFFFFFFF;
	(pc) =	sbr.abs _section_cstart, $3  }
0xc0: {  	[dreg:$0x1] =	wrdreg $0xFFFFFFFF  }
0xc1: {  	_ =	task.clear_ibuf [dreg:s7], $0x2FFFF;
	_ =	strace $0x9FFFFFFF  }
0xc2: {  	(tm) =	ssettm $0x7FFFFFFF  }
0xc3: {  	_ =	shalt  }
tec
execute0_lowered:
.L_overlay_start_1:
0x0: {  	(tag) =	ssettag $0x1  }
0x1: {  	s0 =	rddreg [dreg:$0x0]  }
0x2: {  	s1 =	rddreg [dreg:$0x1];
	s2 =	srdreg.scid  }
0x3: {  	s3 =	stileid.u32;
	s6 =	sand.u32 $0x1, s2;
	s2 =	simm.s32 $0x0  }
0x4: {  	s3 =	sshll.u32 s3, $0xA;
	s4 =	sshll.u32 s6, $0x9;
	[smem:$0x7FF] =	sst s2  }
0x5: {  	s6 =	ssub.s32 $0x2, s6;
	s5 =	sor.u32 s4, s3;
	s4 =	sadd.s32 $0x100C00, s0  }
0x6: {  	_ =	strace $0x8000004A;
	s3 =	sshrl.u32 s5, $0x3;
	s7 =	sor.u32 $0x20, s5  }
0x7: {  	s20 =	sshll.u32 s5, $0x7;
	s22 =	sor.u32 $0x40, s5;
	s9 =	sor.u32 $0x60, s5  }
0x8: {  	s31 =	sor.u32 $0x80, s5;
	s11 =	sor.u32 $0xA0, s5;
	s16 =	sor.u32 $0xC0, s5  }
0x9: {  	s3 =	sadd.s32 s4, s3;
	s8 =	sshrl.u32 s7, $0x3;
	s21 =	sadd.s32 s1, s20  }
0xa: {  	s23 =	sshrl.u32 s22, $0x3;
	s7 =	sshll.u32 s7, $0x7;
	s25 =	sshrl.u32 s9, $0x3  }
0xb: {  	s28 =	sshll.u32 s22, $0x7;
	s10 =	sshll.u32 s9, $0x7;
	s13 =	sshrl.u32 s11, $0x3  }
0xc: {  	s17 =	sshrl.u32 s16, $0x3;
	s18 =	sshll.u32 s11, $0x7;
	[dreg:$0x3] =	wrdreg s3  }
0xd: {  	s19 =	sadd.s32 s4, s8;
	[dreg:$0x5] =	wrdreg s21;
	s3 =	sadd.s32 s4, s23  }
0xe: {  	s24 =	sadd.s32 s1, s7;
	s26 =	sadd.s32 s4, s25;
	[dreg:$0x4] =	wrdreg s19  }
0xf: {  	s29 =	sadd.s32 s1, s28;
	s8 =	sshrl.u32 s31, $0x3;
	[dreg:$0x6] =	wrdreg s3  }
0x10: {  	s12 =	sadd.s32 s1, s10;
	s14 =	sadd.s32 s4, s13;
	[dreg:$0x7] =	wrdreg s24  }
0x11: {  	s7 =	sshll.u32 s31, $0x7;
	s20 =	sadd.s32 s1, s18;
	[dreg:$0x8] =	wrdreg s26  }
0x12: {  	s23 =	sor.u32 $0x100, s5;
	s10 =	sor.u32 $0x120, s5;
	[dreg:$0x9] =	wrdreg s29  }
0x13: {  	s31 =	sor.u32 $0x140, s5;
	s18 =	sshrl.u32 s6, $0x1;
	[dreg:$0xb] =	wrdreg s12  }
0x14: {  	s3 =	sadd.s32 s4, s8;
	[dreg:$0xc] =	wrdreg s14;
	s15 =	sadd.s32 s1, s7  }
0x15: {  	s19 =	sor.u32 $0xE0, s5;
	[dreg:$0xf] =	wrdreg s20;
	s7 =	sshll.u32 s16, $0x7  }
0x16: {  	s24 =	sshrl.u32 s23, $0x3;
	s26 =	sshrl.u32 s10, $0x3;
	s8 =	sshll.u32 s23, $0x7  }
0x17: {  	s11 =	sshll.u32 s10, $0x7;
	s12 =	sor.u32 $0x160, s5;
	[dreg:$0xa] =	wrdreg s3  }
0x18: {  	[dreg:$0xd] =	wrdreg s15;
	s3 =	sadd.s32 s4, s17;
	s21 =	sshrl.u32 s19, $0x3  }
0x19: {  	s7 =	sadd.s32 s1, s7;
	s9 =	sshll.u32 s19, $0x7;
	s28 =	sadd.s32 s4, s26  }
0x1a: {  	s29 =	sadd.s32 s1, s8;
	s13 =	sadd.s32 s1, s11;
	[dreg:$0xe] =	wrdreg s3  }
0x1b: {  	s14 =	sshrl.u32 s12, $0x3;
	s8 =	sshll.u32 s31, $0x7;
	[dreg:$0x11] =	wrdreg s7  }
0x1c: {  	s17 =	sor.u32 $0x180, s5;
	s10 =	sshll.u32 s12, $0x7;
	[dreg:$0x14] =	wrdreg s28  }
0x1d: {  	s11 =	sor.u32 $0x1A0, s5;
	s22 =	sadd.s32 s4, s21;
	[dreg:$0x15] =	wrdreg s29  }
0x1e: {  	s3 =	sadd.s32 $0x101400, s0;
	s7 =	sadd.s32 s4, s24;
	[dreg:$0x17] =	wrdreg s13  }
0x1f: {  	s25 =	sadd.s32 s1, s9;
	s9 =	sshrl.u32 s31, $0x3;
	[dreg:$0x10] =	wrdreg s22  }
0x20: {  	s15 =	sadd.s32 s4, s14;
	s16 =	sadd.s32 s1, s8;
	[dreg:$0x12] =	wrdreg s7  }
0x21: {  	s19 =	sshrl.u32 s17, $0x3;
	s20 =	sadd.s32 s1, s10;
	[dreg:$0x13] =	wrdreg s25  }
0x22: {  	s21 =	sshrl.u32 s11, $0x3;
	s8 =	sshll.u32 s17, $0x7;
	[dreg:$0x18] =	wrdreg s15  }
0x23: {  	s24 =	sor.u32 $0x1C0, s5;
	s26 =	sshll.u32 s11, $0x7;
	[dreg:$0x19] =	wrdreg s16  }
0x24: {  	s5 =	sor.u32 $0x1E0, s5;
	s7 =	sadd.s32 s4, s9;
	[dreg:$0x1b] =	wrdreg s20  }
0x25: {  	s22 =	sadd.s32 s4, s21;
	s23 =	sadd.s32 s1, s8;
	s9 =	ssub.s32 s6, s18  }
0x26: {  	s25 =	sshrl.u32 s24, $0x3;
	s28 =	sadd.s32 s1, s26;
	s29 =	sshrl.u32 s5, $0x3  }
0x27: {  	s31 =	sshll.u32 s24, $0x7;
	s5 =	sshll.u32 s5, $0x7;
	[dreg:$0x16] =	wrdreg s7  }
0x28: {  	s8 =	simm.s32 $0x5;
	s26 =	simm.s32 $0x8100;
	[dreg:$0x1c] =	wrdreg s22  }
0x29: {  	s20 =	simm.s32 $0x3;
	s21 =	simm.s32 $0x2;
	[dreg:$0x1d] =	wrdreg s23  }
0x2a: {  	s7 =	sadd.s32 s4, s19;
	s6 =	sadd.s32 s4, s25;
	[dreg:$0x1f] =	wrdreg s28  }
0x2b: {  	s4 =	sadd.s32 s4, s29;
	s30 =	smax.u32 s9, $0x1;
	[dreg:$0x1a] =	wrdreg s7  }
0x2c: {  	s9 =	simm.s32 $0x100;
	s19 =	simm.s32 $0x1;
	[dreg:$0x1e] =	wrdreg s6  }
0x2d: {  	v2 =	vlaneseq.u32;
	[smem:$0x7FB] =	sst s4;
	s6 =	sadd.s32 s1, s31;
	s4 =	sadd.s32 $0x101500, s0  }
0x2e: {  	vm0 =	vmmov $0xffff;
	v1 =	vshrl.u32 v2, $0x3;
	s1 =	sadd.s32 s1, s5;
	s5 =	sadd.s32 $0x101600, s0;
	[smem:$0x7FC] =	sst s6  }
0x2f: {  	v0 =	vand.u32 $0x7, v2;
	v2 =	vor.u32 $0x8, v2;
	v1 =	vmul.u32 $0x8, v1;
	s22 =	simm.s32 $0x4;
	s6 =	sadd.s32 $0x101700, s0;
	[smem:$0x7FD] =	sst s1  }
.LBB2_1:
0x30: {  	s23 =	rddreg [dreg:$0x3]  }
0x31: {  	[tilespmem:s2], [sflag:$0x5] =	stream.linear.gather [hbm4b:s23+s2], $0x20, $0x38;
	[tilespmem:$0x10100] =	vst v63  }
0x32: {  	_ =	swait.ge [sflag:s8], $0x20  }
0x33: {  	[sflag:s8] =	ssyncset.done $0x0  }
0x34: {  	[sflag:s8] =	ssyncadd.s32 $0xFFFFFFE0  }
0x35: {  	v3 =	vld [tilespmem:$0x0];
	_ =	sdelay $0x4  }
0x36: {  	v4 =	vshll.u32 v3, $0x3  }
0x37: {  	v3 =	vand.u32 $0x7, v3;
	v4 =	vand.u32 $0xFFFFFFC0, v4  }
0x38: {  	v3 =	vor.u32 v3, v4  }
0x39: {  	v4 =	vperm.xlane v3, v0;
	_ =	sdelay $0x1  }
0x3a: {  	v4 =	vadd.s32 v1, v4;
	_ =	sdelay $0x4  }
0x3b: {  	[tilespmem:s9], [sflag:$0x1] =	stream.indirect_vreg.gather [hbm4b:s3+s2], $0x80, v4, vm0, $0xb8;
	[tilespmem:$0x10100] =	vst v63  }
0x3c: {  	s0 =	simm.s32 $0x900;
	v3 =	vperm.xlane v3, v2  }
0x3d: {  	[tilespmem:s0], [sflag:$0x1] =	stream.indirect_vreg.gather [hbm4b:s4+s2], $0x80, v4, vm0, $0xb8;
	[tilespmem:$0x10100] =	vst v63  }
0x3e: {  	s24 =	simm.s32 $0x1100;
	v3 =	vadd.s32 v1, v3  }
0x3f: {  	[tilespmem:s24], [sflag:$0x1] =	stream.indirect_vreg.gather [hbm4b:s5+s2], $0x80, v4, vm0, $0xb8;
	[tilespmem:$0x10100] =	vst v63  }
0x40: {  	s25 =	simm.s32 $0x1900  }
0x41: {  	[tilespmem:s25], [sflag:$0x1] =	stream.indirect_vreg.gather [hbm4b:s6+s2], $0x80, v4, vm0, $0xb8;
	[tilespmem:$0x10100] =	vst v63  }
0x42: {  	s28 =	simm.s32 $0x2100  }
0x43: {  	[tilespmem:s28], [sflag:$0x1] =	stream.indirect_vreg.gather [hbm4b:s3+s2], $0x80, v3, vm0, $0xb8;
	[tilespmem:$0x10100] =	vst v63  }
0x44: {  	s29 =	simm.s32 $0x2900  }
0x45: {  	[tilespmem:s29], [sflag:$0x1] =	stream.indirect_vreg.gather [hbm4b:s4+s2], $0x80, v3, vm0, $0xb8;
	[tilespmem:$0x10100] =	vst v63  }
0x46: {  	s31 =	simm.s32 $0x3100  }
0x47: {  	[tilespmem:s31], [sflag:$0x1] =	stream.indirect_vreg.gather [hbm4b:s5+s2], $0x80, v3, vm0, $0xb8;
	[tilespmem:$0x10100] =	vst v63  }
0x48: {  	s10 =	simm.s32 $0x3900  }
0x49: {  	[tilespmem:s10], [sflag:$0x1] =	stream.indirect_vreg.gather [hbm4b:s6+s2], $0x80, v3, vm0, $0xb8;
	[tilespmem:$0x10100] =	vst v63  }
0x4a: {  	v3 =	vld [tilespmem:$0x10];
	_ =	sdelay $0x4  }
0x4b: {  	v33 =	vshll.u32 v3, $0x3  }
0x4c: {  	v3 =	vand.u32 $0x7, v3;
	v4 =	vand.u32 $0xFFFFFFC0, v33  }
0x4d: {  	v3 =	vor.u32 v3, v4  }
0x4e: {  	v4 =	vperm.xlane v3, v0;
	_ =	sdelay $0x1  }
0x4f: {  	v4 =	vadd.s32 v1, v4;
	_ =	sdelay $0x3  }
0x50: {  	s11 =	simm.s32 $0x4100  }
0x51: {  	[tilespmem:s11], [sflag:$0x1] =	stream.indirect_vreg.gather [hbm4b:s3+s2], $0x80, v4, vm0, $0xb8;
	[tilespmem:$0x10100] =	vst v63  }
0x52: {  	s12 =	simm.s32 $0x4900;
	v3 =	vperm.xlane v3, v2  }
0x53: {  	[tilespmem:s12], [sflag:$0x1] =	stream.indirect_vreg.gather [hbm4b:s4+s2], $0x80, v4, vm0, $0xb8;
	[tilespmem:$0x10100] =	vst v63  }
0x54: {  	s13 =	simm.s32 $0x5100;
	v3 =	vadd.s32 v1, v3  }
0x55: {  	[tilespmem:s13], [sflag:$0x1] =	stream.indirect_vreg.gather [hbm4b:s5+s2], $0x80, v4, vm0, $0xb8;
	[tilespmem:$0x10100] =	vst v63  }
0x56: {  	s14 =	simm.s32 $0x5900  }
0x57: {  	[tilespmem:s14], [sflag:$0x1] =	stream.indirect_vreg.gather [hbm4b:s6+s2], $0x80, v4, vm0, $0xb8;
	[tilespmem:$0x10100] =	vst v63  }
0x58: {  	s15 =	simm.s32 $0x6100  }
0x59: {  	[tilespmem:s15], [sflag:$0x1] =	stream.indirect_vreg.gather [hbm4b:s3+s2], $0x80, v3, vm0, $0xb8;
	[tilespmem:$0x10100] =	vst v63  }
0x5a: {  	s16 =	simm.s32 $0x6900  }
0x5b: {  	[tilespmem:s16], [sflag:$0x1] =	stream.indirect_vreg.gather [hbm4b:s4+s2], $0x80, v3, vm0, $0xb8;
	[tilespmem:$0x10100] =	vst v63  }
0x5c: {  	s23 =	simm.s32 $0x7100  }
0x5d: {  	[tilespmem:s23], [sflag:$0x1] =	stream.indirect_vreg.gather [hbm4b:s5+s2], $0x80, v3, vm0, $0xb8;
	[tilespmem:$0x10100] =	vst v63  }
0x5e: {  	s28 =	simm.s32 $0x7900  }
0x5f: {  	[tilespmem:s28], [sflag:$0x1] =	stream.indirect_vreg.gather [hbm4b:s6+s2], $0x80, v3, vm0, $0xb8;
	[tilespmem:$0x10100] =	vst v63  }
0x60: {  	s25 =	rddreg [dreg:$0x4];
	s29 =	simm.s32 $0x80  }
0x61: {  	[tilespmem:s29], [sflag:$0x5] =	stream.linear.gather [hbm4b:s25+s2], $0x20, $0x38;
	[tilespmem:$0x10100] =	vst v63  }
0x62: {  	_ =	swait.ge [sflag:s8], $0x20  }
0x63: {  	[sflag:s8] =	ssyncset.done $0x0  }
0x64: {  	[sflag:s8] =	ssyncadd.s32 $0xFFFFFFE0  }
0x65: {  	v3 =	vld [tilespmem:$0x80];
	_ =	sdelay $0x4  }
0x66: {  	v34 =	vshll.u32 v3, $0x3  }
0x67: {  	v3 =	vand.u32 $0x7, v3;
	v4 =	vand.u32 $0xFFFFFFC0, v34  }
0x68: {  	v3 =	vor.u32 v3, v4  }
0x69: {  	v4 =	vperm.xlane v3, v0;
	_ =	sdelay $0x1  }
0x6a: {  	v4 =	vadd.s32 v1, v4;
	_ =	sdelay $0x4  }
0x6b: {  	[tilespmem:s26], [sflag:$0x2] =	stream.indirect_vreg.gather [hbm4b:s3+s2], $0x80, v4, vm0, $0xb8;
	[tilespmem:$0x10100] =	vst v63  }
0x6c: {  	s31 =	simm.s32 $0x8900;
	v3 =	vperm.xlane v3, v2  }
0x6d: {  	[tilespmem:s31], [sflag:$0x2] =	stream.indirect_vreg.gather [hbm4b:s4+s2], $0x80, v4, vm0, $0xb8;
	[tilespmem:$0x10100] =	vst v63  }
0x6e: {  	s10 =	simm.s32 $0x9100;
	v3 =	vadd.s32 v1, v3  }
0x6f: {  	[tilespmem:s10], [sflag:$0x2] =	stream.indirect_vreg.gather [hbm4b:s5+s2], $0x80, v4, vm0, $0xb8;
	[tilespmem:$0x10100] =	vst v63  }
0x70: {  	s11 =	simm.s32 $0x9900  }
0x71: {  	[tilespmem:s11], [sflag:$0x2] =	stream.indirect_vreg.gather [hbm4b:s6+s2], $0x80, v4, vm0, $0xb8;
	[tilespmem:$0x10100] =	vst v63  }
0x72: {  	s12 =	simm.s32 $0xA100  }
0x73: {  	[tilespmem:s12], [sflag:$0x2] =	stream.indirect_vreg.gather [hbm4b:s3+s2], $0x80, v3, vm0, $0xb8;
	[tilespmem:$0x10100] =	vst v63  }
0x74: {  	s14 =	simm.s32 $0xA900  }
0x75: {  	[tilespmem:s14], [sflag:$0x2] =	stream.indirect_vreg.gather [hbm4b:s4+s2], $0x80, v3, vm0, $0xb8;
	[tilespmem:$0x10100] =	vst v63  }
0x76: {  	s15 =	simm.s32 $0xB100  }
0x77: {  	[tilespmem:s15], [sflag:$0x2] =	stream.indirect_vreg.gather [hbm4b:s5+s2], $0x80, v3, vm0, $0xb8;
	[tilespmem:$0x10100] =	vst v63  }
0x78: {  	s16 =	simm.s32 $0xB900  }
0x79: {  	[tilespmem:s16], [sflag:$0x2] =	stream.indirect_vreg.gather [hbm4b:s6+s2], $0x80, v3, vm0, $0xb8;
	[tilespmem:$0x10100] =	vst v63  }
0x7a: {  	v3 =	vld [tilespmem:$0x90];
	_ =	sdelay $0x4  }
0x7b: {  	v35 =	vshll.u32 v3, $0x3  }
0x7c: {  	v3 =	vand.u32 $0x7, v3;
	v4 =	vand.u32 $0xFFFFFFC0, v35  }
0x7d: {  	v3 =	vor.u32 v3, v4  }
0x7e: {  	v4 =	vperm.xlane v3, v0;
	_ =	sdelay $0x1  }
0x7f: {  	v4 =	vadd.s32 v1, v4;
	_ =	sdelay $0x3  }
0x80: {  	s25 =	simm.s32 $0xC100  }
0x81: {  	[tilespmem:s25], [sflag:$0x2] =	stream.indirect_vreg.gather [hbm4b:s3+s2], $0x80, v4, vm0, $0xb8;
	[tilespmem:$0x10100] =	vst v63  }
0x82: {  	s28 =	simm.s32 $0xC900;
	v3 =	vperm.xlane v3, v2  }
0x83: {  	[tilespmem:s28], [sflag:$0x2] =	stream.indirect_vreg.gather [hbm4b:s4+s2], $0x80, v4, vm0, $0xb8;
	[tilespmem:$0x10100] =	vst v63  }
0x84: {  	s29 =	simm.s32 $0xD100;
	v3 =	vadd.s32 v1, v3  }
0x85: {  	[tilespmem:s29], [sflag:$0x2] =	stream.indirect_vreg.gather [hbm4b:s5+s2], $0x80, v4, vm0, $0xb8;
	[tilespmem:$0x10100] =	vst v63  }
0x86: {  	s0 =	simm.s32 $0xD900  }
0x87: {  	[tilespmem:s0], [sflag:$0x2] =	stream.indirect_vreg.gather [hbm4b:s6+s2], $0x80, v4, vm0, $0xb8;
	[tilespmem:$0x10100] =	vst v63  }
0x88: {  	s11 =	simm.s32 $0xE100  }
0x89: {  	[tilespmem:s11], [sflag:$0x2] =	stream.indirect_vreg.gather [hbm4b:s3+s2], $0x80, v3, vm0, $0xb8;
	[tilespmem:$0x10100] =	vst v63  }
0x8a: {  	s15 =	simm.s32 $0xE900  }
0x8b: {  	[tilespmem:s15], [sflag:$0x2] =	stream.indirect_vreg.gather [hbm4b:s4+s2], $0x80, v3, vm0, $0xb8;
	[tilespmem:$0x10100] =	vst v63  }
0x8c: {  	s16 =	simm.s32 $0xF100  }
0x8d: {  	[tilespmem:s16], [sflag:$0x2] =	stream.indirect_vreg.gather [hbm4b:s5+s2], $0x80, v3, vm0, $0xb8;
	[tilespmem:$0x10100] =	vst v63  }
0x8e: {  	s25 =	simm.s32 $0xF900  }
0x8f: {  	[tilespmem:s25], [sflag:$0x2] =	stream.indirect_vreg.gather [hbm4b:s6+s2], $0x80, v3, vm0, $0xb8;
	[tilespmem:$0x10100] =	vst v63  }
0x90: {  	_ =	swait.ge [sflag:s19], $0x8000  }
0x91: {  	[sflag:s19] =	ssyncset.done $0x0  }
0x92: {  	s28 =	rddreg [dreg:$0x5];
	[sflag:s19] =	ssyncadd.s32 $0xFFFF8000  }
0x93: {  	[hbm4b:s28+s2] =	stream.linear.scatter [tilespmem:s9], [sflag:$0x3], $0x8000, $0x38;
	[tilespmem:$0x10100] =	vst v63  }
0x94: {  	_ =	swait.ge [sflag:s20], $0x8000  }
0x95: {  	[sflag:s20] =	ssyncset.done $0x0  }
0x96: {  	s29 =	rddreg [dreg:$0x6];
	[sflag:s20] =	ssyncadd.s32 $0xFFFF8000  }
0x97: {  	[tilespmem:s2], [sflag:$0x5] =	stream.linear.gather [hbm4b:s29+s2], $0x20, $0x38;
	[tilespmem:$0x10100] =	vst v63  }
0x98: {  	_ =	swait.ge [sflag:s8], $0x20  }
0x99: {  	[sflag:s8] =	ssyncset.done $0x0  }
0x9a: {  	[sflag:s8] =	ssyncadd.s32 $0xFFFFFFE0  }
0x9b: {  	v3 =	vld [tilespmem:$0x0];
	_ =	sdelay $0x4  }
0x9c: {  	v36 =	vshll.u32 v3, $0x3  }
0x9d: {  	v3 =	vand.u32 $0x7, v3;
	v4 =	vand.u32 $0xFFFFFFC0, v36  }
0x9e: {  	v3 =	vor.u32 v3, v4  }
0x9f: {  	v4 =	vperm.xlane v3, v0;
	_ =	sdelay $0x1  }
0xa0: {  	v4 =	vadd.s32 v1, v4;
	_ =	sdelay $0x4  }
0xa1: {  	[tilespmem:s9], [sflag:$0x1] =	stream.indirect_vreg.gather [hbm4b:s3+s2], $0x80, v4, vm0, $0xb8;
	[tilespmem:$0x10100] =	vst v63  }
0xa2: {  	s7 =	simm.s32 $0x900;
	v3 =	vperm.xlane v3, v2  }
0xa3: {  	[tilespmem:s7], [sflag:$0x1] =	stream.indirect_vreg.gather [hbm4b:s4+s2], $0x80, v4, vm0, $0xb8;
	[tilespmem:$0x10100] =	vst v63  }
0xa4: {  	s1 =	simm.s32 $0x1100;
	v3 =	vadd.s32 v1, v3  }
0xa5: {  	[tilespmem:s1], [sflag:$0x1] =	stream.indirect_vreg.gather [hbm4b:s5+s2], $0x80, v4, vm0, $0xb8;
	[tilespmem:$0x10100] =	vst v63  }
0xa6: {  	s1 =	simm.s32 $0x1900  }
0xa7: {  	[tilespmem:s1], [sflag:$0x1] =	stream.indirect_vreg.gather [hbm4b:s6+s2], $0x80, v4, vm0, $0xb8;
	[tilespmem:$0x10100] =	vst v63  }
0xa8: {  	s7 =	simm.s32 $0x2100  }
0xa9: {  	[tilespmem:s7], [sflag:$0x1] =	stream.indirect_vreg.gather [hbm4b:s3+s2], $0x80, v3, vm0, $0xb8;
	[tilespmem:$0x10100] =	vst v63  }
0xaa: {  	s15 =	simm.s32 $0x2900  }
0xab: {  	[tilespmem:s15], [sflag:$0x1] =	stream.indirect_vreg.gather [hbm4b:s4+s2], $0x80, v3, vm0, $0xb8;
	[tilespmem:$0x10100] =	vst v63  }
0xac: {  	s16 =	simm.s32 $0x3100  }
0xad: {  	[tilespmem:s16], [sflag:$0x1] =	stream.indirect_vreg.gather [hbm4b:s5+s2], $0x80, v3, vm0, $0xb8;
	[tilespmem:$0x10100] =	vst v63  }
0xae: {  	s17 =	simm.s32 $0x3900  }
0xaf: {  	[tilespmem:s17], [sflag:$0x1] =	stream.indirect_vreg.gather [hbm4b:s6+s2], $0x80, v3, vm0, $0xb8;
	[tilespmem:$0x10100] =	vst v63  }
0xb0: {  	v3 =	vld [tilespmem:$0x10];
	_ =	sdelay $0x4  }
0xb1: {  	v37 =	vshll.u32 v3, $0x3  }
0xb2: {  	v3 =	vand.u32 $0x7, v3;
	v4 =	vand.u32 $0xFFFFFFC0, v37  }
0xb3: {  	v3 =	vor.u32 v3, v4  }
0xb4: {  	v4 =	vperm.xlane v3, v0;
	_ =	sdelay $0x1  }
0xb5: {  	v4 =	vadd.s32 v1, v4;
	_ =	sdelay $0x3  }
0xb6: {  	s18 =	simm.s32 $0x4100  }
0xb7: {  	[tilespmem:s18], [sflag:$0x1] =	stream.indirect_vreg.gather [hbm4b:s3+s2], $0x80, v4, vm0, $0xb8;
	[tilespmem:$0x10100] =	vst v63  }
0xb8: {  	s24 =	simm.s32 $0x4900;
	v3 =	vperm.xlane v3, v2  }
0xb9: {  	[tilespmem:s24], [sflag:$0x1] =	stream.indirect_vreg.gather [hbm4b:s4+s2], $0x80, v4, vm0, $0xb8;
	[tilespmem:$0x10100] =	vst v63  }
0xba: {  	s17 =	simm.s32 $0x5100;
	v3 =	vadd.s32 v1, v3  }
0xbb: {  	[tilespmem:s17], [sflag:$0x1] =	stream.indirect_vreg.gather [hbm4b:s5+s2], $0x80, v4, vm0, $0xb8;
	[tilespmem:$0x10100] =	vst v63  }
0xbc: {  	s18 =	simm.s32 $0x5900  }
0xbd: {  	[tilespmem:s18], [sflag:$0x1] =	stream.indirect_vreg.gather [hbm4b:s6+s2], $0x80, v4, vm0, $0xb8;
	[tilespmem:$0x10100] =	vst v63  }
0xbe: {  	s24 =	simm.s32 $0x6100  }
0xbf: {  	[tilespmem:s24], [sflag:$0x1] =	stream.indirect_vreg.gather [hbm4b:s3+s2], $0x80, v3, vm0, $0xb8;
	[tilespmem:$0x10100] =	vst v63  }
0xc0: {  	s25 =	simm.s32 $0x6900  }
0xc1: {  	[tilespmem:s25], [sflag:$0x1] =	stream.indirect_vreg.gather [hbm4b:s4+s2], $0x80, v3, vm0, $0xb8;
	[tilespmem:$0x10100] =	vst v63  }
0xc2: {  	s28 =	simm.s32 $0x7100  }
0xc3: {  	[tilespmem:s28], [sflag:$0x1] =	stream.indirect_vreg.gather [hbm4b:s5+s2], $0x80, v3, vm0, $0xb8;
	[tilespmem:$0x10100] =	vst v63  }
0xc4: {  	s29 =	simm.s32 $0x7900  }
0xc5: {  	[tilespmem:s29], [sflag:$0x1] =	stream.indirect_vreg.gather [hbm4b:s6+s2], $0x80, v3, vm0, $0xb8;
	[tilespmem:$0x10100] =	vst v63  }
0xc6: {  	_ =	swait.ge [sflag:s21], $0x8000  }
0xc7: {  	[sflag:s21] =	ssyncset.done $0x0  }
0xc8: {  	s0 =	rddreg [dreg:$0x7];
	[sflag:s21] =	ssyncadd.s32 $0xFFFF8000  }
0xc9: {  	[hbm4b:s0+s2] =	stream.linear.scatter [tilespmem:s26], [sflag:$0x4], $0x8000, $0x38;
	[tilespmem:$0x10100] =	vst v63  }
0xca: {  	_ =	swait.ge [sflag:s22], $0x8000  }
0xcb: {  	[sflag:s22] =	ssyncset.done $0x0  }
0xcc: {  	s0 =	simm.s32 $0x80;
	s23 =	rddreg [dreg:$0x8];
	[sflag:s22] =	ssyncadd.s32 $0xFFFF8000  }
0xcd: {  	[tilespmem:s0], [sflag:$0x5] =	stream.linear.gather [hbm4b:s23+s2], $0x20, $0x38;
	[tilespmem:$0x10100] =	vst v63  }
0xce: {  	_ =	swait.ge [sflag:s8], $0x20  }
0xcf: {  	[sflag:s8] =	ssyncset.done $0x0  }
0xd0: {  	[sflag:s8] =	ssyncadd.s32 $0xFFFFFFE0  }
0xd1: {  	v3 =	vld [tilespmem:$0x80];
	_ =	sdelay $0x4  }
0xd2: {  	v38 =	vshll.u32 v3, $0x3  }
0xd3: {  	v3 =	vand.u32 $0x7, v3;
	v4 =	vand.u32 $0xFFFFFFC0, v38  }
0xd4: {  	v3 =	vor.u32 v3, v4  }
0xd5: {  	v4 =	vperm.xlane v3, v0;
	_ =	sdelay $0x1  }
0xd6: {  	v4 =	vadd.s32 v1, v4;
	_ =	sdelay $0x4  }
0xd7: {  	[tilespmem:s26], [sflag:$0x2] =	stream.indirect_vreg.gather [hbm4b:s3+s2], $0x80, v4, vm0, $0xb8;
	[tilespmem:$0x10100] =	vst v63  }
0xd8: {  	s13 =	simm.s32 $0x8900;
	v3 =	vperm.xlane v3, v2  }
0xd9: {  	[tilespmem:s13], [sflag:$0x2] =	stream.indirect_vreg.gather [hbm4b:s4+s2], $0x80, v4, vm0, $0xb8;
	[tilespmem:$0x10100] =	vst v63  }
0xda: {  	s31 =	simm.s32 $0x9100;
	v3 =	vadd.s32 v1, v3  }
0xdb: {  	[tilespmem:s31], [sflag:$0x2] =	stream.indirect_vreg.gather [hbm4b:s5+s2], $0x80, v4, vm0, $0xb8;
	[tilespmem:$0x10100] =	vst v63  }
0xdc: {  	s31 =	simm.s32 $0x9900  }
0xdd: {  	[tilespmem:s31], [sflag:$0x2] =	stream.indirect_vreg.gather [hbm4b:s6+s2], $0x80, v4, vm0, $0xb8;
	[tilespmem:$0x10100] =	vst v63  }
0xde: {  	s23 =	simm.s32 $0xA100  }
0xdf: {  	[tilespmem:s23], [sflag:$0x2] =	stream.indirect_vreg.gather [hbm4b:s3+s2], $0x80, v3, vm0, $0xb8;
	[tilespmem:$0x10100] =	vst v63  }
0xe0: {  	s23 =	simm.s32 $0xA900  }
0xe1: {  	[tilespmem:s23], [sflag:$0x2] =	stream.indirect_vreg.gather [hbm4b:s4+s2], $0x80, v3, vm0, $0xb8;
	[tilespmem:$0x10100] =	vst v63  }
0xe2: {  	s23 =	simm.s32 $0xB100  }
0xe3: {  	[tilespmem:s23], [sflag:$0x2] =	stream.indirect_vreg.gather [hbm4b:s5+s2], $0x80, v3, vm0, $0xb8;
	[tilespmem:$0x10100] =	vst v63  }
0xe4: {  	s12 =	simm.s32 $0xB900  }
0xe5: {  	[tilespmem:s12], [sflag:$0x2] =	stream.indirect_vreg.gather [hbm4b:s6+s2], $0x80, v3, vm0, $0xb8;
	[tilespmem:$0x10100] =	vst v63  }
0xe6: {  	v3 =	vld [tilespmem:$0x90];
	_ =	sdelay $0x4  }
0xe7: {  	v39 =	vshll.u32 v3, $0x3  }
0xe8: {  	v3 =	vand.u32 $0x7, v3;
	v4 =	vand.u32 $0xFFFFFFC0, v39  }
0xe9: {  	v3 =	vor.u32 v3, v4  }
0xea: {  	v4 =	vperm.xlane v3, v0;
	_ =	sdelay $0x1  }
0xeb: {  	v4 =	vadd.s32 v1, v4;
	_ =	sdelay $0x3  }
0xec: {  	s14 =	simm.s32 $0xC100  }
0xed: {  	[tilespmem:s14], [sflag:$0x2] =	stream.indirect_vreg.gather [hbm4b:s3+s2], $0x80, v4, vm0, $0xb8;
	[tilespmem:$0x10100] =	vst v63  }
0xee: {  	s10 =	simm.s32 $0xC900;
	v3 =	vperm.xlane v3, v2  }
0xef: {  	[tilespmem:s10], [sflag:$0x2] =	stream.indirect_vreg.gather [hbm4b:s4+s2], $0x80, v4, vm0, $0xb8;
	[tilespmem:$0x10100] =	vst v63  }
0xf0: {  	s23 =	simm.s32 $0xD100;
	v3 =	vadd.s32 v1, v3  }
0xf1: {  	[tilespmem:s23], [sflag:$0x2] =	stream.indirect_vreg.gather [hbm4b:s5+s2], $0x80, v4, vm0, $0xb8;
	[tilespmem:$0x10100] =	vst v63  }
0xf2: {  	s12 =	simm.s32 $0xD900  }
0xf3: {  	[tilespmem:s12], [sflag:$0x2] =	stream.indirect_vreg.gather [hbm4b:s6+s2], $0x80, v4, vm0, $0xb8;
	[tilespmem:$0x10100] =	vst v63  }
0xf4: {  	s23 =	simm.s32 $0xE100  }
0xf5: {  	[tilespmem:s23], [sflag:$0x2] =	stream.indirect_vreg.gather [hbm4b:s3+s2], $0x80, v3, vm0, $0xb8;
	[tilespmem:$0x10100] =	vst v63  }
0xf6: {  	s23 =	simm.s32 $0xE900  }
0xf7: {  	[tilespmem:s23], [sflag:$0x2] =	stream.indirect_vreg.gather [hbm4b:s4+s2], $0x80, v3, vm0, $0xb8;
	[tilespmem:$0x10100] =	vst v63  }
0xf8: {  	s23 =	simm.s32 $0xF100  }
0xf9: {  	[tilespmem:s23], [sflag:$0x2] =	stream.indirect_vreg.gather [hbm4b:s5+s2], $0x80, v3, vm0, $0xb8;
	[tilespmem:$0x10100] =	vst v63  }
0xfa: {  	s11 =	simm.s32 $0xF900  }
0xfb: {  	[tilespmem:s11], [sflag:$0x2] =	stream.indirect_vreg.gather [hbm4b:s6+s2], $0x80, v3, vm0, $0xb8;
	[tilespmem:$0x10100] =	vst v63  }
0xfc: {  	_ =	swait.ge [sflag:s19], $0x8000  }
0xfd: {  	[sflag:s19] =	ssyncset.done $0x0  }
0xfe: {  	s23 =	rddreg [dreg:$0x9];
	[sflag:s19] =	ssyncadd.s32 $0xFFFF8000  }
0xff: {  	[hbm4b:s23+s2] =	stream.linear.scatter [tilespmem:s9], [sflag:$0x3], $0x8000, $0x38;
	[tilespmem:$0x10100] =	vst v63  }
0x100: {  	_ =	swait.ge [sflag:s20], $0x8000  }
0x101: {  	[sflag:s20] =	ssyncset.done $0x0  }
0x102: {  	s23 =	rddreg [dreg:$0xa];
	[sflag:s20] =	ssyncadd.s32 $0xFFFF8000  }
0x103: {  	[tilespmem:s2], [sflag:$0x5] =	stream.linear.gather [hbm4b:s23+s2], $0x20, $0x38;
	[tilespmem:$0x10100] =	vst v63  }
0x104: {  	_ =	swait.ge [sflag:s8], $0x20  }
0x105: {  	[sflag:s8] =	ssyncset.done $0x0  }
0x106: {  	[sflag:s8] =	ssyncadd.s32 $0xFFFFFFE0  }
0x107: {  	v3 =	vld [tilespmem:$0x0];
	_ =	sdelay $0x4  }
0x108: {  	v40 =	vshll.u32 v3, $0x3  }
0x109: {  	v3 =	vand.u32 $0x7, v3;
	v4 =	vand.u32 $0xFFFFFFC0, v40  }
0x10a: {  	v3 =	vor.u32 v3, v4  }
0x10b: {  	v4 =	vperm.xlane v3, v0;
	_ =	sdelay $0x1  }
0x10c: {  	v4 =	vadd.s32 v1, v4;
	_ =	sdelay $0x4  }
0x10d: {  	[tilespmem:s9], [sflag:$0x1] =	stream.indirect_vreg.gather [hbm4b:s3+s2], $0x80, v4, vm0, $0xb8;
	[tilespmem:$0x10100] =	vst v63  }
0x10e: {  	s23 =	simm.s32 $0x900;
	v3 =	vperm.xlane v3, v2  }
0x10f: {  	[tilespmem:s23], [sflag:$0x1] =	stream.indirect_vreg.gather [hbm4b:s4+s2], $0x80, v4, vm0, $0xb8;
	[tilespmem:$0x10100] =	vst v63  }
0x110: {  	v3 =	vadd.s32 v1, v3;
	s23 =	simm.s32 $0x1100  }
0x111: {  	[tilespmem:s23], [sflag:$0x1] =	stream.indirect_vreg.gather [hbm4b:s5+s2], $0x80, v4, vm0, $0xb8;
	[tilespmem:$0x10100] =	vst v63  }
0x112: {  	_ = 	snop  }
0x113: {  	[tilespmem:s1], [sflag:$0x1] =	stream.indirect_vreg.gather [hbm4b:s6+s2], $0x80, v4, vm0, $0xb8;
	[tilespmem:$0x10100] =	vst v63  }
0x114: {  	_ = 	snop  }
0x115: {  	[tilespmem:s7], [sflag:$0x1] =	stream.indirect_vreg.gather [hbm4b:s3+s2], $0x80, v3, vm0, $0xb8;
	[tilespmem:$0x10100] =	vst v63  }
0x116: {  	_ = 	snop  }
0x117: {  	[tilespmem:s15], [sflag:$0x1] =	stream.indirect_vreg.gather [hbm4b:s4+s2], $0x80, v3, vm0, $0xb8;
	[tilespmem:$0x10100] =	vst v63  }
0x118: {  	_ = 	snop  }
0x119: {  	[tilespmem:s16], [sflag:$0x1] =	stream.indirect_vreg.gather [hbm4b:s5+s2], $0x80, v3, vm0, $0xb8;
	[tilespmem:$0x10100] =	vst v63  }
0x11a: {  	s23 =	simm.s32 $0x3900  }
0x11b: {  	[tilespmem:s23], [sflag:$0x1] =	stream.indirect_vreg.gather [hbm4b:s6+s2], $0x80, v3, vm0, $0xb8;
	[tilespmem:$0x10100] =	vst v63  }
0x11c: {  	v3 =	vld [tilespmem:$0x10];
	_ =	sdelay $0x4  }
0x11d: {  	v41 =	vshll.u32 v3, $0x3  }
0x11e: {  	v3 =	vand.u32 $0x7, v3;
	v4 =	vand.u32 $0xFFFFFFC0, v41  }
0x11f: {  	v3 =	vor.u32 v3, v4  }
0x120: {  	v4 =	vperm.xlane v3, v0;
	_ =	sdelay $0x1  }
0x121: {  	v4 =	vadd.s32 v1, v4;
	_ =	sdelay $0x3  }
0x122: {  	s23 =	simm.s32 $0x4100  }
0x123: {  	[tilespmem:s23], [sflag:$0x1] =	stream.indirect_vreg.gather [hbm4b:s3+s2], $0x80, v4, vm0, $0xb8;
	[tilespmem:$0x10100] =	vst v63  }
0x124: {  	v3 =	vperm.xlane v3, v2;
	s23 =	simm.s32 $0x4900  }
0x125: {  	[tilespmem:s23], [sflag:$0x1] =	stream.indirect_vreg.gather [hbm4b:s4+s2], $0x80, v4, vm0, $0xb8;
	[tilespmem:$0x10100] =	vst v63  }
0x126: {  	v3 =	vadd.s32 v1, v3  }
0x127: {  	[tilespmem:s17], [sflag:$0x1] =	stream.indirect_vreg.gather [hbm4b:s5+s2], $0x80, v4, vm0, $0xb8;
	[tilespmem:$0x10100] =	vst v63  }
0x128: {  	_ = 	snop  }
0x129: {  	[tilespmem:s18], [sflag:$0x1] =	stream.indirect_vreg.gather [hbm4b:s6+s2], $0x80, v4, vm0, $0xb8;
	[tilespmem:$0x10100] =	vst v63  }
0x12a: {  	_ = 	snop  }
0x12b: {  	[tilespmem:s24], [sflag:$0x1] =	stream.indirect_vreg.gather [hbm4b:s3+s2], $0x80, v3, vm0, $0xb8;
	[tilespmem:$0x10100] =	vst v63  }
0x12c: {  	_ = 	snop  }
0x12d: {  	[tilespmem:s25], [sflag:$0x1] =	stream.indirect_vreg.gather [hbm4b:s4+s2], $0x80, v3, vm0, $0xb8;
	[tilespmem:$0x10100] =	vst v63  }
0x12e: {  	_ = 	snop  }
0x12f: {  	[tilespmem:s28], [sflag:$0x1] =	stream.indirect_vreg.gather [hbm4b:s5+s2], $0x80, v3, vm0, $0xb8;
	[tilespmem:$0x10100] =	vst v63  }
0x130: {  	_ = 	snop  }
0x131: {  	[tilespmem:s29], [sflag:$0x1] =	stream.indirect_vreg.gather [hbm4b:s6+s2], $0x80, v3, vm0, $0xb8;
	[tilespmem:$0x10100] =	vst v63  }
0x132: {  	_ =	swait.ge [sflag:s21], $0x8000  }
0x133: {  	[sflag:s21] =	ssyncset.done $0x0  }
0x134: {  	s23 =	rddreg [dreg:$0xb];
	[sflag:s21] =	ssyncadd.s32 $0xFFFF8000  }
0x135: {  	[hbm4b:s23+s2] =	stream.linear.scatter [tilespmem:s26], [sflag:$0x4], $0x8000, $0x38;
	[tilespmem:$0x10100] =	vst v63  }
0x136: {  	_ =	swait.ge [sflag:s22], $0x8000  }
0x137: {  	[sflag:s22] =	ssyncset.done $0x0  }
0x138: {  	s23 =	rddreg [dreg:$0xc];
	[sflag:s22] =	ssyncadd.s32 $0xFFFF8000  }
0x139: {  	[tilespmem:s0], [sflag:$0x5] =	stream.linear.gather [hbm4b:s23+s2], $0x20, $0x38;
	[tilespmem:$0x10100] =	vst v63  }
0x13a: {  	_ =	swait.ge [sflag:s8], $0x20  }
0x13b: {  	[sflag:s8] =	ssyncset.done $0x0  }
0x13c: {  	[sflag:s8] =	ssyncadd.s32 $0xFFFFFFE0  }
0x13d: {  	v3 =	vld [tilespmem:$0x80];
	_ =	sdelay $0x4  }
0x13e: {  	v42 =	vshll.u32 v3, $0x3  }
0x13f: {  	v3 =	vand.u32 $0x7, v3;
	v4 =	vand.u32 $0xFFFFFFC0, v42  }
0x140: {  	v3 =	vor.u32 v3, v4  }
0x141: {  	v4 =	vperm.xlane v3, v0;
	_ =	sdelay $0x1  }
0x142: {  	v4 =	vadd.s32 v1, v4;
	_ =	sdelay $0x4  }
0x143: {  	[tilespmem:s26], [sflag:$0x2] =	stream.indirect_vreg.gather [hbm4b:s3+s2], $0x80, v4, vm0, $0xb8;
	[tilespmem:$0x10100] =	vst v63  }
0x144: {  	s23 =	simm.s32 $0x8900;
	v3 =	vperm.xlane v3, v2  }
0x145: {  	[tilespmem:s23], [sflag:$0x2] =	stream.indirect_vreg.gather [hbm4b:s4+s2], $0x80, v4, vm0, $0xb8;
	[tilespmem:$0x10100] =	vst v63  }
0x146: {  	s13 =	simm.s32 $0x9100;
	v3 =	vadd.s32 v1, v3  }
0x147: {  	[tilespmem:s13], [sflag:$0x2] =	stream.indirect_vreg.gather [hbm4b:s5+s2], $0x80, v4, vm0, $0xb8;
	[tilespmem:$0x10100] =	vst v63  }
0x148: {  	s31 =	simm.s32 $0x9900  }
0x149: {  	[tilespmem:s31], [sflag:$0x2] =	stream.indirect_vreg.gather [hbm4b:s6+s2], $0x80, v4, vm0, $0xb8;
	[tilespmem:$0x10100] =	vst v63  }
0x14a: {  	s23 =	simm.s32 $0xA100  }
0x14b: {  	[tilespmem:s23], [sflag:$0x2] =	stream.indirect_vreg.gather [hbm4b:s3+s2], $0x80, v3, vm0, $0xb8;
	[tilespmem:$0x10100] =	vst v63  }
0x14c: {  	s23 =	simm.s32 $0xA900  }
0x14d: {  	[tilespmem:s23], [sflag:$0x2] =	stream.indirect_vreg.gather [hbm4b:s4+s2], $0x80, v3, vm0, $0xb8;
	[tilespmem:$0x10100] =	vst v63  }
0x14e: {  	s23 =	simm.s32 $0xB100  }
0x14f: {  	[tilespmem:s23], [sflag:$0x2] =	stream.indirect_vreg.gather [hbm4b:s5+s2], $0x80, v3, vm0, $0xb8;
	[tilespmem:$0x10100] =	vst v63  }
0x150: {  	s23 =	simm.s32 $0xB900  }
0x151: {  	[tilespmem:s23], [sflag:$0x2] =	stream.indirect_vreg.gather [hbm4b:s6+s2], $0x80, v3, vm0, $0xb8;
	[tilespmem:$0x10100] =	vst v63  }
0x152: {  	v3 =	vld [tilespmem:$0x90];
	_ =	sdelay $0x4  }
0x153: {  	v43 =	vshll.u32 v3, $0x3  }
0x154: {  	v3 =	vand.u32 $0x7, v3;
	v4 =	vand.u32 $0xFFFFFFC0, v43  }
0x155: {  	v3 =	vor.u32 v3, v4  }
0x156: {  	v4 =	vperm.xlane v3, v0;
	_ =	sdelay $0x1  }
0x157: {  	v4 =	vadd.s32 v1, v4;
	_ =	sdelay $0x3  }
0x158: {  	s23 =	simm.s32 $0xC100  }
0x159: {  	[tilespmem:s23], [sflag:$0x2] =	stream.indirect_vreg.gather [hbm4b:s3+s2], $0x80, v4, vm0, $0xb8;
	[tilespmem:$0x10100] =	vst v63  }
0x15a: {  	v3 =	vperm.xlane v3, v2;
	s23 =	simm.s32 $0xC900  }
0x15b: {  	[tilespmem:s23], [sflag:$0x2] =	stream.indirect_vreg.gather [hbm4b:s4+s2], $0x80, v4, vm0, $0xb8;
	[tilespmem:$0x10100] =	vst v63  }
0x15c: {  	s14 =	simm.s32 $0xD100;
	v3 =	vadd.s32 v1, v3  }
0x15d: {  	[tilespmem:s14], [sflag:$0x2] =	stream.indirect_vreg.gather [hbm4b:s5+s2], $0x80, v4, vm0, $0xb8;
	[tilespmem:$0x10100] =	vst v63  }
0x15e: {  	s10 =	simm.s32 $0xD900  }
0x15f: {  	[tilespmem:s10], [sflag:$0x2] =	stream.indirect_vreg.gather [hbm4b:s6+s2], $0x80, v4, vm0, $0xb8;
	[tilespmem:$0x10100] =	vst v63  }
0x160: {  	s12 =	simm.s32 $0xE100  }
0x161: {  	[tilespmem:s12], [sflag:$0x2] =	stream.indirect_vreg.gather [hbm4b:s3+s2], $0x80, v3, vm0, $0xb8;
	[tilespmem:$0x10100] =	vst v63  }
0x162: {  	s23 =	simm.s32 $0xE900  }
0x163: {  	[tilespmem:s23], [sflag:$0x2] =	stream.indirect_vreg.gather [hbm4b:s4+s2], $0x80, v3, vm0, $0xb8;
	[tilespmem:$0x10100] =	vst v63  }
0x164: {  	s23 =	simm.s32 $0xF100  }
0x165: {  	[tilespmem:s23], [sflag:$0x2] =	stream.indirect_vreg.gather [hbm4b:s5+s2], $0x80, v3, vm0, $0xb8;
	[tilespmem:$0x10100] =	vst v63  }
0x166: {  	s11 =	simm.s32 $0xF900  }
0x167: {  	[tilespmem:s11], [sflag:$0x2] =	stream.indirect_vreg.gather [hbm4b:s6+s2], $0x80, v3, vm0, $0xb8;
	[tilespmem:$0x10100] =	vst v63  }
0x168: {  	_ =	swait.ge [sflag:s19], $0x8000  }
0x169: {  	[sflag:s19] =	ssyncset.done $0x0  }
0x16a: {  	s23 =	rddreg [dreg:$0xd];
	[sflag:s19] =	ssyncadd.s32 $0xFFFF8000  }
0x16b: {  	[hbm4b:s23+s2] =	stream.linear.scatter [tilespmem:s9], [sflag:$0x3], $0x8000, $0x38;
	[tilespmem:$0x10100] =	vst v63  }
0x16c: {  	_ =	swait.ge [sflag:s20], $0x8000  }
0x16d: {  	[sflag:s20] =	ssyncset.done $0x0  }
0x16e: {  	s23 =	rddreg [dreg:$0xe];
	[sflag:s20] =	ssyncadd.s32 $0xFFFF8000  }
0x16f: {  	[tilespmem:s2], [sflag:$0x5] =	stream.linear.gather [hbm4b:s23+s2], $0x20, $0x38;
	[tilespmem:$0x10100] =	vst v63  }
0x170: {  	_ =	swait.ge [sflag:s8], $0x20  }
0x171: {  	[sflag:s8] =	ssyncset.done $0x0  }
0x172: {  	[sflag:s8] =	ssyncadd.s32 $0xFFFFFFE0  }
0x173: {  	v3 =	vld [tilespmem:$0x0];
	_ =	sdelay $0x4  }
0x174: {  	v44 =	vshll.u32 v3, $0x3  }
0x175: {  	v3 =	vand.u32 $0x7, v3;
	v4 =	vand.u32 $0xFFFFFFC0, v44  }
0x176: {  	v3 =	vor.u32 v3, v4  }
0x177: {  	v4 =	vperm.xlane v3, v0;
	_ =	sdelay $0x1  }
0x178: {  	v4 =	vadd.s32 v1, v4;
	_ =	sdelay $0x4  }
0x179: {  	[tilespmem:s9], [sflag:$0x1] =	stream.indirect_vreg.gather [hbm4b:s3+s2], $0x80, v4, vm0, $0xb8;
	[tilespmem:$0x10100] =	vst v63  }
0x17a: {  	s23 =	simm.s32 $0x900;
	v3 =	vperm.xlane v3, v2  }
0x17b: {  	[tilespmem:s23], [sflag:$0x1] =	stream.indirect_vreg.gather [hbm4b:s4+s2], $0x80, v4, vm0, $0xb8;
	[tilespmem:$0x10100] =	vst v63  }
0x17c: {  	v3 =	vadd.s32 v1, v3;
	s23 =	simm.s32 $0x1100  }
0x17d: {  	[tilespmem:s23], [sflag:$0x1] =	stream.indirect_vreg.gather [hbm4b:s5+s2], $0x80, v4, vm0, $0xb8;
	[tilespmem:$0x10100] =	vst v63  }
0x17e: {  	s1 =	simm.s32 $0x1900  }
0x17f: {  	[tilespmem:s1], [sflag:$0x1] =	stream.indirect_vreg.gather [hbm4b:s6+s2], $0x80, v4, vm0, $0xb8;
	[tilespmem:$0x10100] =	vst v63  }
0x180: {  	s7 =	simm.s32 $0x2100  }
0x181: {  	[tilespmem:s7], [sflag:$0x1] =	stream.indirect_vreg.gather [hbm4b:s3+s2], $0x80, v3, vm0, $0xb8;
	[tilespmem:$0x10100] =	vst v63  }
0x182: {  	s15 =	simm.s32 $0x2900  }
0x183: {  	[tilespmem:s15], [sflag:$0x1] =	stream.indirect_vreg.gather [hbm4b:s4+s2], $0x80, v3, vm0, $0xb8;
	[tilespmem:$0x10100] =	vst v63  }
0x184: {  	s16 =	simm.s32 $0x3100  }
0x185: {  	[tilespmem:s16], [sflag:$0x1] =	stream.indirect_vreg.gather [hbm4b:s5+s2], $0x80, v3, vm0, $0xb8;
	[tilespmem:$0x10100] =	vst v63  }
0x186: {  	s23 =	simm.s32 $0x3900  }
0x187: {  	[tilespmem:s23], [sflag:$0x1] =	stream.indirect_vreg.gather [hbm4b:s6+s2], $0x80, v3, vm0, $0xb8;
	[tilespmem:$0x10100] =	vst v63  }
0x188: {  	v3 =	vld [tilespmem:$0x10];
	_ =	sdelay $0x4  }
0x189: {  	v45 =	vshll.u32 v3, $0x3  }
0x18a: {  	v3 =	vand.u32 $0x7, v3;
	v4 =	vand.u32 $0xFFFFFFC0, v45  }
0x18b: {  	v3 =	vor.u32 v3, v4  }
0x18c: {  	v4 =	vperm.xlane v3, v0;
	_ =	sdelay $0x1  }
0x18d: {  	v4 =	vadd.s32 v1, v4;
	_ =	sdelay $0x3  }
0x18e: {  	s23 =	simm.s32 $0x4100  }
0x18f: {  	[tilespmem:s23], [sflag:$0x1] =	stream.indirect_vreg.gather [hbm4b:s3+s2], $0x80, v4, vm0, $0xb8;
	[tilespmem:$0x10100] =	vst v63  }
0x190: {  	v3 =	vperm.xlane v3, v2;
	s23 =	simm.s32 $0x4900  }
0x191: {  	[tilespmem:s23], [sflag:$0x1] =	stream.indirect_vreg.gather [hbm4b:s4+s2], $0x80, v4, vm0, $0xb8;
	[tilespmem:$0x10100] =	vst v63  }
0x192: {  	s17 =	simm.s32 $0x5100;
	v3 =	vadd.s32 v1, v3  }
0x193: {  	[tilespmem:s17], [sflag:$0x1] =	stream.indirect_vreg.gather [hbm4b:s5+s2], $0x80, v4, vm0, $0xb8;
	[tilespmem:$0x10100] =	vst v63  }
0x194: {  	s18 =	simm.s32 $0x5900  }
0x195: {  	[tilespmem:s18], [sflag:$0x1] =	stream.indirect_vreg.gather [hbm4b:s6+s2], $0x80, v4, vm0, $0xb8;
	[tilespmem:$0x10100] =	vst v63  }
0x196: {  	s24 =	simm.s32 $0x6100  }
0x197: {  	[tilespmem:s24], [sflag:$0x1] =	stream.indirect_vreg.gather [hbm4b:s3+s2], $0x80, v3, vm0, $0xb8;
	[tilespmem:$0x10100] =	vst v63  }
0x198: {  	s25 =	simm.s32 $0x6900  }
0x199: {  	[tilespmem:s25], [sflag:$0x1] =	stream.indirect_vreg.gather [hbm4b:s4+s2], $0x80, v3, vm0, $0xb8;
	[tilespmem:$0x10100] =	vst v63  }
0x19a: {  	s28 =	simm.s32 $0x7100  }
0x19b: {  	[tilespmem:s28], [sflag:$0x1] =	stream.indirect_vreg.gather [hbm4b:s5+s2], $0x80, v3, vm0, $0xb8;
	[tilespmem:$0x10100] =	vst v63  }
0x19c: {  	s29 =	simm.s32 $0x7900  }
0x19d: {  	[tilespmem:s29], [sflag:$0x1] =	stream.indirect_vreg.gather [hbm4b:s6+s2], $0x80, v3, vm0, $0xb8;
	[tilespmem:$0x10100] =	vst v63  }
0x19e: {  	_ =	swait.ge [sflag:s21], $0x8000  }
0x19f: {  	[sflag:s21] =	ssyncset.done $0x0  }
0x1a0: {  	s15 =	rddreg [dreg:$0xf];
	[sflag:s21] =	ssyncadd.s32 $0xFFFF8000  }
0x1a1: {  	[hbm4b:s15+s2] =	stream.linear.scatter [tilespmem:s26], [sflag:$0x4], $0x8000, $0x38;
	[tilespmem:$0x10100] =	vst v63  }
0x1a2: {  	_ =	swait.ge [sflag:s22], $0x8000  }
0x1a3: {  	[sflag:s22] =	ssyncset.done $0x0  }
0x1a4: {  	s0 =	simm.s32 $0x80;
	s15 =	rddreg [dreg:$0x10];
	[sflag:s22] =	ssyncadd.s32 $0xFFFF8000  }
0x1a5: {  	[tilespmem:s0], [sflag:$0x5] =	stream.linear.gather [hbm4b:s15+s2], $0x20, $0x38;
	[tilespmem:$0x10100] =	vst v63  }
0x1a6: {  	_ =	swait.ge [sflag:s8], $0x20  }
0x1a7: {  	[sflag:s8] =	ssyncset.done $0x0  }
0x1a8: {  	[sflag:s8] =	ssyncadd.s32 $0xFFFFFFE0  }
0x1a9: {  	v3 =	vld [tilespmem:$0x80];
	_ =	sdelay $0x4  }
0x1aa: {  	v46 =	vshll.u32 v3, $0x3  }
0x1ab: {  	v3 =	vand.u32 $0x7, v3;
	v4 =	vand.u32 $0xFFFFFFC0, v46  }
0x1ac: {  	v3 =	vor.u32 v3, v4  }
0x1ad: {  	v4 =	vperm.xlane v3, v0;
	_ =	sdelay $0x1  }
0x1ae: {  	v4 =	vadd.s32 v1, v4;
	_ =	sdelay $0x4  }
0x1af: {  	[tilespmem:s26], [sflag:$0x2] =	stream.indirect_vreg.gather [hbm4b:s3+s2], $0x80, v4, vm0, $0xb8;
	[tilespmem:$0x10100] =	vst v63  }
0x1b0: {  	s23 =	simm.s32 $0x8900;
	v3 =	vperm.xlane v3, v2  }
0x1b1: {  	[tilespmem:s23], [sflag:$0x2] =	stream.indirect_vreg.gather [hbm4b:s4+s2], $0x80, v4, vm0, $0xb8;
	[tilespmem:$0x10100] =	vst v63  }
0x1b2: {  	s13 =	simm.s32 $0x9100;
	v3 =	vadd.s32 v1, v3  }
0x1b3: {  	[tilespmem:s13], [sflag:$0x2] =	stream.indirect_vreg.gather [hbm4b:s5+s2], $0x80, v4, vm0, $0xb8;
	[tilespmem:$0x10100] =	vst v63  }
0x1b4: {  	s31 =	simm.s32 $0x9900  }
0x1b5: {  	[tilespmem:s31], [sflag:$0x2] =	stream.indirect_vreg.gather [hbm4b:s6+s2], $0x80, v4, vm0, $0xb8;
	[tilespmem:$0x10100] =	vst v63  }
0x1b6: {  	s31 =	simm.s32 $0xA100  }
0x1b7: {  	[tilespmem:s31], [sflag:$0x2] =	stream.indirect_vreg.gather [hbm4b:s3+s2], $0x80, v3, vm0, $0xb8;
	[tilespmem:$0x10100] =	vst v63  }
0x1b8: {  	s23 =	simm.s32 $0xA900  }
0x1b9: {  	[tilespmem:s23], [sflag:$0x2] =	stream.indirect_vreg.gather [hbm4b:s4+s2], $0x80, v3, vm0, $0xb8;
	[tilespmem:$0x10100] =	vst v63  }
0x1ba: {  	s23 =	simm.s32 $0xB100  }
0x1bb: {  	[tilespmem:s23], [sflag:$0x2] =	stream.indirect_vreg.gather [hbm4b:s5+s2], $0x80, v3, vm0, $0xb8;
	[tilespmem:$0x10100] =	vst v63  }
0x1bc: {  	s23 =	simm.s32 $0xB900  }
0x1bd: {  	[tilespmem:s23], [sflag:$0x2] =	stream.indirect_vreg.gather [hbm4b:s6+s2], $0x80, v3, vm0, $0xb8;
	[tilespmem:$0x10100] =	vst v63  }
0x1be: {  	v3 =	vld [tilespmem:$0x90];
	_ =	sdelay $0x4  }
0x1bf: {  	v47 =	vshll.u32 v3, $0x3  }
0x1c0: {  	v3 =	vand.u32 $0x7, v3;
	v4 =	vand.u32 $0xFFFFFFC0, v47  }
0x1c1: {  	v3 =	vor.u32 v3, v4  }
0x1c2: {  	v4 =	vperm.xlane v3, v0;
	_ =	sdelay $0x1  }
0x1c3: {  	v4 =	vadd.s32 v1, v4;
	_ =	sdelay $0x3  }
0x1c4: {  	s23 =	simm.s32 $0xC100  }
0x1c5: {  	[tilespmem:s23], [sflag:$0x2] =	stream.indirect_vreg.gather [hbm4b:s3+s2], $0x80, v4, vm0, $0xb8;
	[tilespmem:$0x10100] =	vst v63  }
0x1c6: {  	v3 =	vperm.xlane v3, v2;
	s23 =	simm.s32 $0xC900  }
0x1c7: {  	[tilespmem:s23], [sflag:$0x2] =	stream.indirect_vreg.gather [hbm4b:s4+s2], $0x80, v4, vm0, $0xb8;
	[tilespmem:$0x10100] =	vst v63  }
0x1c8: {  	v3 =	vadd.s32 v1, v3;
	s23 =	simm.s32 $0xD100  }
0x1c9: {  	[tilespmem:s23], [sflag:$0x2] =	stream.indirect_vreg.gather [hbm4b:s5+s2], $0x80, v4, vm0, $0xb8;
	[tilespmem:$0x10100] =	vst v63  }
0x1ca: {  	s14 =	simm.s32 $0xD900  }
0x1cb: {  	[tilespmem:s14], [sflag:$0x2] =	stream.indirect_vreg.gather [hbm4b:s6+s2], $0x80, v4, vm0, $0xb8;
	[tilespmem:$0x10100] =	vst v63  }
0x1cc: {  	s10 =	simm.s32 $0xE100  }
0x1cd: {  	[tilespmem:s10], [sflag:$0x2] =	stream.indirect_vreg.gather [hbm4b:s3+s2], $0x80, v3, vm0, $0xb8;
	[tilespmem:$0x10100] =	vst v63  }
0x1ce: {  	s12 =	simm.s32 $0xE900  }
0x1cf: {  	[tilespmem:s12], [sflag:$0x2] =	stream.indirect_vreg.gather [hbm4b:s4+s2], $0x80, v3, vm0, $0xb8;
	[tilespmem:$0x10100] =	vst v63  }
0x1d0: {  	s23 =	simm.s32 $0xF100  }
0x1d1: {  	[tilespmem:s23], [sflag:$0x2] =	stream.indirect_vreg.gather [hbm4b:s5+s2], $0x80, v3, vm0, $0xb8;
	[tilespmem:$0x10100] =	vst v63  }
0x1d2: {  	s11 =	simm.s32 $0xF900  }
0x1d3: {  	[tilespmem:s11], [sflag:$0x2] =	stream.indirect_vreg.gather [hbm4b:s6+s2], $0x80, v3, vm0, $0xb8;
	[tilespmem:$0x10100] =	vst v63  }
0x1d4: {  	_ =	swait.ge [sflag:s19], $0x8000  }
0x1d5: {  	[sflag:s19] =	ssyncset.done $0x0  }
0x1d6: {  	s23 =	rddreg [dreg:$0x11];
	[sflag:s19] =	ssyncadd.s32 $0xFFFF8000  }
0x1d7: {  	[hbm4b:s23+s2] =	stream.linear.scatter [tilespmem:s9], [sflag:$0x3], $0x8000, $0x38;
	[tilespmem:$0x10100] =	vst v63  }
0x1d8: {  	_ =	swait.ge [sflag:s20], $0x8000  }
0x1d9: {  	[sflag:s20] =	ssyncset.done $0x0  }
0x1da: {  	s23 =	rddreg [dreg:$0x12];
	[sflag:s20] =	ssyncadd.s32 $0xFFFF8000  }
0x1db: {  	[tilespmem:s2], [sflag:$0x5] =	stream.linear.gather [hbm4b:s23+s2], $0x20, $0x38;
	[tilespmem:$0x10100] =	vst v63  }
0x1dc: {  	_ =	swait.ge [sflag:s8], $0x20  }
0x1dd: {  	[sflag:s8] =	ssyncset.done $0x0  }
0x1de: {  	[sflag:s8] =	ssyncadd.s32 $0xFFFFFFE0  }
0x1df: {  	v3 =	vld [tilespmem:$0x0];
	_ =	sdelay $0x4  }
0x1e0: {  	v48 =	vshll.u32 v3, $0x3  }
0x1e1: {  	v3 =	vand.u32 $0x7, v3;
	v4 =	vand.u32 $0xFFFFFFC0, v48  }
0x1e2: {  	v3 =	vor.u32 v3, v4  }
0x1e3: {  	v4 =	vperm.xlane v3, v0;
	_ =	sdelay $0x1  }
0x1e4: {  	v4 =	vadd.s32 v1, v4;
	_ =	sdelay $0x4  }
0x1e5: {  	[tilespmem:s9], [sflag:$0x1] =	stream.indirect_vreg.gather [hbm4b:s3+s2], $0x80, v4, vm0, $0xb8;
	[tilespmem:$0x10100] =	vst v63  }
0x1e6: {  	s23 =	simm.s32 $0x900;
	v3 =	vperm.xlane v3, v2  }
0x1e7: {  	[tilespmem:s23], [sflag:$0x1] =	stream.indirect_vreg.gather [hbm4b:s4+s2], $0x80, v4, vm0, $0xb8;
	[tilespmem:$0x10100] =	vst v63  }
0x1e8: {  	v3 =	vadd.s32 v1, v3;
	s23 =	simm.s32 $0x1100  }
0x1e9: {  	[tilespmem:s23], [sflag:$0x1] =	stream.indirect_vreg.gather [hbm4b:s5+s2], $0x80, v4, vm0, $0xb8;
	[tilespmem:$0x10100] =	vst v63  }
0x1ea: {  	s23 =	simm.s32 $0x1900  }
0x1eb: {  	[tilespmem:s23], [sflag:$0x1] =	stream.indirect_vreg.gather [hbm4b:s6+s2], $0x80, v4, vm0, $0xb8;
	[tilespmem:$0x10100] =	vst v63  }
0x1ec: {  	s7 =	simm.s32 $0x2100  }
0x1ed: {  	[tilespmem:s7], [sflag:$0x1] =	stream.indirect_vreg.gather [hbm4b:s3+s2], $0x80, v3, vm0, $0xb8;
	[tilespmem:$0x10100] =	vst v63  }
0x1ee: {  	s1 =	simm.s32 $0x2900  }
0x1ef: {  	[tilespmem:s1], [sflag:$0x1] =	stream.indirect_vreg.gather [hbm4b:s4+s2], $0x80, v3, vm0, $0xb8;
	[tilespmem:$0x10100] =	vst v63  }
0x1f0: {  	s16 =	simm.s32 $0x3100  }
0x1f1: {  	[tilespmem:s16], [sflag:$0x1] =	stream.indirect_vreg.gather [hbm4b:s5+s2], $0x80, v3, vm0, $0xb8;
	[tilespmem:$0x10100] =	vst v63  }
0x1f2: {  	s23 =	simm.s32 $0x3900  }
0x1f3: {  	[tilespmem:s23], [sflag:$0x1] =	stream.indirect_vreg.gather [hbm4b:s6+s2], $0x80, v3, vm0, $0xb8;
	[tilespmem:$0x10100] =	vst v63  }
0x1f4: {  	v3 =	vld [tilespmem:$0x10];
	_ =	sdelay $0x4  }
0x1f5: {  	v49 =	vshll.u32 v3, $0x3  }
0x1f6: {  	v3 =	vand.u32 $0x7, v3;
	v4 =	vand.u32 $0xFFFFFFC0, v49  }
0x1f7: {  	v3 =	vor.u32 v3, v4  }
0x1f8: {  	v4 =	vperm.xlane v3, v0;
	_ =	sdelay $0x1  }
0x1f9: {  	v4 =	vadd.s32 v1, v4;
	_ =	sdelay $0x3  }
0x1fa: {  	s23 =	simm.s32 $0x4100  }
0x1fb: {  	[tilespmem:s23], [sflag:$0x1] =	stream.indirect_vreg.gather [hbm4b:s3+s2], $0x80, v4, vm0, $0xb8;
	[tilespmem:$0x10100] =	vst v63  }
0x1fc: {  	v3 =	vperm.xlane v3, v2;
	s23 =	simm.s32 $0x4900  }
0x1fd: {  	[tilespmem:s23], [sflag:$0x1] =	stream.indirect_vreg.gather [hbm4b:s4+s2], $0x80, v4, vm0, $0xb8;
	[tilespmem:$0x10100] =	vst v63  }
0x1fe: {  	s17 =	simm.s32 $0x5100;
	v3 =	vadd.s32 v1, v3  }
0x1ff: {  	[tilespmem:s17], [sflag:$0x1] =	stream.indirect_vreg.gather [hbm4b:s5+s2], $0x80, v4, vm0, $0xb8;
	[tilespmem:$0x10100] =	vst v63  }
0x200: {  	s18 =	simm.s32 $0x5900  }
0x201: {  	[tilespmem:s18], [sflag:$0x1] =	stream.indirect_vreg.gather [hbm4b:s6+s2], $0x80, v4, vm0, $0xb8;
	[tilespmem:$0x10100] =	vst v63  }
0x202: {  	s24 =	simm.s32 $0x6100  }
0x203: {  	[tilespmem:s24], [sflag:$0x1] =	stream.indirect_vreg.gather [hbm4b:s3+s2], $0x80, v3, vm0, $0xb8;
	[tilespmem:$0x10100] =	vst v63  }
0x204: {  	s25 =	simm.s32 $0x6900  }
0x205: {  	[tilespmem:s25], [sflag:$0x1] =	stream.indirect_vreg.gather [hbm4b:s4+s2], $0x80, v3, vm0, $0xb8;
	[tilespmem:$0x10100] =	vst v63  }
0x206: {  	s28 =	simm.s32 $0x7100  }
0x207: {  	[tilespmem:s28], [sflag:$0x1] =	stream.indirect_vreg.gather [hbm4b:s5+s2], $0x80, v3, vm0, $0xb8;
	[tilespmem:$0x10100] =	vst v63  }
0x208: {  	s29 =	simm.s32 $0x7900  }
0x209: {  	[tilespmem:s29], [sflag:$0x1] =	stream.indirect_vreg.gather [hbm4b:s6+s2], $0x80, v3, vm0, $0xb8;
	[tilespmem:$0x10100] =	vst v63  }
0x20a: {  	_ =	swait.ge [sflag:s21], $0x8000  }
0x20b: {  	[sflag:s21] =	ssyncset.done $0x0  }
0x20c: {  	s1 =	rddreg [dreg:$0x13];
	[sflag:s21] =	ssyncadd.s32 $0xFFFF8000  }
0x20d: {  	[hbm4b:s1+s2] =	stream.linear.scatter [tilespmem:s26], [sflag:$0x4], $0x8000, $0x38;
	[tilespmem:$0x10100] =	vst v63  }
0x20e: {  	_ =	swait.ge [sflag:s22], $0x8000  }
0x20f: {  	[sflag:s22] =	ssyncset.done $0x0  }
0x210: {  	s0 =	simm.s32 $0x80;
	s1 =	rddreg [dreg:$0x14];
	[sflag:s22] =	ssyncadd.s32 $0xFFFF8000  }
0x211: {  	[tilespmem:s0], [sflag:$0x5] =	stream.linear.gather [hbm4b:s1+s2], $0x20, $0x38;
	[tilespmem:$0x10100] =	vst v63  }
0x212: {  	_ =	swait.ge [sflag:s8], $0x20  }
0x213: {  	[sflag:s8] =	ssyncset.done $0x0  }
0x214: {  	[sflag:s8] =	ssyncadd.s32 $0xFFFFFFE0  }
0x215: {  	v3 =	vld [tilespmem:$0x80];
	_ =	sdelay $0x4  }
0x216: {  	v50 =	vshll.u32 v3, $0x3  }
0x217: {  	v3 =	vand.u32 $0x7, v3;
	v4 =	vand.u32 $0xFFFFFFC0, v50  }
0x218: {  	v3 =	vor.u32 v3, v4  }
0x219: {  	v4 =	vperm.xlane v3, v0;
	_ =	sdelay $0x1  }
0x21a: {  	v4 =	vadd.s32 v1, v4;
	_ =	sdelay $0x4  }
0x21b: {  	[tilespmem:s26], [sflag:$0x2] =	stream.indirect_vreg.gather [hbm4b:s3+s2], $0x80, v4, vm0, $0xb8;
	[tilespmem:$0x10100] =	vst v63  }
0x21c: {  	s23 =	simm.s32 $0x8900;
	v3 =	vperm.xlane v3, v2  }
0x21d: {  	[tilespmem:s23], [sflag:$0x2] =	stream.indirect_vreg.gather [hbm4b:s4+s2], $0x80, v4, vm0, $0xb8;
	[tilespmem:$0x10100] =	vst v63  }
0x21e: {  	s13 =	simm.s32 $0x9100;
	v3 =	vadd.s32 v1, v3  }
0x21f: {  	[tilespmem:s13], [sflag:$0x2] =	stream.indirect_vreg.gather [hbm4b:s5+s2], $0x80, v4, vm0, $0xb8;
	[tilespmem:$0x10100] =	vst v63  }
0x220: {  	s15 =	simm.s32 $0x9900  }
0x221: {  	[tilespmem:s15], [sflag:$0x2] =	stream.indirect_vreg.gather [hbm4b:s6+s2], $0x80, v4, vm0, $0xb8;
	[tilespmem:$0x10100] =	vst v63  }
0x222: {  	s31 =	simm.s32 $0xA100  }
0x223: {  	[tilespmem:s31], [sflag:$0x2] =	stream.indirect_vreg.gather [hbm4b:s3+s2], $0x80, v3, vm0, $0xb8;
	[tilespmem:$0x10100] =	vst v63  }
0x224: {  	s31 =	simm.s32 $0xA900  }
0x225: {  	[tilespmem:s31], [sflag:$0x2] =	stream.indirect_vreg.gather [hbm4b:s4+s2], $0x80, v3, vm0, $0xb8;
	[tilespmem:$0x10100] =	vst v63  }
0x226: {  	s23 =	simm.s32 $0xB100  }
0x227: {  	[tilespmem:s23], [sflag:$0x2] =	stream.indirect_vreg.gather [hbm4b:s5+s2], $0x80, v3, vm0, $0xb8;
	[tilespmem:$0x10100] =	vst v63  }
0x228: {  	s23 =	simm.s32 $0xB900  }
0x229: {  	[tilespmem:s23], [sflag:$0x2] =	stream.indirect_vreg.gather [hbm4b:s6+s2], $0x80, v3, vm0, $0xb8;
	[tilespmem:$0x10100] =	vst v63  }
0x22a: {  	v3 =	vld [tilespmem:$0x90];
	_ =	sdelay $0x4  }
0x22b: {  	v51 =	vshll.u32 v3, $0x3  }
0x22c: {  	v3 =	vand.u32 $0x7, v3;
	v4 =	vand.u32 $0xFFFFFFC0, v51  }
0x22d: {  	v3 =	vor.u32 v3, v4  }
0x22e: {  	v4 =	vperm.xlane v3, v0;
	_ =	sdelay $0x1  }
0x22f: {  	v4 =	vadd.s32 v1, v4;
	_ =	sdelay $0x3  }
0x230: {  	s23 =	simm.s32 $0xC100  }
0x231: {  	[tilespmem:s23], [sflag:$0x2] =	stream.indirect_vreg.gather [hbm4b:s3+s2], $0x80, v4, vm0, $0xb8;
	[tilespmem:$0x10100] =	vst v63  }
0x232: {  	v3 =	vperm.xlane v3, v2;
	s23 =	simm.s32 $0xC900  }
0x233: {  	[tilespmem:s23], [sflag:$0x2] =	stream.indirect_vreg.gather [hbm4b:s4+s2], $0x80, v4, vm0, $0xb8;
	[tilespmem:$0x10100] =	vst v63  }
0x234: {  	v3 =	vadd.s32 v1, v3;
	s23 =	simm.s32 $0xD100  }
0x235: {  	[tilespmem:s23], [sflag:$0x2] =	stream.indirect_vreg.gather [hbm4b:s5+s2], $0x80, v4, vm0, $0xb8;
	[tilespmem:$0x10100] =	vst v63  }
0x236: {  	s14 =	simm.s32 $0xD900  }
0x237: {  	[tilespmem:s14], [sflag:$0x2] =	stream.indirect_vreg.gather [hbm4b:s6+s2], $0x80, v4, vm0, $0xb8;
	[tilespmem:$0x10100] =	vst v63  }
0x238: {  	s10 =	simm.s32 $0xE100  }
0x239: {  	[tilespmem:s10], [sflag:$0x2] =	stream.indirect_vreg.gather [hbm4b:s3+s2], $0x80, v3, vm0, $0xb8;
	[tilespmem:$0x10100] =	vst v63  }
0x23a: {  	s12 =	simm.s32 $0xE900  }
0x23b: {  	[tilespmem:s12], [sflag:$0x2] =	stream.indirect_vreg.gather [hbm4b:s4+s2], $0x80, v3, vm0, $0xb8;
	[tilespmem:$0x10100] =	vst v63  }
0x23c: {  	s23 =	simm.s32 $0xF100  }
0x23d: {  	[tilespmem:s23], [sflag:$0x2] =	stream.indirect_vreg.gather [hbm4b:s5+s2], $0x80, v3, vm0, $0xb8;
	[tilespmem:$0x10100] =	vst v63  }
0x23e: {  	s11 =	simm.s32 $0xF900  }
0x23f: {  	[tilespmem:s11], [sflag:$0x2] =	stream.indirect_vreg.gather [hbm4b:s6+s2], $0x80, v3, vm0, $0xb8;
	[tilespmem:$0x10100] =	vst v63  }
0x240: {  	_ =	swait.ge [sflag:s19], $0x8000  }
0x241: {  	[sflag:s19] =	ssyncset.done $0x0  }
0x242: {  	s23 =	rddreg [dreg:$0x15];
	[sflag:s19] =	ssyncadd.s32 $0xFFFF8000  }
0x243: {  	[hbm4b:s23+s2] =	stream.linear.scatter [tilespmem:s9], [sflag:$0x3], $0x8000, $0x38;
	[tilespmem:$0x10100] =	vst v63  }
0x244: {  	_ =	swait.ge [sflag:s20], $0x8000  }
0x245: {  	[sflag:s20] =	ssyncset.done $0x0  }
0x246: {  	s23 =	rddreg [dreg:$0x16];
	[sflag:s20] =	ssyncadd.s32 $0xFFFF8000  }
0x247: {  	[tilespmem:s2], [sflag:$0x5] =	stream.linear.gather [hbm4b:s23+s2], $0x20, $0x38;
	[tilespmem:$0x10100] =	vst v63  }
0x248: {  	_ =	swait.ge [sflag:s8], $0x20  }
0x249: {  	[sflag:s8] =	ssyncset.done $0x0  }
0x24a: {  	[sflag:s8] =	ssyncadd.s32 $0xFFFFFFE0  }
0x24b: {  	v3 =	vld [tilespmem:$0x0];
	_ =	sdelay $0x4  }
0x24c: {  	v52 =	vshll.u32 v3, $0x3  }
0x24d: {  	v3 =	vand.u32 $0x7, v3;
	v4 =	vand.u32 $0xFFFFFFC0, v52  }
0x24e: {  	v3 =	vor.u32 v3, v4  }
0x24f: {  	v4 =	vperm.xlane v3, v0;
	_ =	sdelay $0x1  }
0x250: {  	v4 =	vadd.s32 v1, v4;
	_ =	sdelay $0x4  }
0x251: {  	[tilespmem:s9], [sflag:$0x1] =	stream.indirect_vreg.gather [hbm4b:s3+s2], $0x80, v4, vm0, $0xb8;
	[tilespmem:$0x10100] =	vst v63  }
0x252: {  	s23 =	simm.s32 $0x900;
	v3 =	vperm.xlane v3, v2  }
0x253: {  	[tilespmem:s23], [sflag:$0x1] =	stream.indirect_vreg.gather [hbm4b:s4+s2], $0x80, v4, vm0, $0xb8;
	[tilespmem:$0x10100] =	vst v63  }
0x254: {  	v3 =	vadd.s32 v1, v3;
	s23 =	simm.s32 $0x1100  }
0x255: {  	[tilespmem:s23], [sflag:$0x1] =	stream.indirect_vreg.gather [hbm4b:s5+s2], $0x80, v4, vm0, $0xb8;
	[tilespmem:$0x10100] =	vst v63  }
0x256: {  	s23 =	simm.s32 $0x1900  }
0x257: {  	[tilespmem:s23], [sflag:$0x1] =	stream.indirect_vreg.gather [hbm4b:s6+s2], $0x80, v4, vm0, $0xb8;
	[tilespmem:$0x10100] =	vst v63  }
0x258: {  	s23 =	simm.s32 $0x2100  }
0x259: {  	[tilespmem:s23], [sflag:$0x1] =	stream.indirect_vreg.gather [hbm4b:s3+s2], $0x80, v3, vm0, $0xb8;
	[tilespmem:$0x10100] =	vst v63  }
0x25a: {  	s7 =	simm.s32 $0x2900  }
0x25b: {  	[tilespmem:s7], [sflag:$0x1] =	stream.indirect_vreg.gather [hbm4b:s4+s2], $0x80, v3, vm0, $0xb8;
	[tilespmem:$0x10100] =	vst v63  }
0x25c: {  	s16 =	simm.s32 $0x3100  }
0x25d: {  	[tilespmem:s16], [sflag:$0x1] =	stream.indirect_vreg.gather [hbm4b:s5+s2], $0x80, v3, vm0, $0xb8;
	[tilespmem:$0x10100] =	vst v63  }
0x25e: {  	s23 =	simm.s32 $0x3900  }
0x25f: {  	[tilespmem:s23], [sflag:$0x1] =	stream.indirect_vreg.gather [hbm4b:s6+s2], $0x80, v3, vm0, $0xb8;
	[tilespmem:$0x10100] =	vst v63  }
0x260: {  	v3 =	vld [tilespmem:$0x10];
	_ =	sdelay $0x4  }
0x261: {  	v53 =	vshll.u32 v3, $0x3  }
0x262: {  	v3 =	vand.u32 $0x7, v3;
	v4 =	vand.u32 $0xFFFFFFC0, v53  }
0x263: {  	v3 =	vor.u32 v3, v4  }
0x264: {  	v4 =	vperm.xlane v3, v0;
	_ =	sdelay $0x1  }
0x265: {  	v4 =	vadd.s32 v1, v4;
	_ =	sdelay $0x3  }
0x266: {  	s16 =	simm.s32 $0x4100  }
0x267: {  	[tilespmem:s16], [sflag:$0x1] =	stream.indirect_vreg.gather [hbm4b:s3+s2], $0x80, v4, vm0, $0xb8;
	[tilespmem:$0x10100] =	vst v63  }
0x268: {  	s23 =	simm.s32 $0x4900;
	v3 =	vperm.xlane v3, v2  }
0x269: {  	[tilespmem:s23], [sflag:$0x1] =	stream.indirect_vreg.gather [hbm4b:s4+s2], $0x80, v4, vm0, $0xb8;
	[tilespmem:$0x10100] =	vst v63  }
0x26a: {  	s17 =	simm.s32 $0x5100;
	v3 =	vadd.s32 v1, v3  }
0x26b: {  	[tilespmem:s17], [sflag:$0x1] =	stream.indirect_vreg.gather [hbm4b:s5+s2], $0x80, v4, vm0, $0xb8;
	[tilespmem:$0x10100] =	vst v63  }
0x26c: {  	s18 =	simm.s32 $0x5900  }
0x26d: {  	[tilespmem:s18], [sflag:$0x1] =	stream.indirect_vreg.gather [hbm4b:s6+s2], $0x80, v4, vm0, $0xb8;
	[tilespmem:$0x10100] =	vst v63  }
0x26e: {  	s24 =	simm.s32 $0x6100  }
0x26f: {  	[tilespmem:s24], [sflag:$0x1] =	stream.indirect_vreg.gather [hbm4b:s3+s2], $0x80, v3, vm0, $0xb8;
	[tilespmem:$0x10100] =	vst v63  }
0x270: {  	s25 =	simm.s32 $0x6900  }
0x271: {  	[tilespmem:s25], [sflag:$0x1] =	stream.indirect_vreg.gather [hbm4b:s4+s2], $0x80, v3, vm0, $0xb8;
	[tilespmem:$0x10100] =	vst v63  }
0x272: {  	s28 =	simm.s32 $0x7100  }
0x273: {  	[tilespmem:s28], [sflag:$0x1] =	stream.indirect_vreg.gather [hbm4b:s5+s2], $0x80, v3, vm0, $0xb8;
	[tilespmem:$0x10100] =	vst v63  }
0x274: {  	s29 =	simm.s32 $0x7900  }
0x275: {  	[tilespmem:s29], [sflag:$0x1] =	stream.indirect_vreg.gather [hbm4b:s6+s2], $0x80, v3, vm0, $0xb8;
	[tilespmem:$0x10100] =	vst v63  }
0x276: {  	_ =	swait.ge [sflag:s21], $0x8000  }
0x277: {  	[sflag:s21] =	ssyncset.done $0x0  }
0x278: {  	s7 =	rddreg [dreg:$0x17];
	[sflag:s21] =	ssyncadd.s32 $0xFFFF8000  }
0x279: {  	[hbm4b:s7+s2] =	stream.linear.scatter [tilespmem:s26], [sflag:$0x4], $0x8000, $0x38;
	[tilespmem:$0x10100] =	vst v63  }
0x27a: {  	_ =	swait.ge [sflag:s22], $0x8000  }
0x27b: {  	[sflag:s22] =	ssyncset.done $0x0  }
0x27c: {  	s0 =	simm.s32 $0x80;
	s16 =	rddreg [dreg:$0x18];
	[sflag:s22] =	ssyncadd.s32 $0xFFFF8000  }
0x27d: {  	[tilespmem:s0], [sflag:$0x5] =	stream.linear.gather [hbm4b:s16+s2], $0x20, $0x38;
	[tilespmem:$0x10100] =	vst v63  }
0x27e: {  	_ =	swait.ge [sflag:s8], $0x20  }
0x27f: {  	[sflag:s8] =	ssyncset.done $0x0  }
0x280: {  	[sflag:s8] =	ssyncadd.s32 $0xFFFFFFE0  }
0x281: {  	v3 =	vld [tilespmem:$0x80];
	_ =	sdelay $0x4  }
0x282: {  	v54 =	vshll.u32 v3, $0x3  }
0x283: {  	v3 =	vand.u32 $0x7, v3;
	v4 =	vand.u32 $0xFFFFFFC0, v54  }
0x284: {  	v3 =	vor.u32 v3, v4  }
0x285: {  	v4 =	vperm.xlane v3, v0;
	_ =	sdelay $0x1  }
0x286: {  	v4 =	vadd.s32 v1, v4;
	_ =	sdelay $0x4  }
0x287: {  	[tilespmem:s26], [sflag:$0x2] =	stream.indirect_vreg.gather [hbm4b:s3+s2], $0x80, v4, vm0, $0xb8;
	[tilespmem:$0x10100] =	vst v63  }
0x288: {  	s23 =	simm.s32 $0x8900;
	v3 =	vperm.xlane v3, v2  }
0x289: {  	[tilespmem:s23], [sflag:$0x2] =	stream.indirect_vreg.gather [hbm4b:s4+s2], $0x80, v4, vm0, $0xb8;
	[tilespmem:$0x10100] =	vst v63  }
0x28a: {  	s1 =	simm.s32 $0x9100;
	v3 =	vadd.s32 v1, v3  }
0x28b: {  	[tilespmem:s1], [sflag:$0x2] =	stream.indirect_vreg.gather [hbm4b:s5+s2], $0x80, v4, vm0, $0xb8;
	[tilespmem:$0x10100] =	vst v63  }
0x28c: {  	s13 =	simm.s32 $0x9900  }
0x28d: {  	[tilespmem:s13], [sflag:$0x2] =	stream.indirect_vreg.gather [hbm4b:s6+s2], $0x80, v4, vm0, $0xb8;
	[tilespmem:$0x10100] =	vst v63  }
0x28e: {  	s15 =	simm.s32 $0xA100  }
0x28f: {  	[tilespmem:s15], [sflag:$0x2] =	stream.indirect_vreg.gather [hbm4b:s3+s2], $0x80, v3, vm0, $0xb8;
	[tilespmem:$0x10100] =	vst v63  }
0x290: {  	s31 =	simm.s32 $0xA900  }
0x291: {  	[tilespmem:s31], [sflag:$0x2] =	stream.indirect_vreg.gather [hbm4b:s4+s2], $0x80, v3, vm0, $0xb8;
	[tilespmem:$0x10100] =	vst v63  }
0x292: {  	s7 =	simm.s32 $0xB100  }
0x293: {  	[tilespmem:s7], [sflag:$0x2] =	stream.indirect_vreg.gather [hbm4b:s5+s2], $0x80, v3, vm0, $0xb8;
	[tilespmem:$0x10100] =	vst v63  }
0x294: {  	s23 =	simm.s32 $0xB900  }
0x295: {  	[tilespmem:s23], [sflag:$0x2] =	stream.indirect_vreg.gather [hbm4b:s6+s2], $0x80, v3, vm0, $0xb8;
	[tilespmem:$0x10100] =	vst v63  }
0x296: {  	v3 =	vld [tilespmem:$0x90];
	_ =	sdelay $0x4  }
0x297: {  	v55 =	vshll.u32 v3, $0x3  }
0x298: {  	v3 =	vand.u32 $0x7, v3;
	v4 =	vand.u32 $0xFFFFFFC0, v55  }
0x299: {  	v3 =	vor.u32 v3, v4  }
0x29a: {  	v4 =	vperm.xlane v3, v0;
	_ =	sdelay $0x1  }
0x29b: {  	v4 =	vadd.s32 v1, v4;
	_ =	sdelay $0x3  }
0x29c: {  	s7 =	simm.s32 $0xC100  }
0x29d: {  	[tilespmem:s7], [sflag:$0x2] =	stream.indirect_vreg.gather [hbm4b:s3+s2], $0x80, v4, vm0, $0xb8;
	[tilespmem:$0x10100] =	vst v63  }
0x29e: {  	s23 =	simm.s32 $0xC900;
	v3 =	vperm.xlane v3, v2  }
0x29f: {  	[tilespmem:s23], [sflag:$0x2] =	stream.indirect_vreg.gather [hbm4b:s4+s2], $0x80, v4, vm0, $0xb8;
	[tilespmem:$0x10100] =	vst v63  }
0x2a0: {  	v3 =	vadd.s32 v1, v3;
	s7 =	simm.s32 $0xD100  }
0x2a1: {  	[tilespmem:s7], [sflag:$0x2] =	stream.indirect_vreg.gather [hbm4b:s5+s2], $0x80, v4, vm0, $0xb8;
	[tilespmem:$0x10100] =	vst v63  }
0x2a2: {  	s14 =	simm.s32 $0xD900  }
0x2a3: {  	[tilespmem:s14], [sflag:$0x2] =	stream.indirect_vreg.gather [hbm4b:s6+s2], $0x80, v4, vm0, $0xb8;
	[tilespmem:$0x10100] =	vst v63  }
0x2a4: {  	s10 =	simm.s32 $0xE100  }
0x2a5: {  	[tilespmem:s10], [sflag:$0x2] =	stream.indirect_vreg.gather [hbm4b:s3+s2], $0x80, v3, vm0, $0xb8;
	[tilespmem:$0x10100] =	vst v63  }
0x2a6: {  	s12 =	simm.s32 $0xE900  }
0x2a7: {  	[tilespmem:s12], [sflag:$0x2] =	stream.indirect_vreg.gather [hbm4b:s4+s2], $0x80, v3, vm0, $0xb8;
	[tilespmem:$0x10100] =	vst v63  }
0x2a8: {  	s10 =	simm.s32 $0xF100  }
0x2a9: {  	[tilespmem:s10], [sflag:$0x2] =	stream.indirect_vreg.gather [hbm4b:s5+s2], $0x80, v3, vm0, $0xb8;
	[tilespmem:$0x10100] =	vst v63  }
0x2aa: {  	s11 =	simm.s32 $0xF900  }
0x2ab: {  	[tilespmem:s11], [sflag:$0x2] =	stream.indirect_vreg.gather [hbm4b:s6+s2], $0x80, v3, vm0, $0xb8;
	[tilespmem:$0x10100] =	vst v63  }
0x2ac: {  	_ =	swait.ge [sflag:s19], $0x8000  }
0x2ad: {  	[sflag:s19] =	ssyncset.done $0x0  }
0x2ae: {  	s12 =	rddreg [dreg:$0x19];
	[sflag:s19] =	ssyncadd.s32 $0xFFFF8000  }
0x2af: {  	[hbm4b:s12+s2] =	stream.linear.scatter [tilespmem:s9], [sflag:$0x3], $0x8000, $0x38;
	[tilespmem:$0x10100] =	vst v63  }
0x2b0: {  	_ =	swait.ge [sflag:s20], $0x8000  }
0x2b1: {  	[sflag:s20] =	ssyncset.done $0x0  }
0x2b2: {  	s14 =	rddreg [dreg:$0x1a];
	[sflag:s20] =	ssyncadd.s32 $0xFFFF8000  }
0x2b3: {  	[tilespmem:s2], [sflag:$0x5] =	stream.linear.gather [hbm4b:s14+s2], $0x20, $0x38;
	[tilespmem:$0x10100] =	vst v63  }
0x2b4: {  	_ =	swait.ge [sflag:s8], $0x20  }
0x2b5: {  	[sflag:s8] =	ssyncset.done $0x0  }
0x2b6: {  	[sflag:s8] =	ssyncadd.s32 $0xFFFFFFE0  }
0x2b7: {  	v3 =	vld [tilespmem:$0x0];
	_ =	sdelay $0x4  }
0x2b8: {  	v56 =	vshll.u32 v3, $0x3  }
0x2b9: {  	v3 =	vand.u32 $0x7, v3;
	v4 =	vand.u32 $0xFFFFFFC0, v56  }
0x2ba: {  	v3 =	vor.u32 v3, v4  }
0x2bb: {  	v4 =	vperm.xlane v3, v0;
	_ =	sdelay $0x1  }
0x2bc: {  	v4 =	vadd.s32 v1, v4;
	_ =	sdelay $0x4  }
0x2bd: {  	[tilespmem:s9], [sflag:$0x1] =	stream.indirect_vreg.gather [hbm4b:s3+s2], $0x80, v4, vm0, $0xb8;
	[tilespmem:$0x10100] =	vst v63  }
0x2be: {  	s23 =	simm.s32 $0x900;
	v3 =	vperm.xlane v3, v2  }
0x2bf: {  	[tilespmem:s23], [sflag:$0x1] =	stream.indirect_vreg.gather [hbm4b:s4+s2], $0x80, v4, vm0, $0xb8;
	[tilespmem:$0x10100] =	vst v63  }
0x2c0: {  	s7 =	simm.s32 $0x1100;
	v3 =	vadd.s32 v1, v3  }
0x2c1: {  	[tilespmem:s7], [sflag:$0x1] =	stream.indirect_vreg.gather [hbm4b:s5+s2], $0x80, v4, vm0, $0xb8;
	[tilespmem:$0x10100] =	vst v63  }
0x2c2: {  	s10 =	simm.s32 $0x1900  }
0x2c3: {  	[tilespmem:s10], [sflag:$0x1] =	stream.indirect_vreg.gather [hbm4b:s6+s2], $0x80, v4, vm0, $0xb8;
	[tilespmem:$0x10100] =	vst v63  }
0x2c4: {  	s11 =	simm.s32 $0x2100  }
0x2c5: {  	[tilespmem:s11], [sflag:$0x1] =	stream.indirect_vreg.gather [hbm4b:s3+s2], $0x80, v3, vm0, $0xb8;
	[tilespmem:$0x10100] =	vst v63  }
0x2c6: {  	s12 =	simm.s32 $0x2900  }
0x2c7: {  	[tilespmem:s12], [sflag:$0x1] =	stream.indirect_vreg.gather [hbm4b:s4+s2], $0x80, v3, vm0, $0xb8;
	[tilespmem:$0x10100] =	vst v63  }
0x2c8: {  	s14 =	simm.s32 $0x3100  }
0x2c9: {  	[tilespmem:s14], [sflag:$0x1] =	stream.indirect_vreg.gather [hbm4b:s5+s2], $0x80, v3, vm0, $0xb8;
	[tilespmem:$0x10100] =	vst v63  }
0x2ca: {  	s23 =	simm.s32 $0x3900  }
0x2cb: {  	[tilespmem:s23], [sflag:$0x1] =	stream.indirect_vreg.gather [hbm4b:s6+s2], $0x80, v3, vm0, $0xb8;
	[tilespmem:$0x10100] =	vst v63  }
0x2cc: {  	v3 =	vld [tilespmem:$0x10];
	_ =	sdelay $0x4  }
0x2cd: {  	v57 =	vshll.u32 v3, $0x3  }
0x2ce: {  	v3 =	vand.u32 $0x7, v3;
	v4 =	vand.u32 $0xFFFFFFC0, v57  }
0x2cf: {  	v3 =	vor.u32 v3, v4  }
0x2d0: {  	v4 =	vperm.xlane v3, v0;
	_ =	sdelay $0x1  }
0x2d1: {  	v4 =	vadd.s32 v1, v4;
	_ =	sdelay $0x3  }
0x2d2: {  	s14 =	simm.s32 $0x4100  }
0x2d3: {  	[tilespmem:s14], [sflag:$0x1] =	stream.indirect_vreg.gather [hbm4b:s3+s2], $0x80, v4, vm0, $0xb8;
	[tilespmem:$0x10100] =	vst v63  }
0x2d4: {  	s23 =	simm.s32 $0x4900;
	v3 =	vperm.xlane v3, v2  }
0x2d5: {  	[tilespmem:s23], [sflag:$0x1] =	stream.indirect_vreg.gather [hbm4b:s4+s2], $0x80, v4, vm0, $0xb8;
	[tilespmem:$0x10100] =	vst v63  }
0x2d6: {  	s17 =	simm.s32 $0x5100;
	v3 =	vadd.s32 v1, v3  }
0x2d7: {  	[tilespmem:s17], [sflag:$0x1] =	stream.indirect_vreg.gather [hbm4b:s5+s2], $0x80, v4, vm0, $0xb8;
	[tilespmem:$0x10100] =	vst v63  }
0x2d8: {  	s18 =	simm.s32 $0x5900  }
0x2d9: {  	[tilespmem:s18], [sflag:$0x1] =	stream.indirect_vreg.gather [hbm4b:s6+s2], $0x80, v4, vm0, $0xb8;
	[tilespmem:$0x10100] =	vst v63  }
0x2da: {  	s24 =	simm.s32 $0x6100  }
0x2db: {  	[tilespmem:s24], [sflag:$0x1] =	stream.indirect_vreg.gather [hbm4b:s3+s2], $0x80, v3, vm0, $0xb8;
	[tilespmem:$0x10100] =	vst v63  }
0x2dc: {  	s25 =	simm.s32 $0x6900  }
0x2dd: {  	[tilespmem:s25], [sflag:$0x1] =	stream.indirect_vreg.gather [hbm4b:s4+s2], $0x80, v3, vm0, $0xb8;
	[tilespmem:$0x10100] =	vst v63  }
0x2de: {  	s28 =	simm.s32 $0x7100  }
0x2df: {  	[tilespmem:s28], [sflag:$0x1] =	stream.indirect_vreg.gather [hbm4b:s5+s2], $0x80, v3, vm0, $0xb8;
	[tilespmem:$0x10100] =	vst v63  }
0x2e0: {  	s29 =	simm.s32 $0x7900  }
0x2e1: {  	[tilespmem:s29], [sflag:$0x1] =	stream.indirect_vreg.gather [hbm4b:s6+s2], $0x80, v3, vm0, $0xb8;
	[tilespmem:$0x10100] =	vst v63  }
0x2e2: {  	_ =	swait.ge [sflag:s21], $0x8000  }
0x2e3: {  	[sflag:s21] =	ssyncset.done $0x0  }
0x2e4: {  	s29 =	rddreg [dreg:$0x1b];
	[sflag:s21] =	ssyncadd.s32 $0xFFFF8000  }
0x2e5: {  	[hbm4b:s29+s2] =	stream.linear.scatter [tilespmem:s26], [sflag:$0x4], $0x8000, $0x38;
	[tilespmem:$0x10100] =	vst v63  }
0x2e6: {  	_ =	swait.ge [sflag:s22], $0x8000  }
0x2e7: {  	[sflag:s22] =	ssyncset.done $0x0  }
0x2e8: {  	s0 =	simm.s32 $0x80;
	s11 =	rddreg [dreg:$0x1c];
	[sflag:s22] =	ssyncadd.s32 $0xFFFF8000  }
0x2e9: {  	[tilespmem:s0], [sflag:$0x5] =	stream.linear.gather [hbm4b:s11+s2], $0x20, $0x38;
	[tilespmem:$0x10100] =	vst v63  }
0x2ea: {  	_ =	swait.ge [sflag:s8], $0x20  }
0x2eb: {  	[sflag:s8] =	ssyncset.done $0x0  }
0x2ec: {  	[sflag:s8] =	ssyncadd.s32 $0xFFFFFFE0  }
0x2ed: {  	v3 =	vld [tilespmem:$0x80];
	_ =	sdelay $0x4  }
0x2ee: {  	v58 =	vshll.u32 v3, $0x3  }
0x2ef: {  	v3 =	vand.u32 $0x7, v3;
	v4 =	vand.u32 $0xFFFFFFC0, v58  }
0x2f0: {  	v3 =	vor.u32 v3, v4  }
0x2f1: {  	v4 =	vperm.xlane v3, v0;
	_ =	sdelay $0x1  }
0x2f2: {  	v4 =	vadd.s32 v1, v4;
	_ =	sdelay $0x4  }
0x2f3: {  	[tilespmem:s26], [sflag:$0x2] =	stream.indirect_vreg.gather [hbm4b:s3+s2], $0x80, v4, vm0, $0xb8;
	[tilespmem:$0x10100] =	vst v63  }
0x2f4: {  	s23 =	simm.s32 $0x8900;
	v3 =	vperm.xlane v3, v2  }
0x2f5: {  	[tilespmem:s23], [sflag:$0x2] =	stream.indirect_vreg.gather [hbm4b:s4+s2], $0x80, v4, vm0, $0xb8;
	[tilespmem:$0x10100] =	vst v63  }
0x2f6: {  	s16 =	simm.s32 $0x9100;
	v3 =	vadd.s32 v1, v3  }
0x2f7: {  	[tilespmem:s16], [sflag:$0x2] =	stream.indirect_vreg.gather [hbm4b:s5+s2], $0x80, v4, vm0, $0xb8;
	[tilespmem:$0x10100] =	vst v63  }
0x2f8: {  	s13 =	simm.s32 $0x9900  }
0x2f9: {  	[tilespmem:s13], [sflag:$0x2] =	stream.indirect_vreg.gather [hbm4b:s6+s2], $0x80, v4, vm0, $0xb8;
	[tilespmem:$0x10100] =	vst v63  }
0x2fa: {  	s15 =	simm.s32 $0xA100  }
0x2fb: {  	[tilespmem:s15], [sflag:$0x2] =	stream.indirect_vreg.gather [hbm4b:s3+s2], $0x80, v3, vm0, $0xb8;
	[tilespmem:$0x10100] =	vst v63  }
0x2fc: {  	s31 =	simm.s32 $0xA900  }
0x2fd: {  	[tilespmem:s31], [sflag:$0x2] =	stream.indirect_vreg.gather [hbm4b:s4+s2], $0x80, v3, vm0, $0xb8;
	[tilespmem:$0x10100] =	vst v63  }
0x2fe: {  	s29 =	simm.s32 $0xB100  }
0x2ff: {  	[tilespmem:s29], [sflag:$0x2] =	stream.indirect_vreg.gather [hbm4b:s5+s2], $0x80, v3, vm0, $0xb8;
	[tilespmem:$0x10100] =	vst v63  }
0x300: {  	s31 =	simm.s32 $0xB900  }
0x301: {  	[tilespmem:s31], [sflag:$0x2] =	stream.indirect_vreg.gather [hbm4b:s6+s2], $0x80, v3, vm0, $0xb8;
	[tilespmem:$0x10100] =	vst v63  }
0x302: {  	v3 =	vld [tilespmem:$0x90];
	_ =	sdelay $0x4  }
0x303: {  	v59 =	vshll.u32 v3, $0x3  }
0x304: {  	v3 =	vand.u32 $0x7, v3;
	v4 =	vand.u32 $0xFFFFFFC0, v59  }
0x305: {  	v3 =	vor.u32 v3, v4  }
0x306: {  	v4 =	vperm.xlane v3, v0;
	_ =	sdelay $0x1  }
0x307: {  	v4 =	vadd.s32 v1, v4;
	_ =	sdelay $0x3  }
0x308: {  	s31 =	simm.s32 $0xC100  }
0x309: {  	[tilespmem:s31], [sflag:$0x2] =	stream.indirect_vreg.gather [hbm4b:s3+s2], $0x80, v4, vm0, $0xb8;
	[tilespmem:$0x10100] =	vst v63  }
0x30a: {  	v3 =	vperm.xlane v3, v2;
	s31 =	simm.s32 $0xC900  }
0x30b: {  	[tilespmem:s31], [sflag:$0x2] =	stream.indirect_vreg.gather [hbm4b:s4+s2], $0x80, v4, vm0, $0xb8;
	[tilespmem:$0x10100] =	vst v63  }
0x30c: {  	v3 =	vadd.s32 v1, v3;
	s31 =	simm.s32 $0xD100  }
0x30d: {  	[tilespmem:s31], [sflag:$0x2] =	stream.indirect_vreg.gather [hbm4b:s5+s2], $0x80, v4, vm0, $0xb8;
	[tilespmem:$0x10100] =	vst v63  }
0x30e: {  	s31 =	simm.s32 $0xD900  }
0x30f: {  	[tilespmem:s31], [sflag:$0x2] =	stream.indirect_vreg.gather [hbm4b:s6+s2], $0x80, v4, vm0, $0xb8;
	[tilespmem:$0x10100] =	vst v63  }
0x310: {  	s23 =	simm.s32 $0xE100  }
0x311: {  	[tilespmem:s23], [sflag:$0x2] =	stream.indirect_vreg.gather [hbm4b:s3+s2], $0x80, v3, vm0, $0xb8;
	[tilespmem:$0x10100] =	vst v63  }
0x312: {  	s23 =	simm.s32 $0xE900  }
0x313: {  	[tilespmem:s23], [sflag:$0x2] =	stream.indirect_vreg.gather [hbm4b:s4+s2], $0x80, v3, vm0, $0xb8;
	[tilespmem:$0x10100] =	vst v63  }
0x314: {  	s23 =	simm.s32 $0xF100  }
0x315: {  	[tilespmem:s23], [sflag:$0x2] =	stream.indirect_vreg.gather [hbm4b:s5+s2], $0x80, v3, vm0, $0xb8;
	[tilespmem:$0x10100] =	vst v63  }
0x316: {  	s23 =	simm.s32 $0xF900  }
0x317: {  	[tilespmem:s23], [sflag:$0x2] =	stream.indirect_vreg.gather [hbm4b:s6+s2], $0x80, v3, vm0, $0xb8;
	[tilespmem:$0x10100] =	vst v63  }
0x318: {  	_ =	swait.ge [sflag:s19], $0x8000  }
0x319: {  	[sflag:s19] =	ssyncset.done $0x0  }
0x31a: {  	s23 =	rddreg [dreg:$0x1d];
	[sflag:s19] =	ssyncadd.s32 $0xFFFF8000  }
0x31b: {  	[hbm4b:s23+s2] =	stream.linear.scatter [tilespmem:s9], [sflag:$0x3], $0x8000, $0x38;
	[tilespmem:$0x10100] =	vst v63  }
0x31c: {  	_ =	swait.ge [sflag:s20], $0x8000  }
0x31d: {  	[sflag:s20] =	ssyncset.done $0x0  }
0x31e: {  	s23 =	rddreg [dreg:$0x1e];
	[sflag:s20] =	ssyncadd.s32 $0xFFFF8000  }
0x31f: {  	[tilespmem:s2], [sflag:$0x5] =	stream.linear.gather [hbm4b:s23+s2], $0x20, $0x38;
	[tilespmem:$0x10100] =	vst v63  }
0x320: {  	_ =	swait.ge [sflag:s8], $0x20  }
0x321: {  	[sflag:s8] =	ssyncset.done $0x0  }
0x322: {  	[sflag:s8] =	ssyncadd.s32 $0xFFFFFFE0  }
0x323: {  	v3 =	vld [tilespmem:$0x0];
	_ =	sdelay $0x4  }
0x324: {  	v60 =	vshll.u32 v3, $0x3  }
0x325: {  	v3 =	vand.u32 $0x7, v3;
	v4 =	vand.u32 $0xFFFFFFC0, v60  }
0x326: {  	v3 =	vor.u32 v3, v4  }
0x327: {  	v4 =	vperm.xlane v3, v0;
	_ =	sdelay $0x1  }
0x328: {  	v4 =	vadd.s32 v1, v4;
	_ =	sdelay $0x4  }
0x329: {  	[tilespmem:s9], [sflag:$0x1] =	stream.indirect_vreg.gather [hbm4b:s3+s2], $0x80, v4, vm0, $0xb8;
	[tilespmem:$0x10100] =	vst v63  }
0x32a: {  	s23 =	simm.s32 $0x900;
	v3 =	vperm.xlane v3, v2  }
0x32b: {  	[tilespmem:s23], [sflag:$0x1] =	stream.indirect_vreg.gather [hbm4b:s4+s2], $0x80, v4, vm0, $0xb8;
	[tilespmem:$0x10100] =	vst v63  }
0x32c: {  	v3 =	vadd.s32 v1, v3;
	s23 =	simm.s32 $0x1100  }
0x32d: {  	[tilespmem:s23], [sflag:$0x1] =	stream.indirect_vreg.gather [hbm4b:s5+s2], $0x80, v4, vm0, $0xb8;
	[tilespmem:$0x10100] =	vst v63  }
0x32e: {  	s1 =	simm.s32 $0x1900  }
0x32f: {  	[tilespmem:s1], [sflag:$0x1] =	stream.indirect_vreg.gather [hbm4b:s6+s2], $0x80, v4, vm0, $0xb8;
	[tilespmem:$0x10100] =	vst v63  }
0x330: {  	s7 =	simm.s32 $0x2100  }
0x331: {  	[tilespmem:s7], [sflag:$0x1] =	stream.indirect_vreg.gather [hbm4b:s3+s2], $0x80, v3, vm0, $0xb8;
	[tilespmem:$0x10100] =	vst v63  }
0x332: {  	s10 =	simm.s32 $0x2900  }
0x333: {  	[tilespmem:s10], [sflag:$0x1] =	stream.indirect_vreg.gather [hbm4b:s4+s2], $0x80, v3, vm0, $0xb8;
	[tilespmem:$0x10100] =	vst v63  }
0x334: {  	s12 =	simm.s32 $0x3100  }
0x335: {  	[tilespmem:s12], [sflag:$0x1] =	stream.indirect_vreg.gather [hbm4b:s5+s2], $0x80, v3, vm0, $0xb8;
	[tilespmem:$0x10100] =	vst v63  }
0x336: {  	s12 =	simm.s32 $0x3900  }
0x337: {  	[tilespmem:s12], [sflag:$0x1] =	stream.indirect_vreg.gather [hbm4b:s6+s2], $0x80, v3, vm0, $0xb8;
	[tilespmem:$0x10100] =	vst v63  }
0x338: {  	v3 =	vld [tilespmem:$0x10];
	_ =	sdelay $0x4  }
0x339: {  	v61 =	vshll.u32 v3, $0x3  }
0x33a: {  	v3 =	vand.u32 $0x7, v3;
	v4 =	vand.u32 $0xFFFFFFC0, v61  }
0x33b: {  	v3 =	vor.u32 v3, v4  }
0x33c: {  	v4 =	vperm.xlane v3, v0;
	_ =	sdelay $0x1  }
0x33d: {  	v4 =	vadd.s32 v1, v4;
	_ =	sdelay $0x3  }
0x33e: {  	s23 =	simm.s32 $0x4100  }
0x33f: {  	[tilespmem:s23], [sflag:$0x1] =	stream.indirect_vreg.gather [hbm4b:s3+s2], $0x80, v4, vm0, $0xb8;
	[tilespmem:$0x10100] =	vst v63  }
0x340: {  	s7 =	simm.s32 $0x4900;
	v3 =	vperm.xlane v3, v2  }
0x341: {  	[tilespmem:s7], [sflag:$0x1] =	stream.indirect_vreg.gather [hbm4b:s4+s2], $0x80, v4, vm0, $0xb8;
	[tilespmem:$0x10100] =	vst v63  }
0x342: {  	s14 =	simm.s32 $0x5100;
	v3 =	vadd.s32 v1, v3  }
0x343: {  	[tilespmem:s14], [sflag:$0x1] =	stream.indirect_vreg.gather [hbm4b:s5+s2], $0x80, v4, vm0, $0xb8;
	[tilespmem:$0x10100] =	vst v63  }
0x344: {  	s17 =	simm.s32 $0x5900  }
0x345: {  	[tilespmem:s17], [sflag:$0x1] =	stream.indirect_vreg.gather [hbm4b:s6+s2], $0x80, v4, vm0, $0xb8;
	[tilespmem:$0x10100] =	vst v63  }
0x346: {  	s18 =	simm.s32 $0x6100  }
0x347: {  	[tilespmem:s18], [sflag:$0x1] =	stream.indirect_vreg.gather [hbm4b:s3+s2], $0x80, v3, vm0, $0xb8;
	[tilespmem:$0x10100] =	vst v63  }
0x348: {  	s24 =	simm.s32 $0x6900  }
0x349: {  	[tilespmem:s24], [sflag:$0x1] =	stream.indirect_vreg.gather [hbm4b:s4+s2], $0x80, v3, vm0, $0xb8;
	[tilespmem:$0x10100] =	vst v63  }
0x34a: {  	s25 =	simm.s32 $0x7100  }
0x34b: {  	[tilespmem:s25], [sflag:$0x1] =	stream.indirect_vreg.gather [hbm4b:s5+s2], $0x80, v3, vm0, $0xb8;
	[tilespmem:$0x10100] =	vst v63  }
0x34c: {  	s28 =	simm.s32 $0x7900  }
0x34d: {  	[tilespmem:s28], [sflag:$0x1] =	stream.indirect_vreg.gather [hbm4b:s6+s2], $0x80, v3, vm0, $0xb8;
	[tilespmem:$0x10100] =	vst v63  }
0x34e: {  	_ =	swait.ge [sflag:s21], $0x8000  }
0x34f: {  	[sflag:s21] =	ssyncset.done $0x0  }
0x350: {  	s10 =	rddreg [dreg:$0x1f];
	[sflag:s21] =	ssyncadd.s32 $0xFFFF8000  }
0x351: {  	[hbm4b:s10+s2] =	stream.linear.scatter [tilespmem:s26], [sflag:$0x4], $0x8000, $0x38;
	[tilespmem:$0x10100] =	vst v63  }
0x352: {  	_ =	swait.ge [sflag:s22], $0x8000  }
0x353: {  	s12 =	sld [smem:$0x7FB]  }
0x354: {  	[sflag:s22] =	ssyncset.done $0x0  }
0x355: {  	s11 =	simm.s32 $0x80;
	[sflag:s22] =	ssyncadd.s32 $0xFFFF8000  }
0x356: {  	[tilespmem:s11], [sflag:$0x5] =	stream.linear.gather [hbm4b:s12+s2], $0x20, $0x38;
	[tilespmem:$0x10100] =	vst v63  }
0x357: {  	_ =	swait.ge [sflag:s8], $0x20  }
0x358: {  	[sflag:s8] =	ssyncset.done $0x0  }
0x359: {  	[sflag:s8] =	ssyncadd.s32 $0xFFFFFFE0  }
0x35a: {  	v3 =	vld [tilespmem:$0x80];
	_ =	sdelay $0x4  }
0x35b: {  	v62 =	vshll.u32 v3, $0x3  }
0x35c: {  	v3 =	vand.u32 $0x7, v3;
	v4 =	vand.u32 $0xFFFFFFC0, v62  }
0x35d: {  	v3 =	vor.u32 v3, v4  }
0x35e: {  	v4 =	vperm.xlane v3, v0;
	_ =	sdelay $0x1  }
0x35f: {  	v4 =	vadd.s32 v1, v4;
	_ =	sdelay $0x4  }
0x360: {  	[tilespmem:s26], [sflag:$0x2] =	stream.indirect_vreg.gather [hbm4b:s3+s2], $0x80, v4, vm0, $0xb8;
	[tilespmem:$0x10100] =	vst v63  }
0x361: {  	s14 =	simm.s32 $0x8900;
	v3 =	vperm.xlane v3, v2  }
0x362: {  	[tilespmem:s14], [sflag:$0x2] =	stream.indirect_vreg.gather [hbm4b:s4+s2], $0x80, v4, vm0, $0xb8;
	[tilespmem:$0x10100] =	vst v63  }
0x363: {  	s0 =	simm.s32 $0x9100;
	v3 =	vadd.s32 v1, v3  }
0x364: {  	[tilespmem:s0], [sflag:$0x2] =	stream.indirect_vreg.gather [hbm4b:s5+s2], $0x80, v4, vm0, $0xb8;
	[tilespmem:$0x10100] =	vst v63  }
0x365: {  	s16 =	simm.s32 $0x9900  }
0x366: {  	[tilespmem:s16], [sflag:$0x2] =	stream.indirect_vreg.gather [hbm4b:s6+s2], $0x80, v4, vm0, $0xb8;
	[tilespmem:$0x10100] =	vst v63  }
0x367: {  	s13 =	simm.s32 $0xA100  }
0x368: {  	[tilespmem:s13], [sflag:$0x2] =	stream.indirect_vreg.gather [hbm4b:s3+s2], $0x80, v3, vm0, $0xb8;
	[tilespmem:$0x10100] =	vst v63  }
0x369: {  	s15 =	simm.s32 $0xA900  }
0x36a: {  	[tilespmem:s15], [sflag:$0x2] =	stream.indirect_vreg.gather [hbm4b:s4+s2], $0x80, v3, vm0, $0xb8;
	[tilespmem:$0x10100] =	vst v63  }
0x36b: {  	s29 =	simm.s32 $0xB100  }
0x36c: {  	[tilespmem:s29], [sflag:$0x2] =	stream.indirect_vreg.gather [hbm4b:s5+s2], $0x80, v3, vm0, $0xb8;
	[tilespmem:$0x10100] =	vst v63  }
0x36d: {  	s15 =	simm.s32 $0xB900  }
0x36e: {  	[tilespmem:s15], [sflag:$0x2] =	stream.indirect_vreg.gather [hbm4b:s6+s2], $0x80, v3, vm0, $0xb8;
	[tilespmem:$0x10100] =	vst v63  }
0x36f: {  	v3 =	vld [tilespmem:$0x90];
	_ =	sdelay $0x4  }
0x370: {  	v63 =	vshll.u32 v3, $0x3  }
0x371: {  	v3 =	vand.u32 $0x7, v3;
	v4 =	vand.u32 $0xFFFFFFC0, v63  }
0x372: {  	v3 =	vor.u32 v3, v4  }
0x373: {  	v4 =	vperm.xlane v3, v0;
	_ =	sdelay $0x1  }
0x374: {  	v4 =	vadd.s32 v1, v4;
	_ =	sdelay $0x3  }
0x375: {  	s16 =	simm.s32 $0xC100  }
0x376: {  	[tilespmem:s16], [sflag:$0x2] =	stream.indirect_vreg.gather [hbm4b:s3+s2], $0x80, v4, vm0, $0xb8;
	[tilespmem:$0x10100] =	vst v63  }
0x377: {  	s17 =	simm.s32 $0xC900;
	v3 =	vperm.xlane v3, v2  }
0x378: {  	[tilespmem:s17], [sflag:$0x2] =	stream.indirect_vreg.gather [hbm4b:s4+s2], $0x80, v4, vm0, $0xb8;
	[tilespmem:$0x10100] =	vst v63  }
0x379: {  	s18 =	simm.s32 $0xD100;
	v3 =	vadd.s32 v1, v3  }
0x37a: {  	[tilespmem:s18], [sflag:$0x2] =	stream.indirect_vreg.gather [hbm4b:s5+s2], $0x80, v4, vm0, $0xb8;
	[tilespmem:$0x10100] =	vst v63  }
0x37b: {  	s31 =	simm.s32 $0xD900  }
0x37c: {  	[tilespmem:s31], [sflag:$0x2] =	stream.indirect_vreg.gather [hbm4b:s6+s2], $0x80, v4, vm0, $0xb8;
	[tilespmem:$0x10100] =	vst v63  }
0x37d: {  	s23 =	simm.s32 $0xE100  }
0x37e: {  	[tilespmem:s23], [sflag:$0x2] =	stream.indirect_vreg.gather [hbm4b:s3+s2], $0x80, v3, vm0, $0xb8;
	[tilespmem:$0x10100] =	vst v63  }
0x37f: {  	s24 =	simm.s32 $0xE900  }
0x380: {  	[tilespmem:s24], [sflag:$0x2] =	stream.indirect_vreg.gather [hbm4b:s4+s2], $0x80, v3, vm0, $0xb8;
	[tilespmem:$0x10100] =	vst v63  }
0x381: {  	s25 =	simm.s32 $0xF100  }
0x382: {  	[tilespmem:s25], [sflag:$0x2] =	stream.indirect_vreg.gather [hbm4b:s5+s2], $0x80, v3, vm0, $0xb8;
	[tilespmem:$0x10100] =	vst v63  }
0x383: {  	s28 =	simm.s32 $0xF900  }
0x384: {  	[tilespmem:s28], [sflag:$0x2] =	stream.indirect_vreg.gather [hbm4b:s6+s2], $0x80, v3, vm0, $0xb8;
	[tilespmem:$0x10100] =	vst v63  }
0x385: {  	_ =	swait.ge [sflag:s19], $0x8000  }
0x386: {  	s29 =	sld [smem:$0x7FC]  }
0x387: {  	[sflag:s19] =	ssyncset.done $0x0  }
0x388: {  	[sflag:s19] =	ssyncadd.s32 $0xFFFF8000  }
0x389: {  	[hbm4b:s29+s2] =	stream.linear.scatter [tilespmem:s9], [sflag:$0x3], $0x8000, $0x38;
	[tilespmem:$0x10100] =	vst v63  }
0x38a: {  	_ =	swait.ge [sflag:s21], $0x8000  }
0x38b: {  	s31 =	sld [smem:$0x7FD]  }
0x38c: {  	[sflag:s21] =	ssyncset.done $0x0  }
0x38d: {  	[sflag:s21] =	ssyncadd.s32 $0xFFFF8000  }
0x38e: {  	[hbm4b:s31+s2] =	stream.linear.scatter [tilespmem:s26], [sflag:$0x4], $0x8000, $0x38;
	[tilespmem:$0x10100] =	vst v63  }
0x38f: {  	p0 =	sne.s32 s30, $0x1;
	_ =	swait.ge [sflag:s22], $0x8000  }
.Ltmp0:
0x390: {  	[sflag:s22] =	ssyncset.done $0x0;
	(pc) =	sbr.rel @p0 .LBB2_1-.Ltmp0, $4  }
0x391: {  	[sflag:s22] =	ssyncadd.s32 $0xFFFF8000  }
0x392: {  	_ =	swait.ge [sflag:s20], $0x8000  }
0x393: {  	[sflag:s20] =	ssyncset.done $0x0  }
0x394: {  	s30 =	sadd.s32 $0xFFFFFFFF, s30;
	[sflag:s20] =	ssyncadd.s32 $0xFFFF8000  }
0x395: {  	_ =	sfence.sel $0x180000  }
0x396: {  	[bflag:$0x0] =	sbarrier.arrive $0xFFFF  }
0x397: {  	_ =	strace $0x9000004A  }
0x398: {  	s0 =	stileid.u32;
	[bflag:$0x2] =	sbarrier.arrive $0xFFFF  }
0x399: {  	p0 =	sne.s32 s0, $0x0;
	s0 =	rddreg [dreg:$0x2]  }
0x39a: {  	s0 =	sadd.s32 @!p0 $0x100000, s0  }
0x39b: {  	[sflag:s0] =	ssyncadd.tile.s32 @!p0 $0x1;
	_ =	shalt  }
.Lfunc_end2:
_tile_overlayer_lowered:
.L_overlay_start_2:
0x39c: {  	(tag) =	ssettag $0x2  }
0x39d: {  	s0 =	rddreg [dreg:$0x0];
	s2 =	stileid.u32  }
0x39e: {  	s1 =	rddreg [dreg:$0x1];
	p0 =	sne.s32 s2, $0x0  }
0x39f: {  	s3 =	rddreg [dreg:$0x2];
	[bflag:$0x3] =	sbarrier.arrive $0xFFFF;
	s2 =	simm.s32 @!p0 $0x1C05  }
0x3a0: {  	[timem:s3], [sflag:s2] =	dma.local @!p0 [hbm:s0], s1  }
0x3a1: {  	s0 =	simm.s32 @!p0 $0x5  }
0x3a2: {  	_ =	swait.ge @!p0 [sflag:s0], s1  }
0x3a3: {  	s1 =	ssub.s32 @!p0 $0x0, s1;
	[sflag:s0] =	ssyncset.done @!p0 $0x0  }
0x3a4: {  	[sflag:s0] =	ssyncadd.s32 @!p0 s1  }
0x3a5: {  	[bflag:$0x3] =	sbarrier.arrive $0xFFFF  }
0x3a6: {  	_ =	shalt  }

</sc_bundles>
